<compile_context>
chip_gen: v7x
topology: tpu7x:2x2x1
jax: 0.10.2.dev20260603
libtpu: 0.0.44.dev20260713+nightly
codegen_flags: <defaults>
</compile_context>

<pallas_src>
import functools

import jax
import jax.numpy as jnp
from jax import lax
from jax.experimental import pallas as pl
from jax.experimental.pallas import tpu as pltpu
from jax.experimental.pallas import tpu_sc as plsc

N = 10000
NP = 10240
H = 16
NC = 2
NS = 16
NW = NC * NS
K = 80
CPT = 125
RPT = NP // NS
R = 8
D = 4
QD = 8

_sc_mesh = plsc.VectorSubcoreMesh(core_axis_name="c", subcore_axis_name="s")
_sc_params = pltpu.CompilerParams(use_tc_tiling_on_sc=False)


def _emit_prop_pipeline(g_issue, g_wait, s_issue, s_wait):
    for d in range(D):
        g_issue(d, d)
    for j in range(R):
        bn = (j + D) % R
        if j >= D:
            s_wait(bn)
        g_issue(j + D, bn)
        g_wait(j % R)
        s_issue(j, j % R)

    n_grp = (CPT - D) // R

    def group(i, carry):
        j0 = i * R
        for b in range(R):
            bn = (b + D) % R
            s_wait(bn)
            g_issue(j0 + b + D, bn)
            g_wait(b)
            s_issue(j0 + b, b)
        return carry

    lax.fori_loop(1, n_grp, group, 0)

    for j in range(n_grp * R, CPT):
        b = j % R
        bn = (b + D) % R
        s_wait(bn)
        if j + D < CPT:
            g_issue(j + D, bn)
        g_wait(b)
        s_issue(j, b)
    for j in range(CPT - D, CPT):
        s_wait(j % R)


@functools.partial(
    pl.kernel,
    out_type=jax.ShapeDtypeStruct((NC, NP, H), jnp.float32),
    mesh=_sc_mesh,
    compiler_params=_sc_params,
    scratch_types=[
        pltpu.VMEM((CPT * K,), jnp.int32),
        pltpu.VMEM((K, H), jnp.float32),
        pltpu.VMEM((RPT, H), jnp.float32),
        pltpu.VMEM_SHARED((NP, H), jnp.float32),
        pltpu.SemaphoreType.DMA,
    ],
)
def _deg_kernel(eprop_hbm, ones_hbm, zeros_hbm, out_hbm,
                dsts_v, ones_v, z_v, acc_sh, ssem):
    c = lax.axis_index("c")
    s = lax.axis_index("s")
    wid = c * NS + s
    r0 = s * RPT
    pltpu.sync_copy(zeros_hbm.at[pl.ds(r0, RPT)], z_v)
    pltpu.sync_copy(z_v, acc_sh.at[pl.ds(r0, RPT)])
    pltpu.sync_copy(ones_hbm, ones_v)
    pltpu.sync_copy(eprop_hbm.at[1, pl.ds(wid * CPT * K, CPT * K)], dsts_v)
    plsc.subcore_barrier()

    def s_issue(j):
        pltpu.async_copy(ones_v, acc_sh.at[dsts_v.at[pl.ds(j * K, K)]], ssem,
                         add=True)

    def s_drain():
        pltpu.make_async_copy(ones_v, acc_sh.at[dsts_v.at[pl.ds(0, K)]],
                              ssem).wait()

    for j in range(QD):
        s_issue(j)

    def body(i, carry):
        s_issue(i + QD)
        s_drain()
        return carry

    lax.fori_loop(0, CPT - QD, body, 0)
    for _ in range(QD):
        s_drain()
    plsc.subcore_barrier()
    pltpu.sync_copy(acc_sh.at[pl.ds(r0, RPT)], out_hbm.at[c, pl.ds(r0, RPT)])


@functools.partial(
    pl.kernel,
    out_type=jax.ShapeDtypeStruct((NC, NP, H), jnp.float32),
    mesh=_sc_mesh,
    compiler_params=_sc_params,
    scratch_types=[
        pltpu.VMEM((CPT * K,), jnp.int32),
        pltpu.VMEM((CPT * K,), jnp.int32),
        pltpu.VMEM((R, K, H), jnp.float32),
        pltpu.VMEM((RPT, H), jnp.float32),
        pltpu.VMEM_SHARED((NP, H), jnp.float32),
        pltpu.SemaphoreType.DMA((R,)),
        pltpu.SemaphoreType.DMA((R,)),
    ],
)
def _prop_kernel(eprop_hbm, g_hbm, zeros_hbm, out_hbm,
                 srcs_v, dsts_v, bufs, z_v, acc_sh, gsem, ssem):
    c = lax.axis_index("c")
    s = lax.axis_index("s")
    wid = c * NS + s
    r0 = s * RPT
    pltpu.sync_copy(zeros_hbm.at[pl.ds(r0, RPT)], z_v)
    pltpu.sync_copy(z_v, acc_sh.at[pl.ds(r0, RPT)])
    pltpu.sync_copy(eprop_hbm.at[0, pl.ds(wid * CPT * K, CPT * K)], srcs_v)
    pltpu.sync_copy(eprop_hbm.at[1, pl.ds(wid * CPT * K, CPT * K)], dsts_v)
    plsc.subcore_barrier()

    def g_issue(j, b):
        pltpu.async_copy(g_hbm.at[srcs_v.at[pl.ds(j * K, K)]], bufs.at[b],
                         gsem.at[b])

    def g_wait(b):
        pltpu.make_async_copy(g_hbm.at[srcs_v.at[pl.ds(0, K)]], bufs.at[b],
                              gsem.at[b]).wait()

    def s_issue(j, b):
        pltpu.async_copy(bufs.at[b], acc_sh.at[dsts_v.at[pl.ds(j * K, K)]],
                         ssem.at[b], add=True)

    def s_wait(b):
        pltpu.make_async_copy(bufs.at[b], acc_sh.at[dsts_v.at[pl.ds(0, K)]],
                              ssem.at[b]).wait()

    _emit_prop_pipeline(g_issue, g_wait, s_issue, s_wait)
    plsc.subcore_barrier()
    pltpu.sync_copy(acc_sh.at[pl.ds(r0, RPT)], out_hbm.at[c, pl.ds(r0, RPT)])


def _pre_body(deg_ref, x_ref, w1_ref, g_ref, dinv_ref):
    deg = deg_ref[0] + deg_ref[1] + 1.0
    dinv = lax.rsqrt(deg)
    h = jnp.dot(x_ref[...], w1_ref[...], preferred_element_type=jnp.float32)
    g_ref[0:N] = h * dinv[0:N]
    g_ref[N:NP] = jnp.zeros((NP - N, H), jnp.float32)
    dinv_ref[...] = dinv


_pre_call = pl.pallas_call(
    _pre_body,
    out_shape=(
        jax.ShapeDtypeStruct((NP, H), jnp.float32),
        jax.ShapeDtypeStruct((NP, H), jnp.float32),
    ),
)


def _mid_body(acc_ref, g1_ref, dinv_ref, b1_ref, w2_ref, g2_ref):
    dinv = dinv_ref[...]
    p1 = dinv * (acc_ref[0] + acc_ref[1] + g1_ref[...]) + b1_ref[...]
    h1p = jnp.maximum(p1, 0.0)
    t2 = jnp.dot(h1p, w2_ref[...], preferred_element_type=jnp.float32)
    g2_ref[0:N] = t2[0:N] * dinv[0:N]
    g2_ref[N:NP] = jnp.zeros((NP - N, H), jnp.float32)


_mid_call = pl.pallas_call(
    _mid_body,
    out_shape=jax.ShapeDtypeStruct((NP, H), jnp.float32),
)


def _post_body(acc_ref, g2_ref, dinv_ref, b2_ref, out_ref):
    p2 = dinv_ref[0:N] * (acc_ref[0, 0:N] + acc_ref[1, 0:N] + g2_ref[0:N])
    p2 = p2 + b2_ref[...]
    m = jnp.max(p2, axis=1, keepdims=True)
    z = p2 - m
    lse = jnp.log(jnp.sum(jnp.exp(z), axis=1, keepdims=True))
    out_ref[...] = z - lse


_post_call = pl.pallas_call(
    _post_body,
    out_shape=jax.ShapeDtypeStruct((N, H), jnp.float32),
)


def kernel(x, edge_index, W1, b1, W2, b2):
    eprop = edge_index.astype(jnp.int32)
    zeros2d = jnp.zeros((NP, H), jnp.float32)
    ones2d = jnp.ones((K, H), jnp.float32)

    deg = _deg_kernel(eprop, ones2d, zeros2d)
    g1, dinv = _pre_call(deg, x, W1)
    acc1 = _prop_kernel(eprop, g1, zeros2d)
    g2 = _mid_call(acc1, g1, dinv, jnp.broadcast_to(b1, (1, H)), W2)
    acc2 = _prop_kernel(eprop, g2, zeros2d)
    return _post_call(acc2, g2, dinv, jnp.broadcast_to(b2, (1, H)))

# --- scband reference (transcript-rebuilt; emitter-appended) ---
"""Pipeline reference for scband-net-63101659513300 (READ-ONLY COPY).

The authoritative reference and input builder live on the scoring server;
editing this copy changes nothing except your own understanding.
"""

import jax, jax.numpy as jnp
import numpy as np

N_NODES = 10000
N_EDGES = 320000
D_FEAT = 128
HIDDEN = 16
N_CLASSES = 16


def setup_inputs(seed: int = 0) -> dict:
    key = jax.random.key(seed)
    k_x, k_e, k_w1, k_b1, k_w2, k_b2 = jax.random.split(key, 6)
    x = jax.random.normal(k_x, (N_NODES, D_FEAT), dtype=jnp.float32)
    edge_index = jax.random.randint(k_e, (2, N_EDGES), 0, N_NODES, dtype=jnp.int64)
    # GCNConv glorot-style weights and zero bias, matching PyG defaults
    W1 = jax.random.normal(k_w1, (D_FEAT, HIDDEN), dtype=jnp.float32) * (1.0 / np.sqrt(D_FEAT))
    b1 = jnp.zeros((HIDDEN,), dtype=jnp.float32)
    W2 = jax.random.normal(k_w2, (HIDDEN, N_CLASSES), dtype=jnp.float32) * (1.0 / np.sqrt(HIDDEN))
    b2 = jnp.zeros((N_CLASSES,), dtype=jnp.float32)
    return {"x": x, "edge_index": edge_index, "W1": W1, "b1": b1, "W2": W2, "b2": b2}


def _gcn_conv(x, edge_index, W, b, num_nodes):
    # x' = D^{-1/2} (A + I) D^{-1/2} (X W) + b  (PyG GCNConv with add_self_loops=True)
    h = x @ W
    src = edge_index[0]
    dst = edge_index[1]
    loop = jnp.arange(num_nodes, dtype=src.dtype)
    src2 = jnp.concatenate([src, loop])
    dst2 = jnp.concatenate([dst, loop])
    ones = jnp.ones_like(dst2, dtype=h.dtype)
    deg = jax.ops.segment_sum(ones, dst2, num_segments=num_nodes)
    dinv = jnp.where(deg > 0, 1.0 / jnp.sqrt(deg), 0.0)
    norm = dinv[src2] * dinv[dst2]
    msg = h[src2] * norm[:, None]
    out = jax.ops.segment_sum(msg, dst2, num_segments=num_nodes)
    return out + b


def reference(x, edge_index, W1, b1, W2, b2):
    h = _gcn_conv(x, edge_index, W1, b1, N_NODES)
    h = jax.nn.relu(h)
    # dropout is identity in eval mode
    h = _gcn_conv(h, edge_index, W2, b2, N_NODES)
    return jax.nn.log_softmax(h, axis=1)

if __name__ == "__main__":
    import jax
    _d = setup_inputs()
    print(jax.jit(kernel)(*tuple(_d.values())))

</pallas_src>

<mosaic_0001>
#map = affine_map<(d0, d1) -> (0, 0)>
#map1 = affine_map<(d0, d1) -> (0, 0, 0)>
module attributes {stable_mosaic.version = 14 : i64} {
  func.func @_deg_kernel(%arg0: i32, %arg1: i32, %arg2: memref<2x320000xi32, #tpu.memory_space<hbm>>, %arg3: memref<80x16xf32, #tpu.memory_space<hbm>>, %arg4: memref<10240x16xf32, #tpu.memory_space<hbm>>, %arg5: memref<2x10240x16xf32, #tpu.memory_space<hbm>>, %arg6: memref<10000xi32, #tpu.memory_space<vmem>>, %arg7: memref<80x16xf32, #tpu.memory_space<vmem>>, %arg8: memref<640x16xf32, #tpu.memory_space<vmem>>, %arg9: memref<10240x16xf32, #tpu.memory_space<vmem_shared>>, %arg10: memref<!tpu.dma_semaphore, #tpu.memory_space<semaphore_mem>>) attributes {dimension_semantics = [#tpu.dimension_semantics<core_parallel>, #tpu.dimension_semantics<subcore_parallel>], iteration_bounds = array<i64: 2, 16>, scalar_prefetch = 0 : i64, scratch_operands = 5 : i64, tpu.core_type = #tpu.core_type<sc_vector_subcore>, window_params = [{transform_indices = #map}, {transform_indices = #map}, {transform_indices = #map}, {transform_indices = #map1}]} {
    %mul3A = arith.constant 16 : i32
    %mul3A_0 = arith.muli %arg0, %mul3A : i32
    %add3A = arith.addi %mul3A_0, %arg1 : i32
    %mul3A_1 = arith.constant 640 : i32
    %mul3A_2 = arith.muli %arg1, %mul3A_1 : i32
    "tpu.region"() ({
      %run_scoped3A_91 = tpu.sem_alloc : memref<!tpu.dma_semaphore, #tpu.memory_space<semaphore_mem>>
      %dma_start3A_92 = arith.constant 0 : i32
      %dma_start3A_93 = tpu.memref_slice %arg4[%mul3A_2, %dma_start3A_92] : memref<10240x16xf32, #tpu.memory_space<hbm>> -> memref<640x16xf32, #tpu.memory_space<hbm>>
      %dma_start3A_94 = arith.constant 0 : i32
      %dma_start3A_95 = tpu.memref_slice %arg4[%mul3A_2, %dma_start3A_94] : memref<10240x16xf32, #tpu.memory_space<hbm>> -> memref<640x16xf32, #tpu.memory_space<hbm>>
      tpu.enqueue_dma source(%dma_start3A_95 : memref<640x16xf32, #tpu.memory_space<hbm>>) target(%arg8 : memref<640x16xf32, #tpu.memory_space<vmem>>) target_semaphore(%run_scoped3A_91 : memref<!tpu.dma_semaphore, #tpu.memory_space<semaphore_mem>>)
      %dma_wait3A_96 = arith.constant 0 : i32
      %dma_wait3A_97 = tpu.memref_slice %arg4[%mul3A_2, %dma_wait3A_96] : memref<10240x16xf32, #tpu.memory_space<hbm>> -> memref<640x16xf32, #tpu.memory_space<hbm>>
      %dma_wait3A_98 = arith.constant 0 : i32
      %dma_wait3A_99 = tpu.memref_slice %arg4[%mul3A_2, %dma_wait3A_98] : memref<10240x16xf32, #tpu.memory_space<hbm>> -> memref<640x16xf32, #tpu.memory_space<hbm>>
      tpu.wait_dma2 semaphore(%run_scoped3A_91 : memref<!tpu.dma_semaphore, #tpu.memory_space<semaphore_mem>>) src(%dma_wait3A_99 : memref<640x16xf32, #tpu.memory_space<hbm>>) dst(%arg8 : memref<640x16xf32, #tpu.memory_space<vmem>>)
      tpu.yield
    }) : () -> ()
    "tpu.region"() ({
      %run_scoped3A_91 = tpu.sem_alloc : memref<!tpu.dma_semaphore, #tpu.memory_space<semaphore_mem>>
      %dma_start3A_92 = arith.constant 0 : i32
      %dma_start3A_93 = tpu.memref_slice %arg9[%mul3A_2, %dma_start3A_92] : memref<10240x16xf32, #tpu.memory_space<vmem_shared>> -> memref<640x16xf32, #tpu.memory_space<vmem_shared>>
      %dma_start3A_94 = arith.constant 0 : i32
      %dma_start3A_95 = tpu.memref_slice %arg9[%mul3A_2, %dma_start3A_94] : memref<10240x16xf32, #tpu.memory_space<vmem_shared>> -> memref<640x16xf32, #tpu.memory_space<vmem_shared>>
      tpu.enqueue_dma source(%arg8 : memref<640x16xf32, #tpu.memory_space<vmem>>) target(%dma_start3A_95 : memref<640x16xf32, #tpu.memory_space<vmem_shared>>) target_semaphore(%run_scoped3A_91 : memref<!tpu.dma_semaphore, #tpu.memory_space<semaphore_mem>>)
      %dma_wait3A_96 = arith.constant 0 : i32
      %dma_wait3A_97 = tpu.memref_slice %arg9[%mul3A_2, %dma_wait3A_96] : memref<10240x16xf32, #tpu.memory_space<vmem_shared>> -> memref<640x16xf32, #tpu.memory_space<vmem_shared>>
      %dma_wait3A_98 = arith.constant 0 : i32
      %dma_wait3A_99 = tpu.memref_slice %arg9[%mul3A_2, %dma_wait3A_98] : memref<10240x16xf32, #tpu.memory_space<vmem_shared>> -> memref<640x16xf32, #tpu.memory_space<vmem_shared>>
      tpu.wait_dma2 semaphore(%run_scoped3A_91 : memref<!tpu.dma_semaphore, #tpu.memory_space<semaphore_mem>>) src(%arg8 : memref<640x16xf32, #tpu.memory_space<vmem>>) dst(%dma_wait3A_99 : memref<640x16xf32, #tpu.memory_space<vmem_shared>>)
      tpu.yield
    }) : () -> ()
    "tpu.region"() ({
      %run_scoped3A_91 = tpu.sem_alloc : memref<!tpu.dma_semaphore, #tpu.memory_space<semaphore_mem>>
      tpu.enqueue_dma source(%arg3 : memref<80x16xf32, #tpu.memory_space<hbm>>) target(%arg7 : memref<80x16xf32, #tpu.memory_space<vmem>>) target_semaphore(%run_scoped3A_91 : memref<!tpu.dma_semaphore, #tpu.memory_space<semaphore_mem>>)
      tpu.wait_dma2 semaphore(%run_scoped3A_91 : memref<!tpu.dma_semaphore, #tpu.memory_space<semaphore_mem>>) src(%arg3 : memref<80x16xf32, #tpu.memory_space<hbm>>) dst(%arg7 : memref<80x16xf32, #tpu.memory_space<vmem>>)
      tpu.yield
    }) : () -> ()
    %mul3A_3 = arith.constant 125 : i32
    %mul3A_4 = arith.muli %add3A, %mul3A_3 : i32
    %mul3A_5 = arith.constant 80 : i32
    %mul3A_6 = arith.muli %mul3A_4, %mul3A_5 : i32
    %run_scoped3A = arith.constant 1 : i32
    "tpu.region"() ({
      %run_scoped3A_91 = tpu.sem_alloc : memref<!tpu.dma_semaphore, #tpu.memory_space<semaphore_mem>>
      %dma_start3A_92 = tpu.memref_slice %arg2[%run_scoped3A, %mul3A_6] : memref<2x320000xi32, #tpu.memory_space<hbm>> -> memref<1x10000xi32, #tpu.memory_space<hbm>>
      %dma_start3A_93 = tpu.memref_squeeze %dma_start3A_92 : memref<1x10000xi32, #tpu.memory_space<hbm>> -> memref<10000xi32, #tpu.memory_space<hbm>>
      %dma_start3A_94 = tpu.memref_slice %arg2[%run_scoped3A, %mul3A_6] : memref<2x320000xi32, #tpu.memory_space<hbm>> -> memref<1x10000xi32, #tpu.memory_space<hbm>>
      %dma_start3A_95 = tpu.memref_squeeze %dma_start3A_94 : memref<1x10000xi32, #tpu.memory_space<hbm>> -> memref<10000xi32, #tpu.memory_space<hbm>>
      tpu.enqueue_dma source(%dma_start3A_95 : memref<10000xi32, #tpu.memory_space<hbm>>) target(%arg6 : memref<10000xi32, #tpu.memory_space<vmem>>) target_semaphore(%run_scoped3A_91 : memref<!tpu.dma_semaphore, #tpu.memory_space<semaphore_mem>>)
      %dma_wait3A_96 = tpu.memref_slice %arg2[%run_scoped3A, %mul3A_6] : memref<2x320000xi32, #tpu.memory_space<hbm>> -> memref<1x10000xi32, #tpu.memory_space<hbm>>
      %dma_wait3A_97 = tpu.memref_squeeze %dma_wait3A_96 : memref<1x10000xi32, #tpu.memory_space<hbm>> -> memref<10000xi32, #tpu.memory_space<hbm>>
      %dma_wait3A_98 = tpu.memref_slice %arg2[%run_scoped3A, %mul3A_6] : memref<2x320000xi32, #tpu.memory_space<hbm>> -> memref<1x10000xi32, #tpu.memory_space<hbm>>
      %dma_wait3A_99 = tpu.memref_squeeze %dma_wait3A_98 : memref<1x10000xi32, #tpu.memory_space<hbm>> -> memref<10000xi32, #tpu.memory_space<hbm>>
      tpu.wait_dma2 semaphore(%run_scoped3A_91 : memref<!tpu.dma_semaphore, #tpu.memory_space<semaphore_mem>>) src(%dma_wait3A_99 : memref<10000xi32, #tpu.memory_space<hbm>>) dst(%arg6 : memref<10000xi32, #tpu.memory_space<vmem>>)
      tpu.yield
    }) : () -> ()
    %barrier3A = arith.constant 0 : index
    tpu.barrier barrier_id(%barrier3A)
    %dma_start3A = arith.constant 0 : i32
    %dma_start3A_7 = tpu.memref_slice %arg6[%dma_start3A] : memref<10000xi32, #tpu.memory_space<vmem>> -> memref<80xi32, #tpu.memory_space<vmem>>
    %dma_start3A_8 = arith.constant 0 : i32
    %dma_start3A_9 = arith.constant 0 : i32
    %dma_start3A_10 = tpu.memref_slice %arg9[%dma_start3A_8, %dma_start3A_9] : memref<10240x16xf32, #tpu.memory_space<vmem_shared>> -> memref<10240x16xf32, #tpu.memory_space<vmem_shared>>
    tpu.enqueue_indirect_dma source(%arg7 : memref<80x16xf32, #tpu.memory_space<vmem>>) target(%dma_start3A_10 : memref<10240x16xf32, #tpu.memory_space<vmem_shared>>) offsets(%dma_start3A_7 : memref<80xi32, #tpu.memory_space<vmem>>) semaphore(%arg10 : memref<!tpu.dma_semaphore, #tpu.memory_space<semaphore_mem>>) {add = true}
    %dma_start3A_11 = arith.constant 80 : i32
    %dma_start3A_12 = tpu.memref_slice %arg6[%dma_start3A_11] : memref<10000xi32, #tpu.memory_space<vmem>> -> memref<80xi32, #tpu.memory_space<vmem>>
    %dma_start3A_13 = arith.constant 0 : i32
    %dma_start3A_14 = arith.constant 0 : i32
    %dma_start3A_15 = tpu.memref_slice %arg9[%dma_start3A_13, %dma_start3A_14] : memref<10240x16xf32, #tpu.memory_space<vmem_shared>> -> memref<10240x16xf32, #tpu.memory_space<vmem_shared>>
    tpu.enqueue_indirect_dma source(%arg7 : memref<80x16xf32, #tpu.memory_space<vmem>>) target(%dma_start3A_15 : memref<10240x16xf32, #tpu.memory_space<vmem_shared>>) offsets(%dma_start3A_12 : memref<80xi32, #tpu.memory_space<vmem>>) semaphore(%arg10 : memref<!tpu.dma_semaphore, #tpu.memory_space<semaphore_mem>>) {add = true}
    %dma_start3A_16 = arith.constant 160 : i32
    %dma_start3A_17 = tpu.memref_slice %arg6[%dma_start3A_16] : memref<10000xi32, #tpu.memory_space<vmem>> -> memref<80xi32, #tpu.memory_space<vmem>>
    %dma_start3A_18 = arith.constant 0 : i32
    %dma_start3A_19 = arith.constant 0 : i32
    %dma_start3A_20 = tpu.memref_slice %arg9[%dma_start3A_18, %dma_start3A_19] : memref<10240x16xf32, #tpu.memory_space<vmem_shared>> -> memref<10240x16xf32, #tpu.memory_space<vmem_shared>>
    tpu.enqueue_indirect_dma source(%arg7 : memref<80x16xf32, #tpu.memory_space<vmem>>) target(%dma_start3A_20 : memref<10240x16xf32, #tpu.memory_space<vmem_shared>>) offsets(%dma_start3A_17 : memref<80xi32, #tpu.memory_space<vmem>>) semaphore(%arg10 : memref<!tpu.dma_semaphore, #tpu.memory_space<semaphore_mem>>) {add = true}
    %dma_start3A_21 = arith.constant 240 : i32
    %dma_start3A_22 = tpu.memref_slice %arg6[%dma_start3A_21] : memref<10000xi32, #tpu.memory_space<vmem>> -> memref<80xi32, #tpu.memory_space<vmem>>
    %dma_start3A_23 = arith.constant 0 : i32
    %dma_start3A_24 = arith.constant 0 : i32
    %dma_start3A_25 = tpu.memref_slice %arg9[%dma_start3A_23, %dma_start3A_24] : memref<10240x16xf32, #tpu.memory_space<vmem_shared>> -> memref<10240x16xf32, #tpu.memory_space<vmem_shared>>
    tpu.enqueue_indirect_dma source(%arg7 : memref<80x16xf32, #tpu.memory_space<vmem>>) target(%dma_start3A_25 : memref<10240x16xf32, #tpu.memory_space<vmem_shared>>) offsets(%dma_start3A_22 : memref<80xi32, #tpu.memory_space<vmem>>) semaphore(%arg10 : memref<!tpu.dma_semaphore, #tpu.memory_space<semaphore_mem>>) {add = true}
    %dma_start3A_26 = arith.constant 320 : i32
    %dma_start3A_27 = tpu.memref_slice %arg6[%dma_start3A_26] : memref<10000xi32, #tpu.memory_space<vmem>> -> memref<80xi32, #tpu.memory_space<vmem>>
    %dma_start3A_28 = arith.constant 0 : i32
    %dma_start3A_29 = arith.constant 0 : i32
    %dma_start3A_30 = tpu.memref_slice %arg9[%dma_start3A_28, %dma_start3A_29] : memref<10240x16xf32, #tpu.memory_space<vmem_shared>> -> memref<10240x16xf32, #tpu.memory_space<vmem_shared>>
    tpu.enqueue_indirect_dma source(%arg7 : memref<80x16xf32, #tpu.memory_space<vmem>>) target(%dma_start3A_30 : memref<10240x16xf32, #tpu.memory_space<vmem_shared>>) offsets(%dma_start3A_27 : memref<80xi32, #tpu.memory_space<vmem>>) semaphore(%arg10 : memref<!tpu.dma_semaphore, #tpu.memory_space<semaphore_mem>>) {add = true}
    %dma_start3A_31 = arith.constant 400 : i32
    %dma_start3A_32 = tpu.memref_slice %arg6[%dma_start3A_31] : memref<10000xi32, #tpu.memory_space<vmem>> -> memref<80xi32, #tpu.memory_space<vmem>>
    %dma_start3A_33 = arith.constant 0 : i32
    %dma_start3A_34 = arith.constant 0 : i32
    %dma_start3A_35 = tpu.memref_slice %arg9[%dma_start3A_33, %dma_start3A_34] : memref<10240x16xf32, #tpu.memory_space<vmem_shared>> -> memref<10240x16xf32, #tpu.memory_space<vmem_shared>>
    tpu.enqueue_indirect_dma source(%arg7 : memref<80x16xf32, #tpu.memory_space<vmem>>) target(%dma_start3A_35 : memref<10240x16xf32, #tpu.memory_space<vmem_shared>>) offsets(%dma_start3A_32 : memref<80xi32, #tpu.memory_space<vmem>>) semaphore(%arg10 : memref<!tpu.dma_semaphore, #tpu.memory_space<semaphore_mem>>) {add = true}
    %dma_start3A_36 = arith.constant 480 : i32
    %dma_start3A_37 = tpu.memref_slice %arg6[%dma_start3A_36] : memref<10000xi32, #tpu.memory_space<vmem>> -> memref<80xi32, #tpu.memory_space<vmem>>
    %dma_start3A_38 = arith.constant 0 : i32
    %dma_start3A_39 = arith.constant 0 : i32
    %dma_start3A_40 = tpu.memref_slice %arg9[%dma_start3A_38, %dma_start3A_39] : memref<10240x16xf32, #tpu.memory_space<vmem_shared>> -> memref<10240x16xf32, #tpu.memory_space<vmem_shared>>
    tpu.enqueue_indirect_dma source(%arg7 : memref<80x16xf32, #tpu.memory_space<vmem>>) target(%dma_start3A_40 : memref<10240x16xf32, #tpu.memory_space<vmem_shared>>) offsets(%dma_start3A_37 : memref<80xi32, #tpu.memory_space<vmem>>) semaphore(%arg10 : memref<!tpu.dma_semaphore, #tpu.memory_space<semaphore_mem>>) {add = true}
    %dma_start3A_41 = arith.constant 560 : i32
    %dma_start3A_42 = tpu.memref_slice %arg6[%dma_start3A_41] : memref<10000xi32, #tpu.memory_space<vmem>> -> memref<80xi32, #tpu.memory_space<vmem>>
    %dma_start3A_43 = arith.constant 0 : i32
    %dma_start3A_44 = arith.constant 0 : i32
    %dma_start3A_45 = tpu.memref_slice %arg9[%dma_start3A_43, %dma_start3A_44] : memref<10240x16xf32, #tpu.memory_space<vmem_shared>> -> memref<10240x16xf32, #tpu.memory_space<vmem_shared>>
    tpu.enqueue_indirect_dma source(%arg7 : memref<80x16xf32, #tpu.memory_space<vmem>>) target(%dma_start3A_45 : memref<10240x16xf32, #tpu.memory_space<vmem_shared>>) offsets(%dma_start3A_42 : memref<80xi32, #tpu.memory_space<vmem>>) semaphore(%arg10 : memref<!tpu.dma_semaphore, #tpu.memory_space<semaphore_mem>>) {add = true}
    %scan3A = arith.constant 0 : i32
    %scan3A_46 = arith.constant 0 : i32
    %scan3A_47 = arith.constant 117 : i32
    %scan3A_48 = arith.addi %scan3A_46, %scan3A_47 : i32
    %scan3A_49 = arith.constant 1 : i32
    scf.for %scan3A_91 = %scan3A_46 to %scan3A_48 step %scan3A_49  : i32 {
      %add3A_92 = arith.constant 8 : i32
      %add3A_93 = arith.addi %scan3A_91, %add3A_92 : i32
      %mul3A_94 = arith.constant 80 : i32
      %mul3A_95 = arith.muli %add3A_93, %mul3A_94 : i32
      %dma_start3A_96 = tpu.memref_slice %arg6[%mul3A_95] : memref<10000xi32, #tpu.memory_space<vmem>> -> memref<80xi32, #tpu.memory_space<vmem>>
      %dma_start3A_97 = arith.constant 0 : i32
      %dma_start3A_98 = arith.constant 0 : i32
      %dma_start3A_99 = tpu.memref_slice %arg9[%dma_start3A_97, %dma_start3A_98] : memref<10240x16xf32, #tpu.memory_space<vmem_shared>> -> memref<10240x16xf32, #tpu.memory_space<vmem_shared>>
      tpu.enqueue_indirect_dma source(%arg7 : memref<80x16xf32, #tpu.memory_space<vmem>>) target(%dma_start3A_99 : memref<10240x16xf32, #tpu.memory_space<vmem_shared>>) offsets(%dma_start3A_96 : memref<80xi32, #tpu.memory_space<vmem>>) semaphore(%arg10 : memref<!tpu.dma_semaphore, #tpu.memory_space<semaphore_mem>>) {add = true}
      %dma_wait3A_100 = arith.constant 0 : i32
      %dma_wait3A_101 = tpu.memref_slice %arg6[%dma_wait3A_100] : memref<10000xi32, #tpu.memory_space<vmem>> -> memref<80xi32, #tpu.memory_space<vmem>>
      %dma_wait3A_102 = arith.constant 0 : i32
      %dma_wait3A_103 = arith.constant 0 : i32
      %dma_wait3A_104 = tpu.memref_slice %arg9[%dma_wait3A_102, %dma_wait3A_103] : memref<10240x16xf32, #tpu.memory_space<vmem_shared>> -> memref<10240x16xf32, #tpu.memory_space<vmem_shared>>
      tpu.wait_indirect_dma semaphore(%arg10 : memref<!tpu.dma_semaphore, #tpu.memory_space<semaphore_mem>>) src(%arg7 : memref<80x16xf32, #tpu.memory_space<vmem>>) dst(%dma_wait3A_104 : memref<10240x16xf32, #tpu.memory_space<vmem_shared>>)
    }
    %scan3A_50 = arith.constant 117 : i32
    %dma_wait3A = arith.constant 0 : i32
    %dma_wait3A_51 = tpu.memref_slice %arg6[%dma_wait3A] : memref<10000xi32, #tpu.memory_space<vmem>> -> memref<80xi32, #tpu.memory_space<vmem>>
    %dma_wait3A_52 = arith.constant 0 : i32
    %dma_wait3A_53 = arith.constant 0 : i32
    %dma_wait3A_54 = tpu.memref_slice %arg9[%dma_wait3A_52, %dma_wait3A_53] : memref<10240x16xf32, #tpu.memory_space<vmem_shared>> -> memref<10240x16xf32, #tpu.memory_space<vmem_shared>>
    tpu.wait_indirect_dma semaphore(%arg10 : memref<!tpu.dma_semaphore, #tpu.memory_space<semaphore_mem>>) src(%arg7 : memref<80x16xf32, #tpu.memory_space<vmem>>) dst(%dma_wait3A_54 : memref<10240x16xf32, #tpu.memory_space<vmem_shared>>)
    %dma_wait3A_55 = arith.constant 0 : i32
    %dma_wait3A_56 = tpu.memref_slice %arg6[%dma_wait3A_55] : memref<10000xi32, #tpu.memory_space<vmem>> -> memref<80xi32, #tpu.memory_space<vmem>>
    %dma_wait3A_57 = arith.constant 0 : i32
    %dma_wait3A_58 = arith.constant 0 : i32
    %dma_wait3A_59 = tpu.memref_slice %arg9[%dma_wait3A_57, %dma_wait3A_58] : memref<10240x16xf32, #tpu.memory_space<vmem_shared>> -> memref<10240x16xf32, #tpu.memory_space<vmem_shared>>
    tpu.wait_indirect_dma semaphore(%arg10 : memref<!tpu.dma_semaphore, #tpu.memory_space<semaphore_mem>>) src(%arg7 : memref<80x16xf32, #tpu.memory_space<vmem>>) dst(%dma_wait3A_59 : memref<10240x16xf32, #tpu.memory_space<vmem_shared>>)
    %dma_wait3A_60 = arith.constant 0 : i32
    %dma_wait3A_61 = tpu.memref_slice %arg6[%dma_wait3A_60] : memref<10000xi32, #tpu.memory_space<vmem>> -> memref<80xi32, #tpu.memory_space<vmem>>
    %dma_wait3A_62 = arith.constant 0 : i32
    %dma_wait3A_63 = arith.constant 0 : i32
    %dma_wait3A_64 = tpu.memref_slice %arg9[%dma_wait3A_62, %dma_wait3A_63] : memref<10240x16xf32, #tpu.memory_space<vmem_shared>> -> memref<10240x16xf32, #tpu.memory_space<vmem_shared>>
    tpu.wait_indirect_dma semaphore(%arg10 : memref<!tpu.dma_semaphore, #tpu.memory_space<semaphore_mem>>) src(%arg7 : memref<80x16xf32, #tpu.memory_space<vmem>>) dst(%dma_wait3A_64 : memref<10240x16xf32, #tpu.memory_space<vmem_shared>>)
    %dma_wait3A_65 = arith.constant 0 : i32
    %dma_wait3A_66 = tpu.memref_slice %arg6[%dma_wait3A_65] : memref<10000xi32, #tpu.memory_space<vmem>> -> memref<80xi32, #tpu.memory_space<vmem>>
    %dma_wait3A_67 = arith.constant 0 : i32
    %dma_wait3A_68 = arith.constant 0 : i32
    %dma_wait3A_69 = tpu.memref_slice %arg9[%dma_wait3A_67, %dma_wait3A_68] : memref<10240x16xf32, #tpu.memory_space<vmem_shared>> -> memref<10240x16xf32, #tpu.memory_space<vmem_shared>>
    tpu.wait_indirect_dma semaphore(%arg10 : memref<!tpu.dma_semaphore, #tpu.memory_space<semaphore_mem>>) src(%arg7 : memref<80x16xf32, #tpu.memory_space<vmem>>) dst(%dma_wait3A_69 : memref<10240x16xf32, #tpu.memory_space<vmem_shared>>)
    %dma_wait3A_70 = arith.constant 0 : i32
    %dma_wait3A_71 = tpu.memref_slice %arg6[%dma_wait3A_70] : memref<10000xi32, #tpu.memory_space<vmem>> -> memref<80xi32, #tpu.memory_space<vmem>>
    %dma_wait3A_72 = arith.constant 0 : i32
    %dma_wait3A_73 = arith.constant 0 : i32
    %dma_wait3A_74 = tpu.memref_slice %arg9[%dma_wait3A_72, %dma_wait3A_73] : memref<10240x16xf32, #tpu.memory_space<vmem_shared>> -> memref<10240x16xf32, #tpu.memory_space<vmem_shared>>
    tpu.wait_indirect_dma semaphore(%arg10 : memref<!tpu.dma_semaphore, #tpu.memory_space<semaphore_mem>>) src(%arg7 : memref<80x16xf32, #tpu.memory_space<vmem>>) dst(%dma_wait3A_74 : memref<10240x16xf32, #tpu.memory_space<vmem_shared>>)
    %dma_wait3A_75 = arith.constant 0 : i32
    %dma_wait3A_76 = tpu.memref_slice %arg6[%dma_wait3A_75] : memref<10000xi32, #tpu.memory_space<vmem>> -> memref<80xi32, #tpu.memory_space<vmem>>
    %dma_wait3A_77 = arith.constant 0 : i32
    %dma_wait3A_78 = arith.constant 0 : i32
    %dma_wait3A_79 = tpu.memref_slice %arg9[%dma_wait3A_77, %dma_wait3A_78] : memref<10240x16xf32, #tpu.memory_space<vmem_shared>> -> memref<10240x16xf32, #tpu.memory_space<vmem_shared>>
    tpu.wait_indirect_dma semaphore(%arg10 : memref<!tpu.dma_semaphore, #tpu.memory_space<semaphore_mem>>) src(%arg7 : memref<80x16xf32, #tpu.memory_space<vmem>>) dst(%dma_wait3A_79 : memref<10240x16xf32, #tpu.memory_space<vmem_shared>>)
    %dma_wait3A_80 = arith.constant 0 : i32
    %dma_wait3A_81 = tpu.memref_slice %arg6[%dma_wait3A_80] : memref<10000xi32, #tpu.memory_space<vmem>> -> memref<80xi32, #tpu.memory_space<vmem>>
    %dma_wait3A_82 = arith.constant 0 : i32
    %dma_wait3A_83 = arith.constant 0 : i32
    %dma_wait3A_84 = tpu.memref_slice %arg9[%dma_wait3A_82, %dma_wait3A_83] : memref<10240x16xf32, #tpu.memory_space<vmem_shared>> -> memref<10240x16xf32, #tpu.memory_space<vmem_shared>>
    tpu.wait_indirect_dma semaphore(%arg10 : memref<!tpu.dma_semaphore, #tpu.memory_space<semaphore_mem>>) src(%arg7 : memref<80x16xf32, #tpu.memory_space<vmem>>) dst(%dma_wait3A_84 : memref<10240x16xf32, #tpu.memory_space<vmem_shared>>)
    %dma_wait3A_85 = arith.constant 0 : i32
    %dma_wait3A_86 = tpu.memref_slice %arg6[%dma_wait3A_85] : memref<10000xi32, #tpu.memory_space<vmem>> -> memref<80xi32, #tpu.memory_space<vmem>>
    %dma_wait3A_87 = arith.constant 0 : i32
    %dma_wait3A_88 = arith.constant 0 : i32
    %dma_wait3A_89 = tpu.memref_slice %arg9[%dma_wait3A_87, %dma_wait3A_88] : memref<10240x16xf32, #tpu.memory_space<vmem_shared>> -> memref<10240x16xf32, #tpu.memory_space<vmem_shared>>
    tpu.wait_indirect_dma semaphore(%arg10 : memref<!tpu.dma_semaphore, #tpu.memory_space<semaphore_mem>>) src(%arg7 : memref<80x16xf32, #tpu.memory_space<vmem>>) dst(%dma_wait3A_89 : memref<10240x16xf32, #tpu.memory_space<vmem_shared>>)
    %barrier3A_90 = arith.constant 0 : index
    tpu.barrier barrier_id(%barrier3A_90)
    "tpu.region"() ({
      %run_scoped3A_91 = tpu.sem_alloc : memref<!tpu.dma_semaphore, #tpu.memory_space<semaphore_mem>>
      %dma_start3A_92 = arith.constant 0 : i32
      %dma_start3A_93 = tpu.memref_slice %arg5[%arg0, %mul3A_2, %dma_start3A_92] : memref<2x10240x16xf32, #tpu.memory_space<hbm>> -> memref<1x640x16xf32, #tpu.memory_space<hbm>>
      %dma_start3A_94 = tpu.memref_squeeze %dma_start3A_93 : memref<1x640x16xf32, #tpu.memory_space<hbm>> -> memref<640x16xf32, #tpu.memory_space<hbm>>
      %dma_start3A_95 = arith.constant 0 : i32
      %dma_start3A_96 = tpu.memref_slice %arg9[%mul3A_2, %dma_start3A_95] : memref<10240x16xf32, #tpu.memory_space<vmem_shared>> -> memref<640x16xf32, #tpu.memory_space<vmem_shared>>
      tpu.enqueue_dma source(%dma_start3A_96 : memref<640x16xf32, #tpu.memory_space<vmem_shared>>) target(%dma_start3A_94 : memref<640x16xf32, #tpu.memory_space<hbm>>) target_semaphore(%run_scoped3A_91 : memref<!tpu.dma_semaphore, #tpu.memory_space<semaphore_mem>>)
      %dma_wait3A_97 = arith.constant 0 : i32
      %dma_wait3A_98 = tpu.memref_slice %arg5[%arg0, %mul3A_2, %dma_wait3A_97] : memref<2x10240x16xf32, #tpu.memory_space<hbm>> -> memref<1x640x16xf32, #tpu.memory_space<hbm>>
      %dma_wait3A_99 = tpu.memref_squeeze %dma_wait3A_98 : memref<1x640x16xf32, #tpu.memory_space<hbm>> -> memref<640x16xf32, #tpu.memory_space<hbm>>
      %dma_wait3A_100 = arith.constant 0 : i32
      %dma_wait3A_101 = tpu.memref_slice %arg9[%mul3A_2, %dma_wait3A_100] : memref<10240x16xf32, #tpu.memory_space<vmem_shared>> -> memref<640x16xf32, #tpu.memory_space<vmem_shared>>
      tpu.wait_dma2 semaphore(%run_scoped3A_91 : memref<!tpu.dma_semaphore, #tpu.memory_space<semaphore_mem>>) src(%dma_wait3A_101 : memref<640x16xf32, #tpu.memory_space<vmem_shared>>) dst(%dma_wait3A_99 : memref<640x16xf32, #tpu.memory_space<hbm>>)
      tpu.yield
    }) : () -> ()
    return
  }
}

#map = affine_map<(d0, d1) -> (0, 0)>
#map1 = affine_map<(d0, d1) -> (0, 0, 0)>
module attributes {stable_mosaic.version = 14 : i64} {
  func.func @_prop_kernel(%arg0: i32, %arg1: i32, %arg2: memref<2x320000xi32, #tpu.memory_space<hbm>>, %arg3: memref<10240x16xf32, #tpu.memory_space<hbm>>, %arg4: memref<10240x16xf32, #tpu.memory_space<hbm>>, %arg5: memref<2x10240x16xf32, #tpu.memory_space<hbm>>, %arg6: memref<10000xi32, #tpu.memory_space<vmem>>, %arg7: memref<10000xi32, #tpu.memory_space<vmem>>, %arg8: memref<8x80x16xf32, #tpu.memory_space<vmem>>, %arg9: memref<640x16xf32, #tpu.memory_space<vmem>>, %arg10: memref<10240x16xf32, #tpu.memory_space<vmem_shared>>, %arg11: memref<8x!tpu.dma_semaphore, #tpu.memory_space<semaphore_mem>>, %arg12: memref<8x!tpu.dma_semaphore, #tpu.memory_space<semaphore_mem>>) attributes {dimension_semantics = [#tpu.dimension_semantics<core_parallel>, #tpu.dimension_semantics<subcore_parallel>], iteration_bounds = array<i64: 2, 16>, scalar_prefetch = 0 : i64, scratch_operands = 7 : i64, tpu.core_type = #tpu.core_type<sc_vector_subcore>, window_params = [{transform_indices = #map}, {transform_indices = #map}, {transform_indices = #map}, {transform_indices = #map1}]} {
    %mul3A = arith.constant 16 : i32
    %mul3A_0 = arith.muli %arg0, %mul3A : i32
    %add3A = arith.addi %mul3A_0, %arg1 : i32
    %mul3A_1 = arith.constant 640 : i32
    %mul3A_2 = arith.muli %arg1, %mul3A_1 : i32
    "tpu.region"() ({
      %run_scoped3A_692 = tpu.sem_alloc : memref<!tpu.dma_semaphore, #tpu.memory_space<semaphore_mem>>
      %dma_start3A_693 = arith.constant 0 : i32
      %dma_start3A_694 = tpu.memref_slice %arg4[%mul3A_2, %dma_start3A_693] : memref<10240x16xf32, #tpu.memory_space<hbm>> -> memref<640x16xf32, #tpu.memory_space<hbm>>
      %dma_start3A_695 = arith.constant 0 : i32
      %dma_start3A_696 = tpu.memref_slice %arg4[%mul3A_2, %dma_start3A_695] : memref<10240x16xf32, #tpu.memory_space<hbm>> -> memref<640x16xf32, #tpu.memory_space<hbm>>
      tpu.enqueue_dma source(%dma_start3A_696 : memref<640x16xf32, #tpu.memory_space<hbm>>) target(%arg9 : memref<640x16xf32, #tpu.memory_space<vmem>>) target_semaphore(%run_scoped3A_692 : memref<!tpu.dma_semaphore, #tpu.memory_space<semaphore_mem>>)
      %dma_wait3A_697 = arith.constant 0 : i32
      %dma_wait3A_698 = tpu.memref_slice %arg4[%mul3A_2, %dma_wait3A_697] : memref<10240x16xf32, #tpu.memory_space<hbm>> -> memref<640x16xf32, #tpu.memory_space<hbm>>
      %dma_wait3A_699 = arith.constant 0 : i32
      %dma_wait3A_700 = tpu.memref_slice %arg4[%mul3A_2, %dma_wait3A_699] : memref<10240x16xf32, #tpu.memory_space<hbm>> -> memref<640x16xf32, #tpu.memory_space<hbm>>
      tpu.wait_dma2 semaphore(%run_scoped3A_692 : memref<!tpu.dma_semaphore, #tpu.memory_space<semaphore_mem>>) src(%dma_wait3A_700 : memref<640x16xf32, #tpu.memory_space<hbm>>) dst(%arg9 : memref<640x16xf32, #tpu.memory_space<vmem>>)
      tpu.yield
    }) : () -> ()
    "tpu.region"() ({
      %run_scoped3A_692 = tpu.sem_alloc : memref<!tpu.dma_semaphore, #tpu.memory_space<semaphore_mem>>
      %dma_start3A_693 = arith.constant 0 : i32
      %dma_start3A_694 = tpu.memref_slice %arg10[%mul3A_2, %dma_start3A_693] : memref<10240x16xf32, #tpu.memory_space<vmem_shared>> -> memref<640x16xf32, #tpu.memory_space<vmem_shared>>
      %dma_start3A_695 = arith.constant 0 : i32
      %dma_start3A_696 = tpu.memref_slice %arg10[%mul3A_2, %dma_start3A_695] : memref<10240x16xf32, #tpu.memory_space<vmem_shared>> -> memref<640x16xf32, #tpu.memory_space<vmem_shared>>
      tpu.enqueue_dma source(%arg9 : memref<640x16xf32, #tpu.memory_space<vmem>>) target(%dma_start3A_696 : memref<640x16xf32, #tpu.memory_space<vmem_shared>>) target_semaphore(%run_scoped3A_692 : memref<!tpu.dma_semaphore, #tpu.memory_space<semaphore_mem>>)
      %dma_wait3A_697 = arith.constant 0 : i32
      %dma_wait3A_698 = tpu.memref_slice %arg10[%mul3A_2, %dma_wait3A_697] : memref<10240x16xf32, #tpu.memory_space<vmem_shared>> -> memref<640x16xf32, #tpu.memory_space<vmem_shared>>
      %dma_wait3A_699 = arith.constant 0 : i32
      %dma_wait3A_700 = tpu.memref_slice %arg10[%mul3A_2, %dma_wait3A_699] : memref<10240x16xf32, #tpu.memory_space<vmem_shared>> -> memref<640x16xf32, #tpu.memory_space<vmem_shared>>
      tpu.wait_dma2 semaphore(%run_scoped3A_692 : memref<!tpu.dma_semaphore, #tpu.memory_space<semaphore_mem>>) src(%arg9 : memref<640x16xf32, #tpu.memory_space<vmem>>) dst(%dma_wait3A_700 : memref<640x16xf32, #tpu.memory_space<vmem_shared>>)
      tpu.yield
    }) : () -> ()
    %mul3A_3 = arith.constant 125 : i32
    %mul3A_4 = arith.muli %add3A, %mul3A_3 : i32
    %mul3A_5 = arith.constant 80 : i32
    %mul3A_6 = arith.muli %mul3A_4, %mul3A_5 : i32
    %run_scoped3A = arith.constant 0 : i32
    "tpu.region"() ({
      %run_scoped3A_692 = tpu.sem_alloc : memref<!tpu.dma_semaphore, #tpu.memory_space<semaphore_mem>>
      %dma_start3A_693 = tpu.memref_slice %arg2[%run_scoped3A, %mul3A_6] : memref<2x320000xi32, #tpu.memory_space<hbm>> -> memref<1x10000xi32, #tpu.memory_space<hbm>>
      %dma_start3A_694 = tpu.memref_squeeze %dma_start3A_693 : memref<1x10000xi32, #tpu.memory_space<hbm>> -> memref<10000xi32, #tpu.memory_space<hbm>>
      %dma_start3A_695 = tpu.memref_slice %arg2[%run_scoped3A, %mul3A_6] : memref<2x320000xi32, #tpu.memory_space<hbm>> -> memref<1x10000xi32, #tpu.memory_space<hbm>>
      %dma_start3A_696 = tpu.memref_squeeze %dma_start3A_695 : memref<1x10000xi32, #tpu.memory_space<hbm>> -> memref<10000xi32, #tpu.memory_space<hbm>>
      tpu.enqueue_dma source(%dma_start3A_696 : memref<10000xi32, #tpu.memory_space<hbm>>) target(%arg6 : memref<10000xi32, #tpu.memory_space<vmem>>) target_semaphore(%run_scoped3A_692 : memref<!tpu.dma_semaphore, #tpu.memory_space<semaphore_mem>>)
      %dma_wait3A_697 = tpu.memref_slice %arg2[%run_scoped3A, %mul3A_6] : memref<2x320000xi32, #tpu.memory_space<hbm>> -> memref<1x10000xi32, #tpu.memory_space<hbm>>
      %dma_wait3A_698 = tpu.memref_squeeze %dma_wait3A_697 : memref<1x10000xi32, #tpu.memory_space<hbm>> -> memref<10000xi32, #tpu.memory_space<hbm>>
      %dma_wait3A_699 = tpu.memref_slice %arg2[%run_scoped3A, %mul3A_6] : memref<2x320000xi32, #tpu.memory_space<hbm>> -> memref<1x10000xi32, #tpu.memory_space<hbm>>
      %dma_wait3A_700 = tpu.memref_squeeze %dma_wait3A_699 : memref<1x10000xi32, #tpu.memory_space<hbm>> -> memref<10000xi32, #tpu.memory_space<hbm>>
      tpu.wait_dma2 semaphore(%run_scoped3A_692 : memref<!tpu.dma_semaphore, #tpu.memory_space<semaphore_mem>>) src(%dma_wait3A_700 : memref<10000xi32, #tpu.memory_space<hbm>>) dst(%arg6 : memref<10000xi32, #tpu.memory_space<vmem>>)
      tpu.yield
    }) : () -> ()
    %mul3A_7 = arith.constant 125 : i32
    %mul3A_8 = arith.muli %add3A, %mul3A_7 : i32
    %mul3A_9 = arith.constant 80 : i32
    %mul3A_10 = arith.muli %mul3A_8, %mul3A_9 : i32
    %run_scoped3A_11 = arith.constant 1 : i32
    "tpu.region"() ({
      %run_scoped3A_692 = tpu.sem_alloc : memref<!tpu.dma_semaphore, #tpu.memory_space<semaphore_mem>>
      %dma_start3A_693 = tpu.memref_slice %arg2[%run_scoped3A_11, %mul3A_10] : memref<2x320000xi32, #tpu.memory_space<hbm>> -> memref<1x10000xi32, #tpu.memory_space<hbm>>
      %dma_start3A_694 = tpu.memref_squeeze %dma_start3A_693 : memref<1x10000xi32, #tpu.memory_space<hbm>> -> memref<10000xi32, #tpu.memory_space<hbm>>
      %dma_start3A_695 = tpu.memref_slice %arg2[%run_scoped3A_11, %mul3A_10] : memref<2x320000xi32, #tpu.memory_space<hbm>> -> memref<1x10000xi32, #tpu.memory_space<hbm>>
      %dma_start3A_696 = tpu.memref_squeeze %dma_start3A_695 : memref<1x10000xi32, #tpu.memory_space<hbm>> -> memref<10000xi32, #tpu.memory_space<hbm>>
      tpu.enqueue_dma source(%dma_start3A_696 : memref<10000xi32, #tpu.memory_space<hbm>>) target(%arg7 : memref<10000xi32, #tpu.memory_space<vmem>>) target_semaphore(%run_scoped3A_692 : memref<!tpu.dma_semaphore, #tpu.memory_space<semaphore_mem>>)
      %dma_wait3A_697 = tpu.memref_slice %arg2[%run_scoped3A_11, %mul3A_10] : memref<2x320000xi32, #tpu.memory_space<hbm>> -> memref<1x10000xi32, #tpu.memory_space<hbm>>
      %dma_wait3A_698 = tpu.memref_squeeze %dma_wait3A_697 : memref<1x10000xi32, #tpu.memory_space<hbm>> -> memref<10000xi32, #tpu.memory_space<hbm>>
      %dma_wait3A_699 = tpu.memref_slice %arg2[%run_scoped3A_11, %mul3A_10] : memref<2x320000xi32, #tpu.memory_space<hbm>> -> memref<1x10000xi32, #tpu.memory_space<hbm>>
      %dma_wait3A_700 = tpu.memref_squeeze %dma_wait3A_699 : memref<1x10000xi32, #tpu.memory_space<hbm>> -> memref<10000xi32, #tpu.memory_space<hbm>>
      tpu.wait_dma2 semaphore(%run_scoped3A_692 : memref<!tpu.dma_semaphore, #tpu.memory_space<semaphore_mem>>) src(%dma_wait3A_700 : memref<10000xi32, #tpu.memory_space<hbm>>) dst(%arg7 : memref<10000xi32, #tpu.memory_space<vmem>>)
      tpu.yield
    }) : () -> ()
    %barrier3A = arith.constant 0 : index
    tpu.barrier barrier_id(%barrier3A)
    %dma_start3A = arith.constant 0 : i32
    %dma_start3A_12 = arith.constant 0 : i32
    %dma_start3A_13 = arith.constant 0 : i32
    %dma_start3A_14 = arith.constant 0 : i32
    %dma_start3A_15 = tpu.memref_slice %arg8[%dma_start3A, %dma_start3A_13, %dma_start3A_14] : memref<8x80x16xf32, #tpu.memory_space<vmem>> -> memref<1x80x16xf32, #tpu.memory_space<vmem>>
    %dma_start3A_16 = tpu.memref_squeeze %dma_start3A_15 : memref<1x80x16xf32, #tpu.memory_space<vmem>> -> memref<80x16xf32, #tpu.memory_space<vmem>>
    %dma_start3A_17 = arith.constant 0 : i32
    %dma_start3A_18 = tpu.memref_slice %arg6[%dma_start3A_17] : memref<10000xi32, #tpu.memory_space<vmem>> -> memref<80xi32, #tpu.memory_space<vmem>>
    %dma_start3A_19 = arith.constant 0 : i32
    %dma_start3A_20 = arith.constant 0 : i32
    %dma_start3A_21 = tpu.memref_slice %arg3[%dma_start3A_19, %dma_start3A_20] : memref<10240x16xf32, #tpu.memory_space<hbm>> -> memref<10240x16xf32, #tpu.memory_space<hbm>>
    %dma_start3A_22 = tpu.memref_slice %arg11[%dma_start3A_12] : memref<8x!tpu.dma_semaphore, #tpu.memory_space<semaphore_mem>> -> memref<1x!tpu.dma_semaphore, #tpu.memory_space<semaphore_mem>>
    %dma_start3A_23 = tpu.memref_squeeze %dma_start3A_22 : memref<1x!tpu.dma_semaphore, #tpu.memory_space<semaphore_mem>> -> memref<!tpu.dma_semaphore, #tpu.memory_space<semaphore_mem>>
    tpu.enqueue_indirect_dma source(%dma_start3A_21 : memref<10240x16xf32, #tpu.memory_space<hbm>>) target(%dma_start3A_16 : memref<80x16xf32, #tpu.memory_space<vmem>>) offsets(%dma_start3A_18 : memref<80xi32, #tpu.memory_space<vmem>>) semaphore(%dma_start3A_23 : memref<!tpu.dma_semaphore, #tpu.memory_space<semaphore_mem>>)
    %dma_start3A_24 = arith.constant 1 : i32
    %dma_start3A_25 = arith.constant 1 : i32
    %dma_start3A_26 = arith.constant 0 : i32
    %dma_start3A_27 = arith.constant 0 : i32
    %dma_start3A_28 = tpu.memref_slice %arg8[%dma_start3A_24, %dma_start3A_26, %dma_start3A_27] : memref<8x80x16xf32, #tpu.memory_space<vmem>> -> memref<1x80x16xf32, #tpu.memory_space<vmem>>
    %dma_start3A_29 = tpu.memref_squeeze %dma_start3A_28 : memref<1x80x16xf32, #tpu.memory_space<vmem>> -> memref<80x16xf32, #tpu.memory_space<vmem>>
    %dma_start3A_30 = arith.constant 80 : i32
    %dma_start3A_31 = tpu.memref_slice %arg6[%dma_start3A_30] : memref<10000xi32, #tpu.memory_space<vmem>> -> memref<80xi32, #tpu.memory_space<vmem>>
    %dma_start3A_32 = arith.constant 0 : i32
    %dma_start3A_33 = arith.constant 0 : i32
    %dma_start3A_34 = tpu.memref_slice %arg3[%dma_start3A_32, %dma_start3A_33] : memref<10240x16xf32, #tpu.memory_space<hbm>> -> memref<10240x16xf32, #tpu.memory_space<hbm>>
    %dma_start3A_35 = tpu.memref_slice %arg11[%dma_start3A_25] : memref<8x!tpu.dma_semaphore, #tpu.memory_space<semaphore_mem>> -> memref<1x!tpu.dma_semaphore, #tpu.memory_space<semaphore_mem>>
    %dma_start3A_36 = tpu.memref_squeeze %dma_start3A_35 : memref<1x!tpu.dma_semaphore, #tpu.memory_space<semaphore_mem>> -> memref<!tpu.dma_semaphore, #tpu.memory_space<semaphore_mem>>
    tpu.enqueue_indirect_dma source(%dma_start3A_34 : memref<10240x16xf32, #tpu.memory_space<hbm>>) target(%dma_start3A_29 : memref<80x16xf32, #tpu.memory_space<vmem>>) offsets(%dma_start3A_31 : memref<80xi32, #tpu.memory_space<vmem>>) semaphore(%dma_start3A_36 : memref<!tpu.dma_semaphore, #tpu.memory_space<semaphore_mem>>)
    %dma_start3A_37 = arith.constant 2 : i32
    %dma_start3A_38 = arith.constant 2 : i32
    %dma_start3A_39 = arith.constant 0 : i32
    %dma_start3A_40 = arith.constant 0 : i32
    %dma_start3A_41 = tpu.memref_slice %arg8[%dma_start3A_37, %dma_start3A_39, %dma_start3A_40] : memref<8x80x16xf32, #tpu.memory_space<vmem>> -> memref<1x80x16xf32, #tpu.memory_space<vmem>>
    %dma_start3A_42 = tpu.memref_squeeze %dma_start3A_41 : memref<1x80x16xf32, #tpu.memory_space<vmem>> -> memref<80x16xf32, #tpu.memory_space<vmem>>
    %dma_start3A_43 = arith.constant 160 : i32
    %dma_start3A_44 = tpu.memref_slice %arg6[%dma_start3A_43] : memref<10000xi32, #tpu.memory_space<vmem>> -> memref<80xi32, #tpu.memory_space<vmem>>
    %dma_start3A_45 = arith.constant 0 : i32
    %dma_start3A_46 = arith.constant 0 : i32
    %dma_start3A_47 = tpu.memref_slice %arg3[%dma_start3A_45, %dma_start3A_46] : memref<10240x16xf32, #tpu.memory_space<hbm>> -> memref<10240x16xf32, #tpu.memory_space<hbm>>
    %dma_start3A_48 = tpu.memref_slice %arg11[%dma_start3A_38] : memref<8x!tpu.dma_semaphore, #tpu.memory_space<semaphore_mem>> -> memref<1x!tpu.dma_semaphore, #tpu.memory_space<semaphore_mem>>
    %dma_start3A_49 = tpu.memref_squeeze %dma_start3A_48 : memref<1x!tpu.dma_semaphore, #tpu.memory_space<semaphore_mem>> -> memref<!tpu.dma_semaphore, #tpu.memory_space<semaphore_mem>>
    tpu.enqueue_indirect_dma source(%dma_start3A_47 : memref<10240x16xf32, #tpu.memory_space<hbm>>) target(%dma_start3A_42 : memref<80x16xf32, #tpu.memory_space<vmem>>) offsets(%dma_start3A_44 : memref<80xi32, #tpu.memory_space<vmem>>) semaphore(%dma_start3A_49 : memref<!tpu.dma_semaphore, #tpu.memory_space<semaphore_mem>>)
    %dma_start3A_50 = arith.constant 3 : i32
    %dma_start3A_51 = arith.constant 3 : i32
    %dma_start3A_52 = arith.constant 0 : i32
    %dma_start3A_53 = arith.constant 0 : i32
    %dma_start3A_54 = tpu.memref_slice %arg8[%dma_start3A_50, %dma_start3A_52, %dma_start3A_53] : memref<8x80x16xf32, #tpu.memory_space<vmem>> -> memref<1x80x16xf32, #tpu.memory_space<vmem>>
    %dma_start3A_55 = tpu.memref_squeeze %dma_start3A_54 : memref<1x80x16xf32, #tpu.memory_space<vmem>> -> memref<80x16xf32, #tpu.memory_space<vmem>>
    %dma_start3A_56 = arith.constant 240 : i32
    %dma_start3A_57 = tpu.memref_slice %arg6[%dma_start3A_56] : memref<10000xi32, #tpu.memory_space<vmem>> -> memref<80xi32, #tpu.memory_space<vmem>>
    %dma_start3A_58 = arith.constant 0 : i32
    %dma_start3A_59 = arith.constant 0 : i32
    %dma_start3A_60 = tpu.memref_slice %arg3[%dma_start3A_58, %dma_start3A_59] : memref<10240x16xf32, #tpu.memory_space<hbm>> -> memref<10240x16xf32, #tpu.memory_space<hbm>>
    %dma_start3A_61 = tpu.memref_slice %arg11[%dma_start3A_51] : memref<8x!tpu.dma_semaphore, #tpu.memory_space<semaphore_mem>> -> memref<1x!tpu.dma_semaphore, #tpu.memory_space<semaphore_mem>>
    %dma_start3A_62 = tpu.memref_squeeze %dma_start3A_61 : memref<1x!tpu.dma_semaphore, #tpu.memory_space<semaphore_mem>> -> memref<!tpu.dma_semaphore, #tpu.memory_space<semaphore_mem>>
    tpu.enqueue_indirect_dma source(%dma_start3A_60 : memref<10240x16xf32, #tpu.memory_space<hbm>>) target(%dma_start3A_55 : memref<80x16xf32, #tpu.memory_space<vmem>>) offsets(%dma_start3A_57 : memref<80xi32, #tpu.memory_space<vmem>>) semaphore(%dma_start3A_62 : memref<!tpu.dma_semaphore, #tpu.memory_space<semaphore_mem>>)
    %dma_start3A_63 = arith.constant 4 : i32
    %dma_start3A_64 = arith.constant 4 : i32
    %dma_start3A_65 = arith.constant 0 : i32
    %dma_start3A_66 = arith.constant 0 : i32
    %dma_start3A_67 = tpu.memref_slice %arg8[%dma_start3A_63, %dma_start3A_65, %dma_start3A_66] : memref<8x80x16xf32, #tpu.memory_space<vmem>> -> memref<1x80x16xf32, #tpu.memory_space<vmem>>
    %dma_start3A_68 = tpu.memref_squeeze %dma_start3A_67 : memref<1x80x16xf32, #tpu.memory_space<vmem>> -> memref<80x16xf32, #tpu.memory_space<vmem>>
    %dma_start3A_69 = arith.constant 320 : i32
    %dma_start3A_70 = tpu.memref_slice %arg6[%dma_start3A_69] : memref<10000xi32, #tpu.memory_space<vmem>> -> memref<80xi32, #tpu.memory_space<vmem>>
    %dma_start3A_71 = arith.constant 0 : i32
    %dma_start3A_72 = arith.constant 0 : i32
    %dma_start3A_73 = tpu.memref_slice %arg3[%dma_start3A_71, %dma_start3A_72] : memref<10240x16xf32, #tpu.memory_space<hbm>> -> memref<10240x16xf32, #tpu.memory_space<hbm>>
    %dma_start3A_74 = tpu.memref_slice %arg11[%dma_start3A_64] : memref<8x!tpu.dma_semaphore, #tpu.memory_space<semaphore_mem>> -> memref<1x!tpu.dma_semaphore, #tpu.memory_space<semaphore_mem>>
    %dma_start3A_75 = tpu.memref_squeeze %dma_start3A_74 : memref<1x!tpu.dma_semaphore, #tpu.memory_space<semaphore_mem>> -> memref<!tpu.dma_semaphore, #tpu.memory_space<semaphore_mem>>
    tpu.enqueue_indirect_dma source(%dma_start3A_73 : memref<10240x16xf32, #tpu.memory_space<hbm>>) target(%dma_start3A_68 : memref<80x16xf32, #tpu.memory_space<vmem>>) offsets(%dma_start3A_70 : memref<80xi32, #tpu.memory_space<vmem>>) semaphore(%dma_start3A_75 : memref<!tpu.dma_semaphore, #tpu.memory_space<semaphore_mem>>)
    %dma_wait3A = arith.constant 0 : i32
    %dma_wait3A_76 = arith.constant 0 : i32
    %dma_wait3A_77 = arith.constant 0 : i32
    %dma_wait3A_78 = arith.constant 0 : i32
    %dma_wait3A_79 = tpu.memref_slice %arg8[%dma_wait3A, %dma_wait3A_77, %dma_wait3A_78] : memref<8x80x16xf32, #tpu.memory_space<vmem>> -> memref<1x80x16xf32, #tpu.memory_space<vmem>>
    %dma_wait3A_80 = tpu.memref_squeeze %dma_wait3A_79 : memref<1x80x16xf32, #tpu.memory_space<vmem>> -> memref<80x16xf32, #tpu.memory_space<vmem>>
    %dma_wait3A_81 = arith.constant 0 : i32
    %dma_wait3A_82 = tpu.memref_slice %arg6[%dma_wait3A_81] : memref<10000xi32, #tpu.memory_space<vmem>> -> memref<80xi32, #tpu.memory_space<vmem>>
    %dma_wait3A_83 = arith.constant 0 : i32
    %dma_wait3A_84 = arith.constant 0 : i32
    %dma_wait3A_85 = tpu.memref_slice %arg3[%dma_wait3A_83, %dma_wait3A_84] : memref<10240x16xf32, #tpu.memory_space<hbm>> -> memref<10240x16xf32, #tpu.memory_space<hbm>>
    %dma_wait3A_86 = tpu.memref_slice %arg11[%dma_wait3A_76] : memref<8x!tpu.dma_semaphore, #tpu.memory_space<semaphore_mem>> -> memref<1x!tpu.dma_semaphore, #tpu.memory_space<semaphore_mem>>
    %dma_wait3A_87 = tpu.memref_squeeze %dma_wait3A_86 : memref<1x!tpu.dma_semaphore, #tpu.memory_space<semaphore_mem>> -> memref<!tpu.dma_semaphore, #tpu.memory_space<semaphore_mem>>
    tpu.wait_indirect_dma semaphore(%dma_wait3A_87 : memref<!tpu.dma_semaphore, #tpu.memory_space<semaphore_mem>>) src(%dma_wait3A_85 : memref<10240x16xf32, #tpu.memory_space<hbm>>) dst(%dma_wait3A_80 : memref<80x16xf32, #tpu.memory_space<vmem>>)
    %dma_start3A_88 = arith.constant 0 : i32
    %dma_start3A_89 = arith.constant 0 : i32
    %dma_start3A_90 = arith.constant 0 : i32
    %dma_start3A_91 = arith.constant 0 : i32
    %dma_start3A_92 = tpu.memref_slice %arg8[%dma_start3A_88, %dma_start3A_90, %dma_start3A_91] : memref<8x80x16xf32, #tpu.memory_space<vmem>> -> memref<1x80x16xf32, #tpu.memory_space<vmem>>
    %dma_start3A_93 = tpu.memref_squeeze %dma_start3A_92 : memref<1x80x16xf32, #tpu.memory_space<vmem>> -> memref<80x16xf32, #tpu.memory_space<vmem>>
    %dma_start3A_94 = arith.constant 0 : i32
    %dma_start3A_95 = tpu.memref_slice %arg7[%dma_start3A_94] : memref<10000xi32, #tpu.memory_space<vmem>> -> memref<80xi32, #tpu.memory_space<vmem>>
    %dma_start3A_96 = arith.constant 0 : i32
    %dma_start3A_97 = arith.constant 0 : i32
    %dma_start3A_98 = tpu.memref_slice %arg10[%dma_start3A_96, %dma_start3A_97] : memref<10240x16xf32, #tpu.memory_space<vmem_shared>> -> memref<10240x16xf32, #tpu.memory_space<vmem_shared>>
    %dma_start3A_99 = tpu.memref_slice %arg12[%dma_start3A_89] : memref<8x!tpu.dma_semaphore, #tpu.memory_space<semaphore_mem>> -> memref<1x!tpu.dma_semaphore, #tpu.memory_space<semaphore_mem>>
    %dma_start3A_100 = tpu.memref_squeeze %dma_start3A_99 : memref<1x!tpu.dma_semaphore, #tpu.memory_space<semaphore_mem>> -> memref<!tpu.dma_semaphore, #tpu.memory_space<semaphore_mem>>
    tpu.enqueue_indirect_dma source(%dma_start3A_93 : memref<80x16xf32, #tpu.memory_space<vmem>>) target(%dma_start3A_98 : memref<10240x16xf32, #tpu.memory_space<vmem_shared>>) offsets(%dma_start3A_95 : memref<80xi32, #tpu.memory_space<vmem>>) semaphore(%dma_start3A_100 : memref<!tpu.dma_semaphore, #tpu.memory_space<semaphore_mem>>) {add = true}
    %dma_start3A_101 = arith.constant 5 : i32
    %dma_start3A_102 = arith.constant 5 : i32
    %dma_start3A_103 = arith.constant 0 : i32
    %dma_start3A_104 = arith.constant 0 : i32
    %dma_start3A_105 = tpu.memref_slice %arg8[%dma_start3A_101, %dma_start3A_103, %dma_start3A_104] : memref<8x80x16xf32, #tpu.memory_space<vmem>> -> memref<1x80x16xf32, #tpu.memory_space<vmem>>
    %dma_start3A_106 = tpu.memref_squeeze %dma_start3A_105 : memref<1x80x16xf32, #tpu.memory_space<vmem>> -> memref<80x16xf32, #tpu.memory_space<vmem>>
    %dma_start3A_107 = arith.constant 400 : i32
    %dma_start3A_108 = tpu.memref_slice %arg6[%dma_start3A_107] : memref<10000xi32, #tpu.memory_space<vmem>> -> memref<80xi32, #tpu.memory_space<vmem>>
    %dma_start3A_109 = arith.constant 0 : i32
    %dma_start3A_110 = arith.constant 0 : i32
    %dma_start3A_111 = tpu.memref_slice %arg3[%dma_start3A_109, %dma_start3A_110] : memref<10240x16xf32, #tpu.memory_space<hbm>> -> memref<10240x16xf32, #tpu.memory_space<hbm>>
    %dma_start3A_112 = tpu.memref_slice %arg11[%dma_start3A_102] : memref<8x!tpu.dma_semaphore, #tpu.memory_space<semaphore_mem>> -> memref<1x!tpu.dma_semaphore, #tpu.memory_space<semaphore_mem>>
    %dma_start3A_113 = tpu.memref_squeeze %dma_start3A_112 : memref<1x!tpu.dma_semaphore, #tpu.memory_space<semaphore_mem>> -> memref<!tpu.dma_semaphore, #tpu.memory_space<semaphore_mem>>
    tpu.enqueue_indirect_dma source(%dma_start3A_111 : memref<10240x16xf32, #tpu.memory_space<hbm>>) target(%dma_start3A_106 : memref<80x16xf32, #tpu.memory_space<vmem>>) offsets(%dma_start3A_108 : memref<80xi32, #tpu.memory_space<vmem>>) semaphore(%dma_start3A_113 : memref<!tpu.dma_semaphore, #tpu.memory_space<semaphore_mem>>)
    %dma_wait3A_114 = arith.constant 1 : i32
    %dma_wait3A_115 = arith.constant 1 : i32
    %dma_wait3A_116 = arith.constant 0 : i32
    %dma_wait3A_117 = arith.constant 0 : i32
    %dma_wait3A_118 = tpu.memref_slice %arg8[%dma_wait3A_114, %dma_wait3A_116, %dma_wait3A_117] : memref<8x80x16xf32, #tpu.memory_space<vmem>> -> memref<1x80x16xf32, #tpu.memory_space<vmem>>
    %dma_wait3A_119 = tpu.memref_squeeze %dma_wait3A_118 : memref<1x80x16xf32, #tpu.memory_space<vmem>> -> memref<80x16xf32, #tpu.memory_space<vmem>>
    %dma_wait3A_120 = arith.constant 0 : i32
    %dma_wait3A_121 = tpu.memref_slice %arg6[%dma_wait3A_120] : memref<10000xi32, #tpu.memory_space<vmem>> -> memref<80xi32, #tpu.memory_space<vmem>>
    %dma_wait3A_122 = arith.constant 0 : i32
    %dma_wait3A_123 = arith.constant 0 : i32
    %dma_wait3A_124 = tpu.memref_slice %arg3[%dma_wait3A_122, %dma_wait3A_123] : memref<10240x16xf32, #tpu.memory_space<hbm>> -> memref<10240x16xf32, #tpu.memory_space<hbm>>
    %dma_wait3A_125 = tpu.memref_slice %arg11[%dma_wait3A_115] : memref<8x!tpu.dma_semaphore, #tpu.memory_space<semaphore_mem>> -> memref<1x!tpu.dma_semaphore, #tpu.memory_space<semaphore_mem>>
    %dma_wait3A_126 = tpu.memref_squeeze %dma_wait3A_125 : memref<1x!tpu.dma_semaphore, #tpu.memory_space<semaphore_mem>> -> memref<!tpu.dma_semaphore, #tpu.memory_space<semaphore_mem>>
    tpu.wait_indirect_dma semaphore(%dma_wait3A_126 : memref<!tpu.dma_semaphore, #tpu.memory_space<semaphore_mem>>) src(%dma_wait3A_124 : memref<10240x16xf32, #tpu.memory_space<hbm>>) dst(%dma_wait3A_119 : memref<80x16xf32, #tpu.memory_space<vmem>>)
    %dma_start3A_127 = arith.constant 1 : i32
    %dma_start3A_128 = arith.constant 1 : i32
    %dma_start3A_129 = arith.constant 0 : i32
    %dma_start3A_130 = arith.constant 0 : i32
    %dma_start3A_131 = tpu.memref_slice %arg8[%dma_start3A_127, %dma_start3A_129, %dma_start3A_130] : memref<8x80x16xf32, #tpu.memory_space<vmem>> -> memref<1x80x16xf32, #tpu.memory_space<vmem>>
    %dma_start3A_132 = tpu.memref_squeeze %dma_start3A_131 : memref<1x80x16xf32, #tpu.memory_space<vmem>> -> memref<80x16xf32, #tpu.memory_space<vmem>>
    %dma_start3A_133 = arith.constant 80 : i32
    %dma_start3A_134 = tpu.memref_slice %arg7[%dma_start3A_133] : memref<10000xi32, #tpu.memory_space<vmem>> -> memref<80xi32, #tpu.memory_space<vmem>>
    %dma_start3A_135 = arith.constant 0 : i32
    %dma_start3A_136 = arith.constant 0 : i32
    %dma_start3A_137 = tpu.memref_slice %arg10[%dma_start3A_135, %dma_start3A_136] : memref<10240x16xf32, #tpu.memory_space<vmem_shared>> -> memref<10240x16xf32, #tpu.memory_space<vmem_shared>>
    %dma_start3A_138 = tpu.memref_slice %arg12[%dma_start3A_128] : memref<8x!tpu.dma_semaphore, #tpu.memory_space<semaphore_mem>> -> memref<1x!tpu.dma_semaphore, #tpu.memory_space<semaphore_mem>>
    %dma_start3A_139 = tpu.memref_squeeze %dma_start3A_138 : memref<1x!tpu.dma_semaphore, #tpu.memory_space<semaphore_mem>> -> memref<!tpu.dma_semaphore, #tpu.memory_space<semaphore_mem>>
    tpu.enqueue_indirect_dma source(%dma_start3A_132 : memref<80x16xf32, #tpu.memory_space<vmem>>) target(%dma_start3A_137 : memref<10240x16xf32, #tpu.memory_space<vmem_shared>>) offsets(%dma_start3A_134 : memref<80xi32, #tpu.memory_space<vmem>>) semaphore(%dma_start3A_139 : memref<!tpu.dma_semaphore, #tpu.memory_space<semaphore_mem>>) {add = true}
    %dma_start3A_140 = arith.constant 6 : i32
    %dma_start3A_141 = arith.constant 6 : i32
    %dma_start3A_142 = arith.constant 0 : i32
    %dma_start3A_143 = arith.constant 0 : i32
    %dma_start3A_144 = tpu.memref_slice %arg8[%dma_start3A_140, %dma_start3A_142, %dma_start3A_143] : memref<8x80x16xf32, #tpu.memory_space<vmem>> -> memref<1x80x16xf32, #tpu.memory_space<vmem>>
    %dma_start3A_145 = tpu.memref_squeeze %dma_start3A_144 : memref<1x80x16xf32, #tpu.memory_space<vmem>> -> memref<80x16xf32, #tpu.memory_space<vmem>>
    %dma_start3A_146 = arith.constant 480 : i32
    %dma_start3A_147 = tpu.memref_slice %arg6[%dma_start3A_146] : memref<10000xi32, #tpu.memory_space<vmem>> -> memref<80xi32, #tpu.memory_space<vmem>>
    %dma_start3A_148 = arith.constant 0 : i32
    %dma_start3A_149 = arith.constant 0 : i32
    %dma_start3A_150 = tpu.memref_slice %arg3[%dma_start3A_148, %dma_start3A_149] : memref<10240x16xf32, #tpu.memory_space<hbm>> -> memref<10240x16xf32, #tpu.memory_space<hbm>>
    %dma_start3A_151 = tpu.memref_slice %arg11[%dma_start3A_141] : memref<8x!tpu.dma_semaphore, #tpu.memory_space<semaphore_mem>> -> memref<1x!tpu.dma_semaphore, #tpu.memory_space<semaphore_mem>>
    %dma_start3A_152 = tpu.memref_squeeze %dma_start3A_151 : memref<1x!tpu.dma_semaphore, #tpu.memory_space<semaphore_mem>> -> memref<!tpu.dma_semaphore, #tpu.memory_space<semaphore_mem>>
    tpu.enqueue_indirect_dma source(%dma_start3A_150 : memref<10240x16xf32, #tpu.memory_space<hbm>>) target(%dma_start3A_145 : memref<80x16xf32, #tpu.memory_space<vmem>>) offsets(%dma_start3A_147 : memref<80xi32, #tpu.memory_space<vmem>>) semaphore(%dma_start3A_152 : memref<!tpu.dma_semaphore, #tpu.memory_space<semaphore_mem>>)
    %dma_wait3A_153 = arith.constant 2 : i32
    %dma_wait3A_154 = arith.constant 2 : i32
    %dma_wait3A_155 = arith.constant 0 : i32
    %dma_wait3A_156 = arith.constant 0 : i32
    %dma_wait3A_157 = tpu.memref_slice %arg8[%dma_wait3A_153, %dma_wait3A_155, %dma_wait3A_156] : memref<8x80x16xf32, #tpu.memory_space<vmem>> -> memref<1x80x16xf32, #tpu.memory_space<vmem>>
    %dma_wait3A_158 = tpu.memref_squeeze %dma_wait3A_157 : memref<1x80x16xf32, #tpu.memory_space<vmem>> -> memref<80x16xf32, #tpu.memory_space<vmem>>
    %dma_wait3A_159 = arith.constant 0 : i32
    %dma_wait3A_160 = tpu.memref_slice %arg6[%dma_wait3A_159] : memref<10000xi32, #tpu.memory_space<vmem>> -> memref<80xi32, #tpu.memory_space<vmem>>
    %dma_wait3A_161 = arith.constant 0 : i32
    %dma_wait3A_162 = arith.constant 0 : i32
    %dma_wait3A_163 = tpu.memref_slice %arg3[%dma_wait3A_161, %dma_wait3A_162] : memref<10240x16xf32, #tpu.memory_space<hbm>> -> memref<10240x16xf32, #tpu.memory_space<hbm>>
    %dma_wait3A_164 = tpu.memref_slice %arg11[%dma_wait3A_154] : memref<8x!tpu.dma_semaphore, #tpu.memory_space<semaphore_mem>> -> memref<1x!tpu.dma_semaphore, #tpu.memory_space<semaphore_mem>>
    %dma_wait3A_165 = tpu.memref_squeeze %dma_wait3A_164 : memref<1x!tpu.dma_semaphore, #tpu.memory_space<semaphore_mem>> -> memref<!tpu.dma_semaphore, #tpu.memory_space<semaphore_mem>>
    tpu.wait_indirect_dma semaphore(%dma_wait3A_165 : memref<!tpu.dma_semaphore, #tpu.memory_space<semaphore_mem>>) src(%dma_wait3A_163 : memref<10240x16xf32, #tpu.memory_space<hbm>>) dst(%dma_wait3A_158 : memref<80x16xf32, #tpu.memory_space<vmem>>)
    %dma_start3A_166 = arith.constant 2 : i32
    %dma_start3A_167 = arith.constant 2 : i32
    %dma_start3A_168 = arith.constant 0 : i32
    %dma_start3A_169 = arith.constant 0 : i32
    %dma_start3A_170 = tpu.memref_slice %arg8[%dma_start3A_166, %dma_start3A_168, %dma_start3A_169] : memref<8x80x16xf32, #tpu.memory_space<vmem>> -> memref<1x80x16xf32, #tpu.memory_space<vmem>>
    %dma_start3A_171 = tpu.memref_squeeze %dma_start3A_170 : memref<1x80x16xf32, #tpu.memory_space<vmem>> -> memref<80x16xf32, #tpu.memory_space<vmem>>
    %dma_start3A_172 = arith.constant 160 : i32
    %dma_start3A_173 = tpu.memref_slice %arg7[%dma_start3A_172] : memref<10000xi32, #tpu.memory_space<vmem>> -> memref<80xi32, #tpu.memory_space<vmem>>
    %dma_start3A_174 = arith.constant 0 : i32
    %dma_start3A_175 = arith.constant 0 : i32
    %dma_start3A_176 = tpu.memref_slice %arg10[%dma_start3A_174, %dma_start3A_175] : memref<10240x16xf32, #tpu.memory_space<vmem_shared>> -> memref<10240x16xf32, #tpu.memory_space<vmem_shared>>
    %dma_start3A_177 = tpu.memref_slice %arg12[%dma_start3A_167] : memref<8x!tpu.dma_semaphore, #tpu.memory_space<semaphore_mem>> -> memref<1x!tpu.dma_semaphore, #tpu.memory_space<semaphore_mem>>
    %dma_start3A_178 = tpu.memref_squeeze %dma_start3A_177 : memref<1x!tpu.dma_semaphore, #tpu.memory_space<semaphore_mem>> -> memref<!tpu.dma_semaphore, #tpu.memory_space<semaphore_mem>>
    tpu.enqueue_indirect_dma source(%dma_start3A_171 : memref<80x16xf32, #tpu.memory_space<vmem>>) target(%dma_start3A_176 : memref<10240x16xf32, #tpu.memory_space<vmem_shared>>) offsets(%dma_start3A_173 : memref<80xi32, #tpu.memory_space<vmem>>) semaphore(%dma_start3A_178 : memref<!tpu.dma_semaphore, #tpu.memory_space<semaphore_mem>>) {add = true}
    %dma_start3A_179 = arith.constant 7 : i32
    %dma_start3A_180 = arith.constant 7 : i32
    %dma_start3A_181 = arith.constant 0 : i32
    %dma_start3A_182 = arith.constant 0 : i32
    %dma_start3A_183 = tpu.memref_slice %arg8[%dma_start3A_179, %dma_start3A_181, %dma_start3A_182] : memref<8x80x16xf32, #tpu.memory_space<vmem>> -> memref<1x80x16xf32, #tpu.memory_space<vmem>>
    %dma_start3A_184 = tpu.memref_squeeze %dma_start3A_183 : memref<1x80x16xf32, #tpu.memory_space<vmem>> -> memref<80x16xf32, #tpu.memory_space<vmem>>
    %dma_start3A_185 = arith.constant 560 : i32
    %dma_start3A_186 = tpu.memref_slice %arg6[%dma_start3A_185] : memref<10000xi32, #tpu.memory_space<vmem>> -> memref<80xi32, #tpu.memory_space<vmem>>
    %dma_start3A_187 = arith.constant 0 : i32
    %dma_start3A_188 = arith.constant 0 : i32
    %dma_start3A_189 = tpu.memref_slice %arg3[%dma_start3A_187, %dma_start3A_188] : memref<10240x16xf32, #tpu.memory_space<hbm>> -> memref<10240x16xf32, #tpu.memory_space<hbm>>
    %dma_start3A_190 = tpu.memref_slice %arg11[%dma_start3A_180] : memref<8x!tpu.dma_semaphore, #tpu.memory_space<semaphore_mem>> -> memref<1x!tpu.dma_semaphore, #tpu.memory_space<semaphore_mem>>
    %dma_start3A_191 = tpu.memref_squeeze %dma_start3A_190 : memref<1x!tpu.dma_semaphore, #tpu.memory_space<semaphore_mem>> -> memref<!tpu.dma_semaphore, #tpu.memory_space<semaphore_mem>>
    tpu.enqueue_indirect_dma source(%dma_start3A_189 : memref<10240x16xf32, #tpu.memory_space<hbm>>) target(%dma_start3A_184 : memref<80x16xf32, #tpu.memory_space<vmem>>) offsets(%dma_start3A_186 : memref<80xi32, #tpu.memory_space<vmem>>) semaphore(%dma_start3A_191 : memref<!tpu.dma_semaphore, #tpu.memory_space<semaphore_mem>>)
    %dma_wait3A_192 = arith.constant 3 : i32
    %dma_wait3A_193 = arith.constant 3 : i32
    %dma_wait3A_194 = arith.constant 0 : i32
    %dma_wait3A_195 = arith.constant 0 : i32
    %dma_wait3A_196 = tpu.memref_slice %arg8[%dma_wait3A_192, %dma_wait3A_194, %dma_wait3A_195] : memref<8x80x16xf32, #tpu.memory_space<vmem>> -> memref<1x80x16xf32, #tpu.memory_space<vmem>>
    %dma_wait3A_197 = tpu.memref_squeeze %dma_wait3A_196 : memref<1x80x16xf32, #tpu.memory_space<vmem>> -> memref<80x16xf32, #tpu.memory_space<vmem>>
    %dma_wait3A_198 = arith.constant 0 : i32
    %dma_wait3A_199 = tpu.memref_slice %arg6[%dma_wait3A_198] : memref<10000xi32, #tpu.memory_space<vmem>> -> memref<80xi32, #tpu.memory_space<vmem>>
    %dma_wait3A_200 = arith.constant 0 : i32
    %dma_wait3A_201 = arith.constant 0 : i32
    %dma_wait3A_202 = tpu.memref_slice %arg3[%dma_wait3A_200, %dma_wait3A_201] : memref<10240x16xf32, #tpu.memory_space<hbm>> -> memref<10240x16xf32, #tpu.memory_space<hbm>>
    %dma_wait3A_203 = tpu.memref_slice %arg11[%dma_wait3A_193] : memref<8x!tpu.dma_semaphore, #tpu.memory_space<semaphore_mem>> -> memref<1x!tpu.dma_semaphore, #tpu.memory_space<semaphore_mem>>
    %dma_wait3A_204 = tpu.memref_squeeze %dma_wait3A_203 : memref<1x!tpu.dma_semaphore, #tpu.memory_space<semaphore_mem>> -> memref<!tpu.dma_semaphore, #tpu.memory_space<semaphore_mem>>
    tpu.wait_indirect_dma semaphore(%dma_wait3A_204 : memref<!tpu.dma_semaphore, #tpu.memory_space<semaphore_mem>>) src(%dma_wait3A_202 : memref<10240x16xf32, #tpu.memory_space<hbm>>) dst(%dma_wait3A_197 : memref<80x16xf32, #tpu.memory_space<vmem>>)
    %dma_start3A_205 = arith.constant 3 : i32
    %dma_start3A_206 = arith.constant 3 : i32
    %dma_start3A_207 = arith.constant 0 : i32
    %dma_start3A_208 = arith.constant 0 : i32
    %dma_start3A_209 = tpu.memref_slice %arg8[%dma_start3A_205, %dma_start3A_207, %dma_start3A_208] : memref<8x80x16xf32, #tpu.memory_space<vmem>> -> memref<1x80x16xf32, #tpu.memory_space<vmem>>
    %dma_start3A_210 = tpu.memref_squeeze %dma_start3A_209 : memref<1x80x16xf32, #tpu.memory_space<vmem>> -> memref<80x16xf32, #tpu.memory_space<vmem>>
    %dma_start3A_211 = arith.constant 240 : i32
    %dma_start3A_212 = tpu.memref_slice %arg7[%dma_start3A_211] : memref<10000xi32, #tpu.memory_space<vmem>> -> memref<80xi32, #tpu.memory_space<vmem>>
    %dma_start3A_213 = arith.constant 0 : i32
    %dma_start3A_214 = arith.constant 0 : i32
    %dma_start3A_215 = tpu.memref_slice %arg10[%dma_start3A_213, %dma_start3A_214] : memref<10240x16xf32, #tpu.memory_space<vmem_shared>> -> memref<10240x16xf32, #tpu.memory_space<vmem_shared>>
    %dma_start3A_216 = tpu.memref_slice %arg12[%dma_start3A_206] : memref<8x!tpu.dma_semaphore, #tpu.memory_space<semaphore_mem>> -> memref<1x!tpu.dma_semaphore, #tpu.memory_space<semaphore_mem>>
    %dma_start3A_217 = tpu.memref_squeeze %dma_start3A_216 : memref<1x!tpu.dma_semaphore, #tpu.memory_space<semaphore_mem>> -> memref<!tpu.dma_semaphore, #tpu.memory_space<semaphore_mem>>
    tpu.enqueue_indirect_dma source(%dma_start3A_210 : memref<80x16xf32, #tpu.memory_space<vmem>>) target(%dma_start3A_215 : memref<10240x16xf32, #tpu.memory_space<vmem_shared>>) offsets(%dma_start3A_212 : memref<80xi32, #tpu.memory_space<vmem>>) semaphore(%dma_start3A_217 : memref<!tpu.dma_semaphore, #tpu.memory_space<semaphore_mem>>) {add = true}
    %dma_wait3A_218 = arith.constant 0 : i32
    %dma_wait3A_219 = arith.constant 0 : i32
    %dma_wait3A_220 = arith.constant 0 : i32
    %dma_wait3A_221 = arith.constant 0 : i32
    %dma_wait3A_222 = tpu.memref_slice %arg8[%dma_wait3A_218, %dma_wait3A_220, %dma_wait3A_221] : memref<8x80x16xf32, #tpu.memory_space<vmem>> -> memref<1x80x16xf32, #tpu.memory_space<vmem>>
    %dma_wait3A_223 = tpu.memref_squeeze %dma_wait3A_222 : memref<1x80x16xf32, #tpu.memory_space<vmem>> -> memref<80x16xf32, #tpu.memory_space<vmem>>
    %dma_wait3A_224 = arith.constant 0 : i32
    %dma_wait3A_225 = tpu.memref_slice %arg7[%dma_wait3A_224] : memref<10000xi32, #tpu.memory_space<vmem>> -> memref<80xi32, #tpu.memory_space<vmem>>
    %dma_wait3A_226 = arith.constant 0 : i32
    %dma_wait3A_227 = arith.constant 0 : i32
    %dma_wait3A_228 = tpu.memref_slice %arg10[%dma_wait3A_226, %dma_wait3A_227] : memref<10240x16xf32, #tpu.memory_space<vmem_shared>> -> memref<10240x16xf32, #tpu.memory_space<vmem_shared>>
    %dma_wait3A_229 = tpu.memref_slice %arg12[%dma_wait3A_219] : memref<8x!tpu.dma_semaphore, #tpu.memory_space<semaphore_mem>> -> memref<1x!tpu.dma_semaphore, #tpu.memory_space<semaphore_mem>>
    %dma_wait3A_230 = tpu.memref_squeeze %dma_wait3A_229 : memref<1x!tpu.dma_semaphore, #tpu.memory_space<semaphore_mem>> -> memref<!tpu.dma_semaphore, #tpu.memory_space<semaphore_mem>>
    tpu.wait_indirect_dma semaphore(%dma_wait3A_230 : memref<!tpu.dma_semaphore, #tpu.memory_space<semaphore_mem>>) src(%dma_wait3A_223 : memref<80x16xf32, #tpu.memory_space<vmem>>) dst(%dma_wait3A_228 : memref<10240x16xf32, #tpu.memory_space<vmem_shared>>)
    %dma_start3A_231 = arith.constant 0 : i32
    %dma_start3A_232 = arith.constant 0 : i32
    %dma_start3A_233 = arith.constant 0 : i32
    %dma_start3A_234 = arith.constant 0 : i32
    %dma_start3A_235 = tpu.memref_slice %arg8[%dma_start3A_231, %dma_start3A_233, %dma_start3A_234] : memref<8x80x16xf32, #tpu.memory_space<vmem>> -> memref<1x80x16xf32, #tpu.memory_space<vmem>>
    %dma_start3A_236 = tpu.memref_squeeze %dma_start3A_235 : memref<1x80x16xf32, #tpu.memory_space<vmem>> -> memref<80x16xf32, #tpu.memory_space<vmem>>
    %dma_start3A_237 = arith.constant 640 : i32
    %dma_start3A_238 = tpu.memref_slice %arg6[%dma_start3A_237] : memref<10000xi32, #tpu.memory_space<vmem>> -> memref<80xi32, #tpu.memory_space<vmem>>
    %dma_start3A_239 = arith.constant 0 : i32
    %dma_start3A_240 = arith.constant 0 : i32
    %dma_start3A_241 = tpu.memref_slice %arg3[%dma_start3A_239, %dma_start3A_240] : memref<10240x16xf32, #tpu.memory_space<hbm>> -> memref<10240x16xf32, #tpu.memory_space<hbm>>
    %dma_start3A_242 = tpu.memref_slice %arg11[%dma_start3A_232] : memref<8x!tpu.dma_semaphore, #tpu.memory_space<semaphore_mem>> -> memref<1x!tpu.dma_semaphore, #tpu.memory_space<semaphore_mem>>
    %dma_start3A_243 = tpu.memref_squeeze %dma_start3A_242 : memref<1x!tpu.dma_semaphore, #tpu.memory_space<semaphore_mem>> -> memref<!tpu.dma_semaphore, #tpu.memory_space<semaphore_mem>>
    tpu.enqueue_indirect_dma source(%dma_start3A_241 : memref<10240x16xf32, #tpu.memory_space<hbm>>) target(%dma_start3A_236 : memref<80x16xf32, #tpu.memory_space<vmem>>) offsets(%dma_start3A_238 : memref<80xi32, #tpu.memory_space<vmem>>) semaphore(%dma_start3A_243 : memref<!tpu.dma_semaphore, #tpu.memory_space<semaphore_mem>>)
    %dma_wait3A_244 = arith.constant 4 : i32
    %dma_wait3A_245 = arith.constant 4 : i32
    %dma_wait3A_246 = arith.constant 0 : i32
    %dma_wait3A_247 = arith.constant 0 : i32
    %dma_wait3A_248 = tpu.memref_slice %arg8[%dma_wait3A_244, %dma_wait3A_246, %dma_wait3A_247] : memref<8x80x16xf32, #tpu.memory_space<vmem>> -> memref<1x80x16xf32, #tpu.memory_space<vmem>>
    %dma_wait3A_249 = tpu.memref_squeeze %dma_wait3A_248 : memref<1x80x16xf32, #tpu.memory_space<vmem>> -> memref<80x16xf32, #tpu.memory_space<vmem>>
    %dma_wait3A_250 = arith.constant 0 : i32
    %dma_wait3A_251 = tpu.memref_slice %arg6[%dma_wait3A_250] : memref<10000xi32, #tpu.memory_space<vmem>> -> memref<80xi32, #tpu.memory_space<vmem>>
    %dma_wait3A_252 = arith.constant 0 : i32
    %dma_wait3A_253 = arith.constant 0 : i32
    %dma_wait3A_254 = tpu.memref_slice %arg3[%dma_wait3A_252, %dma_wait3A_253] : memref<10240x16xf32, #tpu.memory_space<hbm>> -> memref<10240x16xf32, #tpu.memory_space<hbm>>
    %dma_wait3A_255 = tpu.memref_slice %arg11[%dma_wait3A_245] : memref<8x!tpu.dma_semaphore, #tpu.memory_space<semaphore_mem>> -> memref<1x!tpu.dma_semaphore, #tpu.memory_space<semaphore_mem>>
    %dma_wait3A_256 = tpu.memref_squeeze %dma_wait3A_255 : memref<1x!tpu.dma_semaphore, #tpu.memory_space<semaphore_mem>> -> memref<!tpu.dma_semaphore, #tpu.memory_space<semaphore_mem>>
    tpu.wait_indirect_dma semaphore(%dma_wait3A_256 : memref<!tpu.dma_semaphore, #tpu.memory_space<semaphore_mem>>) src(%dma_wait3A_254 : memref<10240x16xf32, #tpu.memory_space<hbm>>) dst(%dma_wait3A_249 : memref<80x16xf32, #tpu.memory_space<vmem>>)
    %dma_start3A_257 = arith.constant 4 : i32
    %dma_start3A_258 = arith.constant 4 : i32
    %dma_start3A_259 = arith.constant 0 : i32
    %dma_start3A_260 = arith.constant 0 : i32
    %dma_start3A_261 = tpu.memref_slice %arg8[%dma_start3A_257, %dma_start3A_259, %dma_start3A_260] : memref<8x80x16xf32, #tpu.memory_space<vmem>> -> memref<1x80x16xf32, #tpu.memory_space<vmem>>
    %dma_start3A_262 = tpu.memref_squeeze %dma_start3A_261 : memref<1x80x16xf32, #tpu.memory_space<vmem>> -> memref<80x16xf32, #tpu.memory_space<vmem>>
    %dma_start3A_263 = arith.constant 320 : i32
    %dma_start3A_264 = tpu.memref_slice %arg7[%dma_start3A_263] : memref<10000xi32, #tpu.memory_space<vmem>> -> memref<80xi32, #tpu.memory_space<vmem>>
    %dma_start3A_265 = arith.constant 0 : i32
    %dma_start3A_266 = arith.constant 0 : i32
    %dma_start3A_267 = tpu.memref_slice %arg10[%dma_start3A_265, %dma_start3A_266] : memref<10240x16xf32, #tpu.memory_space<vmem_shared>> -> memref<10240x16xf32, #tpu.memory_space<vmem_shared>>
    %dma_start3A_268 = tpu.memref_slice %arg12[%dma_start3A_258] : memref<8x!tpu.dma_semaphore, #tpu.memory_space<semaphore_mem>> -> memref<1x!tpu.dma_semaphore, #tpu.memory_space<semaphore_mem>>
    %dma_start3A_269 = tpu.memref_squeeze %dma_start3A_268 : memref<1x!tpu.dma_semaphore, #tpu.memory_space<semaphore_mem>> -> memref<!tpu.dma_semaphore, #tpu.memory_space<semaphore_mem>>
    tpu.enqueue_indirect_dma source(%dma_start3A_262 : memref<80x16xf32, #tpu.memory_space<vmem>>) target(%dma_start3A_267 : memref<10240x16xf32, #tpu.memory_space<vmem_shared>>) offsets(%dma_start3A_264 : memref<80xi32, #tpu.memory_space<vmem>>) semaphore(%dma_start3A_269 : memref<!tpu.dma_semaphore, #tpu.memory_space<semaphore_mem>>) {add = true}
    %dma_wait3A_270 = arith.constant 1 : i32
    %dma_wait3A_271 = arith.constant 1 : i32
    %dma_wait3A_272 = arith.constant 0 : i32
    %dma_wait3A_273 = arith.constant 0 : i32
    %dma_wait3A_274 = tpu.memref_slice %arg8[%dma_wait3A_270, %dma_wait3A_272, %dma_wait3A_273] : memref<8x80x16xf32, #tpu.memory_space<vmem>> -> memref<1x80x16xf32, #tpu.memory_space<vmem>>
    %dma_wait3A_275 = tpu.memref_squeeze %dma_wait3A_274 : memref<1x80x16xf32, #tpu.memory_space<vmem>> -> memref<80x16xf32, #tpu.memory_space<vmem>>
    %dma_wait3A_276 = arith.constant 0 : i32
    %dma_wait3A_277 = tpu.memref_slice %arg7[%dma_wait3A_276] : memref<10000xi32, #tpu.memory_space<vmem>> -> memref<80xi32, #tpu.memory_space<vmem>>
    %dma_wait3A_278 = arith.constant 0 : i32
    %dma_wait3A_279 = arith.constant 0 : i32
    %dma_wait3A_280 = tpu.memref_slice %arg10[%dma_wait3A_278, %dma_wait3A_279] : memref<10240x16xf32, #tpu.memory_space<vmem_shared>> -> memref<10240x16xf32, #tpu.memory_space<vmem_shared>>
    %dma_wait3A_281 = tpu.memref_slice %arg12[%dma_wait3A_271] : memref<8x!tpu.dma_semaphore, #tpu.memory_space<semaphore_mem>> -> memref<1x!tpu.dma_semaphore, #tpu.memory_space<semaphore_mem>>
    %dma_wait3A_282 = tpu.memref_squeeze %dma_wait3A_281 : memref<1x!tpu.dma_semaphore, #tpu.memory_space<semaphore_mem>> -> memref<!tpu.dma_semaphore, #tpu.memory_space<semaphore_mem>>
    tpu.wait_indirect_dma semaphore(%dma_wait3A_282 : memref<!tpu.dma_semaphore, #tpu.memory_space<semaphore_mem>>) src(%dma_wait3A_275 : memref<80x16xf32, #tpu.memory_space<vmem>>) dst(%dma_wait3A_280 : memref<10240x16xf32, #tpu.memory_space<vmem_shared>>)
    %dma_start3A_283 = arith.constant 1 : i32
    %dma_start3A_284 = arith.constant 1 : i32
    %dma_start3A_285 = arith.constant 0 : i32
    %dma_start3A_286 = arith.constant 0 : i32
    %dma_start3A_287 = tpu.memref_slice %arg8[%dma_start3A_283, %dma_start3A_285, %dma_start3A_286] : memref<8x80x16xf32, #tpu.memory_space<vmem>> -> memref<1x80x16xf32, #tpu.memory_space<vmem>>
    %dma_start3A_288 = tpu.memref_squeeze %dma_start3A_287 : memref<1x80x16xf32, #tpu.memory_space<vmem>> -> memref<80x16xf32, #tpu.memory_space<vmem>>
    %dma_start3A_289 = arith.constant 720 : i32
    %dma_start3A_290 = tpu.memref_slice %arg6[%dma_start3A_289] : memref<10000xi32, #tpu.memory_space<vmem>> -> memref<80xi32, #tpu.memory_space<vmem>>
    %dma_start3A_291 = arith.constant 0 : i32
    %dma_start3A_292 = arith.constant 0 : i32
    %dma_start3A_293 = tpu.memref_slice %arg3[%dma_start3A_291, %dma_start3A_292] : memref<10240x16xf32, #tpu.memory_space<hbm>> -> memref<10240x16xf32, #tpu.memory_space<hbm>>
    %dma_start3A_294 = tpu.memref_slice %arg11[%dma_start3A_284] : memref<8x!tpu.dma_semaphore, #tpu.memory_space<semaphore_mem>> -> memref<1x!tpu.dma_semaphore, #tpu.memory_space<semaphore_mem>>
    %dma_start3A_295 = tpu.memref_squeeze %dma_start3A_294 : memref<1x!tpu.dma_semaphore, #tpu.memory_space<semaphore_mem>> -> memref<!tpu.dma_semaphore, #tpu.memory_space<semaphore_mem>>
    tpu.enqueue_indirect_dma source(%dma_start3A_293 : memref<10240x16xf32, #tpu.memory_space<hbm>>) target(%dma_start3A_288 : memref<80x16xf32, #tpu.memory_space<vmem>>) offsets(%dma_start3A_290 : memref<80xi32, #tpu.memory_space<vmem>>) semaphore(%dma_start3A_295 : memref<!tpu.dma_semaphore, #tpu.memory_space<semaphore_mem>>)
    %dma_wait3A_296 = arith.constant 5 : i32
    %dma_wait3A_297 = arith.constant 5 : i32
    %dma_wait3A_298 = arith.constant 0 : i32
    %dma_wait3A_299 = arith.constant 0 : i32
    %dma_wait3A_300 = tpu.memref_slice %arg8[%dma_wait3A_296, %dma_wait3A_298, %dma_wait3A_299] : memref<8x80x16xf32, #tpu.memory_space<vmem>> -> memref<1x80x16xf32, #tpu.memory_space<vmem>>
    %dma_wait3A_301 = tpu.memref_squeeze %dma_wait3A_300 : memref<1x80x16xf32, #tpu.memory_space<vmem>> -> memref<80x16xf32, #tpu.memory_space<vmem>>
    %dma_wait3A_302 = arith.constant 0 : i32
    %dma_wait3A_303 = tpu.memref_slice %arg6[%dma_wait3A_302] : memref<10000xi32, #tpu.memory_space<vmem>> -> memref<80xi32, #tpu.memory_space<vmem>>
    %dma_wait3A_304 = arith.constant 0 : i32
    %dma_wait3A_305 = arith.constant 0 : i32
    %dma_wait3A_306 = tpu.memref_slice %arg3[%dma_wait3A_304, %dma_wait3A_305] : memref<10240x16xf32, #tpu.memory_space<hbm>> -> memref<10240x16xf32, #tpu.memory_space<hbm>>
    %dma_wait3A_307 = tpu.memref_slice %arg11[%dma_wait3A_297] : memref<8x!tpu.dma_semaphore, #tpu.memory_space<semaphore_mem>> -> memref<1x!tpu.dma_semaphore, #tpu.memory_space<semaphore_mem>>
    %dma_wait3A_308 = tpu.memref_squeeze %dma_wait3A_307 : memref<1x!tpu.dma_semaphore, #tpu.memory_space<semaphore_mem>> -> memref<!tpu.dma_semaphore, #tpu.memory_space<semaphore_mem>>
    tpu.wait_indirect_dma semaphore(%dma_wait3A_308 : memref<!tpu.dma_semaphore, #tpu.memory_space<semaphore_mem>>) src(%dma_wait3A_306 : memref<10240x16xf32, #tpu.memory_space<hbm>>) dst(%dma_wait3A_301 : memref<80x16xf32, #tpu.memory_space<vmem>>)
    %dma_start3A_309 = arith.constant 5 : i32
    %dma_start3A_310 = arith.constant 5 : i32
    %dma_start3A_311 = arith.constant 0 : i32
    %dma_start3A_312 = arith.constant 0 : i32
    %dma_start3A_313 = tpu.memref_slice %arg8[%dma_start3A_309, %dma_start3A_311, %dma_start3A_312] : memref<8x80x16xf32, #tpu.memory_space<vmem>> -> memref<1x80x16xf32, #tpu.memory_space<vmem>>
    %dma_start3A_314 = tpu.memref_squeeze %dma_start3A_313 : memref<1x80x16xf32, #tpu.memory_space<vmem>> -> memref<80x16xf32, #tpu.memory_space<vmem>>
    %dma_start3A_315 = arith.constant 400 : i32
    %dma_start3A_316 = tpu.memref_slice %arg7[%dma_start3A_315] : memref<10000xi32, #tpu.memory_space<vmem>> -> memref<80xi32, #tpu.memory_space<vmem>>
    %dma_start3A_317 = arith.constant 0 : i32
    %dma_start3A_318 = arith.constant 0 : i32
    %dma_start3A_319 = tpu.memref_slice %arg10[%dma_start3A_317, %dma_start3A_318] : memref<10240x16xf32, #tpu.memory_space<vmem_shared>> -> memref<10240x16xf32, #tpu.memory_space<vmem_shared>>
    %dma_start3A_320 = tpu.memref_slice %arg12[%dma_start3A_310] : memref<8x!tpu.dma_semaphore, #tpu.memory_space<semaphore_mem>> -> memref<1x!tpu.dma_semaphore, #tpu.memory_space<semaphore_mem>>
    %dma_start3A_321 = tpu.memref_squeeze %dma_start3A_320 : memref<1x!tpu.dma_semaphore, #tpu.memory_space<semaphore_mem>> -> memref<!tpu.dma_semaphore, #tpu.memory_space<semaphore_mem>>
    tpu.enqueue_indirect_dma source(%dma_start3A_314 : memref<80x16xf32, #tpu.memory_space<vmem>>) target(%dma_start3A_319 : memref<10240x16xf32, #tpu.memory_space<vmem_shared>>) offsets(%dma_start3A_316 : memref<80xi32, #tpu.memory_space<vmem>>) semaphore(%dma_start3A_321 : memref<!tpu.dma_semaphore, #tpu.memory_space<semaphore_mem>>) {add = true}
    %dma_wait3A_322 = arith.constant 2 : i32
    %dma_wait3A_323 = arith.constant 2 : i32
    %dma_wait3A_324 = arith.constant 0 : i32
    %dma_wait3A_325 = arith.constant 0 : i32
    %dma_wait3A_326 = tpu.memref_slice %arg8[%dma_wait3A_322, %dma_wait3A_324, %dma_wait3A_325] : memref<8x80x16xf32, #tpu.memory_space<vmem>> -> memref<1x80x16xf32, #tpu.memory_space<vmem>>
    %dma_wait3A_327 = tpu.memref_squeeze %dma_wait3A_326 : memref<1x80x16xf32, #tpu.memory_space<vmem>> -> memref<80x16xf32, #tpu.memory_space<vmem>>
    %dma_wait3A_328 = arith.constant 0 : i32
    %dma_wait3A_329 = tpu.memref_slice %arg7[%dma_wait3A_328] : memref<10000xi32, #tpu.memory_space<vmem>> -> memref<80xi32, #tpu.memory_space<vmem>>
    %dma_wait3A_330 = arith.constant 0 : i32
    %dma_wait3A_331 = arith.constant 0 : i32
    %dma_wait3A_332 = tpu.memref_slice %arg10[%dma_wait3A_330, %dma_wait3A_331] : memref<10240x16xf32, #tpu.memory_space<vmem_shared>> -> memref<10240x16xf32, #tpu.memory_space<vmem_shared>>
    %dma_wait3A_333 = tpu.memref_slice %arg12[%dma_wait3A_323] : memref<8x!tpu.dma_semaphore, #tpu.memory_space<semaphore_mem>> -> memref<1x!tpu.dma_semaphore, #tpu.memory_space<semaphore_mem>>
    %dma_wait3A_334 = tpu.memref_squeeze %dma_wait3A_333 : memref<1x!tpu.dma_semaphore, #tpu.memory_space<semaphore_mem>> -> memref<!tpu.dma_semaphore, #tpu.memory_space<semaphore_mem>>
    tpu.wait_indirect_dma semaphore(%dma_wait3A_334 : memref<!tpu.dma_semaphore, #tpu.memory_space<semaphore_mem>>) src(%dma_wait3A_327 : memref<80x16xf32, #tpu.memory_space<vmem>>) dst(%dma_wait3A_332 : memref<10240x16xf32, #tpu.memory_space<vmem_shared>>)
    %dma_start3A_335 = arith.constant 2 : i32
    %dma_start3A_336 = arith.constant 2 : i32
    %dma_start3A_337 = arith.constant 0 : i32
    %dma_start3A_338 = arith.constant 0 : i32
    %dma_start3A_339 = tpu.memref_slice %arg8[%dma_start3A_335, %dma_start3A_337, %dma_start3A_338] : memref<8x80x16xf32, #tpu.memory_space<vmem>> -> memref<1x80x16xf32, #tpu.memory_space<vmem>>
    %dma_start3A_340 = tpu.memref_squeeze %dma_start3A_339 : memref<1x80x16xf32, #tpu.memory_space<vmem>> -> memref<80x16xf32, #tpu.memory_space<vmem>>
    %dma_start3A_341 = arith.constant 800 : i32
    %dma_start3A_342 = tpu.memref_slice %arg6[%dma_start3A_341] : memref<10000xi32, #tpu.memory_space<vmem>> -> memref<80xi32, #tpu.memory_space<vmem>>
    %dma_start3A_343 = arith.constant 0 : i32
    %dma_start3A_344 = arith.constant 0 : i32
    %dma_start3A_345 = tpu.memref_slice %arg3[%dma_start3A_343, %dma_start3A_344] : memref<10240x16xf32, #tpu.memory_space<hbm>> -> memref<10240x16xf32, #tpu.memory_space<hbm>>
    %dma_start3A_346 = tpu.memref_slice %arg11[%dma_start3A_336] : memref<8x!tpu.dma_semaphore, #tpu.memory_space<semaphore_mem>> -> memref<1x!tpu.dma_semaphore, #tpu.memory_space<semaphore_mem>>
    %dma_start3A_347 = tpu.memref_squeeze %dma_start3A_346 : memref<1x!tpu.dma_semaphore, #tpu.memory_space<semaphore_mem>> -> memref<!tpu.dma_semaphore, #tpu.memory_space<semaphore_mem>>
    tpu.enqueue_indirect_dma source(%dma_start3A_345 : memref<10240x16xf32, #tpu.memory_space<hbm>>) target(%dma_start3A_340 : memref<80x16xf32, #tpu.memory_space<vmem>>) offsets(%dma_start3A_342 : memref<80xi32, #tpu.memory_space<vmem>>) semaphore(%dma_start3A_347 : memref<!tpu.dma_semaphore, #tpu.memory_space<semaphore_mem>>)
    %dma_wait3A_348 = arith.constant 6 : i32
    %dma_wait3A_349 = arith.constant 6 : i32
    %dma_wait3A_350 = arith.constant 0 : i32
    %dma_wait3A_351 = arith.constant 0 : i32
    %dma_wait3A_352 = tpu.memref_slice %arg8[%dma_wait3A_348, %dma_wait3A_350, %dma_wait3A_351] : memref<8x80x16xf32, #tpu.memory_space<vmem>> -> memref<1x80x16xf32, #tpu.memory_space<vmem>>
    %dma_wait3A_353 = tpu.memref_squeeze %dma_wait3A_352 : memref<1x80x16xf32, #tpu.memory_space<vmem>> -> memref<80x16xf32, #tpu.memory_space<vmem>>
    %dma_wait3A_354 = arith.constant 0 : i32
    %dma_wait3A_355 = tpu.memref_slice %arg6[%dma_wait3A_354] : memref<10000xi32, #tpu.memory_space<vmem>> -> memref<80xi32, #tpu.memory_space<vmem>>
    %dma_wait3A_356 = arith.constant 0 : i32
    %dma_wait3A_357 = arith.constant 0 : i32
    %dma_wait3A_358 = tpu.memref_slice %arg3[%dma_wait3A_356, %dma_wait3A_357] : memref<10240x16xf32, #tpu.memory_space<hbm>> -> memref<10240x16xf32, #tpu.memory_space<hbm>>
    %dma_wait3A_359 = tpu.memref_slice %arg11[%dma_wait3A_349] : memref<8x!tpu.dma_semaphore, #tpu.memory_space<semaphore_mem>> -> memref<1x!tpu.dma_semaphore, #tpu.memory_space<semaphore_mem>>
    %dma_wait3A_360 = tpu.memref_squeeze %dma_wait3A_359 : memref<1x!tpu.dma_semaphore, #tpu.memory_space<semaphore_mem>> -> memref<!tpu.dma_semaphore, #tpu.memory_space<semaphore_mem>>
    tpu.wait_indirect_dma semaphore(%dma_wait3A_360 : memref<!tpu.dma_semaphore, #tpu.memory_space<semaphore_mem>>) src(%dma_wait3A_358 : memref<10240x16xf32, #tpu.memory_space<hbm>>) dst(%dma_wait3A_353 : memref<80x16xf32, #tpu.memory_space<vmem>>)
    %dma_start3A_361 = arith.constant 6 : i32
    %dma_start3A_362 = arith.constant 6 : i32
    %dma_start3A_363 = arith.constant 0 : i32
    %dma_start3A_364 = arith.constant 0 : i32
    %dma_start3A_365 = tpu.memref_slice %arg8[%dma_start3A_361, %dma_start3A_363, %dma_start3A_364] : memref<8x80x16xf32, #tpu.memory_space<vmem>> -> memref<1x80x16xf32, #tpu.memory_space<vmem>>
    %dma_start3A_366 = tpu.memref_squeeze %dma_start3A_365 : memref<1x80x16xf32, #tpu.memory_space<vmem>> -> memref<80x16xf32, #tpu.memory_space<vmem>>
    %dma_start3A_367 = arith.constant 480 : i32
    %dma_start3A_368 = tpu.memref_slice %arg7[%dma_start3A_367] : memref<10000xi32, #tpu.memory_space<vmem>> -> memref<80xi32, #tpu.memory_space<vmem>>
    %dma_start3A_369 = arith.constant 0 : i32
    %dma_start3A_370 = arith.constant 0 : i32
    %dma_start3A_371 = tpu.memref_slice %arg10[%dma_start3A_369, %dma_start3A_370] : memref<10240x16xf32, #tpu.memory_space<vmem_shared>> -> memref<10240x16xf32, #tpu.memory_space<vmem_shared>>
    %dma_start3A_372 = tpu.memref_slice %arg12[%dma_start3A_362] : memref<8x!tpu.dma_semaphore, #tpu.memory_space<semaphore_mem>> -> memref<1x!tpu.dma_semaphore, #tpu.memory_space<semaphore_mem>>
    %dma_start3A_373 = tpu.memref_squeeze %dma_start3A_372 : memref<1x!tpu.dma_semaphore, #tpu.memory_space<semaphore_mem>> -> memref<!tpu.dma_semaphore, #tpu.memory_space<semaphore_mem>>
    tpu.enqueue_indirect_dma source(%dma_start3A_366 : memref<80x16xf32, #tpu.memory_space<vmem>>) target(%dma_start3A_371 : memref<10240x16xf32, #tpu.memory_space<vmem_shared>>) offsets(%dma_start3A_368 : memref<80xi32, #tpu.memory_space<vmem>>) semaphore(%dma_start3A_373 : memref<!tpu.dma_semaphore, #tpu.memory_space<semaphore_mem>>) {add = true}
    %dma_wait3A_374 = arith.constant 3 : i32
    %dma_wait3A_375 = arith.constant 3 : i32
    %dma_wait3A_376 = arith.constant 0 : i32
    %dma_wait3A_377 = arith.constant 0 : i32
    %dma_wait3A_378 = tpu.memref_slice %arg8[%dma_wait3A_374, %dma_wait3A_376, %dma_wait3A_377] : memref<8x80x16xf32, #tpu.memory_space<vmem>> -> memref<1x80x16xf32, #tpu.memory_space<vmem>>
    %dma_wait3A_379 = tpu.memref_squeeze %dma_wait3A_378 : memref<1x80x16xf32, #tpu.memory_space<vmem>> -> memref<80x16xf32, #tpu.memory_space<vmem>>
    %dma_wait3A_380 = arith.constant 0 : i32
    %dma_wait3A_381 = tpu.memref_slice %arg7[%dma_wait3A_380] : memref<10000xi32, #tpu.memory_space<vmem>> -> memref<80xi32, #tpu.memory_space<vmem>>
    %dma_wait3A_382 = arith.constant 0 : i32
    %dma_wait3A_383 = arith.constant 0 : i32
    %dma_wait3A_384 = tpu.memref_slice %arg10[%dma_wait3A_382, %dma_wait3A_383] : memref<10240x16xf32, #tpu.memory_space<vmem_shared>> -> memref<10240x16xf32, #tpu.memory_space<vmem_shared>>
    %dma_wait3A_385 = tpu.memref_slice %arg12[%dma_wait3A_375] : memref<8x!tpu.dma_semaphore, #tpu.memory_space<semaphore_mem>> -> memref<1x!tpu.dma_semaphore, #tpu.memory_space<semaphore_mem>>
    %dma_wait3A_386 = tpu.memref_squeeze %dma_wait3A_385 : memref<1x!tpu.dma_semaphore, #tpu.memory_space<semaphore_mem>> -> memref<!tpu.dma_semaphore, #tpu.memory_space<semaphore_mem>>
    tpu.wait_indirect_dma semaphore(%dma_wait3A_386 : memref<!tpu.dma_semaphore, #tpu.memory_space<semaphore_mem>>) src(%dma_wait3A_379 : memref<80x16xf32, #tpu.memory_space<vmem>>) dst(%dma_wait3A_384 : memref<10240x16xf32, #tpu.memory_space<vmem_shared>>)
    %dma_start3A_387 = arith.constant 3 : i32
    %dma_start3A_388 = arith.constant 3 : i32
    %dma_start3A_389 = arith.constant 0 : i32
    %dma_start3A_390 = arith.constant 0 : i32
    %dma_start3A_391 = tpu.memref_slice %arg8[%dma_start3A_387, %dma_start3A_389, %dma_start3A_390] : memref<8x80x16xf32, #tpu.memory_space<vmem>> -> memref<1x80x16xf32, #tpu.memory_space<vmem>>
    %dma_start3A_392 = tpu.memref_squeeze %dma_start3A_391 : memref<1x80x16xf32, #tpu.memory_space<vmem>> -> memref<80x16xf32, #tpu.memory_space<vmem>>
    %dma_start3A_393 = arith.constant 880 : i32
    %dma_start3A_394 = tpu.memref_slice %arg6[%dma_start3A_393] : memref<10000xi32, #tpu.memory_space<vmem>> -> memref<80xi32, #tpu.memory_space<vmem>>
    %dma_start3A_395 = arith.constant 0 : i32
    %dma_start3A_396 = arith.constant 0 : i32
    %dma_start3A_397 = tpu.memref_slice %arg3[%dma_start3A_395, %dma_start3A_396] : memref<10240x16xf32, #tpu.memory_space<hbm>> -> memref<10240x16xf32, #tpu.memory_space<hbm>>
    %dma_start3A_398 = tpu.memref_slice %arg11[%dma_start3A_388] : memref<8x!tpu.dma_semaphore, #tpu.memory_space<semaphore_mem>> -> memref<1x!tpu.dma_semaphore, #tpu.memory_space<semaphore_mem>>
    %dma_start3A_399 = tpu.memref_squeeze %dma_start3A_398 : memref<1x!tpu.dma_semaphore, #tpu.memory_space<semaphore_mem>> -> memref<!tpu.dma_semaphore, #tpu.memory_space<semaphore_mem>>
    tpu.enqueue_indirect_dma source(%dma_start3A_397 : memref<10240x16xf32, #tpu.memory_space<hbm>>) target(%dma_start3A_392 : memref<80x16xf32, #tpu.memory_space<vmem>>) offsets(%dma_start3A_394 : memref<80xi32, #tpu.memory_space<vmem>>) semaphore(%dma_start3A_399 : memref<!tpu.dma_semaphore, #tpu.memory_space<semaphore_mem>>)
    %dma_wait3A_400 = arith.constant 7 : i32
    %dma_wait3A_401 = arith.constant 7 : i32
    %dma_wait3A_402 = arith.constant 0 : i32
    %dma_wait3A_403 = arith.constant 0 : i32
    %dma_wait3A_404 = tpu.memref_slice %arg8[%dma_wait3A_400, %dma_wait3A_402, %dma_wait3A_403] : memref<8x80x16xf32, #tpu.memory_space<vmem>> -> memref<1x80x16xf32, #tpu.memory_space<vmem>>
    %dma_wait3A_405 = tpu.memref_squeeze %dma_wait3A_404 : memref<1x80x16xf32, #tpu.memory_space<vmem>> -> memref<80x16xf32, #tpu.memory_space<vmem>>
    %dma_wait3A_406 = arith.constant 0 : i32
    %dma_wait3A_407 = tpu.memref_slice %arg6[%dma_wait3A_406] : memref<10000xi32, #tpu.memory_space<vmem>> -> memref<80xi32, #tpu.memory_space<vmem>>
    %dma_wait3A_408 = arith.constant 0 : i32
    %dma_wait3A_409 = arith.constant 0 : i32
    %dma_wait3A_410 = tpu.memref_slice %arg3[%dma_wait3A_408, %dma_wait3A_409] : memref<10240x16xf32, #tpu.memory_space<hbm>> -> memref<10240x16xf32, #tpu.memory_space<hbm>>
    %dma_wait3A_411 = tpu.memref_slice %arg11[%dma_wait3A_401] : memref<8x!tpu.dma_semaphore, #tpu.memory_space<semaphore_mem>> -> memref<1x!tpu.dma_semaphore, #tpu.memory_space<semaphore_mem>>
    %dma_wait3A_412 = tpu.memref_squeeze %dma_wait3A_411 : memref<1x!tpu.dma_semaphore, #tpu.memory_space<semaphore_mem>> -> memref<!tpu.dma_semaphore, #tpu.memory_space<semaphore_mem>>
    tpu.wait_indirect_dma semaphore(%dma_wait3A_412 : memref<!tpu.dma_semaphore, #tpu.memory_space<semaphore_mem>>) src(%dma_wait3A_410 : memref<10240x16xf32, #tpu.memory_space<hbm>>) dst(%dma_wait3A_405 : memref<80x16xf32, #tpu.memory_space<vmem>>)
    %dma_start3A_413 = arith.constant 7 : i32
    %dma_start3A_414 = arith.constant 7 : i32
    %dma_start3A_415 = arith.constant 0 : i32
    %dma_start3A_416 = arith.constant 0 : i32
    %dma_start3A_417 = tpu.memref_slice %arg8[%dma_start3A_413, %dma_start3A_415, %dma_start3A_416] : memref<8x80x16xf32, #tpu.memory_space<vmem>> -> memref<1x80x16xf32, #tpu.memory_space<vmem>>
    %dma_start3A_418 = tpu.memref_squeeze %dma_start3A_417 : memref<1x80x16xf32, #tpu.memory_space<vmem>> -> memref<80x16xf32, #tpu.memory_space<vmem>>
    %dma_start3A_419 = arith.constant 560 : i32
    %dma_start3A_420 = tpu.memref_slice %arg7[%dma_start3A_419] : memref<10000xi32, #tpu.memory_space<vmem>> -> memref<80xi32, #tpu.memory_space<vmem>>
    %dma_start3A_421 = arith.constant 0 : i32
    %dma_start3A_422 = arith.constant 0 : i32
    %dma_start3A_423 = tpu.memref_slice %arg10[%dma_start3A_421, %dma_start3A_422] : memref<10240x16xf32, #tpu.memory_space<vmem_shared>> -> memref<10240x16xf32, #tpu.memory_space<vmem_shared>>
    %dma_start3A_424 = tpu.memref_slice %arg12[%dma_start3A_414] : memref<8x!tpu.dma_semaphore, #tpu.memory_space<semaphore_mem>> -> memref<1x!tpu.dma_semaphore, #tpu.memory_space<semaphore_mem>>
    %dma_start3A_425 = tpu.memref_squeeze %dma_start3A_424 : memref<1x!tpu.dma_semaphore, #tpu.memory_space<semaphore_mem>> -> memref<!tpu.dma_semaphore, #tpu.memory_space<semaphore_mem>>
    tpu.enqueue_indirect_dma source(%dma_start3A_418 : memref<80x16xf32, #tpu.memory_space<vmem>>) target(%dma_start3A_423 : memref<10240x16xf32, #tpu.memory_space<vmem_shared>>) offsets(%dma_start3A_420 : memref<80xi32, #tpu.memory_space<vmem>>) semaphore(%dma_start3A_425 : memref<!tpu.dma_semaphore, #tpu.memory_space<semaphore_mem>>) {add = true}
    %scan3A = arith.constant 0 : i32
    %scan3A_426 = arith.constant 1 : i32
    %scan3A_427 = arith.constant 14 : i32
    %scan3A_428 = arith.addi %scan3A_426, %scan3A_427 : i32
    %scan3A_429 = arith.constant 1 : i32
    scf.for %scan3A_692 = %scan3A_426 to %scan3A_428 step %scan3A_429  : i32 {
      %mul3A_693 = arith.constant 8 : i32
      %mul3A_694 = arith.muli %scan3A_692, %mul3A_693 : i32
      %dma_wait3A_695 = arith.constant 4 : i32
      %dma_wait3A_696 = arith.constant 4 : i32
      %dma_wait3A_697 = arith.constant 0 : i32
      %dma_wait3A_698 = arith.constant 0 : i32
      %dma_wait3A_699 = tpu.memref_slice %arg8[%dma_wait3A_695, %dma_wait3A_697, %dma_wait3A_698] : memref<8x80x16xf32, #tpu.memory_space<vmem>> -> memref<1x80x16xf32, #tpu.memory_space<vmem>>
      %dma_wait3A_700 = tpu.memref_squeeze %dma_wait3A_699 : memref<1x80x16xf32, #tpu.memory_space<vmem>> -> memref<80x16xf32, #tpu.memory_space<vmem>>
      %dma_wait3A_701 = arith.constant 0 : i32
      %dma_wait3A_702 = tpu.memref_slice %arg7[%dma_wait3A_701] : memref<10000xi32, #tpu.memory_space<vmem>> -> memref<80xi32, #tpu.memory_space<vmem>>
      %dma_wait3A_703 = arith.constant 0 : i32
      %dma_wait3A_704 = arith.constant 0 : i32
      %dma_wait3A_705 = tpu.memref_slice %arg10[%dma_wait3A_703, %dma_wait3A_704] : memref<10240x16xf32, #tpu.memory_space<vmem_shared>> -> memref<10240x16xf32, #tpu.memory_space<vmem_shared>>
      %dma_wait3A_706 = tpu.memref_slice %arg12[%dma_wait3A_696] : memref<8x!tpu.dma_semaphore, #tpu.memory_space<semaphore_mem>> -> memref<1x!tpu.dma_semaphore, #tpu.memory_space<semaphore_mem>>
      %dma_wait3A_707 = tpu.memref_squeeze %dma_wait3A_706 : memref<1x!tpu.dma_semaphore, #tpu.memory_space<semaphore_mem>> -> memref<!tpu.dma_semaphore, #tpu.memory_space<semaphore_mem>>
      tpu.wait_indirect_dma semaphore(%dma_wait3A_707 : memref<!tpu.dma_semaphore, #tpu.memory_space<semaphore_mem>>) src(%dma_wait3A_700 : memref<80x16xf32, #tpu.memory_space<vmem>>) dst(%dma_wait3A_705 : memref<10240x16xf32, #tpu.memory_space<vmem_shared>>)
      %add3A_708 = arith.constant 0 : i32
      %add3A_709 = arith.addi %mul3A_694, %add3A_708 : i32
      %add3A_710 = arith.constant 4 : i32
      %add3A_711 = arith.addi %add3A_709, %add3A_710 : i32
      %mul3A_712 = arith.constant 80 : i32
      %mul3A_713 = arith.muli %add3A_711, %mul3A_712 : i32
      %dma_start3A_714 = arith.constant 4 : i32
      %dma_start3A_715 = arith.constant 4 : i32
      %dma_start3A_716 = arith.constant 0 : i32
      %dma_start3A_717 = arith.constant 0 : i32
      %dma_start3A_718 = tpu.memref_slice %arg8[%dma_start3A_714, %dma_start3A_716, %dma_start3A_717] : memref<8x80x16xf32, #tpu.memory_space<vmem>> -> memref<1x80x16xf32, #tpu.memory_space<vmem>>
      %dma_start3A_719 = tpu.memref_squeeze %dma_start3A_718 : memref<1x80x16xf32, #tpu.memory_space<vmem>> -> memref<80x16xf32, #tpu.memory_space<vmem>>
      %dma_start3A_720 = tpu.memref_slice %arg6[%mul3A_713] : memref<10000xi32, #tpu.memory_space<vmem>> -> memref<80xi32, #tpu.memory_space<vmem>>
      %dma_start3A_721 = arith.constant 0 : i32
      %dma_start3A_722 = arith.constant 0 : i32
      %dma_start3A_723 = tpu.memref_slice %arg3[%dma_start3A_721, %dma_start3A_722] : memref<10240x16xf32, #tpu.memory_space<hbm>> -> memref<10240x16xf32, #tpu.memory_space<hbm>>
      %dma_start3A_724 = tpu.memref_slice %arg11[%dma_start3A_715] : memref<8x!tpu.dma_semaphore, #tpu.memory_space<semaphore_mem>> -> memref<1x!tpu.dma_semaphore, #tpu.memory_space<semaphore_mem>>
      %dma_start3A_725 = tpu.memref_squeeze %dma_start3A_724 : memref<1x!tpu.dma_semaphore, #tpu.memory_space<semaphore_mem>> -> memref<!tpu.dma_semaphore, #tpu.memory_space<semaphore_mem>>
      tpu.enqueue_indirect_dma source(%dma_start3A_723 : memref<10240x16xf32, #tpu.memory_space<hbm>>) target(%dma_start3A_719 : memref<80x16xf32, #tpu.memory_space<vmem>>) offsets(%dma_start3A_720 : memref<80xi32, #tpu.memory_space<vmem>>) semaphore(%dma_start3A_725 : memref<!tpu.dma_semaphore, #tpu.memory_space<semaphore_mem>>)
      %dma_wait3A_726 = arith.constant 0 : i32
      %dma_wait3A_727 = arith.constant 0 : i32
      %dma_wait3A_728 = arith.constant 0 : i32
      %dma_wait3A_729 = arith.constant 0 : i32
      %dma_wait3A_730 = tpu.memref_slice %arg8[%dma_wait3A_726, %dma_wait3A_728, %dma_wait3A_729] : memref<8x80x16xf32, #tpu.memory_space<vmem>> -> memref<1x80x16xf32, #tpu.memory_space<vmem>>
      %dma_wait3A_731 = tpu.memref_squeeze %dma_wait3A_730 : memref<1x80x16xf32, #tpu.memory_space<vmem>> -> memref<80x16xf32, #tpu.memory_space<vmem>>
      %dma_wait3A_732 = arith.constant 0 : i32
      %dma_wait3A_733 = tpu.memref_slice %arg6[%dma_wait3A_732] : memref<10000xi32, #tpu.memory_space<vmem>> -> memref<80xi32, #tpu.memory_space<vmem>>
      %dma_wait3A_734 = arith.constant 0 : i32
      %dma_wait3A_735 = arith.constant 0 : i32
      %dma_wait3A_736 = tpu.memref_slice %arg3[%dma_wait3A_734, %dma_wait3A_735] : memref<10240x16xf32, #tpu.memory_space<hbm>> -> memref<10240x16xf32, #tpu.memory_space<hbm>>
      %dma_wait3A_737 = tpu.memref_slice %arg11[%dma_wait3A_727] : memref<8x!tpu.dma_semaphore, #tpu.memory_space<semaphore_mem>> -> memref<1x!tpu.dma_semaphore, #tpu.memory_space<semaphore_mem>>
      %dma_wait3A_738 = tpu.memref_squeeze %dma_wait3A_737 : memref<1x!tpu.dma_semaphore, #tpu.memory_space<semaphore_mem>> -> memref<!tpu.dma_semaphore, #tpu.memory_space<semaphore_mem>>
      tpu.wait_indirect_dma semaphore(%dma_wait3A_738 : memref<!tpu.dma_semaphore, #tpu.memory_space<semaphore_mem>>) src(%dma_wait3A_736 : memref<10240x16xf32, #tpu.memory_space<hbm>>) dst(%dma_wait3A_731 : memref<80x16xf32, #tpu.memory_space<vmem>>)
      %add3A_739 = arith.constant 0 : i32
      %add3A_740 = arith.addi %mul3A_694, %add3A_739 : i32
      %mul3A_741 = arith.constant 80 : i32
      %mul3A_742 = arith.muli %add3A_740, %mul3A_741 : i32
      %dma_start3A_743 = arith.constant 0 : i32
      %dma_start3A_744 = arith.constant 0 : i32
      %dma_start3A_745 = arith.constant 0 : i32
      %dma_start3A_746 = arith.constant 0 : i32
      %dma_start3A_747 = tpu.memref_slice %arg8[%dma_start3A_743, %dma_start3A_745, %dma_start3A_746] : memref<8x80x16xf32, #tpu.memory_space<vmem>> -> memref<1x80x16xf32, #tpu.memory_space<vmem>>
      %dma_start3A_748 = tpu.memref_squeeze %dma_start3A_747 : memref<1x80x16xf32, #tpu.memory_space<vmem>> -> memref<80x16xf32, #tpu.memory_space<vmem>>
      %dma_start3A_749 = tpu.memref_slice %arg7[%mul3A_742] : memref<10000xi32, #tpu.memory_space<vmem>> -> memref<80xi32, #tpu.memory_space<vmem>>
      %dma_start3A_750 = arith.constant 0 : i32
      %dma_start3A_751 = arith.constant 0 : i32
      %dma_start3A_752 = tpu.memref_slice %arg10[%dma_start3A_750, %dma_start3A_751] : memref<10240x16xf32, #tpu.memory_space<vmem_shared>> -> memref<10240x16xf32, #tpu.memory_space<vmem_shared>>
      %dma_start3A_753 = tpu.memref_slice %arg12[%dma_start3A_744] : memref<8x!tpu.dma_semaphore, #tpu.memory_space<semaphore_mem>> -> memref<1x!tpu.dma_semaphore, #tpu.memory_space<semaphore_mem>>
      %dma_start3A_754 = tpu.memref_squeeze %dma_start3A_753 : memref<1x!tpu.dma_semaphore, #tpu.memory_space<semaphore_mem>> -> memref<!tpu.dma_semaphore, #tpu.memory_space<semaphore_mem>>
      tpu.enqueue_indirect_dma source(%dma_start3A_748 : memref<80x16xf32, #tpu.memory_space<vmem>>) target(%dma_start3A_752 : memref<10240x16xf32, #tpu.memory_space<vmem_shared>>) offsets(%dma_start3A_749 : memref<80xi32, #tpu.memory_space<vmem>>) semaphore(%dma_start3A_754 : memref<!tpu.dma_semaphore, #tpu.memory_space<semaphore_mem>>) {add = true}
      %dma_wait3A_755 = arith.constant 5 : i32
      %dma_wait3A_756 = arith.constant 5 : i32
      %dma_wait3A_757 = arith.constant 0 : i32
      %dma_wait3A_758 = arith.constant 0 : i32
      %dma_wait3A_759 = tpu.memref_slice %arg8[%dma_wait3A_755, %dma_wait3A_757, %dma_wait3A_758] : memref<8x80x16xf32, #tpu.memory_space<vmem>> -> memref<1x80x16xf32, #tpu.memory_space<vmem>>
      %dma_wait3A_760 = tpu.memref_squeeze %dma_wait3A_759 : memref<1x80x16xf32, #tpu.memory_space<vmem>> -> memref<80x16xf32, #tpu.memory_space<vmem>>
      %dma_wait3A_761 = arith.constant 0 : i32
      %dma_wait3A_762 = tpu.memref_slice %arg7[%dma_wait3A_761] : memref<10000xi32, #tpu.memory_space<vmem>> -> memref<80xi32, #tpu.memory_space<vmem>>
      %dma_wait3A_763 = arith.constant 0 : i32
      %dma_wait3A_764 = arith.constant 0 : i32
      %dma_wait3A_765 = tpu.memref_slice %arg10[%dma_wait3A_763, %dma_wait3A_764] : memref<10240x16xf32, #tpu.memory_space<vmem_shared>> -> memref<10240x16xf32, #tpu.memory_space<vmem_shared>>
      %dma_wait3A_766 = tpu.memref_slice %arg12[%dma_wait3A_756] : memref<8x!tpu.dma_semaphore, #tpu.memory_space<semaphore_mem>> -> memref<1x!tpu.dma_semaphore, #tpu.memory_space<semaphore_mem>>
      %dma_wait3A_767 = tpu.memref_squeeze %dma_wait3A_766 : memref<1x!tpu.dma_semaphore, #tpu.memory_space<semaphore_mem>> -> memref<!tpu.dma_semaphore, #tpu.memory_space<semaphore_mem>>
      tpu.wait_indirect_dma semaphore(%dma_wait3A_767 : memref<!tpu.dma_semaphore, #tpu.memory_space<semaphore_mem>>) src(%dma_wait3A_760 : memref<80x16xf32, #tpu.memory_space<vmem>>) dst(%dma_wait3A_765 : memref<10240x16xf32, #tpu.memory_space<vmem_shared>>)
      %add3A_768 = arith.constant 1 : i32
      %add3A_769 = arith.addi %mul3A_694, %add3A_768 : i32
      %add3A_770 = arith.constant 4 : i32
      %add3A_771 = arith.addi %add3A_769, %add3A_770 : i32
      %mul3A_772 = arith.constant 80 : i32
      %mul3A_773 = arith.muli %add3A_771, %mul3A_772 : i32
      %dma_start3A_774 = arith.constant 5 : i32
      %dma_start3A_775 = arith.constant 5 : i32
      %dma_start3A_776 = arith.constant 0 : i32
      %dma_start3A_777 = arith.constant 0 : i32
      %dma_start3A_778 = tpu.memref_slice %arg8[%dma_start3A_774, %dma_start3A_776, %dma_start3A_777] : memref<8x80x16xf32, #tpu.memory_space<vmem>> -> memref<1x80x16xf32, #tpu.memory_space<vmem>>
      %dma_start3A_779 = tpu.memref_squeeze %dma_start3A_778 : memref<1x80x16xf32, #tpu.memory_space<vmem>> -> memref<80x16xf32, #tpu.memory_space<vmem>>
      %dma_start3A_780 = tpu.memref_slice %arg6[%mul3A_773] : memref<10000xi32, #tpu.memory_space<vmem>> -> memref<80xi32, #tpu.memory_space<vmem>>
      %dma_start3A_781 = arith.constant 0 : i32
      %dma_start3A_782 = arith.constant 0 : i32
      %dma_start3A_783 = tpu.memref_slice %arg3[%dma_start3A_781, %dma_start3A_782] : memref<10240x16xf32, #tpu.memory_space<hbm>> -> memref<10240x16xf32, #tpu.memory_space<hbm>>
      %dma_start3A_784 = tpu.memref_slice %arg11[%dma_start3A_775] : memref<8x!tpu.dma_semaphore, #tpu.memory_space<semaphore_mem>> -> memref<1x!tpu.dma_semaphore, #tpu.memory_space<semaphore_mem>>
      %dma_start3A_785 = tpu.memref_squeeze %dma_start3A_784 : memref<1x!tpu.dma_semaphore, #tpu.memory_space<semaphore_mem>> -> memref<!tpu.dma_semaphore, #tpu.memory_space<semaphore_mem>>
      tpu.enqueue_indirect_dma source(%dma_start3A_783 : memref<10240x16xf32, #tpu.memory_space<hbm>>) target(%dma_start3A_779 : memref<80x16xf32, #tpu.memory_space<vmem>>) offsets(%dma_start3A_780 : memref<80xi32, #tpu.memory_space<vmem>>) semaphore(%dma_start3A_785 : memref<!tpu.dma_semaphore, #tpu.memory_space<semaphore_mem>>)
      %dma_wait3A_786 = arith.constant 1 : i32
      %dma_wait3A_787 = arith.constant 1 : i32
      %dma_wait3A_788 = arith.constant 0 : i32
      %dma_wait3A_789 = arith.constant 0 : i32
      %dma_wait3A_790 = tpu.memref_slice %arg8[%dma_wait3A_786, %dma_wait3A_788, %dma_wait3A_789] : memref<8x80x16xf32, #tpu.memory_space<vmem>> -> memref<1x80x16xf32, #tpu.memory_space<vmem>>
      %dma_wait3A_791 = tpu.memref_squeeze %dma_wait3A_790 : memref<1x80x16xf32, #tpu.memory_space<vmem>> -> memref<80x16xf32, #tpu.memory_space<vmem>>
      %dma_wait3A_792 = arith.constant 0 : i32
      %dma_wait3A_793 = tpu.memref_slice %arg6[%dma_wait3A_792] : memref<10000xi32, #tpu.memory_space<vmem>> -> memref<80xi32, #tpu.memory_space<vmem>>
      %dma_wait3A_794 = arith.constant 0 : i32
      %dma_wait3A_795 = arith.constant 0 : i32
      %dma_wait3A_796 = tpu.memref_slice %arg3[%dma_wait3A_794, %dma_wait3A_795] : memref<10240x16xf32, #tpu.memory_space<hbm>> -> memref<10240x16xf32, #tpu.memory_space<hbm>>
      %dma_wait3A_797 = tpu.memref_slice %arg11[%dma_wait3A_787] : memref<8x!tpu.dma_semaphore, #tpu.memory_space<semaphore_mem>> -> memref<1x!tpu.dma_semaphore, #tpu.memory_space<semaphore_mem>>
      %dma_wait3A_798 = tpu.memref_squeeze %dma_wait3A_797 : memref<1x!tpu.dma_semaphore, #tpu.memory_space<semaphore_mem>> -> memref<!tpu.dma_semaphore, #tpu.memory_space<semaphore_mem>>
      tpu.wait_indirect_dma semaphore(%dma_wait3A_798 : memref<!tpu.dma_semaphore, #tpu.memory_space<semaphore_mem>>) src(%dma_wait3A_796 : memref<10240x16xf32, #tpu.memory_space<hbm>>) dst(%dma_wait3A_791 : memref<80x16xf32, #tpu.memory_space<vmem>>)
      %add3A_799 = arith.constant 1 : i32
      %add3A_800 = arith.addi %mul3A_694, %add3A_799 : i32
      %mul3A_801 = arith.constant 80 : i32
      %mul3A_802 = arith.muli %add3A_800, %mul3A_801 : i32
      %dma_start3A_803 = arith.constant 1 : i32
      %dma_start3A_804 = arith.constant 1 : i32
      %dma_start3A_805 = arith.constant 0 : i32
      %dma_start3A_806 = arith.constant 0 : i32
      %dma_start3A_807 = tpu.memref_slice %arg8[%dma_start3A_803, %dma_start3A_805, %dma_start3A_806] : memref<8x80x16xf32, #tpu.memory_space<vmem>> -> memref<1x80x16xf32, #tpu.memory_space<vmem>>
      %dma_start3A_808 = tpu.memref_squeeze %dma_start3A_807 : memref<1x80x16xf32, #tpu.memory_space<vmem>> -> memref<80x16xf32, #tpu.memory_space<vmem>>
      %dma_start3A_809 = tpu.memref_slice %arg7[%mul3A_802] : memref<10000xi32, #tpu.memory_space<vmem>> -> memref<80xi32, #tpu.memory_space<vmem>>
      %dma_start3A_810 = arith.constant 0 : i32
      %dma_start3A_811 = arith.constant 0 : i32
      %dma_start3A_812 = tpu.memref_slice %arg10[%dma_start3A_810, %dma_start3A_811] : memref<10240x16xf32, #tpu.memory_space<vmem_shared>> -> memref<10240x16xf32, #tpu.memory_space<vmem_shared>>
      %dma_start3A_813 = tpu.memref_slice %arg12[%dma_start3A_804] : memref<8x!tpu.dma_semaphore, #tpu.memory_space<semaphore_mem>> -> memref<1x!tpu.dma_semaphore, #tpu.memory_space<semaphore_mem>>
      %dma_start3A_814 = tpu.memref_squeeze %dma_start3A_813 : memref<1x!tpu.dma_semaphore, #tpu.memory_space<semaphore_mem>> -> memref<!tpu.dma_semaphore, #tpu.memory_space<semaphore_mem>>
      tpu.enqueue_indirect_dma source(%dma_start3A_808 : memref<80x16xf32, #tpu.memory_space<vmem>>) target(%dma_start3A_812 : memref<10240x16xf32, #tpu.memory_space<vmem_shared>>) offsets(%dma_start3A_809 : memref<80xi32, #tpu.memory_space<vmem>>) semaphore(%dma_start3A_814 : memref<!tpu.dma_semaphore, #tpu.memory_space<semaphore_mem>>) {add = true}
      %dma_wait3A_815 = arith.constant 6 : i32
      %dma_wait3A_816 = arith.constant 6 : i32
      %dma_wait3A_817 = arith.constant 0 : i32
      %dma_wait3A_818 = arith.constant 0 : i32
      %dma_wait3A_819 = tpu.memref_slice %arg8[%dma_wait3A_815, %dma_wait3A_817, %dma_wait3A_818] : memref<8x80x16xf32, #tpu.memory_space<vmem>> -> memref<1x80x16xf32, #tpu.memory_space<vmem>>
      %dma_wait3A_820 = tpu.memref_squeeze %dma_wait3A_819 : memref<1x80x16xf32, #tpu.memory_space<vmem>> -> memref<80x16xf32, #tpu.memory_space<vmem>>
      %dma_wait3A_821 = arith.constant 0 : i32
      %dma_wait3A_822 = tpu.memref_slice %arg7[%dma_wait3A_821] : memref<10000xi32, #tpu.memory_space<vmem>> -> memref<80xi32, #tpu.memory_space<vmem>>
      %dma_wait3A_823 = arith.constant 0 : i32
      %dma_wait3A_824 = arith.constant 0 : i32
      %dma_wait3A_825 = tpu.memref_slice %arg10[%dma_wait3A_823, %dma_wait3A_824] : memref<10240x16xf32, #tpu.memory_space<vmem_shared>> -> memref<10240x16xf32, #tpu.memory_space<vmem_shared>>
      %dma_wait3A_826 = tpu.memref_slice %arg12[%dma_wait3A_816] : memref<8x!tpu.dma_semaphore, #tpu.memory_space<semaphore_mem>> -> memref<1x!tpu.dma_semaphore, #tpu.memory_space<semaphore_mem>>
      %dma_wait3A_827 = tpu.memref_squeeze %dma_wait3A_826 : memref<1x!tpu.dma_semaphore, #tpu.memory_space<semaphore_mem>> -> memref<!tpu.dma_semaphore, #tpu.memory_space<semaphore_mem>>
      tpu.wait_indirect_dma semaphore(%dma_wait3A_827 : memref<!tpu.dma_semaphore, #tpu.memory_space<semaphore_mem>>) src(%dma_wait3A_820 : memref<80x16xf32, #tpu.memory_space<vmem>>) dst(%dma_wait3A_825 : memref<10240x16xf32, #tpu.memory_space<vmem_shared>>)
      %add3A_828 = arith.constant 2 : i32
      %add3A_829 = arith.addi %mul3A_694, %add3A_828 : i32
      %add3A_830 = arith.constant 4 : i32
      %add3A_831 = arith.addi %add3A_829, %add3A_830 : i32
      %mul3A_832 = arith.constant 80 : i32
      %mul3A_833 = arith.muli %add3A_831, %mul3A_832 : i32
      %dma_start3A_834 = arith.constant 6 : i32
      %dma_start3A_835 = arith.constant 6 : i32
      %dma_start3A_836 = arith.constant 0 : i32
      %dma_start3A_837 = arith.constant 0 : i32
      %dma_start3A_838 = tpu.memref_slice %arg8[%dma_start3A_834, %dma_start3A_836, %dma_start3A_837] : memref<8x80x16xf32, #tpu.memory_space<vmem>> -> memref<1x80x16xf32, #tpu.memory_space<vmem>>
      %dma_start3A_839 = tpu.memref_squeeze %dma_start3A_838 : memref<1x80x16xf32, #tpu.memory_space<vmem>> -> memref<80x16xf32, #tpu.memory_space<vmem>>
      %dma_start3A_840 = tpu.memref_slice %arg6[%mul3A_833] : memref<10000xi32, #tpu.memory_space<vmem>> -> memref<80xi32, #tpu.memory_space<vmem>>
      %dma_start3A_841 = arith.constant 0 : i32
      %dma_start3A_842 = arith.constant 0 : i32
      %dma_start3A_843 = tpu.memref_slice %arg3[%dma_start3A_841, %dma_start3A_842] : memref<10240x16xf32, #tpu.memory_space<hbm>> -> memref<10240x16xf32, #tpu.memory_space<hbm>>
      %dma_start3A_844 = tpu.memref_slice %arg11[%dma_start3A_835] : memref<8x!tpu.dma_semaphore, #tpu.memory_space<semaphore_mem>> -> memref<1x!tpu.dma_semaphore, #tpu.memory_space<semaphore_mem>>
      %dma_start3A_845 = tpu.memref_squeeze %dma_start3A_844 : memref<1x!tpu.dma_semaphore, #tpu.memory_space<semaphore_mem>> -> memref<!tpu.dma_semaphore, #tpu.memory_space<semaphore_mem>>
      tpu.enqueue_indirect_dma source(%dma_start3A_843 : memref<10240x16xf32, #tpu.memory_space<hbm>>) target(%dma_start3A_839 : memref<80x16xf32, #tpu.memory_space<vmem>>) offsets(%dma_start3A_840 : memref<80xi32, #tpu.memory_space<vmem>>) semaphore(%dma_start3A_845 : memref<!tpu.dma_semaphore, #tpu.memory_space<semaphore_mem>>)
      %dma_wait3A_846 = arith.constant 2 : i32
      %dma_wait3A_847 = arith.constant 2 : i32
      %dma_wait3A_848 = arith.constant 0 : i32
      %dma_wait3A_849 = arith.constant 0 : i32
      %dma_wait3A_850 = tpu.memref_slice %arg8[%dma_wait3A_846, %dma_wait3A_848, %dma_wait3A_849] : memref<8x80x16xf32, #tpu.memory_space<vmem>> -> memref<1x80x16xf32, #tpu.memory_space<vmem>>
      %dma_wait3A_851 = tpu.memref_squeeze %dma_wait3A_850 : memref<1x80x16xf32, #tpu.memory_space<vmem>> -> memref<80x16xf32, #tpu.memory_space<vmem>>
      %dma_wait3A_852 = arith.constant 0 : i32
      %dma_wait3A_853 = tpu.memref_slice %arg6[%dma_wait3A_852] : memref<10000xi32, #tpu.memory_space<vmem>> -> memref<80xi32, #tpu.memory_space<vmem>>
      %dma_wait3A_854 = arith.constant 0 : i32
      %dma_wait3A_855 = arith.constant 0 : i32
      %dma_wait3A_856 = tpu.memref_slice %arg3[%dma_wait3A_854, %dma_wait3A_855] : memref<10240x16xf32, #tpu.memory_space<hbm>> -> memref<10240x16xf32, #tpu.memory_space<hbm>>
      %dma_wait3A_857 = tpu.memref_slice %arg11[%dma_wait3A_847] : memref<8x!tpu.dma_semaphore, #tpu.memory_space<semaphore_mem>> -> memref<1x!tpu.dma_semaphore, #tpu.memory_space<semaphore_mem>>
      %dma_wait3A_858 = tpu.memref_squeeze %dma_wait3A_857 : memref<1x!tpu.dma_semaphore, #tpu.memory_space<semaphore_mem>> -> memref<!tpu.dma_semaphore, #tpu.memory_space<semaphore_mem>>
      tpu.wait_indirect_dma semaphore(%dma_wait3A_858 : memref<!tpu.dma_semaphore, #tpu.memory_space<semaphore_mem>>) src(%dma_wait3A_856 : memref<10240x16xf32, #tpu.memory_space<hbm>>) dst(%dma_wait3A_851 : memref<80x16xf32, #tpu.memory_space<vmem>>)
      %add3A_859 = arith.constant 2 : i32
      %add3A_860 = arith.addi %mul3A_694, %add3A_859 : i32
      %mul3A_861 = arith.constant 80 : i32
      %mul3A_862 = arith.muli %add3A_860, %mul3A_861 : i32
      %dma_start3A_863 = arith.constant 2 : i32
      %dma_start3A_864 = arith.constant 2 : i32
      %dma_start3A_865 = arith.constant 0 : i32
      %dma_start3A_866 = arith.constant 0 : i32
      %dma_start3A_867 = tpu.memref_slice %arg8[%dma_start3A_863, %dma_start3A_865, %dma_start3A_866] : memref<8x80x16xf32, #tpu.memory_space<vmem>> -> memref<1x80x16xf32, #tpu.memory_space<vmem>>
      %dma_start3A_868 = tpu.memref_squeeze %dma_start3A_867 : memref<1x80x16xf32, #tpu.memory_space<vmem>> -> memref<80x16xf32, #tpu.memory_space<vmem>>
      %dma_start3A_869 = tpu.memref_slice %arg7[%mul3A_862] : memref<10000xi32, #tpu.memory_space<vmem>> -> memref<80xi32, #tpu.memory_space<vmem>>
      %dma_start3A_870 = arith.constant 0 : i32
      %dma_start3A_871 = arith.constant 0 : i32
      %dma_start3A_872 = tpu.memref_slice %arg10[%dma_start3A_870, %dma_start3A_871] : memref<10240x16xf32, #tpu.memory_space<vmem_shared>> -> memref<10240x16xf32, #tpu.memory_space<vmem_shared>>
      %dma_start3A_873 = tpu.memref_slice %arg12[%dma_start3A_864] : memref<8x!tpu.dma_semaphore, #tpu.memory_space<semaphore_mem>> -> memref<1x!tpu.dma_semaphore, #tpu.memory_space<semaphore_mem>>
      %dma_start3A_874 = tpu.memref_squeeze %dma_start3A_873 : memref<1x!tpu.dma_semaphore, #tpu.memory_space<semaphore_mem>> -> memref<!tpu.dma_semaphore, #tpu.memory_space<semaphore_mem>>
      tpu.enqueue_indirect_dma source(%dma_start3A_868 : memref<80x16xf32, #tpu.memory_space<vmem>>) target(%dma_start3A_872 : memref<10240x16xf32, #tpu.memory_space<vmem_shared>>) offsets(%dma_start3A_869 : memref<80xi32, #tpu.memory_space<vmem>>) semaphore(%dma_start3A_874 : memref<!tpu.dma_semaphore, #tpu.memory_space<semaphore_mem>>) {add = true}
      %dma_wait3A_875 = arith.constant 7 : i32
      %dma_wait3A_876 = arith.constant 7 : i32
      %dma_wait3A_877 = arith.constant 0 : i32
      %dma_wait3A_878 = arith.constant 0 : i32
      %dma_wait3A_879 = tpu.memref_slice %arg8[%dma_wait3A_875, %dma_wait3A_877, %dma_wait3A_878] : memref<8x80x16xf32, #tpu.memory_space<vmem>> -> memref<1x80x16xf32, #tpu.memory_space<vmem>>
      %dma_wait3A_880 = tpu.memref_squeeze %dma_wait3A_879 : memref<1x80x16xf32, #tpu.memory_space<vmem>> -> memref<80x16xf32, #tpu.memory_space<vmem>>
      %dma_wait3A_881 = arith.constant 0 : i32
      %dma_wait3A_882 = tpu.memref_slice %arg7[%dma_wait3A_881] : memref<10000xi32, #tpu.memory_space<vmem>> -> memref<80xi32, #tpu.memory_space<vmem>>
      %dma_wait3A_883 = arith.constant 0 : i32
      %dma_wait3A_884 = arith.constant 0 : i32
      %dma_wait3A_885 = tpu.memref_slice %arg10[%dma_wait3A_883, %dma_wait3A_884] : memref<10240x16xf32, #tpu.memory_space<vmem_shared>> -> memref<10240x16xf32, #tpu.memory_space<vmem_shared>>
      %dma_wait3A_886 = tpu.memref_slice %arg12[%dma_wait3A_876] : memref<8x!tpu.dma_semaphore, #tpu.memory_space<semaphore_mem>> -> memref<1x!tpu.dma_semaphore, #tpu.memory_space<semaphore_mem>>
      %dma_wait3A_887 = tpu.memref_squeeze %dma_wait3A_886 : memref<1x!tpu.dma_semaphore, #tpu.memory_space<semaphore_mem>> -> memref<!tpu.dma_semaphore, #tpu.memory_space<semaphore_mem>>
      tpu.wait_indirect_dma semaphore(%dma_wait3A_887 : memref<!tpu.dma_semaphore, #tpu.memory_space<semaphore_mem>>) src(%dma_wait3A_880 : memref<80x16xf32, #tpu.memory_space<vmem>>) dst(%dma_wait3A_885 : memref<10240x16xf32, #tpu.memory_space<vmem_shared>>)
      %add3A_888 = arith.constant 3 : i32
      %add3A_889 = arith.addi %mul3A_694, %add3A_888 : i32
      %add3A_890 = arith.constant 4 : i32
      %add3A_891 = arith.addi %add3A_889, %add3A_890 : i32
      %mul3A_892 = arith.constant 80 : i32
      %mul3A_893 = arith.muli %add3A_891, %mul3A_892 : i32
      %dma_start3A_894 = arith.constant 7 : i32
      %dma_start3A_895 = arith.constant 7 : i32
      %dma_start3A_896 = arith.constant 0 : i32
      %dma_start3A_897 = arith.constant 0 : i32
      %dma_start3A_898 = tpu.memref_slice %arg8[%dma_start3A_894, %dma_start3A_896, %dma_start3A_897] : memref<8x80x16xf32, #tpu.memory_space<vmem>> -> memref<1x80x16xf32, #tpu.memory_space<vmem>>
      %dma_start3A_899 = tpu.memref_squeeze %dma_start3A_898 : memref<1x80x16xf32, #tpu.memory_space<vmem>> -> memref<80x16xf32, #tpu.memory_space<vmem>>
      %dma_start3A_900 = tpu.memref_slice %arg6[%mul3A_893] : memref<10000xi32, #tpu.memory_space<vmem>> -> memref<80xi32, #tpu.memory_space<vmem>>
      %dma_start3A_901 = arith.constant 0 : i32
      %dma_start3A_902 = arith.constant 0 : i32
      %dma_start3A_903 = tpu.memref_slice %arg3[%dma_start3A_901, %dma_start3A_902] : memref<10240x16xf32, #tpu.memory_space<hbm>> -> memref<10240x16xf32, #tpu.memory_space<hbm>>
      %dma_start3A_904 = tpu.memref_slice %arg11[%dma_start3A_895] : memref<8x!tpu.dma_semaphore, #tpu.memory_space<semaphore_mem>> -> memref<1x!tpu.dma_semaphore, #tpu.memory_space<semaphore_mem>>
      %dma_start3A_905 = tpu.memref_squeeze %dma_start3A_904 : memref<1x!tpu.dma_semaphore, #tpu.memory_space<semaphore_mem>> -> memref<!tpu.dma_semaphore, #tpu.memory_space<semaphore_mem>>
      tpu.enqueue_indirect_dma source(%dma_start3A_903 : memref<10240x16xf32, #tpu.memory_space<hbm>>) target(%dma_start3A_899 : memref<80x16xf32, #tpu.memory_space<vmem>>) offsets(%dma_start3A_900 : memref<80xi32, #tpu.memory_space<vmem>>) semaphore(%dma_start3A_905 : memref<!tpu.dma_semaphore, #tpu.memory_space<semaphore_mem>>)
      %dma_wait3A_906 = arith.constant 3 : i32
      %dma_wait3A_907 = arith.constant 3 : i32
      %dma_wait3A_908 = arith.constant 0 : i32
      %dma_wait3A_909 = arith.constant 0 : i32
      %dma_wait3A_910 = tpu.memref_slice %arg8[%dma_wait3A_906, %dma_wait3A_908, %dma_wait3A_909] : memref<8x80x16xf32, #tpu.memory_space<vmem>> -> memref<1x80x16xf32, #tpu.memory_space<vmem>>
      %dma_wait3A_911 = tpu.memref_squeeze %dma_wait3A_910 : memref<1x80x16xf32, #tpu.memory_space<vmem>> -> memref<80x16xf32, #tpu.memory_space<vmem>>
      %dma_wait3A_912 = arith.constant 0 : i32
      %dma_wait3A_913 = tpu.memref_slice %arg6[%dma_wait3A_912] : memref<10000xi32, #tpu.memory_space<vmem>> -> memref<80xi32, #tpu.memory_space<vmem>>
      %dma_wait3A_914 = arith.constant 0 : i32
      %dma_wait3A_915 = arith.constant 0 : i32
      %dma_wait3A_916 = tpu.memref_slice %arg3[%dma_wait3A_914, %dma_wait3A_915] : memref<10240x16xf32, #tpu.memory_space<hbm>> -> memref<10240x16xf32, #tpu.memory_space<hbm>>
      %dma_wait3A_917 = tpu.memref_slice %arg11[%dma_wait3A_907] : memref<8x!tpu.dma_semaphore, #tpu.memory_space<semaphore_mem>> -> memref<1x!tpu.dma_semaphore, #tpu.memory_space<semaphore_mem>>
      %dma_wait3A_918 = tpu.memref_squeeze %dma_wait3A_917 : memref<1x!tpu.dma_semaphore, #tpu.memory_space<semaphore_mem>> -> memref<!tpu.dma_semaphore, #tpu.memory_space<semaphore_mem>>
      tpu.wait_indirect_dma semaphore(%dma_wait3A_918 : memref<!tpu.dma_semaphore, #tpu.memory_space<semaphore_mem>>) src(%dma_wait3A_916 : memref<10240x16xf32, #tpu.memory_space<hbm>>) dst(%dma_wait3A_911 : memref<80x16xf32, #tpu.memory_space<vmem>>)
      %add3A_919 = arith.constant 3 : i32
      %add3A_920 = arith.addi %mul3A_694, %add3A_919 : i32
      %mul3A_921 = arith.constant 80 : i32
      %mul3A_922 = arith.muli %add3A_920, %mul3A_921 : i32
      %dma_start3A_923 = arith.constant 3 : i32
      %dma_start3A_924 = arith.constant 3 : i32
      %dma_start3A_925 = arith.constant 0 : i32
      %dma_start3A_926 = arith.constant 0 : i32
      %dma_start3A_927 = tpu.memref_slice %arg8[%dma_start3A_923, %dma_start3A_925, %dma_start3A_926] : memref<8x80x16xf32, #tpu.memory_space<vmem>> -> memref<1x80x16xf32, #tpu.memory_space<vmem>>
      %dma_start3A_928 = tpu.memref_squeeze %dma_start3A_927 : memref<1x80x16xf32, #tpu.memory_space<vmem>> -> memref<80x16xf32, #tpu.memory_space<vmem>>
      %dma_start3A_929 = tpu.memref_slice %arg7[%mul3A_922] : memref<10000xi32, #tpu.memory_space<vmem>> -> memref<80xi32, #tpu.memory_space<vmem>>
      %dma_start3A_930 = arith.constant 0 : i32
      %dma_start3A_931 = arith.constant 0 : i32
      %dma_start3A_932 = tpu.memref_slice %arg10[%dma_start3A_930, %dma_start3A_931] : memref<10240x16xf32, #tpu.memory_space<vmem_shared>> -> memref<10240x16xf32, #tpu.memory_space<vmem_shared>>
      %dma_start3A_933 = tpu.memref_slice %arg12[%dma_start3A_924] : memref<8x!tpu.dma_semaphore, #tpu.memory_space<semaphore_mem>> -> memref<1x!tpu.dma_semaphore, #tpu.memory_space<semaphore_mem>>
      %dma_start3A_934 = tpu.memref_squeeze %dma_start3A_933 : memref<1x!tpu.dma_semaphore, #tpu.memory_space<semaphore_mem>> -> memref<!tpu.dma_semaphore, #tpu.memory_space<semaphore_mem>>
      tpu.enqueue_indirect_dma source(%dma_start3A_928 : memref<80x16xf32, #tpu.memory_space<vmem>>) target(%dma_start3A_932 : memref<10240x16xf32, #tpu.memory_space<vmem_shared>>) offsets(%dma_start3A_929 : memref<80xi32, #tpu.memory_space<vmem>>) semaphore(%dma_start3A_934 : memref<!tpu.dma_semaphore, #tpu.memory_space<semaphore_mem>>) {add = true}
      %dma_wait3A_935 = arith.constant 0 : i32
      %dma_wait3A_936 = arith.constant 0 : i32
      %dma_wait3A_937 = arith.constant 0 : i32
      %dma_wait3A_938 = arith.constant 0 : i32
      %dma_wait3A_939 = tpu.memref_slice %arg8[%dma_wait3A_935, %dma_wait3A_937, %dma_wait3A_938] : memref<8x80x16xf32, #tpu.memory_space<vmem>> -> memref<1x80x16xf32, #tpu.memory_space<vmem>>
      %dma_wait3A_940 = tpu.memref_squeeze %dma_wait3A_939 : memref<1x80x16xf32, #tpu.memory_space<vmem>> -> memref<80x16xf32, #tpu.memory_space<vmem>>
      %dma_wait3A_941 = arith.constant 0 : i32
      %dma_wait3A_942 = tpu.memref_slice %arg7[%dma_wait3A_941] : memref<10000xi32, #tpu.memory_space<vmem>> -> memref<80xi32, #tpu.memory_space<vmem>>
      %dma_wait3A_943 = arith.constant 0 : i32
      %dma_wait3A_944 = arith.constant 0 : i32
      %dma_wait3A_945 = tpu.memref_slice %arg10[%dma_wait3A_943, %dma_wait3A_944] : memref<10240x16xf32, #tpu.memory_space<vmem_shared>> -> memref<10240x16xf32, #tpu.memory_space<vmem_shared>>
      %dma_wait3A_946 = tpu.memref_slice %arg12[%dma_wait3A_936] : memref<8x!tpu.dma_semaphore, #tpu.memory_space<semaphore_mem>> -> memref<1x!tpu.dma_semaphore, #tpu.memory_space<semaphore_mem>>
      %dma_wait3A_947 = tpu.memref_squeeze %dma_wait3A_946 : memref<1x!tpu.dma_semaphore, #tpu.memory_space<semaphore_mem>> -> memref<!tpu.dma_semaphore, #tpu.memory_space<semaphore_mem>>
      tpu.wait_indirect_dma semaphore(%dma_wait3A_947 : memref<!tpu.dma_semaphore, #tpu.memory_space<semaphore_mem>>) src(%dma_wait3A_940 : memref<80x16xf32, #tpu.memory_space<vmem>>) dst(%dma_wait3A_945 : memref<10240x16xf32, #tpu.memory_space<vmem_shared>>)
      %add3A_948 = arith.constant 4 : i32
      %add3A_949 = arith.addi %mul3A_694, %add3A_948 : i32
      %add3A_950 = arith.constant 4 : i32
      %add3A_951 = arith.addi %add3A_949, %add3A_950 : i32
      %mul3A_952 = arith.constant 80 : i32
      %mul3A_953 = arith.muli %add3A_951, %mul3A_952 : i32
      %dma_start3A_954 = arith.constant 0 : i32
      %dma_start3A_955 = arith.constant 0 : i32
      %dma_start3A_956 = arith.constant 0 : i32
      %dma_start3A_957 = arith.constant 0 : i32
      %dma_start3A_958 = tpu.memref_slice %arg8[%dma_start3A_954, %dma_start3A_956, %dma_start3A_957] : memref<8x80x16xf32, #tpu.memory_space<vmem>> -> memref<1x80x16xf32, #tpu.memory_space<vmem>>
      %dma_start3A_959 = tpu.memref_squeeze %dma_start3A_958 : memref<1x80x16xf32, #tpu.memory_space<vmem>> -> memref<80x16xf32, #tpu.memory_space<vmem>>
      %dma_start3A_960 = tpu.memref_slice %arg6[%mul3A_953] : memref<10000xi32, #tpu.memory_space<vmem>> -> memref<80xi32, #tpu.memory_space<vmem>>
      %dma_start3A_961 = arith.constant 0 : i32
      %dma_start3A_962 = arith.constant 0 : i32
      %dma_start3A_963 = tpu.memref_slice %arg3[%dma_start3A_961, %dma_start3A_962] : memref<10240x16xf32, #tpu.memory_space<hbm>> -> memref<10240x16xf32, #tpu.memory_space<hbm>>
      %dma_start3A_964 = tpu.memref_slice %arg11[%dma_start3A_955] : memref<8x!tpu.dma_semaphore, #tpu.memory_space<semaphore_mem>> -> memref<1x!tpu.dma_semaphore, #tpu.memory_space<semaphore_mem>>
      %dma_start3A_965 = tpu.memref_squeeze %dma_start3A_964 : memref<1x!tpu.dma_semaphore, #tpu.memory_space<semaphore_mem>> -> memref<!tpu.dma_semaphore, #tpu.memory_space<semaphore_mem>>
      tpu.enqueue_indirect_dma source(%dma_start3A_963 : memref<10240x16xf32, #tpu.memory_space<hbm>>) target(%dma_start3A_959 : memref<80x16xf32, #tpu.memory_space<vmem>>) offsets(%dma_start3A_960 : memref<80xi32, #tpu.memory_space<vmem>>) semaphore(%dma_start3A_965 : memref<!tpu.dma_semaphore, #tpu.memory_space<semaphore_mem>>)
      %dma_wait3A_966 = arith.constant 4 : i32
      %dma_wait3A_967 = arith.constant 4 : i32
      %dma_wait3A_968 = arith.constant 0 : i32
      %dma_wait3A_969 = arith.constant 0 : i32
      %dma_wait3A_970 = tpu.memref_slice %arg8[%dma_wait3A_966, %dma_wait3A_968, %dma_wait3A_969] : memref<8x80x16xf32, #tpu.memory_space<vmem>> -> memref<1x80x16xf32, #tpu.memory_space<vmem>>
      %dma_wait3A_971 = tpu.memref_squeeze %dma_wait3A_970 : memref<1x80x16xf32, #tpu.memory_space<vmem>> -> memref<80x16xf32, #tpu.memory_space<vmem>>
      %dma_wait3A_972 = arith.constant 0 : i32
      %dma_wait3A_973 = tpu.memref_slice %arg6[%dma_wait3A_972] : memref<10000xi32, #tpu.memory_space<vmem>> -> memref<80xi32, #tpu.memory_space<vmem>>
      %dma_wait3A_974 = arith.constant 0 : i32
      %dma_wait3A_975 = arith.constant 0 : i32
      %dma_wait3A_976 = tpu.memref_slice %arg3[%dma_wait3A_974, %dma_wait3A_975] : memref<10240x16xf32, #tpu.memory_space<hbm>> -> memref<10240x16xf32, #tpu.memory_space<hbm>>
      %dma_wait3A_977 = tpu.memref_slice %arg11[%dma_wait3A_967] : memref<8x!tpu.dma_semaphore, #tpu.memory_space<semaphore_mem>> -> memref<1x!tpu.dma_semaphore, #tpu.memory_space<semaphore_mem>>
      %dma_wait3A_978 = tpu.memref_squeeze %dma_wait3A_977 : memref<1x!tpu.dma_semaphore, #tpu.memory_space<semaphore_mem>> -> memref<!tpu.dma_semaphore, #tpu.memory_space<semaphore_mem>>
      tpu.wait_indirect_dma semaphore(%dma_wait3A_978 : memref<!tpu.dma_semaphore, #tpu.memory_space<semaphore_mem>>) src(%dma_wait3A_976 : memref<10240x16xf32, #tpu.memory_space<hbm>>) dst(%dma_wait3A_971 : memref<80x16xf32, #tpu.memory_space<vmem>>)
      %add3A_979 = arith.constant 4 : i32
      %add3A_980 = arith.addi %mul3A_694, %add3A_979 : i32
      %mul3A_981 = arith.constant 80 : i32
      %mul3A_982 = arith.muli %add3A_980, %mul3A_981 : i32
      %dma_start3A_983 = arith.constant 4 : i32
      %dma_start3A_984 = arith.constant 4 : i32
      %dma_start3A_985 = arith.constant 0 : i32
      %dma_start3A_986 = arith.constant 0 : i32
      %dma_start3A_987 = tpu.memref_slice %arg8[%dma_start3A_983, %dma_start3A_985, %dma_start3A_986] : memref<8x80x16xf32, #tpu.memory_space<vmem>> -> memref<1x80x16xf32, #tpu.memory_space<vmem>>
      %dma_start3A_988 = tpu.memref_squeeze %dma_start3A_987 : memref<1x80x16xf32, #tpu.memory_space<vmem>> -> memref<80x16xf32, #tpu.memory_space<vmem>>
      %dma_start3A_989 = tpu.memref_slice %arg7[%mul3A_982] : memref<10000xi32, #tpu.memory_space<vmem>> -> memref<80xi32, #tpu.memory_space<vmem>>
      %dma_start3A_990 = arith.constant 0 : i32
      %dma_start3A_991 = arith.constant 0 : i32
      %dma_start3A_992 = tpu.memref_slice %arg10[%dma_start3A_990, %dma_start3A_991] : memref<10240x16xf32, #tpu.memory_space<vmem_shared>> -> memref<10240x16xf32, #tpu.memory_space<vmem_shared>>
      %dma_start3A_993 = tpu.memref_slice %arg12[%dma_start3A_984] : memref<8x!tpu.dma_semaphore, #tpu.memory_space<semaphore_mem>> -> memref<1x!tpu.dma_semaphore, #tpu.memory_space<semaphore_mem>>
      %dma_start3A_994 = tpu.memref_squeeze %dma_start3A_993 : memref<1x!tpu.dma_semaphore, #tpu.memory_space<semaphore_mem>> -> memref<!tpu.dma_semaphore, #tpu.memory_space<semaphore_mem>>
      tpu.enqueue_indirect_dma source(%dma_start3A_988 : memref<80x16xf32, #tpu.memory_space<vmem>>) target(%dma_start3A_992 : memref<10240x16xf32, #tpu.memory_space<vmem_shared>>) offsets(%dma_start3A_989 : memref<80xi32, #tpu.memory_space<vmem>>) semaphore(%dma_start3A_994 : memref<!tpu.dma_semaphore, #tpu.memory_space<semaphore_mem>>) {add = true}
      %dma_wait3A_995 = arith.constant 1 : i32
      %dma_wait3A_996 = arith.constant 1 : i32
      %dma_wait3A_997 = arith.constant 0 : i32
      %dma_wait3A_998 = arith.constant 0 : i32
      %dma_wait3A_999 = tpu.memref_slice %arg8[%dma_wait3A_995, %dma_wait3A_997, %dma_wait3A_998] : memref<8x80x16xf32, #tpu.memory_space<vmem>> -> memref<1x80x16xf32, #tpu.memory_space<vmem>>
      %dma_wait3A_1000 = tpu.memref_squeeze %dma_wait3A_999 : memref<1x80x16xf32, #tpu.memory_space<vmem>> -> memref<80x16xf32, #tpu.memory_space<vmem>>
      %dma_wait3A_1001 = arith.constant 0 : i32
      %dma_wait3A_1002 = tpu.memref_slice %arg7[%dma_wait3A_1001] : memref<10000xi32, #tpu.memory_space<vmem>> -> memref<80xi32, #tpu.memory_space<vmem>>
      %dma_wait3A_1003 = arith.constant 0 : i32
      %dma_wait3A_1004 = arith.constant 0 : i32
      %dma_wait3A_1005 = tpu.memref_slice %arg10[%dma_wait3A_1003, %dma_wait3A_1004] : memref<10240x16xf32, #tpu.memory_space<vmem_shared>> -> memref<10240x16xf32, #tpu.memory_space<vmem_shared>>
      %dma_wait3A_1006 = tpu.memref_slice %arg12[%dma_wait3A_996] : memref<8x!tpu.dma_semaphore, #tpu.memory_space<semaphore_mem>> -> memref<1x!tpu.dma_semaphore, #tpu.memory_space<semaphore_mem>>
      %dma_wait3A_1007 = tpu.memref_squeeze %dma_wait3A_1006 : memref<1x!tpu.dma_semaphore, #tpu.memory_space<semaphore_mem>> -> memref<!tpu.dma_semaphore, #tpu.memory_space<semaphore_mem>>
      tpu.wait_indirect_dma semaphore(%dma_wait3A_1007 : memref<!tpu.dma_semaphore, #tpu.memory_space<semaphore_mem>>) src(%dma_wait3A_1000 : memref<80x16xf32, #tpu.memory_space<vmem>>) dst(%dma_wait3A_1005 : memref<10240x16xf32, #tpu.memory_space<vmem_shared>>)
      %add3A_1008 = arith.constant 5 : i32
      %add3A_1009 = arith.addi %mul3A_694, %add3A_1008 : i32
      %add3A_1010 = arith.constant 4 : i32
      %add3A_1011 = arith.addi %add3A_1009, %add3A_1010 : i32
      %mul3A_1012 = arith.constant 80 : i32
      %mul3A_1013 = arith.muli %add3A_1011, %mul3A_1012 : i32
      %dma_start3A_1014 = arith.constant 1 : i32
      %dma_start3A_1015 = arith.constant 1 : i32
      %dma_start3A_1016 = arith.constant 0 : i32
      %dma_start3A_1017 = arith.constant 0 : i32
      %dma_start3A_1018 = tpu.memref_slice %arg8[%dma_start3A_1014, %dma_start3A_1016, %dma_start3A_1017] : memref<8x80x16xf32, #tpu.memory_space<vmem>> -> memref<1x80x16xf32, #tpu.memory_space<vmem>>
      %dma_start3A_1019 = tpu.memref_squeeze %dma_start3A_1018 : memref<1x80x16xf32, #tpu.memory_space<vmem>> -> memref<80x16xf32, #tpu.memory_space<vmem>>
      %dma_start3A_1020 = tpu.memref_slice %arg6[%mul3A_1013] : memref<10000xi32, #tpu.memory_space<vmem>> -> memref<80xi32, #tpu.memory_space<vmem>>
      %dma_start3A_1021 = arith.constant 0 : i32
      %dma_start3A_1022 = arith.constant 0 : i32
      %dma_start3A_1023 = tpu.memref_slice %arg3[%dma_start3A_1021, %dma_start3A_1022] : memref<10240x16xf32, #tpu.memory_space<hbm>> -> memref<10240x16xf32, #tpu.memory_space<hbm>>
      %dma_start3A_1024 = tpu.memref_slice %arg11[%dma_start3A_1015] : memref<8x!tpu.dma_semaphore, #tpu.memory_space<semaphore_mem>> -> memref<1x!tpu.dma_semaphore, #tpu.memory_space<semaphore_mem>>
      %dma_start3A_1025 = tpu.memref_squeeze %dma_start3A_1024 : memref<1x!tpu.dma_semaphore, #tpu.memory_space<semaphore_mem>> -> memref<!tpu.dma_semaphore, #tpu.memory_space<semaphore_mem>>
      tpu.enqueue_indirect_dma source(%dma_start3A_1023 : memref<10240x16xf32, #tpu.memory_space<hbm>>) target(%dma_start3A_1019 : memref<80x16xf32, #tpu.memory_space<vmem>>) offsets(%dma_start3A_1020 : memref<80xi32, #tpu.memory_space<vmem>>) semaphore(%dma_start3A_1025 : memref<!tpu.dma_semaphore, #tpu.memory_space<semaphore_mem>>)
      %dma_wait3A_1026 = arith.constant 5 : i32
      %dma_wait3A_1027 = arith.constant 5 : i32
      %dma_wait3A_1028 = arith.constant 0 : i32
      %dma_wait3A_1029 = arith.constant 0 : i32
      %dma_wait3A_1030 = tpu.memref_slice %arg8[%dma_wait3A_1026, %dma_wait3A_1028, %dma_wait3A_1029] : memref<8x80x16xf32, #tpu.memory_space<vmem>> -> memref<1x80x16xf32, #tpu.memory_space<vmem>>
      %dma_wait3A_1031 = tpu.memref_squeeze %dma_wait3A_1030 : memref<1x80x16xf32, #tpu.memory_space<vmem>> -> memref<80x16xf32, #tpu.memory_space<vmem>>
      %dma_wait3A_1032 = arith.constant 0 : i32
      %dma_wait3A_1033 = tpu.memref_slice %arg6[%dma_wait3A_1032] : memref<10000xi32, #tpu.memory_space<vmem>> -> memref<80xi32, #tpu.memory_space<vmem>>
      %dma_wait3A_1034 = arith.constant 0 : i32
      %dma_wait3A_1035 = arith.constant 0 : i32
      %dma_wait3A_1036 = tpu.memref_slice %arg3[%dma_wait3A_1034, %dma_wait3A_1035] : memref<10240x16xf32, #tpu.memory_space<hbm>> -> memref<10240x16xf32, #tpu.memory_space<hbm>>
      %dma_wait3A_1037 = tpu.memref_slice %arg11[%dma_wait3A_1027] : memref<8x!tpu.dma_semaphore, #tpu.memory_space<semaphore_mem>> -> memref<1x!tpu.dma_semaphore, #tpu.memory_space<semaphore_mem>>
      %dma_wait3A_1038 = tpu.memref_squeeze %dma_wait3A_1037 : memref<1x!tpu.dma_semaphore, #tpu.memory_space<semaphore_mem>> -> memref<!tpu.dma_semaphore, #tpu.memory_space<semaphore_mem>>
      tpu.wait_indirect_dma semaphore(%dma_wait3A_1038 : memref<!tpu.dma_semaphore, #tpu.memory_space<semaphore_mem>>) src(%dma_wait3A_1036 : memref<10240x16xf32, #tpu.memory_space<hbm>>) dst(%dma_wait3A_1031 : memref<80x16xf32, #tpu.memory_space<vmem>>)
      %add3A_1039 = arith.constant 5 : i32
      %add3A_1040 = arith.addi %mul3A_694, %add3A_1039 : i32
      %mul3A_1041 = arith.constant 80 : i32
      %mul3A_1042 = arith.muli %add3A_1040, %mul3A_1041 : i32
      %dma_start3A_1043 = arith.constant 5 : i32
      %dma_start3A_1044 = arith.constant 5 : i32
      %dma_start3A_1045 = arith.constant 0 : i32
      %dma_start3A_1046 = arith.constant 0 : i32
      %dma_start3A_1047 = tpu.memref_slice %arg8[%dma_start3A_1043, %dma_start3A_1045, %dma_start3A_1046] : memref<8x80x16xf32, #tpu.memory_space<vmem>> -> memref<1x80x16xf32, #tpu.memory_space<vmem>>
      %dma_start3A_1048 = tpu.memref_squeeze %dma_start3A_1047 : memref<1x80x16xf32, #tpu.memory_space<vmem>> -> memref<80x16xf32, #tpu.memory_space<vmem>>
      %dma_start3A_1049 = tpu.memref_slice %arg7[%mul3A_1042] : memref<10000xi32, #tpu.memory_space<vmem>> -> memref<80xi32, #tpu.memory_space<vmem>>
      %dma_start3A_1050 = arith.constant 0 : i32
      %dma_start3A_1051 = arith.constant 0 : i32
      %dma_start3A_1052 = tpu.memref_slice %arg10[%dma_start3A_1050, %dma_start3A_1051] : memref<10240x16xf32, #tpu.memory_space<vmem_shared>> -> memref<10240x16xf32, #tpu.memory_space<vmem_shared>>
      %dma_start3A_1053 = tpu.memref_slice %arg12[%dma_start3A_1044] : memref<8x!tpu.dma_semaphore, #tpu.memory_space<semaphore_mem>> -> memref<1x!tpu.dma_semaphore, #tpu.memory_space<semaphore_mem>>
      %dma_start3A_1054 = tpu.memref_squeeze %dma_start3A_1053 : memref<1x!tpu.dma_semaphore, #tpu.memory_space<semaphore_mem>> -> memref<!tpu.dma_semaphore, #tpu.memory_space<semaphore_mem>>
      tpu.enqueue_indirect_dma source(%dma_start3A_1048 : memref<80x16xf32, #tpu.memory_space<vmem>>) target(%dma_start3A_1052 : memref<10240x16xf32, #tpu.memory_space<vmem_shared>>) offsets(%dma_start3A_1049 : memref<80xi32, #tpu.memory_space<vmem>>) semaphore(%dma_start3A_1054 : memref<!tpu.dma_semaphore, #tpu.memory_space<semaphore_mem>>) {add = true}
      %dma_wait3A_1055 = arith.constant 2 : i32
      %dma_wait3A_1056 = arith.constant 2 : i32
      %dma_wait3A_1057 = arith.constant 0 : i32
      %dma_wait3A_1058 = arith.constant 0 : i32
      %dma_wait3A_1059 = tpu.memref_slice %arg8[%dma_wait3A_1055, %dma_wait3A_1057, %dma_wait3A_1058] : memref<8x80x16xf32, #tpu.memory_space<vmem>> -> memref<1x80x16xf32, #tpu.memory_space<vmem>>
      %dma_wait3A_1060 = tpu.memref_squeeze %dma_wait3A_1059 : memref<1x80x16xf32, #tpu.memory_space<vmem>> -> memref<80x16xf32, #tpu.memory_space<vmem>>
      %dma_wait3A_1061 = arith.constant 0 : i32
      %dma_wait3A_1062 = tpu.memref_slice %arg7[%dma_wait3A_1061] : memref<10000xi32, #tpu.memory_space<vmem>> -> memref<80xi32, #tpu.memory_space<vmem>>
      %dma_wait3A_1063 = arith.constant 0 : i32
      %dma_wait3A_1064 = arith.constant 0 : i32
      %dma_wait3A_1065 = tpu.memref_slice %arg10[%dma_wait3A_1063, %dma_wait3A_1064] : memref<10240x16xf32, #tpu.memory_space<vmem_shared>> -> memref<10240x16xf32, #tpu.memory_space<vmem_shared>>
      %dma_wait3A_1066 = tpu.memref_slice %arg12[%dma_wait3A_1056] : memref<8x!tpu.dma_semaphore, #tpu.memory_space<semaphore_mem>> -> memref<1x!tpu.dma_semaphore, #tpu.memory_space<semaphore_mem>>
      %dma_wait3A_1067 = tpu.memref_squeeze %dma_wait3A_1066 : memref<1x!tpu.dma_semaphore, #tpu.memory_space<semaphore_mem>> -> memref<!tpu.dma_semaphore, #tpu.memory_space<semaphore_mem>>
      tpu.wait_indirect_dma semaphore(%dma_wait3A_1067 : memref<!tpu.dma_semaphore, #tpu.memory_space<semaphore_mem>>) src(%dma_wait3A_1060 : memref<80x16xf32, #tpu.memory_space<vmem>>) dst(%dma_wait3A_1065 : memref<10240x16xf32, #tpu.memory_space<vmem_shared>>)
      %add3A_1068 = arith.constant 6 : i32
      %add3A_1069 = arith.addi %mul3A_694, %add3A_1068 : i32
      %add3A_1070 = arith.constant 4 : i32
      %add3A_1071 = arith.addi %add3A_1069, %add3A_1070 : i32
      %mul3A_1072 = arith.constant 80 : i32
      %mul3A_1073 = arith.muli %add3A_1071, %mul3A_1072 : i32
      %dma_start3A_1074 = arith.constant 2 : i32
      %dma_start3A_1075 = arith.constant 2 : i32
      %dma_start3A_1076 = arith.constant 0 : i32
      %dma_start3A_1077 = arith.constant 0 : i32
      %dma_start3A_1078 = tpu.memref_slice %arg8[%dma_start3A_1074, %dma_start3A_1076, %dma_start3A_1077] : memref<8x80x16xf32, #tpu.memory_space<vmem>> -> memref<1x80x16xf32, #tpu.memory_space<vmem>>
      %dma_start3A_1079 = tpu.memref_squeeze %dma_start3A_1078 : memref<1x80x16xf32, #tpu.memory_space<vmem>> -> memref<80x16xf32, #tpu.memory_space<vmem>>
      %dma_start3A_1080 = tpu.memref_slice %arg6[%mul3A_1073] : memref<10000xi32, #tpu.memory_space<vmem>> -> memref<80xi32, #tpu.memory_space<vmem>>
      %dma_start3A_1081 = arith.constant 0 : i32
      %dma_start3A_1082 = arith.constant 0 : i32
      %dma_start3A_1083 = tpu.memref_slice %arg3[%dma_start3A_1081, %dma_start3A_1082] : memref<10240x16xf32, #tpu.memory_space<hbm>> -> memref<10240x16xf32, #tpu.memory_space<hbm>>
      %dma_start3A_1084 = tpu.memref_slice %arg11[%dma_start3A_1075] : memref<8x!tpu.dma_semaphore, #tpu.memory_space<semaphore_mem>> -> memref<1x!tpu.dma_semaphore, #tpu.memory_space<semaphore_mem>>
      %dma_start3A_1085 = tpu.memref_squeeze %dma_start3A_1084 : memref<1x!tpu.dma_semaphore, #tpu.memory_space<semaphore_mem>> -> memref<!tpu.dma_semaphore, #tpu.memory_space<semaphore_mem>>
      tpu.enqueue_indirect_dma source(%dma_start3A_1083 : memref<10240x16xf32, #tpu.memory_space<hbm>>) target(%dma_start3A_1079 : memref<80x16xf32, #tpu.memory_space<vmem>>) offsets(%dma_start3A_1080 : memref<80xi32, #tpu.memory_space<vmem>>) semaphore(%dma_start3A_1085 : memref<!tpu.dma_semaphore, #tpu.memory_space<semaphore_mem>>)
      %dma_wait3A_1086 = arith.constant 6 : i32
      %dma_wait3A_1087 = arith.constant 6 : i32
      %dma_wait3A_1088 = arith.constant 0 : i32
      %dma_wait3A_1089 = arith.constant 0 : i32
      %dma_wait3A_1090 = tpu.memref_slice %arg8[%dma_wait3A_1086, %dma_wait3A_1088, %dma_wait3A_1089] : memref<8x80x16xf32, #tpu.memory_space<vmem>> -> memref<1x80x16xf32, #tpu.memory_space<vmem>>
      %dma_wait3A_1091 = tpu.memref_squeeze %dma_wait3A_1090 : memref<1x80x16xf32, #tpu.memory_space<vmem>> -> memref<80x16xf32, #tpu.memory_space<vmem>>
      %dma_wait3A_1092 = arith.constant 0 : i32
      %dma_wait3A_1093 = tpu.memref_slice %arg6[%dma_wait3A_1092] : memref<10000xi32, #tpu.memory_space<vmem>> -> memref<80xi32, #tpu.memory_space<vmem>>
      %dma_wait3A_1094 = arith.constant 0 : i32
      %dma_wait3A_1095 = arith.constant 0 : i32
      %dma_wait3A_1096 = tpu.memref_slice %arg3[%dma_wait3A_1094, %dma_wait3A_1095] : memref<10240x16xf32, #tpu.memory_space<hbm>> -> memref<10240x16xf32, #tpu.memory_space<hbm>>
      %dma_wait3A_1097 = tpu.memref_slice %arg11[%dma_wait3A_1087] : memref<8x!tpu.dma_semaphore, #tpu.memory_space<semaphore_mem>> -> memref<1x!tpu.dma_semaphore, #tpu.memory_space<semaphore_mem>>
      %dma_wait3A_1098 = tpu.memref_squeeze %dma_wait3A_1097 : memref<1x!tpu.dma_semaphore, #tpu.memory_space<semaphore_mem>> -> memref<!tpu.dma_semaphore, #tpu.memory_space<semaphore_mem>>
      tpu.wait_indirect_dma semaphore(%dma_wait3A_1098 : memref<!tpu.dma_semaphore, #tpu.memory_space<semaphore_mem>>) src(%dma_wait3A_1096 : memref<10240x16xf32, #tpu.memory_space<hbm>>) dst(%dma_wait3A_1091 : memref<80x16xf32, #tpu.memory_space<vmem>>)
      %add3A_1099 = arith.constant 6 : i32
      %add3A_1100 = arith.addi %mul3A_694, %add3A_1099 : i32
      %mul3A_1101 = arith.constant 80 : i32
      %mul3A_1102 = arith.muli %add3A_1100, %mul3A_1101 : i32
      %dma_start3A_1103 = arith.constant 6 : i32
      %dma_start3A_1104 = arith.constant 6 : i32
      %dma_start3A_1105 = arith.constant 0 : i32
      %dma_start3A_1106 = arith.constant 0 : i32
      %dma_start3A_1107 = tpu.memref_slice %arg8[%dma_start3A_1103, %dma_start3A_1105, %dma_start3A_1106] : memref<8x80x16xf32, #tpu.memory_space<vmem>> -> memref<1x80x16xf32, #tpu.memory_space<vmem>>
      %dma_start3A_1108 = tpu.memref_squeeze %dma_start3A_1107 : memref<1x80x16xf32, #tpu.memory_space<vmem>> -> memref<80x16xf32, #tpu.memory_space<vmem>>
      %dma_start3A_1109 = tpu.memref_slice %arg7[%mul3A_1102] : memref<10000xi32, #tpu.memory_space<vmem>> -> memref<80xi32, #tpu.memory_space<vmem>>
      %dma_start3A_1110 = arith.constant 0 : i32
      %dma_start3A_1111 = arith.constant 0 : i32
      %dma_start3A_1112 = tpu.memref_slice %arg10[%dma_start3A_1110, %dma_start3A_1111] : memref<10240x16xf32, #tpu.memory_space<vmem_shared>> -> memref<10240x16xf32, #tpu.memory_space<vmem_shared>>
      %dma_start3A_1113 = tpu.memref_slice %arg12[%dma_start3A_1104] : memref<8x!tpu.dma_semaphore, #tpu.memory_space<semaphore_mem>> -> memref<1x!tpu.dma_semaphore, #tpu.memory_space<semaphore_mem>>
      %dma_start3A_1114 = tpu.memref_squeeze %dma_start3A_1113 : memref<1x!tpu.dma_semaphore, #tpu.memory_space<semaphore_mem>> -> memref<!tpu.dma_semaphore, #tpu.memory_space<semaphore_mem>>
      tpu.enqueue_indirect_dma source(%dma_start3A_1108 : memref<80x16xf32, #tpu.memory_space<vmem>>) target(%dma_start3A_1112 : memref<10240x16xf32, #tpu.memory_space<vmem_shared>>) offsets(%dma_start3A_1109 : memref<80xi32, #tpu.memory_space<vmem>>) semaphore(%dma_start3A_1114 : memref<!tpu.dma_semaphore, #tpu.memory_space<semaphore_mem>>) {add = true}
      %dma_wait3A_1115 = arith.constant 3 : i32
      %dma_wait3A_1116 = arith.constant 3 : i32
      %dma_wait3A_1117 = arith.constant 0 : i32
      %dma_wait3A_1118 = arith.constant 0 : i32
      %dma_wait3A_1119 = tpu.memref_slice %arg8[%dma_wait3A_1115, %dma_wait3A_1117, %dma_wait3A_1118] : memref<8x80x16xf32, #tpu.memory_space<vmem>> -> memref<1x80x16xf32, #tpu.memory_space<vmem>>
      %dma_wait3A_1120 = tpu.memref_squeeze %dma_wait3A_1119 : memref<1x80x16xf32, #tpu.memory_space<vmem>> -> memref<80x16xf32, #tpu.memory_space<vmem>>
      %dma_wait3A_1121 = arith.constant 0 : i32
      %dma_wait3A_1122 = tpu.memref_slice %arg7[%dma_wait3A_1121] : memref<10000xi32, #tpu.memory_space<vmem>> -> memref<80xi32, #tpu.memory_space<vmem>>
      %dma_wait3A_1123 = arith.constant 0 : i32
      %dma_wait3A_1124 = arith.constant 0 : i32
      %dma_wait3A_1125 = tpu.memref_slice %arg10[%dma_wait3A_1123, %dma_wait3A_1124] : memref<10240x16xf32, #tpu.memory_space<vmem_shared>> -> memref<10240x16xf32, #tpu.memory_space<vmem_shared>>
      %dma_wait3A_1126 = tpu.memref_slice %arg12[%dma_wait3A_1116] : memref<8x!tpu.dma_semaphore, #tpu.memory_space<semaphore_mem>> -> memref<1x!tpu.dma_semaphore, #tpu.memory_space<semaphore_mem>>
      %dma_wait3A_1127 = tpu.memref_squeeze %dma_wait3A_1126 : memref<1x!tpu.dma_semaphore, #tpu.memory_space<semaphore_mem>> -> memref<!tpu.dma_semaphore, #tpu.memory_space<semaphore_mem>>
      tpu.wait_indirect_dma semaphore(%dma_wait3A_1127 : memref<!tpu.dma_semaphore, #tpu.memory_space<semaphore_mem>>) src(%dma_wait3A_1120 : memref<80x16xf32, #tpu.memory_space<vmem>>) dst(%dma_wait3A_1125 : memref<10240x16xf32, #tpu.memory_space<vmem_shared>>)
      %add3A_1128 = arith.constant 7 : i32
      %add3A_1129 = arith.addi %mul3A_694, %add3A_1128 : i32
      %add3A_1130 = arith.constant 4 : i32
      %add3A_1131 = arith.addi %add3A_1129, %add3A_1130 : i32
      %mul3A_1132 = arith.constant 80 : i32
      %mul3A_1133 = arith.muli %add3A_1131, %mul3A_1132 : i32
      %dma_start3A_1134 = arith.constant 3 : i32
      %dma_start3A_1135 = arith.constant 3 : i32
      %dma_start3A_1136 = arith.constant 0 : i32
      %dma_start3A_1137 = arith.constant 0 : i32
      %dma_start3A_1138 = tpu.memref_slice %arg8[%dma_start3A_1134, %dma_start3A_1136, %dma_start3A_1137] : memref<8x80x16xf32, #tpu.memory_space<vmem>> -> memref<1x80x16xf32, #tpu.memory_space<vmem>>
      %dma_start3A_1139 = tpu.memref_squeeze %dma_start3A_1138 : memref<1x80x16xf32, #tpu.memory_space<vmem>> -> memref<80x16xf32, #tpu.memory_space<vmem>>
      %dma_start3A_1140 = tpu.memref_slice %arg6[%mul3A_1133] : memref<10000xi32, #tpu.memory_space<vmem>> -> memref<80xi32, #tpu.memory_space<vmem>>
      %dma_start3A_1141 = arith.constant 0 : i32
      %dma_start3A_1142 = arith.constant 0 : i32
      %dma_start3A_1143 = tpu.memref_slice %arg3[%dma_start3A_1141, %dma_start3A_1142] : memref<10240x16xf32, #tpu.memory_space<hbm>> -> memref<10240x16xf32, #tpu.memory_space<hbm>>
      %dma_start3A_1144 = tpu.memref_slice %arg11[%dma_start3A_1135] : memref<8x!tpu.dma_semaphore, #tpu.memory_space<semaphore_mem>> -> memref<1x!tpu.dma_semaphore, #tpu.memory_space<semaphore_mem>>
      %dma_start3A_1145 = tpu.memref_squeeze %dma_start3A_1144 : memref<1x!tpu.dma_semaphore, #tpu.memory_space<semaphore_mem>> -> memref<!tpu.dma_semaphore, #tpu.memory_space<semaphore_mem>>
      tpu.enqueue_indirect_dma source(%dma_start3A_1143 : memref<10240x16xf32, #tpu.memory_space<hbm>>) target(%dma_start3A_1139 : memref<80x16xf32, #tpu.memory_space<vmem>>) offsets(%dma_start3A_1140 : memref<80xi32, #tpu.memory_space<vmem>>) semaphore(%dma_start3A_1145 : memref<!tpu.dma_semaphore, #tpu.memory_space<semaphore_mem>>)
      %dma_wait3A_1146 = arith.constant 7 : i32
      %dma_wait3A_1147 = arith.constant 7 : i32
      %dma_wait3A_1148 = arith.constant 0 : i32
      %dma_wait3A_1149 = arith.constant 0 : i32
      %dma_wait3A_1150 = tpu.memref_slice %arg8[%dma_wait3A_1146, %dma_wait3A_1148, %dma_wait3A_1149] : memref<8x80x16xf32, #tpu.memory_space<vmem>> -> memref<1x80x16xf32, #tpu.memory_space<vmem>>
      %dma_wait3A_1151 = tpu.memref_squeeze %dma_wait3A_1150 : memref<1x80x16xf32, #tpu.memory_space<vmem>> -> memref<80x16xf32, #tpu.memory_space<vmem>>
      %dma_wait3A_1152 = arith.constant 0 : i32
      %dma_wait3A_1153 = tpu.memref_slice %arg6[%dma_wait3A_1152] : memref<10000xi32, #tpu.memory_space<vmem>> -> memref<80xi32, #tpu.memory_space<vmem>>
      %dma_wait3A_1154 = arith.constant 0 : i32
      %dma_wait3A_1155 = arith.constant 0 : i32
      %dma_wait3A_1156 = tpu.memref_slice %arg3[%dma_wait3A_1154, %dma_wait3A_1155] : memref<10240x16xf32, #tpu.memory_space<hbm>> -> memref<10240x16xf32, #tpu.memory_space<hbm>>
      %dma_wait3A_1157 = tpu.memref_slice %arg11[%dma_wait3A_1147] : memref<8x!tpu.dma_semaphore, #tpu.memory_space<semaphore_mem>> -> memref<1x!tpu.dma_semaphore, #tpu.memory_space<semaphore_mem>>
      %dma_wait3A_1158 = tpu.memref_squeeze %dma_wait3A_1157 : memref<1x!tpu.dma_semaphore, #tpu.memory_space<semaphore_mem>> -> memref<!tpu.dma_semaphore, #tpu.memory_space<semaphore_mem>>
      tpu.wait_indirect_dma semaphore(%dma_wait3A_1158 : memref<!tpu.dma_semaphore, #tpu.memory_space<semaphore_mem>>) src(%dma_wait3A_1156 : memref<10240x16xf32, #tpu.memory_space<hbm>>) dst(%dma_wait3A_1151 : memref<80x16xf32, #tpu.memory_space<vmem>>)
      %add3A_1159 = arith.constant 7 : i32
      %add3A_1160 = arith.addi %mul3A_694, %add3A_1159 : i32
      %mul3A_1161 = arith.constant 80 : i32
      %mul3A_1162 = arith.muli %add3A_1160, %mul3A_1161 : i32
      %dma_start3A_1163 = arith.constant 7 : i32
      %dma_start3A_1164 = arith.constant 7 : i32
      %dma_start3A_1165 = arith.constant 0 : i32
      %dma_start3A_1166 = arith.constant 0 : i32
      %dma_start3A_1167 = tpu.memref_slice %arg8[%dma_start3A_1163, %dma_start3A_1165, %dma_start3A_1166] : memref<8x80x16xf32, #tpu.memory_space<vmem>> -> memref<1x80x16xf32, #tpu.memory_space<vmem>>
      %dma_start3A_1168 = tpu.memref_squeeze %dma_start3A_1167 : memref<1x80x16xf32, #tpu.memory_space<vmem>> -> memref<80x16xf32, #tpu.memory_space<vmem>>
      %dma_start3A_1169 = tpu.memref_slice %arg7[%mul3A_1162] : memref<10000xi32, #tpu.memory_space<vmem>> -> memref<80xi32, #tpu.memory_space<vmem>>
      %dma_start3A_1170 = arith.constant 0 : i32
      %dma_start3A_1171 = arith.constant 0 : i32
      %dma_start3A_1172 = tpu.memref_slice %arg10[%dma_start3A_1170, %dma_start3A_1171] : memref<10240x16xf32, #tpu.memory_space<vmem_shared>> -> memref<10240x16xf32, #tpu.memory_space<vmem_shared>>
      %dma_start3A_1173 = tpu.memref_slice %arg12[%dma_start3A_1164] : memref<8x!tpu.dma_semaphore, #tpu.memory_space<semaphore_mem>> -> memref<1x!tpu.dma_semaphore, #tpu.memory_space<semaphore_mem>>
      %dma_start3A_1174 = tpu.memref_squeeze %dma_start3A_1173 : memref<1x!tpu.dma_semaphore, #tpu.memory_space<semaphore_mem>> -> memref<!tpu.dma_semaphore, #tpu.memory_space<semaphore_mem>>
      tpu.enqueue_indirect_dma source(%dma_start3A_1168 : memref<80x16xf32, #tpu.memory_space<vmem>>) target(%dma_start3A_1172 : memref<10240x16xf32, #tpu.memory_space<vmem_shared>>) offsets(%dma_start3A_1169 : memref<80xi32, #tpu.memory_space<vmem>>) semaphore(%dma_start3A_1174 : memref<!tpu.dma_semaphore, #tpu.memory_space<semaphore_mem>>) {add = true}
    }
    %scan3A_430 = arith.constant 14 : i32
    %dma_wait3A_431 = arith.constant 4 : i32
    %dma_wait3A_432 = arith.constant 4 : i32
    %dma_wait3A_433 = arith.constant 0 : i32
    %dma_wait3A_434 = arith.constant 0 : i32
    %dma_wait3A_435 = tpu.memref_slice %arg8[%dma_wait3A_431, %dma_wait3A_433, %dma_wait3A_434] : memref<8x80x16xf32, #tpu.memory_space<vmem>> -> memref<1x80x16xf32, #tpu.memory_space<vmem>>
    %dma_wait3A_436 = tpu.memref_squeeze %dma_wait3A_435 : memref<1x80x16xf32, #tpu.memory_space<vmem>> -> memref<80x16xf32, #tpu.memory_space<vmem>>
    %dma_wait3A_437 = arith.constant 0 : i32
    %dma_wait3A_438 = tpu.memref_slice %arg7[%dma_wait3A_437] : memref<10000xi32, #tpu.memory_space<vmem>> -> memref<80xi32, #tpu.memory_space<vmem>>
    %dma_wait3A_439 = arith.constant 0 : i32
    %dma_wait3A_440 = arith.constant 0 : i32
    %dma_wait3A_441 = tpu.memref_slice %arg10[%dma_wait3A_439, %dma_wait3A_440] : memref<10240x16xf32, #tpu.memory_space<vmem_shared>> -> memref<10240x16xf32, #tpu.memory_space<vmem_shared>>
    %dma_wait3A_442 = tpu.memref_slice %arg12[%dma_wait3A_432] : memref<8x!tpu.dma_semaphore, #tpu.memory_space<semaphore_mem>> -> memref<1x!tpu.dma_semaphore, #tpu.memory_space<semaphore_mem>>
    %dma_wait3A_443 = tpu.memref_squeeze %dma_wait3A_442 : memref<1x!tpu.dma_semaphore, #tpu.memory_space<semaphore_mem>> -> memref<!tpu.dma_semaphore, #tpu.memory_space<semaphore_mem>>
    tpu.wait_indirect_dma semaphore(%dma_wait3A_443 : memref<!tpu.dma_semaphore, #tpu.memory_space<semaphore_mem>>) src(%dma_wait3A_436 : memref<80x16xf32, #tpu.memory_space<vmem>>) dst(%dma_wait3A_441 : memref<10240x16xf32, #tpu.memory_space<vmem_shared>>)
    %dma_start3A_444 = arith.constant 4 : i32
    %dma_start3A_445 = arith.constant 4 : i32
    %dma_start3A_446 = arith.constant 0 : i32
    %dma_start3A_447 = arith.constant 0 : i32
    %dma_start3A_448 = tpu.memref_slice %arg8[%dma_start3A_444, %dma_start3A_446, %dma_start3A_447] : memref<8x80x16xf32, #tpu.memory_space<vmem>> -> memref<1x80x16xf32, #tpu.memory_space<vmem>>
    %dma_start3A_449 = tpu.memref_squeeze %dma_start3A_448 : memref<1x80x16xf32, #tpu.memory_space<vmem>> -> memref<80x16xf32, #tpu.memory_space<vmem>>
    %dma_start3A_450 = arith.constant 9920 : i32
    %dma_start3A_451 = tpu.memref_slice %arg6[%dma_start3A_450] : memref<10000xi32, #tpu.memory_space<vmem>> -> memref<80xi32, #tpu.memory_space<vmem>>
    %dma_start3A_452 = arith.constant 0 : i32
    %dma_start3A_453 = arith.constant 0 : i32
    %dma_start3A_454 = tpu.memref_slice %arg3[%dma_start3A_452, %dma_start3A_453] : memref<10240x16xf32, #tpu.memory_space<hbm>> -> memref<10240x16xf32, #tpu.memory_space<hbm>>
    %dma_start3A_455 = tpu.memref_slice %arg11[%dma_start3A_445] : memref<8x!tpu.dma_semaphore, #tpu.memory_space<semaphore_mem>> -> memref<1x!tpu.dma_semaphore, #tpu.memory_space<semaphore_mem>>
    %dma_start3A_456 = tpu.memref_squeeze %dma_start3A_455 : memref<1x!tpu.dma_semaphore, #tpu.memory_space<semaphore_mem>> -> memref<!tpu.dma_semaphore, #tpu.memory_space<semaphore_mem>>
    tpu.enqueue_indirect_dma source(%dma_start3A_454 : memref<10240x16xf32, #tpu.memory_space<hbm>>) target(%dma_start3A_449 : memref<80x16xf32, #tpu.memory_space<vmem>>) offsets(%dma_start3A_451 : memref<80xi32, #tpu.memory_space<vmem>>) semaphore(%dma_start3A_456 : memref<!tpu.dma_semaphore, #tpu.memory_space<semaphore_mem>>)
    %dma_wait3A_457 = arith.constant 0 : i32
    %dma_wait3A_458 = arith.constant 0 : i32
    %dma_wait3A_459 = arith.constant 0 : i32
    %dma_wait3A_460 = arith.constant 0 : i32
    %dma_wait3A_461 = tpu.memref_slice %arg8[%dma_wait3A_457, %dma_wait3A_459, %dma_wait3A_460] : memref<8x80x16xf32, #tpu.memory_space<vmem>> -> memref<1x80x16xf32, #tpu.memory_space<vmem>>
    %dma_wait3A_462 = tpu.memref_squeeze %dma_wait3A_461 : memref<1x80x16xf32, #tpu.memory_space<vmem>> -> memref<80x16xf32, #tpu.memory_space<vmem>>
    %dma_wait3A_463 = arith.constant 0 : i32
    %dma_wait3A_464 = tpu.memref_slice %arg6[%dma_wait3A_463] : memref<10000xi32, #tpu.memory_space<vmem>> -> memref<80xi32, #tpu.memory_space<vmem>>
    %dma_wait3A_465 = arith.constant 0 : i32
    %dma_wait3A_466 = arith.constant 0 : i32
    %dma_wait3A_467 = tpu.memref_slice %arg3[%dma_wait3A_465, %dma_wait3A_466] : memref<10240x16xf32, #tpu.memory_space<hbm>> -> memref<10240x16xf32, #tpu.memory_space<hbm>>
    %dma_wait3A_468 = tpu.memref_slice %arg11[%dma_wait3A_458] : memref<8x!tpu.dma_semaphore, #tpu.memory_space<semaphore_mem>> -> memref<1x!tpu.dma_semaphore, #tpu.memory_space<semaphore_mem>>
    %dma_wait3A_469 = tpu.memref_squeeze %dma_wait3A_468 : memref<1x!tpu.dma_semaphore, #tpu.memory_space<semaphore_mem>> -> memref<!tpu.dma_semaphore, #tpu.memory_space<semaphore_mem>>
    tpu.wait_indirect_dma semaphore(%dma_wait3A_469 : memref<!tpu.dma_semaphore, #tpu.memory_space<semaphore_mem>>) src(%dma_wait3A_467 : memref<10240x16xf32, #tpu.memory_space<hbm>>) dst(%dma_wait3A_462 : memref<80x16xf32, #tpu.memory_space<vmem>>)
    %dma_start3A_470 = arith.constant 0 : i32
    %dma_start3A_471 = arith.constant 0 : i32
    %dma_start3A_472 = arith.constant 0 : i32
    %dma_start3A_473 = arith.constant 0 : i32
    %dma_start3A_474 = tpu.memref_slice %arg8[%dma_start3A_470, %dma_start3A_472, %dma_start3A_473] : memref<8x80x16xf32, #tpu.memory_space<vmem>> -> memref<1x80x16xf32, #tpu.memory_space<vmem>>
    %dma_start3A_475 = tpu.memref_squeeze %dma_start3A_474 : memref<1x80x16xf32, #tpu.memory_space<vmem>> -> memref<80x16xf32, #tpu.memory_space<vmem>>
    %dma_start3A_476 = arith.constant 9600 : i32
    %dma_start3A_477 = tpu.memref_slice %arg7[%dma_start3A_476] : memref<10000xi32, #tpu.memory_space<vmem>> -> memref<80xi32, #tpu.memory_space<vmem>>
    %dma_start3A_478 = arith.constant 0 : i32
    %dma_start3A_479 = arith.constant 0 : i32
    %dma_start3A_480 = tpu.memref_slice %arg10[%dma_start3A_478, %dma_start3A_479] : memref<10240x16xf32, #tpu.memory_space<vmem_shared>> -> memref<10240x16xf32, #tpu.memory_space<vmem_shared>>
    %dma_start3A_481 = tpu.memref_slice %arg12[%dma_start3A_471] : memref<8x!tpu.dma_semaphore, #tpu.memory_space<semaphore_mem>> -> memref<1x!tpu.dma_semaphore, #tpu.memory_space<semaphore_mem>>
    %dma_start3A_482 = tpu.memref_squeeze %dma_start3A_481 : memref<1x!tpu.dma_semaphore, #tpu.memory_space<semaphore_mem>> -> memref<!tpu.dma_semaphore, #tpu.memory_space<semaphore_mem>>
    tpu.enqueue_indirect_dma source(%dma_start3A_475 : memref<80x16xf32, #tpu.memory_space<vmem>>) target(%dma_start3A_480 : memref<10240x16xf32, #tpu.memory_space<vmem_shared>>) offsets(%dma_start3A_477 : memref<80xi32, #tpu.memory_space<vmem>>) semaphore(%dma_start3A_482 : memref<!tpu.dma_semaphore, #tpu.memory_space<semaphore_mem>>) {add = true}
    %dma_wait3A_483 = arith.constant 5 : i32
    %dma_wait3A_484 = arith.constant 5 : i32
    %dma_wait3A_485 = arith.constant 0 : i32
    %dma_wait3A_486 = arith.constant 0 : i32
    %dma_wait3A_487 = tpu.memref_slice %arg8[%dma_wait3A_483, %dma_wait3A_485, %dma_wait3A_486] : memref<8x80x16xf32, #tpu.memory_space<vmem>> -> memref<1x80x16xf32, #tpu.memory_space<vmem>>
    %dma_wait3A_488 = tpu.memref_squeeze %dma_wait3A_487 : memref<1x80x16xf32, #tpu.memory_space<vmem>> -> memref<80x16xf32, #tpu.memory_space<vmem>>
    %dma_wait3A_489 = arith.constant 0 : i32
    %dma_wait3A_490 = tpu.memref_slice %arg7[%dma_wait3A_489] : memref<10000xi32, #tpu.memory_space<vmem>> -> memref<80xi32, #tpu.memory_space<vmem>>
    %dma_wait3A_491 = arith.constant 0 : i32
    %dma_wait3A_492 = arith.constant 0 : i32
    %dma_wait3A_493 = tpu.memref_slice %arg10[%dma_wait3A_491, %dma_wait3A_492] : memref<10240x16xf32, #tpu.memory_space<vmem_shared>> -> memref<10240x16xf32, #tpu.memory_space<vmem_shared>>
    %dma_wait3A_494 = tpu.memref_slice %arg12[%dma_wait3A_484] : memref<8x!tpu.dma_semaphore, #tpu.memory_space<semaphore_mem>> -> memref<1x!tpu.dma_semaphore, #tpu.memory_space<semaphore_mem>>
    %dma_wait3A_495 = tpu.memref_squeeze %dma_wait3A_494 : memref<1x!tpu.dma_semaphore, #tpu.memory_space<semaphore_mem>> -> memref<!tpu.dma_semaphore, #tpu.memory_space<semaphore_mem>>
    tpu.wait_indirect_dma semaphore(%dma_wait3A_495 : memref<!tpu.dma_semaphore, #tpu.memory_space<semaphore_mem>>) src(%dma_wait3A_488 : memref<80x16xf32, #tpu.memory_space<vmem>>) dst(%dma_wait3A_493 : memref<10240x16xf32, #tpu.memory_space<vmem_shared>>)
    %dma_wait3A_496 = arith.constant 1 : i32
    %dma_wait3A_497 = arith.constant 1 : i32
    %dma_wait3A_498 = arith.constant 0 : i32
    %dma_wait3A_499 = arith.constant 0 : i32
    %dma_wait3A_500 = tpu.memref_slice %arg8[%dma_wait3A_496, %dma_wait3A_498, %dma_wait3A_499] : memref<8x80x16xf32, #tpu.memory_space<vmem>> -> memref<1x80x16xf32, #tpu.memory_space<vmem>>
    %dma_wait3A_501 = tpu.memref_squeeze %dma_wait3A_500 : memref<1x80x16xf32, #tpu.memory_space<vmem>> -> memref<80x16xf32, #tpu.memory_space<vmem>>
    %dma_wait3A_502 = arith.constant 0 : i32
    %dma_wait3A_503 = tpu.memref_slice %arg6[%dma_wait3A_502] : memref<10000xi32, #tpu.memory_space<vmem>> -> memref<80xi32, #tpu.memory_space<vmem>>
    %dma_wait3A_504 = arith.constant 0 : i32
    %dma_wait3A_505 = arith.constant 0 : i32
    %dma_wait3A_506 = tpu.memref_slice %arg3[%dma_wait3A_504, %dma_wait3A_505] : memref<10240x16xf32, #tpu.memory_space<hbm>> -> memref<10240x16xf32, #tpu.memory_space<hbm>>
    %dma_wait3A_507 = tpu.memref_slice %arg11[%dma_wait3A_497] : memref<8x!tpu.dma_semaphore, #tpu.memory_space<semaphore_mem>> -> memref<1x!tpu.dma_semaphore, #tpu.memory_space<semaphore_mem>>
    %dma_wait3A_508 = tpu.memref_squeeze %dma_wait3A_507 : memref<1x!tpu.dma_semaphore, #tpu.memory_space<semaphore_mem>> -> memref<!tpu.dma_semaphore, #tpu.memory_space<semaphore_mem>>
    tpu.wait_indirect_dma semaphore(%dma_wait3A_508 : memref<!tpu.dma_semaphore, #tpu.memory_space<semaphore_mem>>) src(%dma_wait3A_506 : memref<10240x16xf32, #tpu.memory_space<hbm>>) dst(%dma_wait3A_501 : memref<80x16xf32, #tpu.memory_space<vmem>>)
    %dma_start3A_509 = arith.constant 1 : i32
    %dma_start3A_510 = arith.constant 1 : i32
    %dma_start3A_511 = arith.constant 0 : i32
    %dma_start3A_512 = arith.constant 0 : i32
    %dma_start3A_513 = tpu.memref_slice %arg8[%dma_start3A_509, %dma_start3A_511, %dma_start3A_512] : memref<8x80x16xf32, #tpu.memory_space<vmem>> -> memref<1x80x16xf32, #tpu.memory_space<vmem>>
    %dma_start3A_514 = tpu.memref_squeeze %dma_start3A_513 : memref<1x80x16xf32, #tpu.memory_space<vmem>> -> memref<80x16xf32, #tpu.memory_space<vmem>>
    %dma_start3A_515 = arith.constant 9680 : i32
    %dma_start3A_516 = tpu.memref_slice %arg7[%dma_start3A_515] : memref<10000xi32, #tpu.memory_space<vmem>> -> memref<80xi32, #tpu.memory_space<vmem>>
    %dma_start3A_517 = arith.constant 0 : i32
    %dma_start3A_518 = arith.constant 0 : i32
    %dma_start3A_519 = tpu.memref_slice %arg10[%dma_start3A_517, %dma_start3A_518] : memref<10240x16xf32, #tpu.memory_space<vmem_shared>> -> memref<10240x16xf32, #tpu.memory_space<vmem_shared>>
    %dma_start3A_520 = tpu.memref_slice %arg12[%dma_start3A_510] : memref<8x!tpu.dma_semaphore, #tpu.memory_space<semaphore_mem>> -> memref<1x!tpu.dma_semaphore, #tpu.memory_space<semaphore_mem>>
    %dma_start3A_521 = tpu.memref_squeeze %dma_start3A_520 : memref<1x!tpu.dma_semaphore, #tpu.memory_space<semaphore_mem>> -> memref<!tpu.dma_semaphore, #tpu.memory_space<semaphore_mem>>
    tpu.enqueue_indirect_dma source(%dma_start3A_514 : memref<80x16xf32, #tpu.memory_space<vmem>>) target(%dma_start3A_519 : memref<10240x16xf32, #tpu.memory_space<vmem_shared>>) offsets(%dma_start3A_516 : memref<80xi32, #tpu.memory_space<vmem>>) semaphore(%dma_start3A_521 : memref<!tpu.dma_semaphore, #tpu.memory_space<semaphore_mem>>) {add = true}
    %dma_wait3A_522 = arith.constant 6 : i32
    %dma_wait3A_523 = arith.constant 6 : i32
    %dma_wait3A_524 = arith.constant 0 : i32
    %dma_wait3A_525 = arith.constant 0 : i32
    %dma_wait3A_526 = tpu.memref_slice %arg8[%dma_wait3A_522, %dma_wait3A_524, %dma_wait3A_525] : memref<8x80x16xf32, #tpu.memory_space<vmem>> -> memref<1x80x16xf32, #tpu.memory_space<vmem>>
    %dma_wait3A_527 = tpu.memref_squeeze %dma_wait3A_526 : memref<1x80x16xf32, #tpu.memory_space<vmem>> -> memref<80x16xf32, #tpu.memory_space<vmem>>
    %dma_wait3A_528 = arith.constant 0 : i32
    %dma_wait3A_529 = tpu.memref_slice %arg7[%dma_wait3A_528] : memref<10000xi32, #tpu.memory_space<vmem>> -> memref<80xi32, #tpu.memory_space<vmem>>
    %dma_wait3A_530 = arith.constant 0 : i32
    %dma_wait3A_531 = arith.constant 0 : i32
    %dma_wait3A_532 = tpu.memref_slice %arg10[%dma_wait3A_530, %dma_wait3A_531] : memref<10240x16xf32, #tpu.memory_space<vmem_shared>> -> memref<10240x16xf32, #tpu.memory_space<vmem_shared>>
    %dma_wait3A_533 = tpu.memref_slice %arg12[%dma_wait3A_523] : memref<8x!tpu.dma_semaphore, #tpu.memory_space<semaphore_mem>> -> memref<1x!tpu.dma_semaphore, #tpu.memory_space<semaphore_mem>>
    %dma_wait3A_534 = tpu.memref_squeeze %dma_wait3A_533 : memref<1x!tpu.dma_semaphore, #tpu.memory_space<semaphore_mem>> -> memref<!tpu.dma_semaphore, #tpu.memory_space<semaphore_mem>>
    tpu.wait_indirect_dma semaphore(%dma_wait3A_534 : memref<!tpu.dma_semaphore, #tpu.memory_space<semaphore_mem>>) src(%dma_wait3A_527 : memref<80x16xf32, #tpu.memory_space<vmem>>) dst(%dma_wait3A_532 : memref<10240x16xf32, #tpu.memory_space<vmem_shared>>)
    %dma_wait3A_535 = arith.constant 2 : i32
    %dma_wait3A_536 = arith.constant 2 : i32
    %dma_wait3A_537 = arith.constant 0 : i32
    %dma_wait3A_538 = arith.constant 0 : i32
    %dma_wait3A_539 = tpu.memref_slice %arg8[%dma_wait3A_535, %dma_wait3A_537, %dma_wait3A_538] : memref<8x80x16xf32, #tpu.memory_space<vmem>> -> memref<1x80x16xf32, #tpu.memory_space<vmem>>
    %dma_wait3A_540 = tpu.memref_squeeze %dma_wait3A_539 : memref<1x80x16xf32, #tpu.memory_space<vmem>> -> memref<80x16xf32, #tpu.memory_space<vmem>>
    %dma_wait3A_541 = arith.constant 0 : i32
    %dma_wait3A_542 = tpu.memref_slice %arg6[%dma_wait3A_541] : memref<10000xi32, #tpu.memory_space<vmem>> -> memref<80xi32, #tpu.memory_space<vmem>>
    %dma_wait3A_543 = arith.constant 0 : i32
    %dma_wait3A_544 = arith.constant 0 : i32
    %dma_wait3A_545 = tpu.memref_slice %arg3[%dma_wait3A_543, %dma_wait3A_544] : memref<10240x16xf32, #tpu.memory_space<hbm>> -> memref<10240x16xf32, #tpu.memory_space<hbm>>
    %dma_wait3A_546 = tpu.memref_slice %arg11[%dma_wait3A_536] : memref<8x!tpu.dma_semaphore, #tpu.memory_space<semaphore_mem>> -> memref<1x!tpu.dma_semaphore, #tpu.memory_space<semaphore_mem>>
    %dma_wait3A_547 = tpu.memref_squeeze %dma_wait3A_546 : memref<1x!tpu.dma_semaphore, #tpu.memory_space<semaphore_mem>> -> memref<!tpu.dma_semaphore, #tpu.memory_space<semaphore_mem>>
    tpu.wait_indirect_dma semaphore(%dma_wait3A_547 : memref<!tpu.dma_semaphore, #tpu.memory_space<semaphore_mem>>) src(%dma_wait3A_545 : memref<10240x16xf32, #tpu.memory_space<hbm>>) dst(%dma_wait3A_540 : memref<80x16xf32, #tpu.memory_space<vmem>>)
    %dma_start3A_548 = arith.constant 2 : i32
    %dma_start3A_549 = arith.constant 2 : i32
    %dma_start3A_550 = arith.constant 0 : i32
    %dma_start3A_551 = arith.constant 0 : i32
    %dma_start3A_552 = tpu.memref_slice %arg8[%dma_start3A_548, %dma_start3A_550, %dma_start3A_551] : memref<8x80x16xf32, #tpu.memory_space<vmem>> -> memref<1x80x16xf32, #tpu.memory_space<vmem>>
    %dma_start3A_553 = tpu.memref_squeeze %dma_start3A_552 : memref<1x80x16xf32, #tpu.memory_space<vmem>> -> memref<80x16xf32, #tpu.memory_space<vmem>>
    %dma_start3A_554 = arith.constant 9760 : i32
    %dma_start3A_555 = tpu.memref_slice %arg7[%dma_start3A_554] : memref<10000xi32, #tpu.memory_space<vmem>> -> memref<80xi32, #tpu.memory_space<vmem>>
    %dma_start3A_556 = arith.constant 0 : i32
    %dma_start3A_557 = arith.constant 0 : i32
    %dma_start3A_558 = tpu.memref_slice %arg10[%dma_start3A_556, %dma_start3A_557] : memref<10240x16xf32, #tpu.memory_space<vmem_shared>> -> memref<10240x16xf32, #tpu.memory_space<vmem_shared>>
    %dma_start3A_559 = tpu.memref_slice %arg12[%dma_start3A_549] : memref<8x!tpu.dma_semaphore, #tpu.memory_space<semaphore_mem>> -> memref<1x!tpu.dma_semaphore, #tpu.memory_space<semaphore_mem>>
    %dma_start3A_560 = tpu.memref_squeeze %dma_start3A_559 : memref<1x!tpu.dma_semaphore, #tpu.memory_space<semaphore_mem>> -> memref<!tpu.dma_semaphore, #tpu.memory_space<semaphore_mem>>
    tpu.enqueue_indirect_dma source(%dma_start3A_553 : memref<80x16xf32, #tpu.memory_space<vmem>>) target(%dma_start3A_558 : memref<10240x16xf32, #tpu.memory_space<vmem_shared>>) offsets(%dma_start3A_555 : memref<80xi32, #tpu.memory_space<vmem>>) semaphore(%dma_start3A_560 : memref<!tpu.dma_semaphore, #tpu.memory_space<semaphore_mem>>) {add = true}
    %dma_wait3A_561 = arith.constant 7 : i32
    %dma_wait3A_562 = arith.constant 7 : i32
    %dma_wait3A_563 = arith.constant 0 : i32
    %dma_wait3A_564 = arith.constant 0 : i32
    %dma_wait3A_565 = tpu.memref_slice %arg8[%dma_wait3A_561, %dma_wait3A_563, %dma_wait3A_564] : memref<8x80x16xf32, #tpu.memory_space<vmem>> -> memref<1x80x16xf32, #tpu.memory_space<vmem>>
    %dma_wait3A_566 = tpu.memref_squeeze %dma_wait3A_565 : memref<1x80x16xf32, #tpu.memory_space<vmem>> -> memref<80x16xf32, #tpu.memory_space<vmem>>
    %dma_wait3A_567 = arith.constant 0 : i32
    %dma_wait3A_568 = tpu.memref_slice %arg7[%dma_wait3A_567] : memref<10000xi32, #tpu.memory_space<vmem>> -> memref<80xi32, #tpu.memory_space<vmem>>
    %dma_wait3A_569 = arith.constant 0 : i32
    %dma_wait3A_570 = arith.constant 0 : i32
    %dma_wait3A_571 = tpu.memref_slice %arg10[%dma_wait3A_569, %dma_wait3A_570] : memref<10240x16xf32, #tpu.memory_space<vmem_shared>> -> memref<10240x16xf32, #tpu.memory_space<vmem_shared>>
    %dma_wait3A_572 = tpu.memref_slice %arg12[%dma_wait3A_562] : memref<8x!tpu.dma_semaphore, #tpu.memory_space<semaphore_mem>> -> memref<1x!tpu.dma_semaphore, #tpu.memory_space<semaphore_mem>>
    %dma_wait3A_573 = tpu.memref_squeeze %dma_wait3A_572 : memref<1x!tpu.dma_semaphore, #tpu.memory_space<semaphore_mem>> -> memref<!tpu.dma_semaphore, #tpu.memory_space<semaphore_mem>>
    tpu.wait_indirect_dma semaphore(%dma_wait3A_573 : memref<!tpu.dma_semaphore, #tpu.memory_space<semaphore_mem>>) src(%dma_wait3A_566 : memref<80x16xf32, #tpu.memory_space<vmem>>) dst(%dma_wait3A_571 : memref<10240x16xf32, #tpu.memory_space<vmem_shared>>)
    %dma_wait3A_574 = arith.constant 3 : i32
    %dma_wait3A_575 = arith.constant 3 : i32
    %dma_wait3A_576 = arith.constant 0 : i32
    %dma_wait3A_577 = arith.constant 0 : i32
    %dma_wait3A_578 = tpu.memref_slice %arg8[%dma_wait3A_574, %dma_wait3A_576, %dma_wait3A_577] : memref<8x80x16xf32, #tpu.memory_space<vmem>> -> memref<1x80x16xf32, #tpu.memory_space<vmem>>
    %dma_wait3A_579 = tpu.memref_squeeze %dma_wait3A_578 : memref<1x80x16xf32, #tpu.memory_space<vmem>> -> memref<80x16xf32, #tpu.memory_space<vmem>>
    %dma_wait3A_580 = arith.constant 0 : i32
    %dma_wait3A_581 = tpu.memref_slice %arg6[%dma_wait3A_580] : memref<10000xi32, #tpu.memory_space<vmem>> -> memref<80xi32, #tpu.memory_space<vmem>>
    %dma_wait3A_582 = arith.constant 0 : i32
    %dma_wait3A_583 = arith.constant 0 : i32
    %dma_wait3A_584 = tpu.memref_slice %arg3[%dma_wait3A_582, %dma_wait3A_583] : memref<10240x16xf32, #tpu.memory_space<hbm>> -> memref<10240x16xf32, #tpu.memory_space<hbm>>
    %dma_wait3A_585 = tpu.memref_slice %arg11[%dma_wait3A_575] : memref<8x!tpu.dma_semaphore, #tpu.memory_space<semaphore_mem>> -> memref<1x!tpu.dma_semaphore, #tpu.memory_space<semaphore_mem>>
    %dma_wait3A_586 = tpu.memref_squeeze %dma_wait3A_585 : memref<1x!tpu.dma_semaphore, #tpu.memory_space<semaphore_mem>> -> memref<!tpu.dma_semaphore, #tpu.memory_space<semaphore_mem>>
    tpu.wait_indirect_dma semaphore(%dma_wait3A_586 : memref<!tpu.dma_semaphore, #tpu.memory_space<semaphore_mem>>) src(%dma_wait3A_584 : memref<10240x16xf32, #tpu.memory_space<hbm>>) dst(%dma_wait3A_579 : memref<80x16xf32, #tpu.memory_space<vmem>>)
    %dma_start3A_587 = arith.constant 3 : i32
    %dma_start3A_588 = arith.constant 3 : i32
    %dma_start3A_589 = arith.constant 0 : i32
    %dma_start3A_590 = arith.constant 0 : i32
    %dma_start3A_591 = tpu.memref_slice %arg8[%dma_start3A_587, %dma_start3A_589, %dma_start3A_590] : memref<8x80x16xf32, #tpu.memory_space<vmem>> -> memref<1x80x16xf32, #tpu.memory_space<vmem>>
    %dma_start3A_592 = tpu.memref_squeeze %dma_start3A_591 : memref<1x80x16xf32, #tpu.memory_space<vmem>> -> memref<80x16xf32, #tpu.memory_space<vmem>>
    %dma_start3A_593 = arith.constant 9840 : i32
    %dma_start3A_594 = tpu.memref_slice %arg7[%dma_start3A_593] : memref<10000xi32, #tpu.memory_space<vmem>> -> memref<80xi32, #tpu.memory_space<vmem>>
    %dma_start3A_595 = arith.constant 0 : i32
    %dma_start3A_596 = arith.constant 0 : i32
    %dma_start3A_597 = tpu.memref_slice %arg10[%dma_start3A_595, %dma_start3A_596] : memref<10240x16xf32, #tpu.memory_space<vmem_shared>> -> memref<10240x16xf32, #tpu.memory_space<vmem_shared>>
    %dma_start3A_598 = tpu.memref_slice %arg12[%dma_start3A_588] : memref<8x!tpu.dma_semaphore, #tpu.memory_space<semaphore_mem>> -> memref<1x!tpu.dma_semaphore, #tpu.memory_space<semaphore_mem>>
    %dma_start3A_599 = tpu.memref_squeeze %dma_start3A_598 : memref<1x!tpu.dma_semaphore, #tpu.memory_space<semaphore_mem>> -> memref<!tpu.dma_semaphore, #tpu.memory_space<semaphore_mem>>
    tpu.enqueue_indirect_dma source(%dma_start3A_592 : memref<80x16xf32, #tpu.memory_space<vmem>>) target(%dma_start3A_597 : memref<10240x16xf32, #tpu.memory_space<vmem_shared>>) offsets(%dma_start3A_594 : memref<80xi32, #tpu.memory_space<vmem>>) semaphore(%dma_start3A_599 : memref<!tpu.dma_semaphore, #tpu.memory_space<semaphore_mem>>) {add = true}
    %dma_wait3A_600 = arith.constant 0 : i32
    %dma_wait3A_601 = arith.constant 0 : i32
    %dma_wait3A_602 = arith.constant 0 : i32
    %dma_wait3A_603 = arith.constant 0 : i32
    %dma_wait3A_604 = tpu.memref_slice %arg8[%dma_wait3A_600, %dma_wait3A_602, %dma_wait3A_603] : memref<8x80x16xf32, #tpu.memory_space<vmem>> -> memref<1x80x16xf32, #tpu.memory_space<vmem>>
    %dma_wait3A_605 = tpu.memref_squeeze %dma_wait3A_604 : memref<1x80x16xf32, #tpu.memory_space<vmem>> -> memref<80x16xf32, #tpu.memory_space<vmem>>
    %dma_wait3A_606 = arith.constant 0 : i32
    %dma_wait3A_607 = tpu.memref_slice %arg7[%dma_wait3A_606] : memref<10000xi32, #tpu.memory_space<vmem>> -> memref<80xi32, #tpu.memory_space<vmem>>
    %dma_wait3A_608 = arith.constant 0 : i32
    %dma_wait3A_609 = arith.constant 0 : i32
    %dma_wait3A_610 = tpu.memref_slice %arg10[%dma_wait3A_608, %dma_wait3A_609] : memref<10240x16xf32, #tpu.memory_space<vmem_shared>> -> memref<10240x16xf32, #tpu.memory_space<vmem_shared>>
    %dma_wait3A_611 = tpu.memref_slice %arg12[%dma_wait3A_601] : memref<8x!tpu.dma_semaphore, #tpu.memory_space<semaphore_mem>> -> memref<1x!tpu.dma_semaphore, #tpu.memory_space<semaphore_mem>>
    %dma_wait3A_612 = tpu.memref_squeeze %dma_wait3A_611 : memref<1x!tpu.dma_semaphore, #tpu.memory_space<semaphore_mem>> -> memref<!tpu.dma_semaphore, #tpu.memory_space<semaphore_mem>>
    tpu.wait_indirect_dma semaphore(%dma_wait3A_612 : memref<!tpu.dma_semaphore, #tpu.memory_space<semaphore_mem>>) src(%dma_wait3A_605 : memref<80x16xf32, #tpu.memory_space<vmem>>) dst(%dma_wait3A_610 : memref<10240x16xf32, #tpu.memory_space<vmem_shared>>)
    %dma_wait3A_613 = arith.constant 4 : i32
    %dma_wait3A_614 = arith.constant 4 : i32
    %dma_wait3A_615 = arith.constant 0 : i32
    %dma_wait3A_616 = arith.constant 0 : i32
    %dma_wait3A_617 = tpu.memref_slice %arg8[%dma_wait3A_613, %dma_wait3A_615, %dma_wait3A_616] : memref<8x80x16xf32, #tpu.memory_space<vmem>> -> memref<1x80x16xf32, #tpu.memory_space<vmem>>
    %dma_wait3A_618 = tpu.memref_squeeze %dma_wait3A_617 : memref<1x80x16xf32, #tpu.memory_space<vmem>> -> memref<80x16xf32, #tpu.memory_space<vmem>>
    %dma_wait3A_619 = arith.constant 0 : i32
    %dma_wait3A_620 = tpu.memref_slice %arg6[%dma_wait3A_619] : memref<10000xi32, #tpu.memory_space<vmem>> -> memref<80xi32, #tpu.memory_space<vmem>>
    %dma_wait3A_621 = arith.constant 0 : i32
    %dma_wait3A_622 = arith.constant 0 : i32
    %dma_wait3A_623 = tpu.memref_slice %arg3[%dma_wait3A_621, %dma_wait3A_622] : memref<10240x16xf32, #tpu.memory_space<hbm>> -> memref<10240x16xf32, #tpu.memory_space<hbm>>
    %dma_wait3A_624 = tpu.memref_slice %arg11[%dma_wait3A_614] : memref<8x!tpu.dma_semaphore, #tpu.memory_space<semaphore_mem>> -> memref<1x!tpu.dma_semaphore, #tpu.memory_space<semaphore_mem>>
    %dma_wait3A_625 = tpu.memref_squeeze %dma_wait3A_624 : memref<1x!tpu.dma_semaphore, #tpu.memory_space<semaphore_mem>> -> memref<!tpu.dma_semaphore, #tpu.memory_space<semaphore_mem>>
    tpu.wait_indirect_dma semaphore(%dma_wait3A_625 : memref<!tpu.dma_semaphore, #tpu.memory_space<semaphore_mem>>) src(%dma_wait3A_623 : memref<10240x16xf32, #tpu.memory_space<hbm>>) dst(%dma_wait3A_618 : memref<80x16xf32, #tpu.memory_space<vmem>>)
    %dma_start3A_626 = arith.constant 4 : i32
    %dma_start3A_627 = arith.constant 4 : i32
    %dma_start3A_628 = arith.constant 0 : i32
    %dma_start3A_629 = arith.constant 0 : i32
    %dma_start3A_630 = tpu.memref_slice %arg8[%dma_start3A_626, %dma_start3A_628, %dma_start3A_629] : memref<8x80x16xf32, #tpu.memory_space<vmem>> -> memref<1x80x16xf32, #tpu.memory_space<vmem>>
    %dma_start3A_631 = tpu.memref_squeeze %dma_start3A_630 : memref<1x80x16xf32, #tpu.memory_space<vmem>> -> memref<80x16xf32, #tpu.memory_space<vmem>>
    %dma_start3A_632 = arith.constant 9920 : i32
    %dma_start3A_633 = tpu.memref_slice %arg7[%dma_start3A_632] : memref<10000xi32, #tpu.memory_space<vmem>> -> memref<80xi32, #tpu.memory_space<vmem>>
    %dma_start3A_634 = arith.constant 0 : i32
    %dma_start3A_635 = arith.constant 0 : i32
    %dma_start3A_636 = tpu.memref_slice %arg10[%dma_start3A_634, %dma_start3A_635] : memref<10240x16xf32, #tpu.memory_space<vmem_shared>> -> memref<10240x16xf32, #tpu.memory_space<vmem_shared>>
    %dma_start3A_637 = tpu.memref_slice %arg12[%dma_start3A_627] : memref<8x!tpu.dma_semaphore, #tpu.memory_space<semaphore_mem>> -> memref<1x!tpu.dma_semaphore, #tpu.memory_space<semaphore_mem>>
    %dma_start3A_638 = tpu.memref_squeeze %dma_start3A_637 : memref<1x!tpu.dma_semaphore, #tpu.memory_space<semaphore_mem>> -> memref<!tpu.dma_semaphore, #tpu.memory_space<semaphore_mem>>
    tpu.enqueue_indirect_dma source(%dma_start3A_631 : memref<80x16xf32, #tpu.memory_space<vmem>>) target(%dma_start3A_636 : memref<10240x16xf32, #tpu.memory_space<vmem_shared>>) offsets(%dma_start3A_633 : memref<80xi32, #tpu.memory_space<vmem>>) semaphore(%dma_start3A_638 : memref<!tpu.dma_semaphore, #tpu.memory_space<semaphore_mem>>) {add = true}
    %dma_wait3A_639 = arith.constant 1 : i32
    %dma_wait3A_640 = arith.constant 1 : i32
    %dma_wait3A_641 = arith.constant 0 : i32
    %dma_wait3A_642 = arith.constant 0 : i32
    %dma_wait3A_643 = tpu.memref_slice %arg8[%dma_wait3A_639, %dma_wait3A_641, %dma_wait3A_642] : memref<8x80x16xf32, #tpu.memory_space<vmem>> -> memref<1x80x16xf32, #tpu.memory_space<vmem>>
    %dma_wait3A_644 = tpu.memref_squeeze %dma_wait3A_643 : memref<1x80x16xf32, #tpu.memory_space<vmem>> -> memref<80x16xf32, #tpu.memory_space<vmem>>
    %dma_wait3A_645 = arith.constant 0 : i32
    %dma_wait3A_646 = tpu.memref_slice %arg7[%dma_wait3A_645] : memref<10000xi32, #tpu.memory_space<vmem>> -> memref<80xi32, #tpu.memory_space<vmem>>
    %dma_wait3A_647 = arith.constant 0 : i32
    %dma_wait3A_648 = arith.constant 0 : i32
    %dma_wait3A_649 = tpu.memref_slice %arg10[%dma_wait3A_647, %dma_wait3A_648] : memref<10240x16xf32, #tpu.memory_space<vmem_shared>> -> memref<10240x16xf32, #tpu.memory_space<vmem_shared>>
    %dma_wait3A_650 = tpu.memref_slice %arg12[%dma_wait3A_640] : memref<8x!tpu.dma_semaphore, #tpu.memory_space<semaphore_mem>> -> memref<1x!tpu.dma_semaphore, #tpu.memory_space<semaphore_mem>>
    %dma_wait3A_651 = tpu.memref_squeeze %dma_wait3A_650 : memref<1x!tpu.dma_semaphore, #tpu.memory_space<semaphore_mem>> -> memref<!tpu.dma_semaphore, #tpu.memory_space<semaphore_mem>>
    tpu.wait_indirect_dma semaphore(%dma_wait3A_651 : memref<!tpu.dma_semaphore, #tpu.memory_space<semaphore_mem>>) src(%dma_wait3A_644 : memref<80x16xf32, #tpu.memory_space<vmem>>) dst(%dma_wait3A_649 : memref<10240x16xf32, #tpu.memory_space<vmem_shared>>)
    %dma_wait3A_652 = arith.constant 2 : i32
    %dma_wait3A_653 = arith.constant 2 : i32
    %dma_wait3A_654 = arith.constant 0 : i32
    %dma_wait3A_655 = arith.constant 0 : i32
    %dma_wait3A_656 = tpu.memref_slice %arg8[%dma_wait3A_652, %dma_wait3A_654, %dma_wait3A_655] : memref<8x80x16xf32, #tpu.memory_space<vmem>> -> memref<1x80x16xf32, #tpu.memory_space<vmem>>
    %dma_wait3A_657 = tpu.memref_squeeze %dma_wait3A_656 : memref<1x80x16xf32, #tpu.memory_space<vmem>> -> memref<80x16xf32, #tpu.memory_space<vmem>>
    %dma_wait3A_658 = arith.constant 0 : i32
    %dma_wait3A_659 = tpu.memref_slice %arg7[%dma_wait3A_658] : memref<10000xi32, #tpu.memory_space<vmem>> -> memref<80xi32, #tpu.memory_space<vmem>>
    %dma_wait3A_660 = arith.constant 0 : i32
    %dma_wait3A_661 = arith.constant 0 : i32
    %dma_wait3A_662 = tpu.memref_slice %arg10[%dma_wait3A_660, %dma_wait3A_661] : memref<10240x16xf32, #tpu.memory_space<vmem_shared>> -> memref<10240x16xf32, #tpu.memory_space<vmem_shared>>
    %dma_wait3A_663 = tpu.memref_slice %arg12[%dma_wait3A_653] : memref<8x!tpu.dma_semaphore, #tpu.memory_space<semaphore_mem>> -> memref<1x!tpu.dma_semaphore, #tpu.memory_space<semaphore_mem>>
    %dma_wait3A_664 = tpu.memref_squeeze %dma_wait3A_663 : memref<1x!tpu.dma_semaphore, #tpu.memory_space<semaphore_mem>> -> memref<!tpu.dma_semaphore, #tpu.memory_space<semaphore_mem>>
    tpu.wait_indirect_dma semaphore(%dma_wait3A_664 : memref<!tpu.dma_semaphore, #tpu.memory_space<semaphore_mem>>) src(%dma_wait3A_657 : memref<80x16xf32, #tpu.memory_space<vmem>>) dst(%dma_wait3A_662 : memref<10240x16xf32, #tpu.memory_space<vmem_shared>>)
    %dma_wait3A_665 = arith.constant 3 : i32
    %dma_wait3A_666 = arith.constant 3 : i32
    %dma_wait3A_667 = arith.constant 0 : i32
    %dma_wait3A_668 = arith.constant 0 : i32
    %dma_wait3A_669 = tpu.memref_slice %arg8[%dma_wait3A_665, %dma_wait3A_667, %dma_wait3A_668] : memref<8x80x16xf32, #tpu.memory_space<vmem>> -> memref<1x80x16xf32, #tpu.memory_space<vmem>>
    %dma_wait3A_670 = tpu.memref_squeeze %dma_wait3A_669 : memref<1x80x16xf32, #tpu.memory_space<vmem>> -> memref<80x16xf32, #tpu.memory_space<vmem>>
    %dma_wait3A_671 = arith.constant 0 : i32
    %dma_wait3A_672 = tpu.memref_slice %arg7[%dma_wait3A_671] : memref<10000xi32, #tpu.memory_space<vmem>> -> memref<80xi32, #tpu.memory_space<vmem>>
    %dma_wait3A_673 = arith.constant 0 : i32
    %dma_wait3A_674 = arith.constant 0 : i32
    %dma_wait3A_675 = tpu.memref_slice %arg10[%dma_wait3A_673, %dma_wait3A_674] : memref<10240x16xf32, #tpu.memory_space<vmem_shared>> -> memref<10240x16xf32, #tpu.memory_space<vmem_shared>>
    %dma_wait3A_676 = tpu.memref_slice %arg12[%dma_wait3A_666] : memref<8x!tpu.dma_semaphore, #tpu.memory_space<semaphore_mem>> -> memref<1x!tpu.dma_semaphore, #tpu.memory_space<semaphore_mem>>
    %dma_wait3A_677 = tpu.memref_squeeze %dma_wait3A_676 : memref<1x!tpu.dma_semaphore, #tpu.memory_space<semaphore_mem>> -> memref<!tpu.dma_semaphore, #tpu.memory_space<semaphore_mem>>
    tpu.wait_indirect_dma semaphore(%dma_wait3A_677 : memref<!tpu.dma_semaphore, #tpu.memory_space<semaphore_mem>>) src(%dma_wait3A_670 : memref<80x16xf32, #tpu.memory_space<vmem>>) dst(%dma_wait3A_675 : memref<10240x16xf32, #tpu.memory_space<vmem_shared>>)
    %dma_wait3A_678 = arith.constant 4 : i32
    %dma_wait3A_679 = arith.constant 4 : i32
    %dma_wait3A_680 = arith.constant 0 : i32
    %dma_wait3A_681 = arith.constant 0 : i32
    %dma_wait3A_682 = tpu.memref_slice %arg8[%dma_wait3A_678, %dma_wait3A_680, %dma_wait3A_681] : memref<8x80x16xf32, #tpu.memory_space<vmem>> -> memref<1x80x16xf32, #tpu.memory_space<vmem>>
    %dma_wait3A_683 = tpu.memref_squeeze %dma_wait3A_682 : memref<1x80x16xf32, #tpu.memory_space<vmem>> -> memref<80x16xf32, #tpu.memory_space<vmem>>
    %dma_wait3A_684 = arith.constant 0 : i32
    %dma_wait3A_685 = tpu.memref_slice %arg7[%dma_wait3A_684] : memref<10000xi32, #tpu.memory_space<vmem>> -> memref<80xi32, #tpu.memory_space<vmem>>
    %dma_wait3A_686 = arith.constant 0 : i32
    %dma_wait3A_687 = arith.constant 0 : i32
    %dma_wait3A_688 = tpu.memref_slice %arg10[%dma_wait3A_686, %dma_wait3A_687] : memref<10240x16xf32, #tpu.memory_space<vmem_shared>> -> memref<10240x16xf32, #tpu.memory_space<vmem_shared>>
    %dma_wait3A_689 = tpu.memref_slice %arg12[%dma_wait3A_679] : memref<8x!tpu.dma_semaphore, #tpu.memory_space<semaphore_mem>> -> memref<1x!tpu.dma_semaphore, #tpu.memory_space<semaphore_mem>>
    %dma_wait3A_690 = tpu.memref_squeeze %dma_wait3A_689 : memref<1x!tpu.dma_semaphore, #tpu.memory_space<semaphore_mem>> -> memref<!tpu.dma_semaphore, #tpu.memory_space<semaphore_mem>>
    tpu.wait_indirect_dma semaphore(%dma_wait3A_690 : memref<!tpu.dma_semaphore, #tpu.memory_space<semaphore_mem>>) src(%dma_wait3A_683 : memref<80x16xf32, #tpu.memory_space<vmem>>) dst(%dma_wait3A_688 : memref<10240x16xf32, #tpu.memory_space<vmem_shared>>)
    %barrier3A_691 = arith.constant 0 : index
    tpu.barrier barrier_id(%barrier3A_691)
    "tpu.region"() ({
      %run_scoped3A_692 = tpu.sem_alloc : memref<!tpu.dma_semaphore, #tpu.memory_space<semaphore_mem>>
      %dma_start3A_693 = arith.constant 0 : i32
      %dma_start3A_694 = tpu.memref_slice %arg5[%arg0, %mul3A_2, %dma_start3A_693] : memref<2x10240x16xf32, #tpu.memory_space<hbm>> -> memref<1x640x16xf32, #tpu.memory_space<hbm>>
      %dma_start3A_695 = tpu.memref_squeeze %dma_start3A_694 : memref<1x640x16xf32, #tpu.memory_space<hbm>> -> memref<640x16xf32, #tpu.memory_space<hbm>>
      %dma_start3A_696 = arith.constant 0 : i32
      %dma_start3A_697 = tpu.memref_slice %arg10[%mul3A_2, %dma_start3A_696] : memref<10240x16xf32, #tpu.memory_space<vmem_shared>> -> memref<640x16xf32, #tpu.memory_space<vmem_shared>>
      tpu.enqueue_dma source(%dma_start3A_697 : memref<640x16xf32, #tpu.memory_space<vmem_shared>>) target(%dma_start3A_695 : memref<640x16xf32, #tpu.memory_space<hbm>>) target_semaphore(%run_scoped3A_692 : memref<!tpu.dma_semaphore, #tpu.memory_space<semaphore_mem>>)
      %dma_wait3A_698 = arith.constant 0 : i32
      %dma_wait3A_699 = tpu.memref_slice %arg5[%arg0, %mul3A_2, %dma_wait3A_698] : memref<2x10240x16xf32, #tpu.memory_space<hbm>> -> memref<1x640x16xf32, #tpu.memory_space<hbm>>
      %dma_wait3A_700 = tpu.memref_squeeze %dma_wait3A_699 : memref<1x640x16xf32, #tpu.memory_space<hbm>> -> memref<640x16xf32, #tpu.memory_space<hbm>>
      %dma_wait3A_701 = arith.constant 0 : i32
      %dma_wait3A_702 = tpu.memref_slice %arg10[%mul3A_2, %dma_wait3A_701] : memref<10240x16xf32, #tpu.memory_space<vmem_shared>> -> memref<640x16xf32, #tpu.memory_space<vmem_shared>>
      tpu.wait_dma2 semaphore(%run_scoped3A_692 : memref<!tpu.dma_semaphore, #tpu.memory_space<semaphore_mem>>) src(%dma_wait3A_702 : memref<640x16xf32, #tpu.memory_space<vmem_shared>>) dst(%dma_wait3A_700 : memref<640x16xf32, #tpu.memory_space<hbm>>)
      tpu.yield
    }) : () -> ()
    return
  }
}

#map = affine_map<(d0, d1) -> (0, 0)>
#map1 = affine_map<(d0, d1) -> (0, 0, 0)>
module attributes {stable_mosaic.version = 14 : i64} {
  func.func @_prop_kernel(%arg0: i32, %arg1: i32, %arg2: memref<2x320000xi32, #tpu.memory_space<hbm>>, %arg3: memref<10240x16xf32, #tpu.memory_space<hbm>>, %arg4: memref<10240x16xf32, #tpu.memory_space<hbm>>, %arg5: memref<2x10240x16xf32, #tpu.memory_space<hbm>>, %arg6: memref<10000xi32, #tpu.memory_space<vmem>>, %arg7: memref<10000xi32, #tpu.memory_space<vmem>>, %arg8: memref<8x80x16xf32, #tpu.memory_space<vmem>>, %arg9: memref<640x16xf32, #tpu.memory_space<vmem>>, %arg10: memref<10240x16xf32, #tpu.memory_space<vmem_shared>>, %arg11: memref<8x!tpu.dma_semaphore, #tpu.memory_space<semaphore_mem>>, %arg12: memref<8x!tpu.dma_semaphore, #tpu.memory_space<semaphore_mem>>) attributes {dimension_semantics = [#tpu.dimension_semantics<core_parallel>, #tpu.dimension_semantics<subcore_parallel>], iteration_bounds = array<i64: 2, 16>, scalar_prefetch = 0 : i64, scratch_operands = 7 : i64, tpu.core_type = #tpu.core_type<sc_vector_subcore>, window_params = [{transform_indices = #map}, {transform_indices = #map}, {transform_indices = #map}, {transform_indices = #map1}]} {
    %mul3A = arith.constant 16 : i32
    %mul3A_0 = arith.muli %arg0, %mul3A : i32
    %add3A = arith.addi %mul3A_0, %arg1 : i32
    %mul3A_1 = arith.constant 640 : i32
    %mul3A_2 = arith.muli %arg1, %mul3A_1 : i32
    "tpu.region"() ({
      %run_scoped3A_692 = tpu.sem_alloc : memref<!tpu.dma_semaphore, #tpu.memory_space<semaphore_mem>>
      %dma_start3A_693 = arith.constant 0 : i32
      %dma_start3A_694 = tpu.memref_slice %arg4[%mul3A_2, %dma_start3A_693] : memref<10240x16xf32, #tpu.memory_space<hbm>> -> memref<640x16xf32, #tpu.memory_space<hbm>>
      %dma_start3A_695 = arith.constant 0 : i32
      %dma_start3A_696 = tpu.memref_slice %arg4[%mul3A_2, %dma_start3A_695] : memref<10240x16xf32, #tpu.memory_space<hbm>> -> memref<640x16xf32, #tpu.memory_space<hbm>>
      tpu.enqueue_dma source(%dma_start3A_696 : memref<640x16xf32, #tpu.memory_space<hbm>>) target(%arg9 : memref<640x16xf32, #tpu.memory_space<vmem>>) target_semaphore(%run_scoped3A_692 : memref<!tpu.dma_semaphore, #tpu.memory_space<semaphore_mem>>)
      %dma_wait3A_697 = arith.constant 0 : i32
      %dma_wait3A_698 = tpu.memref_slice %arg4[%mul3A_2, %dma_wait3A_697] : memref<10240x16xf32, #tpu.memory_space<hbm>> -> memref<640x16xf32, #tpu.memory_space<hbm>>
      %dma_wait3A_699 = arith.constant 0 : i32
      %dma_wait3A_700 = tpu.memref_slice %arg4[%mul3A_2, %dma_wait3A_699] : memref<10240x16xf32, #tpu.memory_space<hbm>> -> memref<640x16xf32, #tpu.memory_space<hbm>>
      tpu.wait_dma2 semaphore(%run_scoped3A_692 : memref<!tpu.dma_semaphore, #tpu.memory_space<semaphore_mem>>) src(%dma_wait3A_700 : memref<640x16xf32, #tpu.memory_space<hbm>>) dst(%arg9 : memref<640x16xf32, #tpu.memory_space<vmem>>)
      tpu.yield
    }) : () -> ()
    "tpu.region"() ({
      %run_scoped3A_692 = tpu.sem_alloc : memref<!tpu.dma_semaphore, #tpu.memory_space<semaphore_mem>>
      %dma_start3A_693 = arith.constant 0 : i32
      %dma_start3A_694 = tpu.memref_slice %arg10[%mul3A_2, %dma_start3A_693] : memref<10240x16xf32, #tpu.memory_space<vmem_shared>> -> memref<640x16xf32, #tpu.memory_space<vmem_shared>>
      %dma_start3A_695 = arith.constant 0 : i32
      %dma_start3A_696 = tpu.memref_slice %arg10[%mul3A_2, %dma_start3A_695] : memref<10240x16xf32, #tpu.memory_space<vmem_shared>> -> memref<640x16xf32, #tpu.memory_space<vmem_shared>>
      tpu.enqueue_dma source(%arg9 : memref<640x16xf32, #tpu.memory_space<vmem>>) target(%dma_start3A_696 : memref<640x16xf32, #tpu.memory_space<vmem_shared>>) target_semaphore(%run_scoped3A_692 : memref<!tpu.dma_semaphore, #tpu.memory_space<semaphore_mem>>)
      %dma_wait3A_697 = arith.constant 0 : i32
      %dma_wait3A_698 = tpu.memref_slice %arg10[%mul3A_2, %dma_wait3A_697] : memref<10240x16xf32, #tpu.memory_space<vmem_shared>> -> memref<640x16xf32, #tpu.memory_space<vmem_shared>>
      %dma_wait3A_699 = arith.constant 0 : i32
      %dma_wait3A_700 = tpu.memref_slice %arg10[%mul3A_2, %dma_wait3A_699] : memref<10240x16xf32, #tpu.memory_space<vmem_shared>> -> memref<640x16xf32, #tpu.memory_space<vmem_shared>>
      tpu.wait_dma2 semaphore(%run_scoped3A_692 : memref<!tpu.dma_semaphore, #tpu.memory_space<semaphore_mem>>) src(%arg9 : memref<640x16xf32, #tpu.memory_space<vmem>>) dst(%dma_wait3A_700 : memref<640x16xf32, #tpu.memory_space<vmem_shared>>)
      tpu.yield
    }) : () -> ()
    %mul3A_3 = arith.constant 125 : i32
    %mul3A_4 = arith.muli %add3A, %mul3A_3 : i32
    %mul3A_5 = arith.constant 80 : i32
    %mul3A_6 = arith.muli %mul3A_4, %mul3A_5 : i32
    %run_scoped3A = arith.constant 0 : i32
    "tpu.region"() ({
      %run_scoped3A_692 = tpu.sem_alloc : memref<!tpu.dma_semaphore, #tpu.memory_space<semaphore_mem>>
      %dma_start3A_693 = tpu.memref_slice %arg2[%run_scoped3A, %mul3A_6] : memref<2x320000xi32, #tpu.memory_space<hbm>> -> memref<1x10000xi32, #tpu.memory_space<hbm>>
      %dma_start3A_694 = tpu.memref_squeeze %dma_start3A_693 : memref<1x10000xi32, #tpu.memory_space<hbm>> -> memref<10000xi32, #tpu.memory_space<hbm>>
      %dma_start3A_695 = tpu.memref_slice %arg2[%run_scoped3A, %mul3A_6] : memref<2x320000xi32, #tpu.memory_space<hbm>> -> memref<1x10000xi32, #tpu.memory_space<hbm>>
      %dma_start3A_696 = tpu.memref_squeeze %dma_start3A_695 : memref<1x10000xi32, #tpu.memory_space<hbm>> -> memref<10000xi32, #tpu.memory_space<hbm>>
      tpu.enqueue_dma source(%dma_start3A_696 : memref<10000xi32, #tpu.memory_space<hbm>>) target(%arg6 : memref<10000xi32, #tpu.memory_space<vmem>>) target_semaphore(%run_scoped3A_692 : memref<!tpu.dma_semaphore, #tpu.memory_space<semaphore_mem>>)
      %dma_wait3A_697 = tpu.memref_slice %arg2[%run_scoped3A, %mul3A_6] : memref<2x320000xi32, #tpu.memory_space<hbm>> -> memref<1x10000xi32, #tpu.memory_space<hbm>>
      %dma_wait3A_698 = tpu.memref_squeeze %dma_wait3A_697 : memref<1x10000xi32, #tpu.memory_space<hbm>> -> memref<10000xi32, #tpu.memory_space<hbm>>
      %dma_wait3A_699 = tpu.memref_slice %arg2[%run_scoped3A, %mul3A_6] : memref<2x320000xi32, #tpu.memory_space<hbm>> -> memref<1x10000xi32, #tpu.memory_space<hbm>>
      %dma_wait3A_700 = tpu.memref_squeeze %dma_wait3A_699 : memref<1x10000xi32, #tpu.memory_space<hbm>> -> memref<10000xi32, #tpu.memory_space<hbm>>
      tpu.wait_dma2 semaphore(%run_scoped3A_692 : memref<!tpu.dma_semaphore, #tpu.memory_space<semaphore_mem>>) src(%dma_wait3A_700 : memref<10000xi32, #tpu.memory_space<hbm>>) dst(%arg6 : memref<10000xi32, #tpu.memory_space<vmem>>)
      tpu.yield
    }) : () -> ()
    %mul3A_7 = arith.constant 125 : i32
    %mul3A_8 = arith.muli %add3A, %mul3A_7 : i32
    %mul3A_9 = arith.constant 80 : i32
    %mul3A_10 = arith.muli %mul3A_8, %mul3A_9 : i32
    %run_scoped3A_11 = arith.constant 1 : i32
    "tpu.region"() ({
      %run_scoped3A_692 = tpu.sem_alloc : memref<!tpu.dma_semaphore, #tpu.memory_space<semaphore_mem>>
      %dma_start3A_693 = tpu.memref_slice %arg2[%run_scoped3A_11, %mul3A_10] : memref<2x320000xi32, #tpu.memory_space<hbm>> -> memref<1x10000xi32, #tpu.memory_space<hbm>>
      %dma_start3A_694 = tpu.memref_squeeze %dma_start3A_693 : memref<1x10000xi32, #tpu.memory_space<hbm>> -> memref<10000xi32, #tpu.memory_space<hbm>>
      %dma_start3A_695 = tpu.memref_slice %arg2[%run_scoped3A_11, %mul3A_10] : memref<2x320000xi32, #tpu.memory_space<hbm>> -> memref<1x10000xi32, #tpu.memory_space<hbm>>
      %dma_start3A_696 = tpu.memref_squeeze %dma_start3A_695 : memref<1x10000xi32, #tpu.memory_space<hbm>> -> memref<10000xi32, #tpu.memory_space<hbm>>
      tpu.enqueue_dma source(%dma_start3A_696 : memref<10000xi32, #tpu.memory_space<hbm>>) target(%arg7 : memref<10000xi32, #tpu.memory_space<vmem>>) target_semaphore(%run_scoped3A_692 : memref<!tpu.dma_semaphore, #tpu.memory_space<semaphore_mem>>)
      %dma_wait3A_697 = tpu.memref_slice %arg2[%run_scoped3A_11, %mul3A_10] : memref<2x320000xi32, #tpu.memory_space<hbm>> -> memref<1x10000xi32, #tpu.memory_space<hbm>>
      %dma_wait3A_698 = tpu.memref_squeeze %dma_wait3A_697 : memref<1x10000xi32, #tpu.memory_space<hbm>> -> memref<10000xi32, #tpu.memory_space<hbm>>
      %dma_wait3A_699 = tpu.memref_slice %arg2[%run_scoped3A_11, %mul3A_10] : memref<2x320000xi32, #tpu.memory_space<hbm>> -> memref<1x10000xi32, #tpu.memory_space<hbm>>
      %dma_wait3A_700 = tpu.memref_squeeze %dma_wait3A_699 : memref<1x10000xi32, #tpu.memory_space<hbm>> -> memref<10000xi32, #tpu.memory_space<hbm>>
      tpu.wait_dma2 semaphore(%run_scoped3A_692 : memref<!tpu.dma_semaphore, #tpu.memory_space<semaphore_mem>>) src(%dma_wait3A_700 : memref<10000xi32, #tpu.memory_space<hbm>>) dst(%arg7 : memref<10000xi32, #tpu.memory_space<vmem>>)
      tpu.yield
    }) : () -> ()
    %barrier3A = arith.constant 0 : index
    tpu.barrier barrier_id(%barrier3A)
    %dma_start3A = arith.constant 0 : i32
    %dma_start3A_12 = arith.constant 0 : i32
    %dma_start3A_13 = arith.constant 0 : i32
    %dma_start3A_14 = arith.constant 0 : i32
    %dma_start3A_15 = tpu.memref_slice %arg8[%dma_start3A, %dma_start3A_13, %dma_start3A_14] : memref<8x80x16xf32, #tpu.memory_space<vmem>> -> memref<1x80x16xf32, #tpu.memory_space<vmem>>
    %dma_start3A_16 = tpu.memref_squeeze %dma_start3A_15 : memref<1x80x16xf32, #tpu.memory_space<vmem>> -> memref<80x16xf32, #tpu.memory_space<vmem>>
    %dma_start3A_17 = arith.constant 0 : i32
    %dma_start3A_18 = tpu.memref_slice %arg6[%dma_start3A_17] : memref<10000xi32, #tpu.memory_space<vmem>> -> memref<80xi32, #tpu.memory_space<vmem>>
    %dma_start3A_19 = arith.constant 0 : i32
    %dma_start3A_20 = arith.constant 0 : i32
    %dma_start3A_21 = tpu.memref_slice %arg3[%dma_start3A_19, %dma_start3A_20] : memref<10240x16xf32, #tpu.memory_space<hbm>> -> memref<10240x16xf32, #tpu.memory_space<hbm>>
    %dma_start3A_22 = tpu.memref_slice %arg11[%dma_start3A_12] : memref<8x!tpu.dma_semaphore, #tpu.memory_space<semaphore_mem>> -> memref<1x!tpu.dma_semaphore, #tpu.memory_space<semaphore_mem>>
    %dma_start3A_23 = tpu.memref_squeeze %dma_start3A_22 : memref<1x!tpu.dma_semaphore, #tpu.memory_space<semaphore_mem>> -> memref<!tpu.dma_semaphore, #tpu.memory_space<semaphore_mem>>
    tpu.enqueue_indirect_dma source(%dma_start3A_21 : memref<10240x16xf32, #tpu.memory_space<hbm>>) target(%dma_start3A_16 : memref<80x16xf32, #tpu.memory_space<vmem>>) offsets(%dma_start3A_18 : memref<80xi32, #tpu.memory_space<vmem>>) semaphore(%dma_start3A_23 : memref<!tpu.dma_semaphore, #tpu.memory_space<semaphore_mem>>)
    %dma_start3A_24 = arith.constant 1 : i32
    %dma_start3A_25 = arith.constant 1 : i32
    %dma_start3A_26 = arith.constant 0 : i32
    %dma_start3A_27 = arith.constant 0 : i32
    %dma_start3A_28 = tpu.memref_slice %arg8[%dma_start3A_24, %dma_start3A_26, %dma_start3A_27] : memref<8x80x16xf32, #tpu.memory_space<vmem>> -> memref<1x80x16xf32, #tpu.memory_space<vmem>>
    %dma_start3A_29 = tpu.memref_squeeze %dma_start3A_28 : memref<1x80x16xf32, #tpu.memory_space<vmem>> -> memref<80x16xf32, #tpu.memory_space<vmem>>
    %dma_start3A_30 = arith.constant 80 : i32
    %dma_start3A_31 = tpu.memref_slice %arg6[%dma_start3A_30] : memref<10000xi32, #tpu.memory_space<vmem>> -> memref<80xi32, #tpu.memory_space<vmem>>
    %dma_start3A_32 = arith.constant 0 : i32
    %dma_start3A_33 = arith.constant 0 : i32
    %dma_start3A_34 = tpu.memref_slice %arg3[%dma_start3A_32, %dma_start3A_33] : memref<10240x16xf32, #tpu.memory_space<hbm>> -> memref<10240x16xf32, #tpu.memory_space<hbm>>
    %dma_start3A_35 = tpu.memref_slice %arg11[%dma_start3A_25] : memref<8x!tpu.dma_semaphore, #tpu.memory_space<semaphore_mem>> -> memref<1x!tpu.dma_semaphore, #tpu.memory_space<semaphore_mem>>
    %dma_start3A_36 = tpu.memref_squeeze %dma_start3A_35 : memref<1x!tpu.dma_semaphore, #tpu.memory_space<semaphore_mem>> -> memref<!tpu.dma_semaphore, #tpu.memory_space<semaphore_mem>>
    tpu.enqueue_indirect_dma source(%dma_start3A_34 : memref<10240x16xf32, #tpu.memory_space<hbm>>) target(%dma_start3A_29 : memref<80x16xf32, #tpu.memory_space<vmem>>) offsets(%dma_start3A_31 : memref<80xi32, #tpu.memory_space<vmem>>) semaphore(%dma_start3A_36 : memref<!tpu.dma_semaphore, #tpu.memory_space<semaphore_mem>>)
    %dma_start3A_37 = arith.constant 2 : i32
    %dma_start3A_38 = arith.constant 2 : i32
    %dma_start3A_39 = arith.constant 0 : i32
    %dma_start3A_40 = arith.constant 0 : i32
    %dma_start3A_41 = tpu.memref_slice %arg8[%dma_start3A_37, %dma_start3A_39, %dma_start3A_40] : memref<8x80x16xf32, #tpu.memory_space<vmem>> -> memref<1x80x16xf32, #tpu.memory_space<vmem>>
    %dma_start3A_42 = tpu.memref_squeeze %dma_start3A_41 : memref<1x80x16xf32, #tpu.memory_space<vmem>> -> memref<80x16xf32, #tpu.memory_space<vmem>>
    %dma_start3A_43 = arith.constant 160 : i32
    %dma_start3A_44 = tpu.memref_slice %arg6[%dma_start3A_43] : memref<10000xi32, #tpu.memory_space<vmem>> -> memref<80xi32, #tpu.memory_space<vmem>>
    %dma_start3A_45 = arith.constant 0 : i32
    %dma_start3A_46 = arith.constant 0 : i32
    %dma_start3A_47 = tpu.memref_slice %arg3[%dma_start3A_45, %dma_start3A_46] : memref<10240x16xf32, #tpu.memory_space<hbm>> -> memref<10240x16xf32, #tpu.memory_space<hbm>>
    %dma_start3A_48 = tpu.memref_slice %arg11[%dma_start3A_38] : memref<8x!tpu.dma_semaphore, #tpu.memory_space<semaphore_mem>> -> memref<1x!tpu.dma_semaphore, #tpu.memory_space<semaphore_mem>>
    %dma_start3A_49 = tpu.memref_squeeze %dma_start3A_48 : memref<1x!tpu.dma_semaphore, #tpu.memory_space<semaphore_mem>> -> memref<!tpu.dma_semaphore, #tpu.memory_space<semaphore_mem>>
    tpu.enqueue_indirect_dma source(%dma_start3A_47 : memref<10240x16xf32, #tpu.memory_space<hbm>>) target(%dma_start3A_42 : memref<80x16xf32, #tpu.memory_space<vmem>>) offsets(%dma_start3A_44 : memref<80xi32, #tpu.memory_space<vmem>>) semaphore(%dma_start3A_49 : memref<!tpu.dma_semaphore, #tpu.memory_space<semaphore_mem>>)
    %dma_start3A_50 = arith.constant 3 : i32
    %dma_start3A_51 = arith.constant 3 : i32
    %dma_start3A_52 = arith.constant 0 : i32
    %dma_start3A_53 = arith.constant 0 : i32
    %dma_start3A_54 = tpu.memref_slice %arg8[%dma_start3A_50, %dma_start3A_52, %dma_start3A_53] : memref<8x80x16xf32, #tpu.memory_space<vmem>> -> memref<1x80x16xf32, #tpu.memory_space<vmem>>
    %dma_start3A_55 = tpu.memref_squeeze %dma_start3A_54 : memref<1x80x16xf32, #tpu.memory_space<vmem>> -> memref<80x16xf32, #tpu.memory_space<vmem>>
    %dma_start3A_56 = arith.constant 240 : i32
    %dma_start3A_57 = tpu.memref_slice %arg6[%dma_start3A_56] : memref<10000xi32, #tpu.memory_space<vmem>> -> memref<80xi32, #tpu.memory_space<vmem>>
    %dma_start3A_58 = arith.constant 0 : i32
    %dma_start3A_59 = arith.constant 0 : i32
    %dma_start3A_60 = tpu.memref_slice %arg3[%dma_start3A_58, %dma_start3A_59] : memref<10240x16xf32, #tpu.memory_space<hbm>> -> memref<10240x16xf32, #tpu.memory_space<hbm>>
    %dma_start3A_61 = tpu.memref_slice %arg11[%dma_start3A_51] : memref<8x!tpu.dma_semaphore, #tpu.memory_space<semaphore_mem>> -> memref<1x!tpu.dma_semaphore, #tpu.memory_space<semaphore_mem>>
    %dma_start3A_62 = tpu.memref_squeeze %dma_start3A_61 : memref<1x!tpu.dma_semaphore, #tpu.memory_space<semaphore_mem>> -> memref<!tpu.dma_semaphore, #tpu.memory_space<semaphore_mem>>
    tpu.enqueue_indirect_dma source(%dma_start3A_60 : memref<10240x16xf32, #tpu.memory_space<hbm>>) target(%dma_start3A_55 : memref<80x16xf32, #tpu.memory_space<vmem>>) offsets(%dma_start3A_57 : memref<80xi32, #tpu.memory_space<vmem>>) semaphore(%dma_start3A_62 : memref<!tpu.dma_semaphore, #tpu.memory_space<semaphore_mem>>)
    %dma_start3A_63 = arith.constant 4 : i32
    %dma_start3A_64 = arith.constant 4 : i32
    %dma_start3A_65 = arith.constant 0 : i32
    %dma_start3A_66 = arith.constant 0 : i32
    %dma_start3A_67 = tpu.memref_slice %arg8[%dma_start3A_63, %dma_start3A_65, %dma_start3A_66] : memref<8x80x16xf32, #tpu.memory_space<vmem>> -> memref<1x80x16xf32, #tpu.memory_space<vmem>>
    %dma_start3A_68 = tpu.memref_squeeze %dma_start3A_67 : memref<1x80x16xf32, #tpu.memory_space<vmem>> -> memref<80x16xf32, #tpu.memory_space<vmem>>
    %dma_start3A_69 = arith.constant 320 : i32
    %dma_start3A_70 = tpu.memref_slice %arg6[%dma_start3A_69] : memref<10000xi32, #tpu.memory_space<vmem>> -> memref<80xi32, #tpu.memory_space<vmem>>
    %dma_start3A_71 = arith.constant 0 : i32
    %dma_start3A_72 = arith.constant 0 : i32
    %dma_start3A_73 = tpu.memref_slice %arg3[%dma_start3A_71, %dma_start3A_72] : memref<10240x16xf32, #tpu.memory_space<hbm>> -> memref<10240x16xf32, #tpu.memory_space<hbm>>
    %dma_start3A_74 = tpu.memref_slice %arg11[%dma_start3A_64] : memref<8x!tpu.dma_semaphore, #tpu.memory_space<semaphore_mem>> -> memref<1x!tpu.dma_semaphore, #tpu.memory_space<semaphore_mem>>
    %dma_start3A_75 = tpu.memref_squeeze %dma_start3A_74 : memref<1x!tpu.dma_semaphore, #tpu.memory_space<semaphore_mem>> -> memref<!tpu.dma_semaphore, #tpu.memory_space<semaphore_mem>>
    tpu.enqueue_indirect_dma source(%dma_start3A_73 : memref<10240x16xf32, #tpu.memory_space<hbm>>) target(%dma_start3A_68 : memref<80x16xf32, #tpu.memory_space<vmem>>) offsets(%dma_start3A_70 : memref<80xi32, #tpu.memory_space<vmem>>) semaphore(%dma_start3A_75 : memref<!tpu.dma_semaphore, #tpu.memory_space<semaphore_mem>>)
    %dma_wait3A = arith.constant 0 : i32
    %dma_wait3A_76 = arith.constant 0 : i32
    %dma_wait3A_77 = arith.constant 0 : i32
    %dma_wait3A_78 = arith.constant 0 : i32
    %dma_wait3A_79 = tpu.memref_slice %arg8[%dma_wait3A, %dma_wait3A_77, %dma_wait3A_78] : memref<8x80x16xf32, #tpu.memory_space<vmem>> -> memref<1x80x16xf32, #tpu.memory_space<vmem>>
    %dma_wait3A_80 = tpu.memref_squeeze %dma_wait3A_79 : memref<1x80x16xf32, #tpu.memory_space<vmem>> -> memref<80x16xf32, #tpu.memory_space<vmem>>
    %dma_wait3A_81 = arith.constant 0 : i32
    %dma_wait3A_82 = tpu.memref_slice %arg6[%dma_wait3A_81] : memref<10000xi32, #tpu.memory_space<vmem>> -> memref<80xi32, #tpu.memory_space<vmem>>
    %dma_wait3A_83 = arith.constant 0 : i32
    %dma_wait3A_84 = arith.constant 0 : i32
    %dma_wait3A_85 = tpu.memref_slice %arg3[%dma_wait3A_83, %dma_wait3A_84] : memref<10240x16xf32, #tpu.memory_space<hbm>> -> memref<10240x16xf32, #tpu.memory_space<hbm>>
    %dma_wait3A_86 = tpu.memref_slice %arg11[%dma_wait3A_76] : memref<8x!tpu.dma_semaphore, #tpu.memory_space<semaphore_mem>> -> memref<1x!tpu.dma_semaphore, #tpu.memory_space<semaphore_mem>>
    %dma_wait3A_87 = tpu.memref_squeeze %dma_wait3A_86 : memref<1x!tpu.dma_semaphore, #tpu.memory_space<semaphore_mem>> -> memref<!tpu.dma_semaphore, #tpu.memory_space<semaphore_mem>>
    tpu.wait_indirect_dma semaphore(%dma_wait3A_87 : memref<!tpu.dma_semaphore, #tpu.memory_space<semaphore_mem>>) src(%dma_wait3A_85 : memref<10240x16xf32, #tpu.memory_space<hbm>>) dst(%dma_wait3A_80 : memref<80x16xf32, #tpu.memory_space<vmem>>)
    %dma_start3A_88 = arith.constant 0 : i32
    %dma_start3A_89 = arith.constant 0 : i32
    %dma_start3A_90 = arith.constant 0 : i32
    %dma_start3A_91 = arith.constant 0 : i32
    %dma_start3A_92 = tpu.memref_slice %arg8[%dma_start3A_88, %dma_start3A_90, %dma_start3A_91] : memref<8x80x16xf32, #tpu.memory_space<vmem>> -> memref<1x80x16xf32, #tpu.memory_space<vmem>>
    %dma_start3A_93 = tpu.memref_squeeze %dma_start3A_92 : memref<1x80x16xf32, #tpu.memory_space<vmem>> -> memref<80x16xf32, #tpu.memory_space<vmem>>
    %dma_start3A_94 = arith.constant 0 : i32
    %dma_start3A_95 = tpu.memref_slice %arg7[%dma_start3A_94] : memref<10000xi32, #tpu.memory_space<vmem>> -> memref<80xi32, #tpu.memory_space<vmem>>
    %dma_start3A_96 = arith.constant 0 : i32
    %dma_start3A_97 = arith.constant 0 : i32
    %dma_start3A_98 = tpu.memref_slice %arg10[%dma_start3A_96, %dma_start3A_97] : memref<10240x16xf32, #tpu.memory_space<vmem_shared>> -> memref<10240x16xf32, #tpu.memory_space<vmem_shared>>
    %dma_start3A_99 = tpu.memref_slice %arg12[%dma_start3A_89] : memref<8x!tpu.dma_semaphore, #tpu.memory_space<semaphore_mem>> -> memref<1x!tpu.dma_semaphore, #tpu.memory_space<semaphore_mem>>
    %dma_start3A_100 = tpu.memref_squeeze %dma_start3A_99 : memref<1x!tpu.dma_semaphore, #tpu.memory_space<semaphore_mem>> -> memref<!tpu.dma_semaphore, #tpu.memory_space<semaphore_mem>>
    tpu.enqueue_indirect_dma source(%dma_start3A_93 : memref<80x16xf32, #tpu.memory_space<vmem>>) target(%dma_start3A_98 : memref<10240x16xf32, #tpu.memory_space<vmem_shared>>) offsets(%dma_start3A_95 : memref<80xi32, #tpu.memory_space<vmem>>) semaphore(%dma_start3A_100 : memref<!tpu.dma_semaphore, #tpu.memory_space<semaphore_mem>>) {add = true}
    %dma_start3A_101 = arith.constant 5 : i32
    %dma_start3A_102 = arith.constant 5 : i32
    %dma_start3A_103 = arith.constant 0 : i32
    %dma_start3A_104 = arith.constant 0 : i32
    %dma_start3A_105 = tpu.memref_slice %arg8[%dma_start3A_101, %dma_start3A_103, %dma_start3A_104] : memref<8x80x16xf32, #tpu.memory_space<vmem>> -> memref<1x80x16xf32, #tpu.memory_space<vmem>>
    %dma_start3A_106 = tpu.memref_squeeze %dma_start3A_105 : memref<1x80x16xf32, #tpu.memory_space<vmem>> -> memref<80x16xf32, #tpu.memory_space<vmem>>
    %dma_start3A_107 = arith.constant 400 : i32
    %dma_start3A_108 = tpu.memref_slice %arg6[%dma_start3A_107] : memref<10000xi32, #tpu.memory_space<vmem>> -> memref<80xi32, #tpu.memory_space<vmem>>
    %dma_start3A_109 = arith.constant 0 : i32
    %dma_start3A_110 = arith.constant 0 : i32
    %dma_start3A_111 = tpu.memref_slice %arg3[%dma_start3A_109, %dma_start3A_110] : memref<10240x16xf32, #tpu.memory_space<hbm>> -> memref<10240x16xf32, #tpu.memory_space<hbm>>
    %dma_start3A_112 = tpu.memref_slice %arg11[%dma_start3A_102] : memref<8x!tpu.dma_semaphore, #tpu.memory_space<semaphore_mem>> -> memref<1x!tpu.dma_semaphore, #tpu.memory_space<semaphore_mem>>
    %dma_start3A_113 = tpu.memref_squeeze %dma_start3A_112 : memref<1x!tpu.dma_semaphore, #tpu.memory_space<semaphore_mem>> -> memref<!tpu.dma_semaphore, #tpu.memory_space<semaphore_mem>>
    tpu.enqueue_indirect_dma source(%dma_start3A_111 : memref<10240x16xf32, #tpu.memory_space<hbm>>) target(%dma_start3A_106 : memref<80x16xf32, #tpu.memory_space<vmem>>) offsets(%dma_start3A_108 : memref<80xi32, #tpu.memory_space<vmem>>) semaphore(%dma_start3A_113 : memref<!tpu.dma_semaphore, #tpu.memory_space<semaphore_mem>>)
    %dma_wait3A_114 = arith.constant 1 : i32
    %dma_wait3A_115 = arith.constant 1 : i32
    %dma_wait3A_116 = arith.constant 0 : i32
    %dma_wait3A_117 = arith.constant 0 : i32
    %dma_wait3A_118 = tpu.memref_slice %arg8[%dma_wait3A_114, %dma_wait3A_116, %dma_wait3A_117] : memref<8x80x16xf32, #tpu.memory_space<vmem>> -> memref<1x80x16xf32, #tpu.memory_space<vmem>>
    %dma_wait3A_119 = tpu.memref_squeeze %dma_wait3A_118 : memref<1x80x16xf32, #tpu.memory_space<vmem>> -> memref<80x16xf32, #tpu.memory_space<vmem>>
    %dma_wait3A_120 = arith.constant 0 : i32
    %dma_wait3A_121 = tpu.memref_slice %arg6[%dma_wait3A_120] : memref<10000xi32, #tpu.memory_space<vmem>> -> memref<80xi32, #tpu.memory_space<vmem>>
    %dma_wait3A_122 = arith.constant 0 : i32
    %dma_wait3A_123 = arith.constant 0 : i32
    %dma_wait3A_124 = tpu.memref_slice %arg3[%dma_wait3A_122, %dma_wait3A_123] : memref<10240x16xf32, #tpu.memory_space<hbm>> -> memref<10240x16xf32, #tpu.memory_space<hbm>>
    %dma_wait3A_125 = tpu.memref_slice %arg11[%dma_wait3A_115] : memref<8x!tpu.dma_semaphore, #tpu.memory_space<semaphore_mem>> -> memref<1x!tpu.dma_semaphore, #tpu.memory_space<semaphore_mem>>
    %dma_wait3A_126 = tpu.memref_squeeze %dma_wait3A_125 : memref<1x!tpu.dma_semaphore, #tpu.memory_space<semaphore_mem>> -> memref<!tpu.dma_semaphore, #tpu.memory_space<semaphore_mem>>
    tpu.wait_indirect_dma semaphore(%dma_wait3A_126 : memref<!tpu.dma_semaphore, #tpu.memory_space<semaphore_mem>>) src(%dma_wait3A_124 : memref<10240x16xf32, #tpu.memory_space<hbm>>) dst(%dma_wait3A_119 : memref<80x16xf32, #tpu.memory_space<vmem>>)
    %dma_start3A_127 = arith.constant 1 : i32
    %dma_start3A_128 = arith.constant 1 : i32
    %dma_start3A_129 = arith.constant 0 : i32
    %dma_start3A_130 = arith.constant 0 : i32
    %dma_start3A_131 = tpu.memref_slice %arg8[%dma_start3A_127, %dma_start3A_129, %dma_start3A_130] : memref<8x80x16xf32, #tpu.memory_space<vmem>> -> memref<1x80x16xf32, #tpu.memory_space<vmem>>
    %dma_start3A_132 = tpu.memref_squeeze %dma_start3A_131 : memref<1x80x16xf32, #tpu.memory_space<vmem>> -> memref<80x16xf32, #tpu.memory_space<vmem>>
    %dma_start3A_133 = arith.constant 80 : i32
    %dma_start3A_134 = tpu.memref_slice %arg7[%dma_start3A_133] : memref<10000xi32, #tpu.memory_space<vmem>> -> memref<80xi32, #tpu.memory_space<vmem>>
    %dma_start3A_135 = arith.constant 0 : i32
    %dma_start3A_136 = arith.constant 0 : i32
    %dma_start3A_137 = tpu.memref_slice %arg10[%dma_start3A_135, %dma_start3A_136] : memref<10240x16xf32, #tpu.memory_space<vmem_shared>> -> memref<10240x16xf32, #tpu.memory_space<vmem_shared>>
    %dma_start3A_138 = tpu.memref_slice %arg12[%dma_start3A_128] : memref<8x!tpu.dma_semaphore, #tpu.memory_space<semaphore_mem>> -> memref<1x!tpu.dma_semaphore, #tpu.memory_space<semaphore_mem>>
    %dma_start3A_139 = tpu.memref_squeeze %dma_start3A_138 : memref<1x!tpu.dma_semaphore, #tpu.memory_space<semaphore_mem>> -> memref<!tpu.dma_semaphore, #tpu.memory_space<semaphore_mem>>
    tpu.enqueue_indirect_dma source(%dma_start3A_132 : memref<80x16xf32, #tpu.memory_space<vmem>>) target(%dma_start3A_137 : memref<10240x16xf32, #tpu.memory_space<vmem_shared>>) offsets(%dma_start3A_134 : memref<80xi32, #tpu.memory_space<vmem>>) semaphore(%dma_start3A_139 : memref<!tpu.dma_semaphore, #tpu.memory_space<semaphore_mem>>) {add = true}
    %dma_start3A_140 = arith.constant 6 : i32
    %dma_start3A_141 = arith.constant 6 : i32
    %dma_start3A_142 = arith.constant 0 : i32
    %dma_start3A_143 = arith.constant 0 : i32
    %dma_start3A_144 = tpu.memref_slice %arg8[%dma_start3A_140, %dma_start3A_142, %dma_start3A_143] : memref<8x80x16xf32, #tpu.memory_space<vmem>> -> memref<1x80x16xf32, #tpu.memory_space<vmem>>
    %dma_start3A_145 = tpu.memref_squeeze %dma_start3A_144 : memref<1x80x16xf32, #tpu.memory_space<vmem>> -> memref<80x16xf32, #tpu.memory_space<vmem>>
    %dma_start3A_146 = arith.constant 480 : i32
    %dma_start3A_147 = tpu.memref_slice %arg6[%dma_start3A_146] : memref<10000xi32, #tpu.memory_space<vmem>> -> memref<80xi32, #tpu.memory_space<vmem>>
    %dma_start3A_148 = arith.constant 0 : i32
    %dma_start3A_149 = arith.constant 0 : i32
    %dma_start3A_150 = tpu.memref_slice %arg3[%dma_start3A_148, %dma_start3A_149] : memref<10240x16xf32, #tpu.memory_space<hbm>> -> memref<10240x16xf32, #tpu.memory_space<hbm>>
    %dma_start3A_151 = tpu.memref_slice %arg11[%dma_start3A_141] : memref<8x!tpu.dma_semaphore, #tpu.memory_space<semaphore_mem>> -> memref<1x!tpu.dma_semaphore, #tpu.memory_space<semaphore_mem>>
    %dma_start3A_152 = tpu.memref_squeeze %dma_start3A_151 : memref<1x!tpu.dma_semaphore, #tpu.memory_space<semaphore_mem>> -> memref<!tpu.dma_semaphore, #tpu.memory_space<semaphore_mem>>
    tpu.enqueue_indirect_dma source(%dma_start3A_150 : memref<10240x16xf32, #tpu.memory_space<hbm>>) target(%dma_start3A_145 : memref<80x16xf32, #tpu.memory_space<vmem>>) offsets(%dma_start3A_147 : memref<80xi32, #tpu.memory_space<vmem>>) semaphore(%dma_start3A_152 : memref<!tpu.dma_semaphore, #tpu.memory_space<semaphore_mem>>)
    %dma_wait3A_153 = arith.constant 2 : i32
    %dma_wait3A_154 = arith.constant 2 : i32
    %dma_wait3A_155 = arith.constant 0 : i32
    %dma_wait3A_156 = arith.constant 0 : i32
    %dma_wait3A_157 = tpu.memref_slice %arg8[%dma_wait3A_153, %dma_wait3A_155, %dma_wait3A_156] : memref<8x80x16xf32, #tpu.memory_space<vmem>> -> memref<1x80x16xf32, #tpu.memory_space<vmem>>
    %dma_wait3A_158 = tpu.memref_squeeze %dma_wait3A_157 : memref<1x80x16xf32, #tpu.memory_space<vmem>> -> memref<80x16xf32, #tpu.memory_space<vmem>>
    %dma_wait3A_159 = arith.constant 0 : i32
    %dma_wait3A_160 = tpu.memref_slice %arg6[%dma_wait3A_159] : memref<10000xi32, #tpu.memory_space<vmem>> -> memref<80xi32, #tpu.memory_space<vmem>>
    %dma_wait3A_161 = arith.constant 0 : i32
    %dma_wait3A_162 = arith.constant 0 : i32
    %dma_wait3A_163 = tpu.memref_slice %arg3[%dma_wait3A_161, %dma_wait3A_162] : memref<10240x16xf32, #tpu.memory_space<hbm>> -> memref<10240x16xf32, #tpu.memory_space<hbm>>
    %dma_wait3A_164 = tpu.memref_slice %arg11[%dma_wait3A_154] : memref<8x!tpu.dma_semaphore, #tpu.memory_space<semaphore_mem>> -> memref<1x!tpu.dma_semaphore, #tpu.memory_space<semaphore_mem>>
    %dma_wait3A_165 = tpu.memref_squeeze %dma_wait3A_164 : memref<1x!tpu.dma_semaphore, #tpu.memory_space<semaphore_mem>> -> memref<!tpu.dma_semaphore, #tpu.memory_space<semaphore_mem>>
    tpu.wait_indirect_dma semaphore(%dma_wait3A_165 : memref<!tpu.dma_semaphore, #tpu.memory_space<semaphore_mem>>) src(%dma_wait3A_163 : memref<10240x16xf32, #tpu.memory_space<hbm>>) dst(%dma_wait3A_158 : memref<80x16xf32, #tpu.memory_space<vmem>>)
    %dma_start3A_166 = arith.constant 2 : i32
    %dma_start3A_167 = arith.constant 2 : i32
    %dma_start3A_168 = arith.constant 0 : i32
    %dma_start3A_169 = arith.constant 0 : i32
    %dma_start3A_170 = tpu.memref_slice %arg8[%dma_start3A_166, %dma_start3A_168, %dma_start3A_169] : memref<8x80x16xf32, #tpu.memory_space<vmem>> -> memref<1x80x16xf32, #tpu.memory_space<vmem>>
    %dma_start3A_171 = tpu.memref_squeeze %dma_start3A_170 : memref<1x80x16xf32, #tpu.memory_space<vmem>> -> memref<80x16xf32, #tpu.memory_space<vmem>>
    %dma_start3A_172 = arith.constant 160 : i32
    %dma_start3A_173 = tpu.memref_slice %arg7[%dma_start3A_172] : memref<10000xi32, #tpu.memory_space<vmem>> -> memref<80xi32, #tpu.memory_space<vmem>>
    %dma_start3A_174 = arith.constant 0 : i32
    %dma_start3A_175 = arith.constant 0 : i32
    %dma_start3A_176 = tpu.memref_slice %arg10[%dma_start3A_174, %dma_start3A_175] : memref<10240x16xf32, #tpu.memory_space<vmem_shared>> -> memref<10240x16xf32, #tpu.memory_space<vmem_shared>>
    %dma_start3A_177 = tpu.memref_slice %arg12[%dma_start3A_167] : memref<8x!tpu.dma_semaphore, #tpu.memory_space<semaphore_mem>> -> memref<1x!tpu.dma_semaphore, #tpu.memory_space<semaphore_mem>>
    %dma_start3A_178 = tpu.memref_squeeze %dma_start3A_177 : memref<1x!tpu.dma_semaphore, #tpu.memory_space<semaphore_mem>> -> memref<!tpu.dma_semaphore, #tpu.memory_space<semaphore_mem>>
    tpu.enqueue_indirect_dma source(%dma_start3A_171 : memref<80x16xf32, #tpu.memory_space<vmem>>) target(%dma_start3A_176 : memref<10240x16xf32, #tpu.memory_space<vmem_shared>>) offsets(%dma_start3A_173 : memref<80xi32, #tpu.memory_space<vmem>>) semaphore(%dma_start3A_178 : memref<!tpu.dma_semaphore, #tpu.memory_space<semaphore_mem>>) {add = true}
    %dma_start3A_179 = arith.constant 7 : i32
    %dma_start3A_180 = arith.constant 7 : i32
    %dma_start3A_181 = arith.constant 0 : i32
    %dma_start3A_182 = arith.constant 0 : i32
    %dma_start3A_183 = tpu.memref_slice %arg8[%dma_start3A_179, %dma_start3A_181, %dma_start3A_182] : memref<8x80x16xf32, #tpu.memory_space<vmem>> -> memref<1x80x16xf32, #tpu.memory_space<vmem>>
    %dma_start3A_184 = tpu.memref_squeeze %dma_start3A_183 : memref<1x80x16xf32, #tpu.memory_space<vmem>> -> memref<80x16xf32, #tpu.memory_space<vmem>>
    %dma_start3A_185 = arith.constant 560 : i32
    %dma_start3A_186 = tpu.memref_slice %arg6[%dma_start3A_185] : memref<10000xi32, #tpu.memory_space<vmem>> -> memref<80xi32, #tpu.memory_space<vmem>>
    %dma_start3A_187 = arith.constant 0 : i32
    %dma_start3A_188 = arith.constant 0 : i32
    %dma_start3A_189 = tpu.memref_slice %arg3[%dma_start3A_187, %dma_start3A_188] : memref<10240x16xf32, #tpu.memory_space<hbm>> -> memref<10240x16xf32, #tpu.memory_space<hbm>>
    %dma_start3A_190 = tpu.memref_slice %arg11[%dma_start3A_180] : memref<8x!tpu.dma_semaphore, #tpu.memory_space<semaphore_mem>> -> memref<1x!tpu.dma_semaphore, #tpu.memory_space<semaphore_mem>>
    %dma_start3A_191 = tpu.memref_squeeze %dma_start3A_190 : memref<1x!tpu.dma_semaphore, #tpu.memory_space<semaphore_mem>> -> memref<!tpu.dma_semaphore, #tpu.memory_space<semaphore_mem>>
    tpu.enqueue_indirect_dma source(%dma_start3A_189 : memref<10240x16xf32, #tpu.memory_space<hbm>>) target(%dma_start3A_184 : memref<80x16xf32, #tpu.memory_space<vmem>>) offsets(%dma_start3A_186 : memref<80xi32, #tpu.memory_space<vmem>>) semaphore(%dma_start3A_191 : memref<!tpu.dma_semaphore, #tpu.memory_space<semaphore_mem>>)
    %dma_wait3A_192 = arith.constant 3 : i32
    %dma_wait3A_193 = arith.constant 3 : i32
    %dma_wait3A_194 = arith.constant 0 : i32
    %dma_wait3A_195 = arith.constant 0 : i32
    %dma_wait3A_196 = tpu.memref_slice %arg8[%dma_wait3A_192, %dma_wait3A_194, %dma_wait3A_195] : memref<8x80x16xf32, #tpu.memory_space<vmem>> -> memref<1x80x16xf32, #tpu.memory_space<vmem>>
    %dma_wait3A_197 = tpu.memref_squeeze %dma_wait3A_196 : memref<1x80x16xf32, #tpu.memory_space<vmem>> -> memref<80x16xf32, #tpu.memory_space<vmem>>
    %dma_wait3A_198 = arith.constant 0 : i32
    %dma_wait3A_199 = tpu.memref_slice %arg6[%dma_wait3A_198] : memref<10000xi32, #tpu.memory_space<vmem>> -> memref<80xi32, #tpu.memory_space<vmem>>
    %dma_wait3A_200 = arith.constant 0 : i32
    %dma_wait3A_201 = arith.constant 0 : i32
    %dma_wait3A_202 = tpu.memref_slice %arg3[%dma_wait3A_200, %dma_wait3A_201] : memref<10240x16xf32, #tpu.memory_space<hbm>> -> memref<10240x16xf32, #tpu.memory_space<hbm>>
    %dma_wait3A_203 = tpu.memref_slice %arg11[%dma_wait3A_193] : memref<8x!tpu.dma_semaphore, #tpu.memory_space<semaphore_mem>> -> memref<1x!tpu.dma_semaphore, #tpu.memory_space<semaphore_mem>>
    %dma_wait3A_204 = tpu.memref_squeeze %dma_wait3A_203 : memref<1x!tpu.dma_semaphore, #tpu.memory_space<semaphore_mem>> -> memref<!tpu.dma_semaphore, #tpu.memory_space<semaphore_mem>>
    tpu.wait_indirect_dma semaphore(%dma_wait3A_204 : memref<!tpu.dma_semaphore, #tpu.memory_space<semaphore_mem>>) src(%dma_wait3A_202 : memref<10240x16xf32, #tpu.memory_space<hbm>>) dst(%dma_wait3A_197 : memref<80x16xf32, #tpu.memory_space<vmem>>)
    %dma_start3A_205 = arith.constant 3 : i32
    %dma_start3A_206 = arith.constant 3 : i32
    %dma_start3A_207 = arith.constant 0 : i32
    %dma_start3A_208 = arith.constant 0 : i32
    %dma_start3A_209 = tpu.memref_slice %arg8[%dma_start3A_205, %dma_start3A_207, %dma_start3A_208] : memref<8x80x16xf32, #tpu.memory_space<vmem>> -> memref<1x80x16xf32, #tpu.memory_space<vmem>>
    %dma_start3A_210 = tpu.memref_squeeze %dma_start3A_209 : memref<1x80x16xf32, #tpu.memory_space<vmem>> -> memref<80x16xf32, #tpu.memory_space<vmem>>
    %dma_start3A_211 = arith.constant 240 : i32
    %dma_start3A_212 = tpu.memref_slice %arg7[%dma_start3A_211] : memref<10000xi32, #tpu.memory_space<vmem>> -> memref<80xi32, #tpu.memory_space<vmem>>
    %dma_start3A_213 = arith.constant 0 : i32
    %dma_start3A_214 = arith.constant 0 : i32
    %dma_start3A_215 = tpu.memref_slice %arg10[%dma_start3A_213, %dma_start3A_214] : memref<10240x16xf32, #tpu.memory_space<vmem_shared>> -> memref<10240x16xf32, #tpu.memory_space<vmem_shared>>
    %dma_start3A_216 = tpu.memref_slice %arg12[%dma_start3A_206] : memref<8x!tpu.dma_semaphore, #tpu.memory_space<semaphore_mem>> -> memref<1x!tpu.dma_semaphore, #tpu.memory_space<semaphore_mem>>
    %dma_start3A_217 = tpu.memref_squeeze %dma_start3A_216 : memref<1x!tpu.dma_semaphore, #tpu.memory_space<semaphore_mem>> -> memref<!tpu.dma_semaphore, #tpu.memory_space<semaphore_mem>>
    tpu.enqueue_indirect_dma source(%dma_start3A_210 : memref<80x16xf32, #tpu.memory_space<vmem>>) target(%dma_start3A_215 : memref<10240x16xf32, #tpu.memory_space<vmem_shared>>) offsets(%dma_start3A_212 : memref<80xi32, #tpu.memory_space<vmem>>) semaphore(%dma_start3A_217 : memref<!tpu.dma_semaphore, #tpu.memory_space<semaphore_mem>>) {add = true}
    %dma_wait3A_218 = arith.constant 0 : i32
    %dma_wait3A_219 = arith.constant 0 : i32
    %dma_wait3A_220 = arith.constant 0 : i32
    %dma_wait3A_221 = arith.constant 0 : i32
    %dma_wait3A_222 = tpu.memref_slice %arg8[%dma_wait3A_218, %dma_wait3A_220, %dma_wait3A_221] : memref<8x80x16xf32, #tpu.memory_space<vmem>> -> memref<1x80x16xf32, #tpu.memory_space<vmem>>
    %dma_wait3A_223 = tpu.memref_squeeze %dma_wait3A_222 : memref<1x80x16xf32, #tpu.memory_space<vmem>> -> memref<80x16xf32, #tpu.memory_space<vmem>>
    %dma_wait3A_224 = arith.constant 0 : i32
    %dma_wait3A_225 = tpu.memref_slice %arg7[%dma_wait3A_224] : memref<10000xi32, #tpu.memory_space<vmem>> -> memref<80xi32, #tpu.memory_space<vmem>>
    %dma_wait3A_226 = arith.constant 0 : i32
    %dma_wait3A_227 = arith.constant 0 : i32
    %dma_wait3A_228 = tpu.memref_slice %arg10[%dma_wait3A_226, %dma_wait3A_227] : memref<10240x16xf32, #tpu.memory_space<vmem_shared>> -> memref<10240x16xf32, #tpu.memory_space<vmem_shared>>
    %dma_wait3A_229 = tpu.memref_slice %arg12[%dma_wait3A_219] : memref<8x!tpu.dma_semaphore, #tpu.memory_space<semaphore_mem>> -> memref<1x!tpu.dma_semaphore, #tpu.memory_space<semaphore_mem>>
    %dma_wait3A_230 = tpu.memref_squeeze %dma_wait3A_229 : memref<1x!tpu.dma_semaphore, #tpu.memory_space<semaphore_mem>> -> memref<!tpu.dma_semaphore, #tpu.memory_space<semaphore_mem>>
    tpu.wait_indirect_dma semaphore(%dma_wait3A_230 : memref<!tpu.dma_semaphore, #tpu.memory_space<semaphore_mem>>) src(%dma_wait3A_223 : memref<80x16xf32, #tpu.memory_space<vmem>>) dst(%dma_wait3A_228 : memref<10240x16xf32, #tpu.memory_space<vmem_shared>>)
    %dma_start3A_231 = arith.constant 0 : i32
    %dma_start3A_232 = arith.constant 0 : i32
    %dma_start3A_233 = arith.constant 0 : i32
    %dma_start3A_234 = arith.constant 0 : i32
    %dma_start3A_235 = tpu.memref_slice %arg8[%dma_start3A_231, %dma_start3A_233, %dma_start3A_234] : memref<8x80x16xf32, #tpu.memory_space<vmem>> -> memref<1x80x16xf32, #tpu.memory_space<vmem>>
    %dma_start3A_236 = tpu.memref_squeeze %dma_start3A_235 : memref<1x80x16xf32, #tpu.memory_space<vmem>> -> memref<80x16xf32, #tpu.memory_space<vmem>>
    %dma_start3A_237 = arith.constant 640 : i32
    %dma_start3A_238 = tpu.memref_slice %arg6[%dma_start3A_237] : memref<10000xi32, #tpu.memory_space<vmem>> -> memref<80xi32, #tpu.memory_space<vmem>>
    %dma_start3A_239 = arith.constant 0 : i32
    %dma_start3A_240 = arith.constant 0 : i32
    %dma_start3A_241 = tpu.memref_slice %arg3[%dma_start3A_239, %dma_start3A_240] : memref<10240x16xf32, #tpu.memory_space<hbm>> -> memref<10240x16xf32, #tpu.memory_space<hbm>>
    %dma_start3A_242 = tpu.memref_slice %arg11[%dma_start3A_232] : memref<8x!tpu.dma_semaphore, #tpu.memory_space<semaphore_mem>> -> memref<1x!tpu.dma_semaphore, #tpu.memory_space<semaphore_mem>>
    %dma_start3A_243 = tpu.memref_squeeze %dma_start3A_242 : memref<1x!tpu.dma_semaphore, #tpu.memory_space<semaphore_mem>> -> memref<!tpu.dma_semaphore, #tpu.memory_space<semaphore_mem>>
    tpu.enqueue_indirect_dma source(%dma_start3A_241 : memref<10240x16xf32, #tpu.memory_space<hbm>>) target(%dma_start3A_236 : memref<80x16xf32, #tpu.memory_space<vmem>>) offsets(%dma_start3A_238 : memref<80xi32, #tpu.memory_space<vmem>>) semaphore(%dma_start3A_243 : memref<!tpu.dma_semaphore, #tpu.memory_space<semaphore_mem>>)
    %dma_wait3A_244 = arith.constant 4 : i32
    %dma_wait3A_245 = arith.constant 4 : i32
    %dma_wait3A_246 = arith.constant 0 : i32
    %dma_wait3A_247 = arith.constant 0 : i32
    %dma_wait3A_248 = tpu.memref_slice %arg8[%dma_wait3A_244, %dma_wait3A_246, %dma_wait3A_247] : memref<8x80x16xf32, #tpu.memory_space<vmem>> -> memref<1x80x16xf32, #tpu.memory_space<vmem>>
    %dma_wait3A_249 = tpu.memref_squeeze %dma_wait3A_248 : memref<1x80x16xf32, #tpu.memory_space<vmem>> -> memref<80x16xf32, #tpu.memory_space<vmem>>
    %dma_wait3A_250 = arith.constant 0 : i32
    %dma_wait3A_251 = tpu.memref_slice %arg6[%dma_wait3A_250] : memref<10000xi32, #tpu.memory_space<vmem>> -> memref<80xi32, #tpu.memory_space<vmem>>
    %dma_wait3A_252 = arith.constant 0 : i32
    %dma_wait3A_253 = arith.constant 0 : i32
    %dma_wait3A_254 = tpu.memref_slice %arg3[%dma_wait3A_252, %dma_wait3A_253] : memref<10240x16xf32, #tpu.memory_space<hbm>> -> memref<10240x16xf32, #tpu.memory_space<hbm>>
    %dma_wait3A_255 = tpu.memref_slice %arg11[%dma_wait3A_245] : memref<8x!tpu.dma_semaphore, #tpu.memory_space<semaphore_mem>> -> memref<1x!tpu.dma_semaphore, #tpu.memory_space<semaphore_mem>>
    %dma_wait3A_256 = tpu.memref_squeeze %dma_wait3A_255 : memref<1x!tpu.dma_semaphore, #tpu.memory_space<semaphore_mem>> -> memref<!tpu.dma_semaphore, #tpu.memory_space<semaphore_mem>>
    tpu.wait_indirect_dma semaphore(%dma_wait3A_256 : memref<!tpu.dma_semaphore, #tpu.memory_space<semaphore_mem>>) src(%dma_wait3A_254 : memref<10240x16xf32, #tpu.memory_space<hbm>>) dst(%dma_wait3A_249 : memref<80x16xf32, #tpu.memory_space<vmem>>)
    %dma_start3A_257 = arith.constant 4 : i32
    %dma_start3A_258 = arith.constant 4 : i32
    %dma_start3A_259 = arith.constant 0 : i32
    %dma_start3A_260 = arith.constant 0 : i32
    %dma_start3A_261 = tpu.memref_slice %arg8[%dma_start3A_257, %dma_start3A_259, %dma_start3A_260] : memref<8x80x16xf32, #tpu.memory_space<vmem>> -> memref<1x80x16xf32, #tpu.memory_space<vmem>>
    %dma_start3A_262 = tpu.memref_squeeze %dma_start3A_261 : memref<1x80x16xf32, #tpu.memory_space<vmem>> -> memref<80x16xf32, #tpu.memory_space<vmem>>
    %dma_start3A_263 = arith.constant 320 : i32
    %dma_start3A_264 = tpu.memref_slice %arg7[%dma_start3A_263] : memref<10000xi32, #tpu.memory_space<vmem>> -> memref<80xi32, #tpu.memory_space<vmem>>
    %dma_start3A_265 = arith.constant 0 : i32
    %dma_start3A_266 = arith.constant 0 : i32
    %dma_start3A_267 = tpu.memref_slice %arg10[%dma_start3A_265, %dma_start3A_266] : memref<10240x16xf32, #tpu.memory_space<vmem_shared>> -> memref<10240x16xf32, #tpu.memory_space<vmem_shared>>
    %dma_start3A_268 = tpu.memref_slice %arg12[%dma_start3A_258] : memref<8x!tpu.dma_semaphore, #tpu.memory_space<semaphore_mem>> -> memref<1x!tpu.dma_semaphore, #tpu.memory_space<semaphore_mem>>
    %dma_start3A_269 = tpu.memref_squeeze %dma_start3A_268 : memref<1x!tpu.dma_semaphore, #tpu.memory_space<semaphore_mem>> -> memref<!tpu.dma_semaphore, #tpu.memory_space<semaphore_mem>>
    tpu.enqueue_indirect_dma source(%dma_start3A_262 : memref<80x16xf32, #tpu.memory_space<vmem>>) target(%dma_start3A_267 : memref<10240x16xf32, #tpu.memory_space<vmem_shared>>) offsets(%dma_start3A_264 : memref<80xi32, #tpu.memory_space<vmem>>) semaphore(%dma_start3A_269 : memref<!tpu.dma_semaphore, #tpu.memory_space<semaphore_mem>>) {add = true}
    %dma_wait3A_270 = arith.constant 1 : i32
    %dma_wait3A_271 = arith.constant 1 : i32
    %dma_wait3A_272 = arith.constant 0 : i32
    %dma_wait3A_273 = arith.constant 0 : i32
    %dma_wait3A_274 = tpu.memref_slice %arg8[%dma_wait3A_270, %dma_wait3A_272, %dma_wait3A_273] : memref<8x80x16xf32, #tpu.memory_space<vmem>> -> memref<1x80x16xf32, #tpu.memory_space<vmem>>
    %dma_wait3A_275 = tpu.memref_squeeze %dma_wait3A_274 : memref<1x80x16xf32, #tpu.memory_space<vmem>> -> memref<80x16xf32, #tpu.memory_space<vmem>>
    %dma_wait3A_276 = arith.constant 0 : i32
    %dma_wait3A_277 = tpu.memref_slice %arg7[%dma_wait3A_276] : memref<10000xi32, #tpu.memory_space<vmem>> -> memref<80xi32, #tpu.memory_space<vmem>>
    %dma_wait3A_278 = arith.constant 0 : i32
    %dma_wait3A_279 = arith.constant 0 : i32
    %dma_wait3A_280 = tpu.memref_slice %arg10[%dma_wait3A_278, %dma_wait3A_279] : memref<10240x16xf32, #tpu.memory_space<vmem_shared>> -> memref<10240x16xf32, #tpu.memory_space<vmem_shared>>
    %dma_wait3A_281 = tpu.memref_slice %arg12[%dma_wait3A_271] : memref<8x!tpu.dma_semaphore, #tpu.memory_space<semaphore_mem>> -> memref<1x!tpu.dma_semaphore, #tpu.memory_space<semaphore_mem>>
    %dma_wait3A_282 = tpu.memref_squeeze %dma_wait3A_281 : memref<1x!tpu.dma_semaphore, #tpu.memory_space<semaphore_mem>> -> memref<!tpu.dma_semaphore, #tpu.memory_space<semaphore_mem>>
    tpu.wait_indirect_dma semaphore(%dma_wait3A_282 : memref<!tpu.dma_semaphore, #tpu.memory_space<semaphore_mem>>) src(%dma_wait3A_275 : memref<80x16xf32, #tpu.memory_space<vmem>>) dst(%dma_wait3A_280 : memref<10240x16xf32, #tpu.memory_space<vmem_shared>>)
    %dma_start3A_283 = arith.constant 1 : i32
    %dma_start3A_284 = arith.constant 1 : i32
    %dma_start3A_285 = arith.constant 0 : i32
    %dma_start3A_286 = arith.constant 0 : i32
    %dma_start3A_287 = tpu.memref_slice %arg8[%dma_start3A_283, %dma_start3A_285, %dma_start3A_286] : memref<8x80x16xf32, #tpu.memory_space<vmem>> -> memref<1x80x16xf32, #tpu.memory_space<vmem>>
    %dma_start3A_288 = tpu.memref_squeeze %dma_start3A_287 : memref<1x80x16xf32, #tpu.memory_space<vmem>> -> memref<80x16xf32, #tpu.memory_space<vmem>>
    %dma_start3A_289 = arith.constant 720 : i32
    %dma_start3A_290 = tpu.memref_slice %arg6[%dma_start3A_289] : memref<10000xi32, #tpu.memory_space<vmem>> -> memref<80xi32, #tpu.memory_space<vmem>>
    %dma_start3A_291 = arith.constant 0 : i32
    %dma_start3A_292 = arith.constant 0 : i32
    %dma_start3A_293 = tpu.memref_slice %arg3[%dma_start3A_291, %dma_start3A_292] : memref<10240x16xf32, #tpu.memory_space<hbm>> -> memref<10240x16xf32, #tpu.memory_space<hbm>>
    %dma_start3A_294 = tpu.memref_slice %arg11[%dma_start3A_284] : memref<8x!tpu.dma_semaphore, #tpu.memory_space<semaphore_mem>> -> memref<1x!tpu.dma_semaphore, #tpu.memory_space<semaphore_mem>>
    %dma_start3A_295 = tpu.memref_squeeze %dma_start3A_294 : memref<1x!tpu.dma_semaphore, #tpu.memory_space<semaphore_mem>> -> memref<!tpu.dma_semaphore, #tpu.memory_space<semaphore_mem>>
    tpu.enqueue_indirect_dma source(%dma_start3A_293 : memref<10240x16xf32, #tpu.memory_space<hbm>>) target(%dma_start3A_288 : memref<80x16xf32, #tpu.memory_space<vmem>>) offsets(%dma_start3A_290 : memref<80xi32, #tpu.memory_space<vmem>>) semaphore(%dma_start3A_295 : memref<!tpu.dma_semaphore, #tpu.memory_space<semaphore_mem>>)
    %dma_wait3A_296 = arith.constant 5 : i32
    %dma_wait3A_297 = arith.constant 5 : i32
    %dma_wait3A_298 = arith.constant 0 : i32
    %dma_wait3A_299 = arith.constant 0 : i32
    %dma_wait3A_300 = tpu.memref_slice %arg8[%dma_wait3A_296, %dma_wait3A_298, %dma_wait3A_299] : memref<8x80x16xf32, #tpu.memory_space<vmem>> -> memref<1x80x16xf32, #tpu.memory_space<vmem>>
    %dma_wait3A_301 = tpu.memref_squeeze %dma_wait3A_300 : memref<1x80x16xf32, #tpu.memory_space<vmem>> -> memref<80x16xf32, #tpu.memory_space<vmem>>
    %dma_wait3A_302 = arith.constant 0 : i32
    %dma_wait3A_303 = tpu.memref_slice %arg6[%dma_wait3A_302] : memref<10000xi32, #tpu.memory_space<vmem>> -> memref<80xi32, #tpu.memory_space<vmem>>
    %dma_wait3A_304 = arith.constant 0 : i32
    %dma_wait3A_305 = arith.constant 0 : i32
    %dma_wait3A_306 = tpu.memref_slice %arg3[%dma_wait3A_304, %dma_wait3A_305] : memref<10240x16xf32, #tpu.memory_space<hbm>> -> memref<10240x16xf32, #tpu.memory_space<hbm>>
    %dma_wait3A_307 = tpu.memref_slice %arg11[%dma_wait3A_297] : memref<8x!tpu.dma_semaphore, #tpu.memory_space<semaphore_mem>> -> memref<1x!tpu.dma_semaphore, #tpu.memory_space<semaphore_mem>>
    %dma_wait3A_308 = tpu.memref_squeeze %dma_wait3A_307 : memref<1x!tpu.dma_semaphore, #tpu.memory_space<semaphore_mem>> -> memref<!tpu.dma_semaphore, #tpu.memory_space<semaphore_mem>>
    tpu.wait_indirect_dma semaphore(%dma_wait3A_308 : memref<!tpu.dma_semaphore, #tpu.memory_space<semaphore_mem>>) src(%dma_wait3A_306 : memref<10240x16xf32, #tpu.memory_space<hbm>>) dst(%dma_wait3A_301 : memref<80x16xf32, #tpu.memory_space<vmem>>)
    %dma_start3A_309 = arith.constant 5 : i32
    %dma_start3A_310 = arith.constant 5 : i32
    %dma_start3A_311 = arith.constant 0 : i32
    %dma_start3A_312 = arith.constant 0 : i32
    %dma_start3A_313 = tpu.memref_slice %arg8[%dma_start3A_309, %dma_start3A_311, %dma_start3A_312] : memref<8x80x16xf32, #tpu.memory_space<vmem>> -> memref<1x80x16xf32, #tpu.memory_space<vmem>>
    %dma_start3A_314 = tpu.memref_squeeze %dma_start3A_313 : memref<1x80x16xf32, #tpu.memory_space<vmem>> -> memref<80x16xf32, #tpu.memory_space<vmem>>
    %dma_start3A_315 = arith.constant 400 : i32
    %dma_start3A_316 = tpu.memref_slice %arg7[%dma_start3A_315] : memref<10000xi32, #tpu.memory_space<vmem>> -> memref<80xi32, #tpu.memory_space<vmem>>
    %dma_start3A_317 = arith.constant 0 : i32
    %dma_start3A_318 = arith.constant 0 : i32
    %dma_start3A_319 = tpu.memref_slice %arg10[%dma_start3A_317, %dma_start3A_318] : memref<10240x16xf32, #tpu.memory_space<vmem_shared>> -> memref<10240x16xf32, #tpu.memory_space<vmem_shared>>
    %dma_start3A_320 = tpu.memref_slice %arg12[%dma_start3A_310] : memref<8x!tpu.dma_semaphore, #tpu.memory_space<semaphore_mem>> -> memref<1x!tpu.dma_semaphore, #tpu.memory_space<semaphore_mem>>
    %dma_start3A_321 = tpu.memref_squeeze %dma_start3A_320 : memref<1x!tpu.dma_semaphore, #tpu.memory_space<semaphore_mem>> -> memref<!tpu.dma_semaphore, #tpu.memory_space<semaphore_mem>>
    tpu.enqueue_indirect_dma source(%dma_start3A_314 : memref<80x16xf32, #tpu.memory_space<vmem>>) target(%dma_start3A_319 : memref<10240x16xf32, #tpu.memory_space<vmem_shared>>) offsets(%dma_start3A_316 : memref<80xi32, #tpu.memory_space<vmem>>) semaphore(%dma_start3A_321 : memref<!tpu.dma_semaphore, #tpu.memory_space<semaphore_mem>>) {add = true}
    %dma_wait3A_322 = arith.constant 2 : i32
    %dma_wait3A_323 = arith.constant 2 : i32
    %dma_wait3A_324 = arith.constant 0 : i32
    %dma_wait3A_325 = arith.constant 0 : i32
    %dma_wait3A_326 = tpu.memref_slice %arg8[%dma_wait3A_322, %dma_wait3A_324, %dma_wait3A_325] : memref<8x80x16xf32, #tpu.memory_space<vmem>> -> memref<1x80x16xf32, #tpu.memory_space<vmem>>
    %dma_wait3A_327 = tpu.memref_squeeze %dma_wait3A_326 : memref<1x80x16xf32, #tpu.memory_space<vmem>> -> memref<80x16xf32, #tpu.memory_space<vmem>>
    %dma_wait3A_328 = arith.constant 0 : i32
    %dma_wait3A_329 = tpu.memref_slice %arg7[%dma_wait3A_328] : memref<10000xi32, #tpu.memory_space<vmem>> -> memref<80xi32, #tpu.memory_space<vmem>>
    %dma_wait3A_330 = arith.constant 0 : i32
    %dma_wait3A_331 = arith.constant 0 : i32
    %dma_wait3A_332 = tpu.memref_slice %arg10[%dma_wait3A_330, %dma_wait3A_331] : memref<10240x16xf32, #tpu.memory_space<vmem_shared>> -> memref<10240x16xf32, #tpu.memory_space<vmem_shared>>
    %dma_wait3A_333 = tpu.memref_slice %arg12[%dma_wait3A_323] : memref<8x!tpu.dma_semaphore, #tpu.memory_space<semaphore_mem>> -> memref<1x!tpu.dma_semaphore, #tpu.memory_space<semaphore_mem>>
    %dma_wait3A_334 = tpu.memref_squeeze %dma_wait3A_333 : memref<1x!tpu.dma_semaphore, #tpu.memory_space<semaphore_mem>> -> memref<!tpu.dma_semaphore, #tpu.memory_space<semaphore_mem>>
    tpu.wait_indirect_dma semaphore(%dma_wait3A_334 : memref<!tpu.dma_semaphore, #tpu.memory_space<semaphore_mem>>) src(%dma_wait3A_327 : memref<80x16xf32, #tpu.memory_space<vmem>>) dst(%dma_wait3A_332 : memref<10240x16xf32, #tpu.memory_space<vmem_shared>>)
    %dma_start3A_335 = arith.constant 2 : i32
    %dma_start3A_336 = arith.constant 2 : i32
    %dma_start3A_337 = arith.constant 0 : i32
    %dma_start3A_338 = arith.constant 0 : i32
    %dma_start3A_339 = tpu.memref_slice %arg8[%dma_start3A_335, %dma_start3A_337, %dma_start3A_338] : memref<8x80x16xf32, #tpu.memory_space<vmem>> -> memref<1x80x16xf32, #tpu.memory_space<vmem>>
    %dma_start3A_340 = tpu.memref_squeeze %dma_start3A_339 : memref<1x80x16xf32, #tpu.memory_space<vmem>> -> memref<80x16xf32, #tpu.memory_space<vmem>>
    %dma_start3A_341 = arith.constant 800 : i32
    %dma_start3A_342 = tpu.memref_slice %arg6[%dma_start3A_341] : memref<10000xi32, #tpu.memory_space<vmem>> -> memref<80xi32, #tpu.memory_space<vmem>>
    %dma_start3A_343 = arith.constant 0 : i32
    %dma_start3A_344 = arith.constant 0 : i32
    %dma_start3A_345 = tpu.memref_slice %arg3[%dma_start3A_343, %dma_start3A_344] : memref<10240x16xf32, #tpu.memory_space<hbm>> -> memref<10240x16xf32, #tpu.memory_space<hbm>>
    %dma_start3A_346 = tpu.memref_slice %arg11[%dma_start3A_336] : memref<8x!tpu.dma_semaphore, #tpu.memory_space<semaphore_mem>> -> memref<1x!tpu.dma_semaphore, #tpu.memory_space<semaphore_mem>>
    %dma_start3A_347 = tpu.memref_squeeze %dma_start3A_346 : memref<1x!tpu.dma_semaphore, #tpu.memory_space<semaphore_mem>> -> memref<!tpu.dma_semaphore, #tpu.memory_space<semaphore_mem>>
    tpu.enqueue_indirect_dma source(%dma_start3A_345 : memref<10240x16xf32, #tpu.memory_space<hbm>>) target(%dma_start3A_340 : memref<80x16xf32, #tpu.memory_space<vmem>>) offsets(%dma_start3A_342 : memref<80xi32, #tpu.memory_space<vmem>>) semaphore(%dma_start3A_347 : memref<!tpu.dma_semaphore, #tpu.memory_space<semaphore_mem>>)
    %dma_wait3A_348 = arith.constant 6 : i32
    %dma_wait3A_349 = arith.constant 6 : i32
    %dma_wait3A_350 = arith.constant 0 : i32
    %dma_wait3A_351 = arith.constant 0 : i32
    %dma_wait3A_352 = tpu.memref_slice %arg8[%dma_wait3A_348, %dma_wait3A_350, %dma_wait3A_351] : memref<8x80x16xf32, #tpu.memory_space<vmem>> -> memref<1x80x16xf32, #tpu.memory_space<vmem>>
    %dma_wait3A_353 = tpu.memref_squeeze %dma_wait3A_352 : memref<1x80x16xf32, #tpu.memory_space<vmem>> -> memref<80x16xf32, #tpu.memory_space<vmem>>
    %dma_wait3A_354 = arith.constant 0 : i32
    %dma_wait3A_355 = tpu.memref_slice %arg6[%dma_wait3A_354] : memref<10000xi32, #tpu.memory_space<vmem>> -> memref<80xi32, #tpu.memory_space<vmem>>
    %dma_wait3A_356 = arith.constant 0 : i32
    %dma_wait3A_357 = arith.constant 0 : i32
    %dma_wait3A_358 = tpu.memref_slice %arg3[%dma_wait3A_356, %dma_wait3A_357] : memref<10240x16xf32, #tpu.memory_space<hbm>> -> memref<10240x16xf32, #tpu.memory_space<hbm>>
    %dma_wait3A_359 = tpu.memref_slice %arg11[%dma_wait3A_349] : memref<8x!tpu.dma_semaphore, #tpu.memory_space<semaphore_mem>> -> memref<1x!tpu.dma_semaphore, #tpu.memory_space<semaphore_mem>>
    %dma_wait3A_360 = tpu.memref_squeeze %dma_wait3A_359 : memref<1x!tpu.dma_semaphore, #tpu.memory_space<semaphore_mem>> -> memref<!tpu.dma_semaphore, #tpu.memory_space<semaphore_mem>>
    tpu.wait_indirect_dma semaphore(%dma_wait3A_360 : memref<!tpu.dma_semaphore, #tpu.memory_space<semaphore_mem>>) src(%dma_wait3A_358 : memref<10240x16xf32, #tpu.memory_space<hbm>>) dst(%dma_wait3A_353 : memref<80x16xf32, #tpu.memory_space<vmem>>)
    %dma_start3A_361 = arith.constant 6 : i32
    %dma_start3A_362 = arith.constant 6 : i32
    %dma_start3A_363 = arith.constant 0 : i32
    %dma_start3A_364 = arith.constant 0 : i32
    %dma_start3A_365 = tpu.memref_slice %arg8[%dma_start3A_361, %dma_start3A_363, %dma_start3A_364] : memref<8x80x16xf32, #tpu.memory_space<vmem>> -> memref<1x80x16xf32, #tpu.memory_space<vmem>>
    %dma_start3A_366 = tpu.memref_squeeze %dma_start3A_365 : memref<1x80x16xf32, #tpu.memory_space<vmem>> -> memref<80x16xf32, #tpu.memory_space<vmem>>
    %dma_start3A_367 = arith.constant 480 : i32
    %dma_start3A_368 = tpu.memref_slice %arg7[%dma_start3A_367] : memref<10000xi32, #tpu.memory_space<vmem>> -> memref<80xi32, #tpu.memory_space<vmem>>
    %dma_start3A_369 = arith.constant 0 : i32
    %dma_start3A_370 = arith.constant 0 : i32
    %dma_start3A_371 = tpu.memref_slice %arg10[%dma_start3A_369, %dma_start3A_370] : memref<10240x16xf32, #tpu.memory_space<vmem_shared>> -> memref<10240x16xf32, #tpu.memory_space<vmem_shared>>
    %dma_start3A_372 = tpu.memref_slice %arg12[%dma_start3A_362] : memref<8x!tpu.dma_semaphore, #tpu.memory_space<semaphore_mem>> -> memref<1x!tpu.dma_semaphore, #tpu.memory_space<semaphore_mem>>
    %dma_start3A_373 = tpu.memref_squeeze %dma_start3A_372 : memref<1x!tpu.dma_semaphore, #tpu.memory_space<semaphore_mem>> -> memref<!tpu.dma_semaphore, #tpu.memory_space<semaphore_mem>>
    tpu.enqueue_indirect_dma source(%dma_start3A_366 : memref<80x16xf32, #tpu.memory_space<vmem>>) target(%dma_start3A_371 : memref<10240x16xf32, #tpu.memory_space<vmem_shared>>) offsets(%dma_start3A_368 : memref<80xi32, #tpu.memory_space<vmem>>) semaphore(%dma_start3A_373 : memref<!tpu.dma_semaphore, #tpu.memory_space<semaphore_mem>>) {add = true}
    %dma_wait3A_374 = arith.constant 3 : i32
    %dma_wait3A_375 = arith.constant 3 : i32
    %dma_wait3A_376 = arith.constant 0 : i32
    %dma_wait3A_377 = arith.constant 0 : i32
    %dma_wait3A_378 = tpu.memref_slice %arg8[%dma_wait3A_374, %dma_wait3A_376, %dma_wait3A_377] : memref<8x80x16xf32, #tpu.memory_space<vmem>> -> memref<1x80x16xf32, #tpu.memory_space<vmem>>
    %dma_wait3A_379 = tpu.memref_squeeze %dma_wait3A_378 : memref<1x80x16xf32, #tpu.memory_space<vmem>> -> memref<80x16xf32, #tpu.memory_space<vmem>>
    %dma_wait3A_380 = arith.constant 0 : i32
    %dma_wait3A_381 = tpu.memref_slice %arg7[%dma_wait3A_380] : memref<10000xi32, #tpu.memory_space<vmem>> -> memref<80xi32, #tpu.memory_space<vmem>>
    %dma_wait3A_382 = arith.constant 0 : i32
    %dma_wait3A_383 = arith.constant 0 : i32
    %dma_wait3A_384 = tpu.memref_slice %arg10[%dma_wait3A_382, %dma_wait3A_383] : memref<10240x16xf32, #tpu.memory_space<vmem_shared>> -> memref<10240x16xf32, #tpu.memory_space<vmem_shared>>
    %dma_wait3A_385 = tpu.memref_slice %arg12[%dma_wait3A_375] : memref<8x!tpu.dma_semaphore, #tpu.memory_space<semaphore_mem>> -> memref<1x!tpu.dma_semaphore, #tpu.memory_space<semaphore_mem>>
    %dma_wait3A_386 = tpu.memref_squeeze %dma_wait3A_385 : memref<1x!tpu.dma_semaphore, #tpu.memory_space<semaphore_mem>> -> memref<!tpu.dma_semaphore, #tpu.memory_space<semaphore_mem>>
    tpu.wait_indirect_dma semaphore(%dma_wait3A_386 : memref<!tpu.dma_semaphore, #tpu.memory_space<semaphore_mem>>) src(%dma_wait3A_379 : memref<80x16xf32, #tpu.memory_space<vmem>>) dst(%dma_wait3A_384 : memref<10240x16xf32, #tpu.memory_space<vmem_shared>>)
    %dma_start3A_387 = arith.constant 3 : i32
    %dma_start3A_388 = arith.constant 3 : i32
    %dma_start3A_389 = arith.constant 0 : i32
    %dma_start3A_390 = arith.constant 0 : i32
    %dma_start3A_391 = tpu.memref_slice %arg8[%dma_start3A_387, %dma_start3A_389, %dma_start3A_390] : memref<8x80x16xf32, #tpu.memory_space<vmem>> -> memref<1x80x16xf32, #tpu.memory_space<vmem>>
    %dma_start3A_392 = tpu.memref_squeeze %dma_start3A_391 : memref<1x80x16xf32, #tpu.memory_space<vmem>> -> memref<80x16xf32, #tpu.memory_space<vmem>>
    %dma_start3A_393 = arith.constant 880 : i32
    %dma_start3A_394 = tpu.memref_slice %arg6[%dma_start3A_393] : memref<10000xi32, #tpu.memory_space<vmem>> -> memref<80xi32, #tpu.memory_space<vmem>>
    %dma_start3A_395 = arith.constant 0 : i32
    %dma_start3A_396 = arith.constant 0 : i32
    %dma_start3A_397 = tpu.memref_slice %arg3[%dma_start3A_395, %dma_start3A_396] : memref<10240x16xf32, #tpu.memory_space<hbm>> -> memref<10240x16xf32, #tpu.memory_space<hbm>>
    %dma_start3A_398 = tpu.memref_slice %arg11[%dma_start3A_388] : memref<8x!tpu.dma_semaphore, #tpu.memory_space<semaphore_mem>> -> memref<1x!tpu.dma_semaphore, #tpu.memory_space<semaphore_mem>>
    %dma_start3A_399 = tpu.memref_squeeze %dma_start3A_398 : memref<1x!tpu.dma_semaphore, #tpu.memory_space<semaphore_mem>> -> memref<!tpu.dma_semaphore, #tpu.memory_space<semaphore_mem>>
    tpu.enqueue_indirect_dma source(%dma_start3A_397 : memref<10240x16xf32, #tpu.memory_space<hbm>>) target(%dma_start3A_392 : memref<80x16xf32, #tpu.memory_space<vmem>>) offsets(%dma_start3A_394 : memref<80xi32, #tpu.memory_space<vmem>>) semaphore(%dma_start3A_399 : memref<!tpu.dma_semaphore, #tpu.memory_space<semaphore_mem>>)
    %dma_wait3A_400 = arith.constant 7 : i32
    %dma_wait3A_401 = arith.constant 7 : i32
    %dma_wait3A_402 = arith.constant 0 : i32
    %dma_wait3A_403 = arith.constant 0 : i32
    %dma_wait3A_404 = tpu.memref_slice %arg8[%dma_wait3A_400, %dma_wait3A_402, %dma_wait3A_403] : memref<8x80x16xf32, #tpu.memory_space<vmem>> -> memref<1x80x16xf32, #tpu.memory_space<vmem>>
    %dma_wait3A_405 = tpu.memref_squeeze %dma_wait3A_404 : memref<1x80x16xf32, #tpu.memory_space<vmem>> -> memref<80x16xf32, #tpu.memory_space<vmem>>
    %dma_wait3A_406 = arith.constant 0 : i32
    %dma_wait3A_407 = tpu.memref_slice %arg6[%dma_wait3A_406] : memref<10000xi32, #tpu.memory_space<vmem>> -> memref<80xi32, #tpu.memory_space<vmem>>
    %dma_wait3A_408 = arith.constant 0 : i32
    %dma_wait3A_409 = arith.constant 0 : i32
    %dma_wait3A_410 = tpu.memref_slice %arg3[%dma_wait3A_408, %dma_wait3A_409] : memref<10240x16xf32, #tpu.memory_space<hbm>> -> memref<10240x16xf32, #tpu.memory_space<hbm>>
    %dma_wait3A_411 = tpu.memref_slice %arg11[%dma_wait3A_401] : memref<8x!tpu.dma_semaphore, #tpu.memory_space<semaphore_mem>> -> memref<1x!tpu.dma_semaphore, #tpu.memory_space<semaphore_mem>>
    %dma_wait3A_412 = tpu.memref_squeeze %dma_wait3A_411 : memref<1x!tpu.dma_semaphore, #tpu.memory_space<semaphore_mem>> -> memref<!tpu.dma_semaphore, #tpu.memory_space<semaphore_mem>>
    tpu.wait_indirect_dma semaphore(%dma_wait3A_412 : memref<!tpu.dma_semaphore, #tpu.memory_space<semaphore_mem>>) src(%dma_wait3A_410 : memref<10240x16xf32, #tpu.memory_space<hbm>>) dst(%dma_wait3A_405 : memref<80x16xf32, #tpu.memory_space<vmem>>)
    %dma_start3A_413 = arith.constant 7 : i32
    %dma_start3A_414 = arith.constant 7 : i32
    %dma_start3A_415 = arith.constant 0 : i32
    %dma_start3A_416 = arith.constant 0 : i32
    %dma_start3A_417 = tpu.memref_slice %arg8[%dma_start3A_413, %dma_start3A_415, %dma_start3A_416] : memref<8x80x16xf32, #tpu.memory_space<vmem>> -> memref<1x80x16xf32, #tpu.memory_space<vmem>>
    %dma_start3A_418 = tpu.memref_squeeze %dma_start3A_417 : memref<1x80x16xf32, #tpu.memory_space<vmem>> -> memref<80x16xf32, #tpu.memory_space<vmem>>
    %dma_start3A_419 = arith.constant 560 : i32
    %dma_start3A_420 = tpu.memref_slice %arg7[%dma_start3A_419] : memref<10000xi32, #tpu.memory_space<vmem>> -> memref<80xi32, #tpu.memory_space<vmem>>
    %dma_start3A_421 = arith.constant 0 : i32
    %dma_start3A_422 = arith.constant 0 : i32
    %dma_start3A_423 = tpu.memref_slice %arg10[%dma_start3A_421, %dma_start3A_422] : memref<10240x16xf32, #tpu.memory_space<vmem_shared>> -> memref<10240x16xf32, #tpu.memory_space<vmem_shared>>
    %dma_start3A_424 = tpu.memref_slice %arg12[%dma_start3A_414] : memref<8x!tpu.dma_semaphore, #tpu.memory_space<semaphore_mem>> -> memref<1x!tpu.dma_semaphore, #tpu.memory_space<semaphore_mem>>
    %dma_start3A_425 = tpu.memref_squeeze %dma_start3A_424 : memref<1x!tpu.dma_semaphore, #tpu.memory_space<semaphore_mem>> -> memref<!tpu.dma_semaphore, #tpu.memory_space<semaphore_mem>>
    tpu.enqueue_indirect_dma source(%dma_start3A_418 : memref<80x16xf32, #tpu.memory_space<vmem>>) target(%dma_start3A_423 : memref<10240x16xf32, #tpu.memory_space<vmem_shared>>) offsets(%dma_start3A_420 : memref<80xi32, #tpu.memory_space<vmem>>) semaphore(%dma_start3A_425 : memref<!tpu.dma_semaphore, #tpu.memory_space<semaphore_mem>>) {add = true}
    %scan3A = arith.constant 0 : i32
    %scan3A_426 = arith.constant 1 : i32
    %scan3A_427 = arith.constant 14 : i32
    %scan3A_428 = arith.addi %scan3A_426, %scan3A_427 : i32
    %scan3A_429 = arith.constant 1 : i32
    scf.for %scan3A_692 = %scan3A_426 to %scan3A_428 step %scan3A_429  : i32 {
      %mul3A_693 = arith.constant 8 : i32
      %mul3A_694 = arith.muli %scan3A_692, %mul3A_693 : i32
      %dma_wait3A_695 = arith.constant 4 : i32
      %dma_wait3A_696 = arith.constant 4 : i32
      %dma_wait3A_697 = arith.constant 0 : i32
      %dma_wait3A_698 = arith.constant 0 : i32
      %dma_wait3A_699 = tpu.memref_slice %arg8[%dma_wait3A_695, %dma_wait3A_697, %dma_wait3A_698] : memref<8x80x16xf32, #tpu.memory_space<vmem>> -> memref<1x80x16xf32, #tpu.memory_space<vmem>>
      %dma_wait3A_700 = tpu.memref_squeeze %dma_wait3A_699 : memref<1x80x16xf32, #tpu.memory_space<vmem>> -> memref<80x16xf32, #tpu.memory_space<vmem>>
      %dma_wait3A_701 = arith.constant 0 : i32
      %dma_wait3A_702 = tpu.memref_slice %arg7[%dma_wait3A_701] : memref<10000xi32, #tpu.memory_space<vmem>> -> memref<80xi32, #tpu.memory_space<vmem>>
      %dma_wait3A_703 = arith.constant 0 : i32
      %dma_wait3A_704 = arith.constant 0 : i32
      %dma_wait3A_705 = tpu.memref_slice %arg10[%dma_wait3A_703, %dma_wait3A_704] : memref<10240x16xf32, #tpu.memory_space<vmem_shared>> -> memref<10240x16xf32, #tpu.memory_space<vmem_shared>>
      %dma_wait3A_706 = tpu.memref_slice %arg12[%dma_wait3A_696] : memref<8x!tpu.dma_semaphore, #tpu.memory_space<semaphore_mem>> -> memref<1x!tpu.dma_semaphore, #tpu.memory_space<semaphore_mem>>
      %dma_wait3A_707 = tpu.memref_squeeze %dma_wait3A_706 : memref<1x!tpu.dma_semaphore, #tpu.memory_space<semaphore_mem>> -> memref<!tpu.dma_semaphore, #tpu.memory_space<semaphore_mem>>
      tpu.wait_indirect_dma semaphore(%dma_wait3A_707 : memref<!tpu.dma_semaphore, #tpu.memory_space<semaphore_mem>>) src(%dma_wait3A_700 : memref<80x16xf32, #tpu.memory_space<vmem>>) dst(%dma_wait3A_705 : memref<10240x16xf32, #tpu.memory_space<vmem_shared>>)
      %add3A_708 = arith.constant 0 : i32
      %add3A_709 = arith.addi %mul3A_694, %add3A_708 : i32
      %add3A_710 = arith.constant 4 : i32
      %add3A_711 = arith.addi %add3A_709, %add3A_710 : i32
      %mul3A_712 = arith.constant 80 : i32
      %mul3A_713 = arith.muli %add3A_711, %mul3A_712 : i32
      %dma_start3A_714 = arith.constant 4 : i32
      %dma_start3A_715 = arith.constant 4 : i32
      %dma_start3A_716 = arith.constant 0 : i32
      %dma_start3A_717 = arith.constant 0 : i32
      %dma_start3A_718 = tpu.memref_slice %arg8[%dma_start3A_714, %dma_start3A_716, %dma_start3A_717] : memref<8x80x16xf32, #tpu.memory_space<vmem>> -> memref<1x80x16xf32, #tpu.memory_space<vmem>>
      %dma_start3A_719 = tpu.memref_squeeze %dma_start3A_718 : memref<1x80x16xf32, #tpu.memory_space<vmem>> -> memref<80x16xf32, #tpu.memory_space<vmem>>
      %dma_start3A_720 = tpu.memref_slice %arg6[%mul3A_713] : memref<10000xi32, #tpu.memory_space<vmem>> -> memref<80xi32, #tpu.memory_space<vmem>>
      %dma_start3A_721 = arith.constant 0 : i32
      %dma_start3A_722 = arith.constant 0 : i32
      %dma_start3A_723 = tpu.memref_slice %arg3[%dma_start3A_721, %dma_start3A_722] : memref<10240x16xf32, #tpu.memory_space<hbm>> -> memref<10240x16xf32, #tpu.memory_space<hbm>>
      %dma_start3A_724 = tpu.memref_slice %arg11[%dma_start3A_715] : memref<8x!tpu.dma_semaphore, #tpu.memory_space<semaphore_mem>> -> memref<1x!tpu.dma_semaphore, #tpu.memory_space<semaphore_mem>>
      %dma_start3A_725 = tpu.memref_squeeze %dma_start3A_724 : memref<1x!tpu.dma_semaphore, #tpu.memory_space<semaphore_mem>> -> memref<!tpu.dma_semaphore, #tpu.memory_space<semaphore_mem>>
      tpu.enqueue_indirect_dma source(%dma_start3A_723 : memref<10240x16xf32, #tpu.memory_space<hbm>>) target(%dma_start3A_719 : memref<80x16xf32, #tpu.memory_space<vmem>>) offsets(%dma_start3A_720 : memref<80xi32, #tpu.memory_space<vmem>>) semaphore(%dma_start3A_725 : memref<!tpu.dma_semaphore, #tpu.memory_space<semaphore_mem>>)
      %dma_wait3A_726 = arith.constant 0 : i32
      %dma_wait3A_727 = arith.constant 0 : i32
      %dma_wait3A_728 = arith.constant 0 : i32
      %dma_wait3A_729 = arith.constant 0 : i32
      %dma_wait3A_730 = tpu.memref_slice %arg8[%dma_wait3A_726, %dma_wait3A_728, %dma_wait3A_729] : memref<8x80x16xf32, #tpu.memory_space<vmem>> -> memref<1x80x16xf32, #tpu.memory_space<vmem>>
      %dma_wait3A_731 = tpu.memref_squeeze %dma_wait3A_730 : memref<1x80x16xf32, #tpu.memory_space<vmem>> -> memref<80x16xf32, #tpu.memory_space<vmem>>
      %dma_wait3A_732 = arith.constant 0 : i32
      %dma_wait3A_733 = tpu.memref_slice %arg6[%dma_wait3A_732] : memref<10000xi32, #tpu.memory_space<vmem>> -> memref<80xi32, #tpu.memory_space<vmem>>
      %dma_wait3A_734 = arith.constant 0 : i32
      %dma_wait3A_735 = arith.constant 0 : i32
      %dma_wait3A_736 = tpu.memref_slice %arg3[%dma_wait3A_734, %dma_wait3A_735] : memref<10240x16xf32, #tpu.memory_space<hbm>> -> memref<10240x16xf32, #tpu.memory_space<hbm>>
      %dma_wait3A_737 = tpu.memref_slice %arg11[%dma_wait3A_727] : memref<8x!tpu.dma_semaphore, #tpu.memory_space<semaphore_mem>> -> memref<1x!tpu.dma_semaphore, #tpu.memory_space<semaphore_mem>>
      %dma_wait3A_738 = tpu.memref_squeeze %dma_wait3A_737 : memref<1x!tpu.dma_semaphore, #tpu.memory_space<semaphore_mem>> -> memref<!tpu.dma_semaphore, #tpu.memory_space<semaphore_mem>>
      tpu.wait_indirect_dma semaphore(%dma_wait3A_738 : memref<!tpu.dma_semaphore, #tpu.memory_space<semaphore_mem>>) src(%dma_wait3A_736 : memref<10240x16xf32, #tpu.memory_space<hbm>>) dst(%dma_wait3A_731 : memref<80x16xf32, #tpu.memory_space<vmem>>)
      %add3A_739 = arith.constant 0 : i32
      %add3A_740 = arith.addi %mul3A_694, %add3A_739 : i32
      %mul3A_741 = arith.constant 80 : i32
      %mul3A_742 = arith.muli %add3A_740, %mul3A_741 : i32
      %dma_start3A_743 = arith.constant 0 : i32
      %dma_start3A_744 = arith.constant 0 : i32
      %dma_start3A_745 = arith.constant 0 : i32
      %dma_start3A_746 = arith.constant 0 : i32
      %dma_start3A_747 = tpu.memref_slice %arg8[%dma_start3A_743, %dma_start3A_745, %dma_start3A_746] : memref<8x80x16xf32, #tpu.memory_space<vmem>> -> memref<1x80x16xf32, #tpu.memory_space<vmem>>
      %dma_start3A_748 = tpu.memref_squeeze %dma_start3A_747 : memref<1x80x16xf32, #tpu.memory_space<vmem>> -> memref<80x16xf32, #tpu.memory_space<vmem>>
      %dma_start3A_749 = tpu.memref_slice %arg7[%mul3A_742] : memref<10000xi32, #tpu.memory_space<vmem>> -> memref<80xi32, #tpu.memory_space<vmem>>
      %dma_start3A_750 = arith.constant 0 : i32
      %dma_start3A_751 = arith.constant 0 : i32
      %dma_start3A_752 = tpu.memref_slice %arg10[%dma_start3A_750, %dma_start3A_751] : memref<10240x16xf32, #tpu.memory_space<vmem_shared>> -> memref<10240x16xf32, #tpu.memory_space<vmem_shared>>
      %dma_start3A_753 = tpu.memref_slice %arg12[%dma_start3A_744] : memref<8x!tpu.dma_semaphore, #tpu.memory_space<semaphore_mem>> -> memref<1x!tpu.dma_semaphore, #tpu.memory_space<semaphore_mem>>
      %dma_start3A_754 = tpu.memref_squeeze %dma_start3A_753 : memref<1x!tpu.dma_semaphore, #tpu.memory_space<semaphore_mem>> -> memref<!tpu.dma_semaphore, #tpu.memory_space<semaphore_mem>>
      tpu.enqueue_indirect_dma source(%dma_start3A_748 : memref<80x16xf32, #tpu.memory_space<vmem>>) target(%dma_start3A_752 : memref<10240x16xf32, #tpu.memory_space<vmem_shared>>) offsets(%dma_start3A_749 : memref<80xi32, #tpu.memory_space<vmem>>) semaphore(%dma_start3A_754 : memref<!tpu.dma_semaphore, #tpu.memory_space<semaphore_mem>>) {add = true}
      %dma_wait3A_755 = arith.constant 5 : i32
      %dma_wait3A_756 = arith.constant 5 : i32
      %dma_wait3A_757 = arith.constant 0 : i32
      %dma_wait3A_758 = arith.constant 0 : i32
      %dma_wait3A_759 = tpu.memref_slice %arg8[%dma_wait3A_755, %dma_wait3A_757, %dma_wait3A_758] : memref<8x80x16xf32, #tpu.memory_space<vmem>> -> memref<1x80x16xf32, #tpu.memory_space<vmem>>
      %dma_wait3A_760 = tpu.memref_squeeze %dma_wait3A_759 : memref<1x80x16xf32, #tpu.memory_space<vmem>> -> memref<80x16xf32, #tpu.memory_space<vmem>>
      %dma_wait3A_761 = arith.constant 0 : i32
      %dma_wait3A_762 = tpu.memref_slice %arg7[%dma_wait3A_761] : memref<10000xi32, #tpu.memory_space<vmem>> -> memref<80xi32, #tpu.memory_space<vmem>>
      %dma_wait3A_763 = arith.constant 0 : i32
      %dma_wait3A_764 = arith.constant 0 : i32
      %dma_wait3A_765 = tpu.memref_slice %arg10[%dma_wait3A_763, %dma_wait3A_764] : memref<10240x16xf32, #tpu.memory_space<vmem_shared>> -> memref<10240x16xf32, #tpu.memory_space<vmem_shared>>
      %dma_wait3A_766 = tpu.memref_slice %arg12[%dma_wait3A_756] : memref<8x!tpu.dma_semaphore, #tpu.memory_space<semaphore_mem>> -> memref<1x!tpu.dma_semaphore, #tpu.memory_space<semaphore_mem>>
      %dma_wait3A_767 = tpu.memref_squeeze %dma_wait3A_766 : memref<1x!tpu.dma_semaphore, #tpu.memory_space<semaphore_mem>> -> memref<!tpu.dma_semaphore, #tpu.memory_space<semaphore_mem>>
      tpu.wait_indirect_dma semaphore(%dma_wait3A_767 : memref<!tpu.dma_semaphore, #tpu.memory_space<semaphore_mem>>) src(%dma_wait3A_760 : memref<80x16xf32, #tpu.memory_space<vmem>>) dst(%dma_wait3A_765 : memref<10240x16xf32, #tpu.memory_space<vmem_shared>>)
      %add3A_768 = arith.constant 1 : i32
      %add3A_769 = arith.addi %mul3A_694, %add3A_768 : i32
      %add3A_770 = arith.constant 4 : i32
      %add3A_771 = arith.addi %add3A_769, %add3A_770 : i32
      %mul3A_772 = arith.constant 80 : i32
      %mul3A_773 = arith.muli %add3A_771, %mul3A_772 : i32
      %dma_start3A_774 = arith.constant 5 : i32
      %dma_start3A_775 = arith.constant 5 : i32
      %dma_start3A_776 = arith.constant 0 : i32
      %dma_start3A_777 = arith.constant 0 : i32
      %dma_start3A_778 = tpu.memref_slice %arg8[%dma_start3A_774, %dma_start3A_776, %dma_start3A_777] : memref<8x80x16xf32, #tpu.memory_space<vmem>> -> memref<1x80x16xf32, #tpu.memory_space<vmem>>
      %dma_start3A_779 = tpu.memref_squeeze %dma_start3A_778 : memref<1x80x16xf32, #tpu.memory_space<vmem>> -> memref<80x16xf32, #tpu.memory_space<vmem>>
      %dma_start3A_780 = tpu.memref_slice %arg6[%mul3A_773] : memref<10000xi32, #tpu.memory_space<vmem>> -> memref<80xi32, #tpu.memory_space<vmem>>
      %dma_start3A_781 = arith.constant 0 : i32
      %dma_start3A_782 = arith.constant 0 : i32
      %dma_start3A_783 = tpu.memref_slice %arg3[%dma_start3A_781, %dma_start3A_782] : memref<10240x16xf32, #tpu.memory_space<hbm>> -> memref<10240x16xf32, #tpu.memory_space<hbm>>
      %dma_start3A_784 = tpu.memref_slice %arg11[%dma_start3A_775] : memref<8x!tpu.dma_semaphore, #tpu.memory_space<semaphore_mem>> -> memref<1x!tpu.dma_semaphore, #tpu.memory_space<semaphore_mem>>
      %dma_start3A_785 = tpu.memref_squeeze %dma_start3A_784 : memref<1x!tpu.dma_semaphore, #tpu.memory_space<semaphore_mem>> -> memref<!tpu.dma_semaphore, #tpu.memory_space<semaphore_mem>>
      tpu.enqueue_indirect_dma source(%dma_start3A_783 : memref<10240x16xf32, #tpu.memory_space<hbm>>) target(%dma_start3A_779 : memref<80x16xf32, #tpu.memory_space<vmem>>) offsets(%dma_start3A_780 : memref<80xi32, #tpu.memory_space<vmem>>) semaphore(%dma_start3A_785 : memref<!tpu.dma_semaphore, #tpu.memory_space<semaphore_mem>>)
      %dma_wait3A_786 = arith.constant 1 : i32
      %dma_wait3A_787 = arith.constant 1 : i32
      %dma_wait3A_788 = arith.constant 0 : i32
      %dma_wait3A_789 = arith.constant 0 : i32
      %dma_wait3A_790 = tpu.memref_slice %arg8[%dma_wait3A_786, %dma_wait3A_788, %dma_wait3A_789] : memref<8x80x16xf32, #tpu.memory_space<vmem>> -> memref<1x80x16xf32, #tpu.memory_space<vmem>>
      %dma_wait3A_791 = tpu.memref_squeeze %dma_wait3A_790 : memref<1x80x16xf32, #tpu.memory_space<vmem>> -> memref<80x16xf32, #tpu.memory_space<vmem>>
      %dma_wait3A_792 = arith.constant 0 : i32
      %dma_wait3A_793 = tpu.memref_slice %arg6[%dma_wait3A_792] : memref<10000xi32, #tpu.memory_space<vmem>> -> memref<80xi32, #tpu.memory_space<vmem>>
      %dma_wait3A_794 = arith.constant 0 : i32
      %dma_wait3A_795 = arith.constant 0 : i32
      %dma_wait3A_796 = tpu.memref_slice %arg3[%dma_wait3A_794, %dma_wait3A_795] : memref<10240x16xf32, #tpu.memory_space<hbm>> -> memref<10240x16xf32, #tpu.memory_space<hbm>>
      %dma_wait3A_797 = tpu.memref_slice %arg11[%dma_wait3A_787] : memref<8x!tpu.dma_semaphore, #tpu.memory_space<semaphore_mem>> -> memref<1x!tpu.dma_semaphore, #tpu.memory_space<semaphore_mem>>
      %dma_wait3A_798 = tpu.memref_squeeze %dma_wait3A_797 : memref<1x!tpu.dma_semaphore, #tpu.memory_space<semaphore_mem>> -> memref<!tpu.dma_semaphore, #tpu.memory_space<semaphore_mem>>
      tpu.wait_indirect_dma semaphore(%dma_wait3A_798 : memref<!tpu.dma_semaphore, #tpu.memory_space<semaphore_mem>>) src(%dma_wait3A_796 : memref<10240x16xf32, #tpu.memory_space<hbm>>) dst(%dma_wait3A_791 : memref<80x16xf32, #tpu.memory_space<vmem>>)
      %add3A_799 = arith.constant 1 : i32
      %add3A_800 = arith.addi %mul3A_694, %add3A_799 : i32
      %mul3A_801 = arith.constant 80 : i32
      %mul3A_802 = arith.muli %add3A_800, %mul3A_801 : i32
      %dma_start3A_803 = arith.constant 1 : i32
      %dma_start3A_804 = arith.constant 1 : i32
      %dma_start3A_805 = arith.constant 0 : i32
      %dma_start3A_806 = arith.constant 0 : i32
      %dma_start3A_807 = tpu.memref_slice %arg8[%dma_start3A_803, %dma_start3A_805, %dma_start3A_806] : memref<8x80x16xf32, #tpu.memory_space<vmem>> -> memref<1x80x16xf32, #tpu.memory_space<vmem>>
      %dma_start3A_808 = tpu.memref_squeeze %dma_start3A_807 : memref<1x80x16xf32, #tpu.memory_space<vmem>> -> memref<80x16xf32, #tpu.memory_space<vmem>>
      %dma_start3A_809 = tpu.memref_slice %arg7[%mul3A_802] : memref<10000xi32, #tpu.memory_space<vmem>> -> memref<80xi32, #tpu.memory_space<vmem>>
      %dma_start3A_810 = arith.constant 0 : i32
      %dma_start3A_811 = arith.constant 0 : i32
      %dma_start3A_812 = tpu.memref_slice %arg10[%dma_start3A_810, %dma_start3A_811] : memref<10240x16xf32, #tpu.memory_space<vmem_shared>> -> memref<10240x16xf32, #tpu.memory_space<vmem_shared>>
      %dma_start3A_813 = tpu.memref_slice %arg12[%dma_start3A_804] : memref<8x!tpu.dma_semaphore, #tpu.memory_space<semaphore_mem>> -> memref<1x!tpu.dma_semaphore, #tpu.memory_space<semaphore_mem>>
      %dma_start3A_814 = tpu.memref_squeeze %dma_start3A_813 : memref<1x!tpu.dma_semaphore, #tpu.memory_space<semaphore_mem>> -> memref<!tpu.dma_semaphore, #tpu.memory_space<semaphore_mem>>
      tpu.enqueue_indirect_dma source(%dma_start3A_808 : memref<80x16xf32, #tpu.memory_space<vmem>>) target(%dma_start3A_812 : memref<10240x16xf32, #tpu.memory_space<vmem_shared>>) offsets(%dma_start3A_809 : memref<80xi32, #tpu.memory_space<vmem>>) semaphore(%dma_start3A_814 : memref<!tpu.dma_semaphore, #tpu.memory_space<semaphore_mem>>) {add = true}
      %dma_wait3A_815 = arith.constant 6 : i32
      %dma_wait3A_816 = arith.constant 6 : i32
      %dma_wait3A_817 = arith.constant 0 : i32
      %dma_wait3A_818 = arith.constant 0 : i32
      %dma_wait3A_819 = tpu.memref_slice %arg8[%dma_wait3A_815, %dma_wait3A_817, %dma_wait3A_818] : memref<8x80x16xf32, #tpu.memory_space<vmem>> -> memref<1x80x16xf32, #tpu.memory_space<vmem>>
      %dma_wait3A_820 = tpu.memref_squeeze %dma_wait3A_819 : memref<1x80x16xf32, #tpu.memory_space<vmem>> -> memref<80x16xf32, #tpu.memory_space<vmem>>
      %dma_wait3A_821 = arith.constant 0 : i32
      %dma_wait3A_822 = tpu.memref_slice %arg7[%dma_wait3A_821] : memref<10000xi32, #tpu.memory_space<vmem>> -> memref<80xi32, #tpu.memory_space<vmem>>
      %dma_wait3A_823 = arith.constant 0 : i32
      %dma_wait3A_824 = arith.constant 0 : i32
      %dma_wait3A_825 = tpu.memref_slice %arg10[%dma_wait3A_823, %dma_wait3A_824] : memref<10240x16xf32, #tpu.memory_space<vmem_shared>> -> memref<10240x16xf32, #tpu.memory_space<vmem_shared>>
      %dma_wait3A_826 = tpu.memref_slice %arg12[%dma_wait3A_816] : memref<8x!tpu.dma_semaphore, #tpu.memory_space<semaphore_mem>> -> memref<1x!tpu.dma_semaphore, #tpu.memory_space<semaphore_mem>>
      %dma_wait3A_827 = tpu.memref_squeeze %dma_wait3A_826 : memref<1x!tpu.dma_semaphore, #tpu.memory_space<semaphore_mem>> -> memref<!tpu.dma_semaphore, #tpu.memory_space<semaphore_mem>>
      tpu.wait_indirect_dma semaphore(%dma_wait3A_827 : memref<!tpu.dma_semaphore, #tpu.memory_space<semaphore_mem>>) src(%dma_wait3A_820 : memref<80x16xf32, #tpu.memory_space<vmem>>) dst(%dma_wait3A_825 : memref<10240x16xf32, #tpu.memory_space<vmem_shared>>)
      %add3A_828 = arith.constant 2 : i32
      %add3A_829 = arith.addi %mul3A_694, %add3A_828 : i32
      %add3A_830 = arith.constant 4 : i32
      %add3A_831 = arith.addi %add3A_829, %add3A_830 : i32
      %mul3A_832 = arith.constant 80 : i32
      %mul3A_833 = arith.muli %add3A_831, %mul3A_832 : i32
      %dma_start3A_834 = arith.constant 6 : i32
      %dma_start3A_835 = arith.constant 6 : i32
      %dma_start3A_836 = arith.constant 0 : i32
      %dma_start3A_837 = arith.constant 0 : i32
      %dma_start3A_838 = tpu.memref_slice %arg8[%dma_start3A_834, %dma_start3A_836, %dma_start3A_837] : memref<8x80x16xf32, #tpu.memory_space<vmem>> -> memref<1x80x16xf32, #tpu.memory_space<vmem>>
      %dma_start3A_839 = tpu.memref_squeeze %dma_start3A_838 : memref<1x80x16xf32, #tpu.memory_space<vmem>> -> memref<80x16xf32, #tpu.memory_space<vmem>>
      %dma_start3A_840 = tpu.memref_slice %arg6[%mul3A_833] : memref<10000xi32, #tpu.memory_space<vmem>> -> memref<80xi32, #tpu.memory_space<vmem>>
      %dma_start3A_841 = arith.constant 0 : i32
      %dma_start3A_842 = arith.constant 0 : i32
      %dma_start3A_843 = tpu.memref_slice %arg3[%dma_start3A_841, %dma_start3A_842] : memref<10240x16xf32, #tpu.memory_space<hbm>> -> memref<10240x16xf32, #tpu.memory_space<hbm>>
      %dma_start3A_844 = tpu.memref_slice %arg11[%dma_start3A_835] : memref<8x!tpu.dma_semaphore, #tpu.memory_space<semaphore_mem>> -> memref<1x!tpu.dma_semaphore, #tpu.memory_space<semaphore_mem>>
      %dma_start3A_845 = tpu.memref_squeeze %dma_start3A_844 : memref<1x!tpu.dma_semaphore, #tpu.memory_space<semaphore_mem>> -> memref<!tpu.dma_semaphore, #tpu.memory_space<semaphore_mem>>
      tpu.enqueue_indirect_dma source(%dma_start3A_843 : memref<10240x16xf32, #tpu.memory_space<hbm>>) target(%dma_start3A_839 : memref<80x16xf32, #tpu.memory_space<vmem>>) offsets(%dma_start3A_840 : memref<80xi32, #tpu.memory_space<vmem>>) semaphore(%dma_start3A_845 : memref<!tpu.dma_semaphore, #tpu.memory_space<semaphore_mem>>)
      %dma_wait3A_846 = arith.constant 2 : i32
      %dma_wait3A_847 = arith.constant 2 : i32
      %dma_wait3A_848 = arith.constant 0 : i32
      %dma_wait3A_849 = arith.constant 0 : i32
      %dma_wait3A_850 = tpu.memref_slice %arg8[%dma_wait3A_846, %dma_wait3A_848, %dma_wait3A_849] : memref<8x80x16xf32, #tpu.memory_space<vmem>> -> memref<1x80x16xf32, #tpu.memory_space<vmem>>
      %dma_wait3A_851 = tpu.memref_squeeze %dma_wait3A_850 : memref<1x80x16xf32, #tpu.memory_space<vmem>> -> memref<80x16xf32, #tpu.memory_space<vmem>>
      %dma_wait3A_852 = arith.constant 0 : i32
      %dma_wait3A_853 = tpu.memref_slice %arg6[%dma_wait3A_852] : memref<10000xi32, #tpu.memory_space<vmem>> -> memref<80xi32, #tpu.memory_space<vmem>>
      %dma_wait3A_854 = arith.constant 0 : i32
      %dma_wait3A_855 = arith.constant 0 : i32
      %dma_wait3A_856 = tpu.memref_slice %arg3[%dma_wait3A_854, %dma_wait3A_855] : memref<10240x16xf32, #tpu.memory_space<hbm>> -> memref<10240x16xf32, #tpu.memory_space<hbm>>
      %dma_wait3A_857 = tpu.memref_slice %arg11[%dma_wait3A_847] : memref<8x!tpu.dma_semaphore, #tpu.memory_space<semaphore_mem>> -> memref<1x!tpu.dma_semaphore, #tpu.memory_space<semaphore_mem>>
      %dma_wait3A_858 = tpu.memref_squeeze %dma_wait3A_857 : memref<1x!tpu.dma_semaphore, #tpu.memory_space<semaphore_mem>> -> memref<!tpu.dma_semaphore, #tpu.memory_space<semaphore_mem>>
      tpu.wait_indirect_dma semaphore(%dma_wait3A_858 : memref<!tpu.dma_semaphore, #tpu.memory_space<semaphore_mem>>) src(%dma_wait3A_856 : memref<10240x16xf32, #tpu.memory_space<hbm>>) dst(%dma_wait3A_851 : memref<80x16xf32, #tpu.memory_space<vmem>>)
      %add3A_859 = arith.constant 2 : i32
      %add3A_860 = arith.addi %mul3A_694, %add3A_859 : i32
      %mul3A_861 = arith.constant 80 : i32
      %mul3A_862 = arith.muli %add3A_860, %mul3A_861 : i32
      %dma_start3A_863 = arith.constant 2 : i32
      %dma_start3A_864 = arith.constant 2 : i32
      %dma_start3A_865 = arith.constant 0 : i32
      %dma_start3A_866 = arith.constant 0 : i32
      %dma_start3A_867 = tpu.memref_slice %arg8[%dma_start3A_863, %dma_start3A_865, %dma_start3A_866] : memref<8x80x16xf32, #tpu.memory_space<vmem>> -> memref<1x80x16xf32, #tpu.memory_space<vmem>>
      %dma_start3A_868 = tpu.memref_squeeze %dma_start3A_867 : memref<1x80x16xf32, #tpu.memory_space<vmem>> -> memref<80x16xf32, #tpu.memory_space<vmem>>
      %dma_start3A_869 = tpu.memref_slice %arg7[%mul3A_862] : memref<10000xi32, #tpu.memory_space<vmem>> -> memref<80xi32, #tpu.memory_space<vmem>>
      %dma_start3A_870 = arith.constant 0 : i32
      %dma_start3A_871 = arith.constant 0 : i32
      %dma_start3A_872 = tpu.memref_slice %arg10[%dma_start3A_870, %dma_start3A_871] : memref<10240x16xf32, #tpu.memory_space<vmem_shared>> -> memref<10240x16xf32, #tpu.memory_space<vmem_shared>>
      %dma_start3A_873 = tpu.memref_slice %arg12[%dma_start3A_864] : memref<8x!tpu.dma_semaphore, #tpu.memory_space<semaphore_mem>> -> memref<1x!tpu.dma_semaphore, #tpu.memory_space<semaphore_mem>>
      %dma_start3A_874 = tpu.memref_squeeze %dma_start3A_873 : memref<1x!tpu.dma_semaphore, #tpu.memory_space<semaphore_mem>> -> memref<!tpu.dma_semaphore, #tpu.memory_space<semaphore_mem>>
      tpu.enqueue_indirect_dma source(%dma_start3A_868 : memref<80x16xf32, #tpu.memory_space<vmem>>) target(%dma_start3A_872 : memref<10240x16xf32, #tpu.memory_space<vmem_shared>>) offsets(%dma_start3A_869 : memref<80xi32, #tpu.memory_space<vmem>>) semaphore(%dma_start3A_874 : memref<!tpu.dma_semaphore, #tpu.memory_space<semaphore_mem>>) {add = true}
      %dma_wait3A_875 = arith.constant 7 : i32
      %dma_wait3A_876 = arith.constant 7 : i32
      %dma_wait3A_877 = arith.constant 0 : i32
      %dma_wait3A_878 = arith.constant 0 : i32
      %dma_wait3A_879 = tpu.memref_slice %arg8[%dma_wait3A_875, %dma_wait3A_877, %dma_wait3A_878] : memref<8x80x16xf32, #tpu.memory_space<vmem>> -> memref<1x80x16xf32, #tpu.memory_space<vmem>>
      %dma_wait3A_880 = tpu.memref_squeeze %dma_wait3A_879 : memref<1x80x16xf32, #tpu.memory_space<vmem>> -> memref<80x16xf32, #tpu.memory_space<vmem>>
      %dma_wait3A_881 = arith.constant 0 : i32
      %dma_wait3A_882 = tpu.memref_slice %arg7[%dma_wait3A_881] : memref<10000xi32, #tpu.memory_space<vmem>> -> memref<80xi32, #tpu.memory_space<vmem>>
      %dma_wait3A_883 = arith.constant 0 : i32
      %dma_wait3A_884 = arith.constant 0 : i32
      %dma_wait3A_885 = tpu.memref_slice %arg10[%dma_wait3A_883, %dma_wait3A_884] : memref<10240x16xf32, #tpu.memory_space<vmem_shared>> -> memref<10240x16xf32, #tpu.memory_space<vmem_shared>>
      %dma_wait3A_886 = tpu.memref_slice %arg12[%dma_wait3A_876] : memref<8x!tpu.dma_semaphore, #tpu.memory_space<semaphore_mem>> -> memref<1x!tpu.dma_semaphore, #tpu.memory_space<semaphore_mem>>
      %dma_wait3A_887 = tpu.memref_squeeze %dma_wait3A_886 : memref<1x!tpu.dma_semaphore, #tpu.memory_space<semaphore_mem>> -> memref<!tpu.dma_semaphore, #tpu.memory_space<semaphore_mem>>
      tpu.wait_indirect_dma semaphore(%dma_wait3A_887 : memref<!tpu.dma_semaphore, #tpu.memory_space<semaphore_mem>>) src(%dma_wait3A_880 : memref<80x16xf32, #tpu.memory_space<vmem>>) dst(%dma_wait3A_885 : memref<10240x16xf32, #tpu.memory_space<vmem_shared>>)
      %add3A_888 = arith.constant 3 : i32
      %add3A_889 = arith.addi %mul3A_694, %add3A_888 : i32
      %add3A_890 = arith.constant 4 : i32
      %add3A_891 = arith.addi %add3A_889, %add3A_890 : i32
      %mul3A_892 = arith.constant 80 : i32
      %mul3A_893 = arith.muli %add3A_891, %mul3A_892 : i32
      %dma_start3A_894 = arith.constant 7 : i32
      %dma_start3A_895 = arith.constant 7 : i32
      %dma_start3A_896 = arith.constant 0 : i32
      %dma_start3A_897 = arith.constant 0 : i32
      %dma_start3A_898 = tpu.memref_slice %arg8[%dma_start3A_894, %dma_start3A_896, %dma_start3A_897] : memref<8x80x16xf32, #tpu.memory_space<vmem>> -> memref<1x80x16xf32, #tpu.memory_space<vmem>>
      %dma_start3A_899 = tpu.memref_squeeze %dma_start3A_898 : memref<1x80x16xf32, #tpu.memory_space<vmem>> -> memref<80x16xf32, #tpu.memory_space<vmem>>
      %dma_start3A_900 = tpu.memref_slice %arg6[%mul3A_893] : memref<10000xi32, #tpu.memory_space<vmem>> -> memref<80xi32, #tpu.memory_space<vmem>>
      %dma_start3A_901 = arith.constant 0 : i32
      %dma_start3A_902 = arith.constant 0 : i32
      %dma_start3A_903 = tpu.memref_slice %arg3[%dma_start3A_901, %dma_start3A_902] : memref<10240x16xf32, #tpu.memory_space<hbm>> -> memref<10240x16xf32, #tpu.memory_space<hbm>>
      %dma_start3A_904 = tpu.memref_slice %arg11[%dma_start3A_895] : memref<8x!tpu.dma_semaphore, #tpu.memory_space<semaphore_mem>> -> memref<1x!tpu.dma_semaphore, #tpu.memory_space<semaphore_mem>>
      %dma_start3A_905 = tpu.memref_squeeze %dma_start3A_904 : memref<1x!tpu.dma_semaphore, #tpu.memory_space<semaphore_mem>> -> memref<!tpu.dma_semaphore, #tpu.memory_space<semaphore_mem>>
      tpu.enqueue_indirect_dma source(%dma_start3A_903 : memref<10240x16xf32, #tpu.memory_space<hbm>>) target(%dma_start3A_899 : memref<80x16xf32, #tpu.memory_space<vmem>>) offsets(%dma_start3A_900 : memref<80xi32, #tpu.memory_space<vmem>>) semaphore(%dma_start3A_905 : memref<!tpu.dma_semaphore, #tpu.memory_space<semaphore_mem>>)
      %dma_wait3A_906 = arith.constant 3 : i32
      %dma_wait3A_907 = arith.constant 3 : i32
      %dma_wait3A_908 = arith.constant 0 : i32
      %dma_wait3A_909 = arith.constant 0 : i32
      %dma_wait3A_910 = tpu.memref_slice %arg8[%dma_wait3A_906, %dma_wait3A_908, %dma_wait3A_909] : memref<8x80x16xf32, #tpu.memory_space<vmem>> -> memref<1x80x16xf32, #tpu.memory_space<vmem>>
      %dma_wait3A_911 = tpu.memref_squeeze %dma_wait3A_910 : memref<1x80x16xf32, #tpu.memory_space<vmem>> -> memref<80x16xf32, #tpu.memory_space<vmem>>
      %dma_wait3A_912 = arith.constant 0 : i32
      %dma_wait3A_913 = tpu.memref_slice %arg6[%dma_wait3A_912] : memref<10000xi32, #tpu.memory_space<vmem>> -> memref<80xi32, #tpu.memory_space<vmem>>
      %dma_wait3A_914 = arith.constant 0 : i32
      %dma_wait3A_915 = arith.constant 0 : i32
      %dma_wait3A_916 = tpu.memref_slice %arg3[%dma_wait3A_914, %dma_wait3A_915] : memref<10240x16xf32, #tpu.memory_space<hbm>> -> memref<10240x16xf32, #tpu.memory_space<hbm>>
      %dma_wait3A_917 = tpu.memref_slice %arg11[%dma_wait3A_907] : memref<8x!tpu.dma_semaphore, #tpu.memory_space<semaphore_mem>> -> memref<1x!tpu.dma_semaphore, #tpu.memory_space<semaphore_mem>>
      %dma_wait3A_918 = tpu.memref_squeeze %dma_wait3A_917 : memref<1x!tpu.dma_semaphore, #tpu.memory_space<semaphore_mem>> -> memref<!tpu.dma_semaphore, #tpu.memory_space<semaphore_mem>>
      tpu.wait_indirect_dma semaphore(%dma_wait3A_918 : memref<!tpu.dma_semaphore, #tpu.memory_space<semaphore_mem>>) src(%dma_wait3A_916 : memref<10240x16xf32, #tpu.memory_space<hbm>>) dst(%dma_wait3A_911 : memref<80x16xf32, #tpu.memory_space<vmem>>)
      %add3A_919 = arith.constant 3 : i32
      %add3A_920 = arith.addi %mul3A_694, %add3A_919 : i32
      %mul3A_921 = arith.constant 80 : i32
      %mul3A_922 = arith.muli %add3A_920, %mul3A_921 : i32
      %dma_start3A_923 = arith.constant 3 : i32
      %dma_start3A_924 = arith.constant 3 : i32
      %dma_start3A_925 = arith.constant 0 : i32
      %dma_start3A_926 = arith.constant 0 : i32
      %dma_start3A_927 = tpu.memref_slice %arg8[%dma_start3A_923, %dma_start3A_925, %dma_start3A_926] : memref<8x80x16xf32, #tpu.memory_space<vmem>> -> memref<1x80x16xf32, #tpu.memory_space<vmem>>
      %dma_start3A_928 = tpu.memref_squeeze %dma_start3A_927 : memref<1x80x16xf32, #tpu.memory_space<vmem>> -> memref<80x16xf32, #tpu.memory_space<vmem>>
      %dma_start3A_929 = tpu.memref_slice %arg7[%mul3A_922] : memref<10000xi32, #tpu.memory_space<vmem>> -> memref<80xi32, #tpu.memory_space<vmem>>
      %dma_start3A_930 = arith.constant 0 : i32
      %dma_start3A_931 = arith.constant 0 : i32
      %dma_start3A_932 = tpu.memref_slice %arg10[%dma_start3A_930, %dma_start3A_931] : memref<10240x16xf32, #tpu.memory_space<vmem_shared>> -> memref<10240x16xf32, #tpu.memory_space<vmem_shared>>
      %dma_start3A_933 = tpu.memref_slice %arg12[%dma_start3A_924] : memref<8x!tpu.dma_semaphore, #tpu.memory_space<semaphore_mem>> -> memref<1x!tpu.dma_semaphore, #tpu.memory_space<semaphore_mem>>
      %dma_start3A_934 = tpu.memref_squeeze %dma_start3A_933 : memref<1x!tpu.dma_semaphore, #tpu.memory_space<semaphore_mem>> -> memref<!tpu.dma_semaphore, #tpu.memory_space<semaphore_mem>>
      tpu.enqueue_indirect_dma source(%dma_start3A_928 : memref<80x16xf32, #tpu.memory_space<vmem>>) target(%dma_start3A_932 : memref<10240x16xf32, #tpu.memory_space<vmem_shared>>) offsets(%dma_start3A_929 : memref<80xi32, #tpu.memory_space<vmem>>) semaphore(%dma_start3A_934 : memref<!tpu.dma_semaphore, #tpu.memory_space<semaphore_mem>>) {add = true}
      %dma_wait3A_935 = arith.constant 0 : i32
      %dma_wait3A_936 = arith.constant 0 : i32
      %dma_wait3A_937 = arith.constant 0 : i32
      %dma_wait3A_938 = arith.constant 0 : i32
      %dma_wait3A_939 = tpu.memref_slice %arg8[%dma_wait3A_935, %dma_wait3A_937, %dma_wait3A_938] : memref<8x80x16xf32, #tpu.memory_space<vmem>> -> memref<1x80x16xf32, #tpu.memory_space<vmem>>
      %dma_wait3A_940 = tpu.memref_squeeze %dma_wait3A_939 : memref<1x80x16xf32, #tpu.memory_space<vmem>> -> memref<80x16xf32, #tpu.memory_space<vmem>>
      %dma_wait3A_941 = arith.constant 0 : i32
      %dma_wait3A_942 = tpu.memref_slice %arg7[%dma_wait3A_941] : memref<10000xi32, #tpu.memory_space<vmem>> -> memref<80xi32, #tpu.memory_space<vmem>>
      %dma_wait3A_943 = arith.constant 0 : i32
      %dma_wait3A_944 = arith.constant 0 : i32
      %dma_wait3A_945 = tpu.memref_slice %arg10[%dma_wait3A_943, %dma_wait3A_944] : memref<10240x16xf32, #tpu.memory_space<vmem_shared>> -> memref<10240x16xf32, #tpu.memory_space<vmem_shared>>
      %dma_wait3A_946 = tpu.memref_slice %arg12[%dma_wait3A_936] : memref<8x!tpu.dma_semaphore, #tpu.memory_space<semaphore_mem>> -> memref<1x!tpu.dma_semaphore, #tpu.memory_space<semaphore_mem>>
      %dma_wait3A_947 = tpu.memref_squeeze %dma_wait3A_946 : memref<1x!tpu.dma_semaphore, #tpu.memory_space<semaphore_mem>> -> memref<!tpu.dma_semaphore, #tpu.memory_space<semaphore_mem>>
      tpu.wait_indirect_dma semaphore(%dma_wait3A_947 : memref<!tpu.dma_semaphore, #tpu.memory_space<semaphore_mem>>) src(%dma_wait3A_940 : memref<80x16xf32, #tpu.memory_space<vmem>>) dst(%dma_wait3A_945 : memref<10240x16xf32, #tpu.memory_space<vmem_shared>>)
      %add3A_948 = arith.constant 4 : i32
      %add3A_949 = arith.addi %mul3A_694, %add3A_948 : i32
      %add3A_950 = arith.constant 4 : i32
      %add3A_951 = arith.addi %add3A_949, %add3A_950 : i32
      %mul3A_952 = arith.constant 80 : i32
      %mul3A_953 = arith.muli %add3A_951, %mul3A_952 : i32
      %dma_start3A_954 = arith.constant 0 : i32
      %dma_start3A_955 = arith.constant 0 : i32
      %dma_start3A_956 = arith.constant 0 : i32
      %dma_start3A_957 = arith.constant 0 : i32
      %dma_start3A_958 = tpu.memref_slice %arg8[%dma_start3A_954, %dma_start3A_956, %dma_start3A_957] : memref<8x80x16xf32, #tpu.memory_space<vmem>> -> memref<1x80x16xf32, #tpu.memory_space<vmem>>
      %dma_start3A_959 = tpu.memref_squeeze %dma_start3A_958 : memref<1x80x16xf32, #tpu.memory_space<vmem>> -> memref<80x16xf32, #tpu.memory_space<vmem>>
      %dma_start3A_960 = tpu.memref_slice %arg6[%mul3A_953] : memref<10000xi32, #tpu.memory_space<vmem>> -> memref<80xi32, #tpu.memory_space<vmem>>
      %dma_start3A_961 = arith.constant 0 : i32
      %dma_start3A_962 = arith.constant 0 : i32
      %dma_start3A_963 = tpu.memref_slice %arg3[%dma_start3A_961, %dma_start3A_962] : memref<10240x16xf32, #tpu.memory_space<hbm>> -> memref<10240x16xf32, #tpu.memory_space<hbm>>
      %dma_start3A_964 = tpu.memref_slice %arg11[%dma_start3A_955] : memref<8x!tpu.dma_semaphore, #tpu.memory_space<semaphore_mem>> -> memref<1x!tpu.dma_semaphore, #tpu.memory_space<semaphore_mem>>
      %dma_start3A_965 = tpu.memref_squeeze %dma_start3A_964 : memref<1x!tpu.dma_semaphore, #tpu.memory_space<semaphore_mem>> -> memref<!tpu.dma_semaphore, #tpu.memory_space<semaphore_mem>>
      tpu.enqueue_indirect_dma source(%dma_start3A_963 : memref<10240x16xf32, #tpu.memory_space<hbm>>) target(%dma_start3A_959 : memref<80x16xf32, #tpu.memory_space<vmem>>) offsets(%dma_start3A_960 : memref<80xi32, #tpu.memory_space<vmem>>) semaphore(%dma_start3A_965 : memref<!tpu.dma_semaphore, #tpu.memory_space<semaphore_mem>>)
      %dma_wait3A_966 = arith.constant 4 : i32
      %dma_wait3A_967 = arith.constant 4 : i32
      %dma_wait3A_968 = arith.constant 0 : i32
      %dma_wait3A_969 = arith.constant 0 : i32
      %dma_wait3A_970 = tpu.memref_slice %arg8[%dma_wait3A_966, %dma_wait3A_968, %dma_wait3A_969] : memref<8x80x16xf32, #tpu.memory_space<vmem>> -> memref<1x80x16xf32, #tpu.memory_space<vmem>>
      %dma_wait3A_971 = tpu.memref_squeeze %dma_wait3A_970 : memref<1x80x16xf32, #tpu.memory_space<vmem>> -> memref<80x16xf32, #tpu.memory_space<vmem>>
      %dma_wait3A_972 = arith.constant 0 : i32
      %dma_wait3A_973 = tpu.memref_slice %arg6[%dma_wait3A_972] : memref<10000xi32, #tpu.memory_space<vmem>> -> memref<80xi32, #tpu.memory_space<vmem>>
      %dma_wait3A_974 = arith.constant 0 : i32
      %dma_wait3A_975 = arith.constant 0 : i32
      %dma_wait3A_976 = tpu.memref_slice %arg3[%dma_wait3A_974, %dma_wait3A_975] : memref<10240x16xf32, #tpu.memory_space<hbm>> -> memref<10240x16xf32, #tpu.memory_space<hbm>>
      %dma_wait3A_977 = tpu.memref_slice %arg11[%dma_wait3A_967] : memref<8x!tpu.dma_semaphore, #tpu.memory_space<semaphore_mem>> -> memref<1x!tpu.dma_semaphore, #tpu.memory_space<semaphore_mem>>
      %dma_wait3A_978 = tpu.memref_squeeze %dma_wait3A_977 : memref<1x!tpu.dma_semaphore, #tpu.memory_space<semaphore_mem>> -> memref<!tpu.dma_semaphore, #tpu.memory_space<semaphore_mem>>
      tpu.wait_indirect_dma semaphore(%dma_wait3A_978 : memref<!tpu.dma_semaphore, #tpu.memory_space<semaphore_mem>>) src(%dma_wait3A_976 : memref<10240x16xf32, #tpu.memory_space<hbm>>) dst(%dma_wait3A_971 : memref<80x16xf32, #tpu.memory_space<vmem>>)
      %add3A_979 = arith.constant 4 : i32
      %add3A_980 = arith.addi %mul3A_694, %add3A_979 : i32
      %mul3A_981 = arith.constant 80 : i32
      %mul3A_982 = arith.muli %add3A_980, %mul3A_981 : i32
      %dma_start3A_983 = arith.constant 4 : i32
      %dma_start3A_984 = arith.constant 4 : i32
      %dma_start3A_985 = arith.constant 0 : i32
      %dma_start3A_986 = arith.constant 0 : i32
      %dma_start3A_987 = tpu.memref_slice %arg8[%dma_start3A_983, %dma_start3A_985, %dma_start3A_986] : memref<8x80x16xf32, #tpu.memory_space<vmem>> -> memref<1x80x16xf32, #tpu.memory_space<vmem>>
      %dma_start3A_988 = tpu.memref_squeeze %dma_start3A_987 : memref<1x80x16xf32, #tpu.memory_space<vmem>> -> memref<80x16xf32, #tpu.memory_space<vmem>>
      %dma_start3A_989 = tpu.memref_slice %arg7[%mul3A_982] : memref<10000xi32, #tpu.memory_space<vmem>> -> memref<80xi32, #tpu.memory_space<vmem>>
      %dma_start3A_990 = arith.constant 0 : i32
      %dma_start3A_991 = arith.constant 0 : i32
      %dma_start3A_992 = tpu.memref_slice %arg10[%dma_start3A_990, %dma_start3A_991] : memref<10240x16xf32, #tpu.memory_space<vmem_shared>> -> memref<10240x16xf32, #tpu.memory_space<vmem_shared>>
      %dma_start3A_993 = tpu.memref_slice %arg12[%dma_start3A_984] : memref<8x!tpu.dma_semaphore, #tpu.memory_space<semaphore_mem>> -> memref<1x!tpu.dma_semaphore, #tpu.memory_space<semaphore_mem>>
      %dma_start3A_994 = tpu.memref_squeeze %dma_start3A_993 : memref<1x!tpu.dma_semaphore, #tpu.memory_space<semaphore_mem>> -> memref<!tpu.dma_semaphore, #tpu.memory_space<semaphore_mem>>
      tpu.enqueue_indirect_dma source(%dma_start3A_988 : memref<80x16xf32, #tpu.memory_space<vmem>>) target(%dma_start3A_992 : memref<10240x16xf32, #tpu.memory_space<vmem_shared>>) offsets(%dma_start3A_989 : memref<80xi32, #tpu.memory_space<vmem>>) semaphore(%dma_start3A_994 : memref<!tpu.dma_semaphore, #tpu.memory_space<semaphore_mem>>) {add = true}
      %dma_wait3A_995 = arith.constant 1 : i32
      %dma_wait3A_996 = arith.constant 1 : i32
      %dma_wait3A_997 = arith.constant 0 : i32
      %dma_wait3A_998 = arith.constant 0 : i32
      %dma_wait3A_999 = tpu.memref_slice %arg8[%dma_wait3A_995, %dma_wait3A_997, %dma_wait3A_998] : memref<8x80x16xf32, #tpu.memory_space<vmem>> -> memref<1x80x16xf32, #tpu.memory_space<vmem>>
      %dma_wait3A_1000 = tpu.memref_squeeze %dma_wait3A_999 : memref<1x80x16xf32, #tpu.memory_space<vmem>> -> memref<80x16xf32, #tpu.memory_space<vmem>>
      %dma_wait3A_1001 = arith.constant 0 : i32
      %dma_wait3A_1002 = tpu.memref_slice %arg7[%dma_wait3A_1001] : memref<10000xi32, #tpu.memory_space<vmem>> -> memref<80xi32, #tpu.memory_space<vmem>>
      %dma_wait3A_1003 = arith.constant 0 : i32
      %dma_wait3A_1004 = arith.constant 0 : i32
      %dma_wait3A_1005 = tpu.memref_slice %arg10[%dma_wait3A_1003, %dma_wait3A_1004] : memref<10240x16xf32, #tpu.memory_space<vmem_shared>> -> memref<10240x16xf32, #tpu.memory_space<vmem_shared>>
      %dma_wait3A_1006 = tpu.memref_slice %arg12[%dma_wait3A_996] : memref<8x!tpu.dma_semaphore, #tpu.memory_space<semaphore_mem>> -> memref<1x!tpu.dma_semaphore, #tpu.memory_space<semaphore_mem>>
      %dma_wait3A_1007 = tpu.memref_squeeze %dma_wait3A_1006 : memref<1x!tpu.dma_semaphore, #tpu.memory_space<semaphore_mem>> -> memref<!tpu.dma_semaphore, #tpu.memory_space<semaphore_mem>>
      tpu.wait_indirect_dma semaphore(%dma_wait3A_1007 : memref<!tpu.dma_semaphore, #tpu.memory_space<semaphore_mem>>) src(%dma_wait3A_1000 : memref<80x16xf32, #tpu.memory_space<vmem>>) dst(%dma_wait3A_1005 : memref<10240x16xf32, #tpu.memory_space<vmem_shared>>)
      %add3A_1008 = arith.constant 5 : i32
      %add3A_1009 = arith.addi %mul3A_694, %add3A_1008 : i32
      %add3A_1010 = arith.constant 4 : i32
      %add3A_1011 = arith.addi %add3A_1009, %add3A_1010 : i32
      %mul3A_1012 = arith.constant 80 : i32
      %mul3A_1013 = arith.muli %add3A_1011, %mul3A_1012 : i32
      %dma_start3A_1014 = arith.constant 1 : i32
      %dma_start3A_1015 = arith.constant 1 : i32
      %dma_start3A_1016 = arith.constant 0 : i32
      %dma_start3A_1017 = arith.constant 0 : i32
      %dma_start3A_1018 = tpu.memref_slice %arg8[%dma_start3A_1014, %dma_start3A_1016, %dma_start3A_1017] : memref<8x80x16xf32, #tpu.memory_space<vmem>> -> memref<1x80x16xf32, #tpu.memory_space<vmem>>
      %dma_start3A_1019 = tpu.memref_squeeze %dma_start3A_1018 : memref<1x80x16xf32, #tpu.memory_space<vmem>> -> memref<80x16xf32, #tpu.memory_space<vmem>>
      %dma_start3A_1020 = tpu.memref_slice %arg6[%mul3A_1013] : memref<10000xi32, #tpu.memory_space<vmem>> -> memref<80xi32, #tpu.memory_space<vmem>>
      %dma_start3A_1021 = arith.constant 0 : i32
      %dma_start3A_1022 = arith.constant 0 : i32
      %dma_start3A_1023 = tpu.memref_slice %arg3[%dma_start3A_1021, %dma_start3A_1022] : memref<10240x16xf32, #tpu.memory_space<hbm>> -> memref<10240x16xf32, #tpu.memory_space<hbm>>
      %dma_start3A_1024 = tpu.memref_slice %arg11[%dma_start3A_1015] : memref<8x!tpu.dma_semaphore, #tpu.memory_space<semaphore_mem>> -> memref<1x!tpu.dma_semaphore, #tpu.memory_space<semaphore_mem>>
      %dma_start3A_1025 = tpu.memref_squeeze %dma_start3A_1024 : memref<1x!tpu.dma_semaphore, #tpu.memory_space<semaphore_mem>> -> memref<!tpu.dma_semaphore, #tpu.memory_space<semaphore_mem>>
      tpu.enqueue_indirect_dma source(%dma_start3A_1023 : memref<10240x16xf32, #tpu.memory_space<hbm>>) target(%dma_start3A_1019 : memref<80x16xf32, #tpu.memory_space<vmem>>) offsets(%dma_start3A_1020 : memref<80xi32, #tpu.memory_space<vmem>>) semaphore(%dma_start3A_1025 : memref<!tpu.dma_semaphore, #tpu.memory_space<semaphore_mem>>)
      %dma_wait3A_1026 = arith.constant 5 : i32
      %dma_wait3A_1027 = arith.constant 5 : i32
      %dma_wait3A_1028 = arith.constant 0 : i32
      %dma_wait3A_1029 = arith.constant 0 : i32
      %dma_wait3A_1030 = tpu.memref_slice %arg8[%dma_wait3A_1026, %dma_wait3A_1028, %dma_wait3A_1029] : memref<8x80x16xf32, #tpu.memory_space<vmem>> -> memref<1x80x16xf32, #tpu.memory_space<vmem>>
      %dma_wait3A_1031 = tpu.memref_squeeze %dma_wait3A_1030 : memref<1x80x16xf32, #tpu.memory_space<vmem>> -> memref<80x16xf32, #tpu.memory_space<vmem>>
      %dma_wait3A_1032 = arith.constant 0 : i32
      %dma_wait3A_1033 = tpu.memref_slice %arg6[%dma_wait3A_1032] : memref<10000xi32, #tpu.memory_space<vmem>> -> memref<80xi32, #tpu.memory_space<vmem>>
      %dma_wait3A_1034 = arith.constant 0 : i32
      %dma_wait3A_1035 = arith.constant 0 : i32
      %dma_wait3A_1036 = tpu.memref_slice %arg3[%dma_wait3A_1034, %dma_wait3A_1035] : memref<10240x16xf32, #tpu.memory_space<hbm>> -> memref<10240x16xf32, #tpu.memory_space<hbm>>
      %dma_wait3A_1037 = tpu.memref_slice %arg11[%dma_wait3A_1027] : memref<8x!tpu.dma_semaphore, #tpu.memory_space<semaphore_mem>> -> memref<1x!tpu.dma_semaphore, #tpu.memory_space<semaphore_mem>>
      %dma_wait3A_1038 = tpu.memref_squeeze %dma_wait3A_1037 : memref<1x!tpu.dma_semaphore, #tpu.memory_space<semaphore_mem>> -> memref<!tpu.dma_semaphore, #tpu.memory_space<semaphore_mem>>
      tpu.wait_indirect_dma semaphore(%dma_wait3A_1038 : memref<!tpu.dma_semaphore, #tpu.memory_space<semaphore_mem>>) src(%dma_wait3A_1036 : memref<10240x16xf32, #tpu.memory_space<hbm>>) dst(%dma_wait3A_1031 : memref<80x16xf32, #tpu.memory_space<vmem>>)
      %add3A_1039 = arith.constant 5 : i32
      %add3A_1040 = arith.addi %mul3A_694, %add3A_1039 : i32
      %mul3A_1041 = arith.constant 80 : i32
      %mul3A_1042 = arith.muli %add3A_1040, %mul3A_1041 : i32
      %dma_start3A_1043 = arith.constant 5 : i32
      %dma_start3A_1044 = arith.constant 5 : i32
      %dma_start3A_1045 = arith.constant 0 : i32
      %dma_start3A_1046 = arith.constant 0 : i32
      %dma_start3A_1047 = tpu.memref_slice %arg8[%dma_start3A_1043, %dma_start3A_1045, %dma_start3A_1046] : memref<8x80x16xf32, #tpu.memory_space<vmem>> -> memref<1x80x16xf32, #tpu.memory_space<vmem>>
      %dma_start3A_1048 = tpu.memref_squeeze %dma_start3A_1047 : memref<1x80x16xf32, #tpu.memory_space<vmem>> -> memref<80x16xf32, #tpu.memory_space<vmem>>
      %dma_start3A_1049 = tpu.memref_slice %arg7[%mul3A_1042] : memref<10000xi32, #tpu.memory_space<vmem>> -> memref<80xi32, #tpu.memory_space<vmem>>
      %dma_start3A_1050 = arith.constant 0 : i32
      %dma_start3A_1051 = arith.constant 0 : i32
      %dma_start3A_1052 = tpu.memref_slice %arg10[%dma_start3A_1050, %dma_start3A_1051] : memref<10240x16xf32, #tpu.memory_space<vmem_shared>> -> memref<10240x16xf32, #tpu.memory_space<vmem_shared>>
      %dma_start3A_1053 = tpu.memref_slice %arg12[%dma_start3A_1044] : memref<8x!tpu.dma_semaphore, #tpu.memory_space<semaphore_mem>> -> memref<1x!tpu.dma_semaphore, #tpu.memory_space<semaphore_mem>>
      %dma_start3A_1054 = tpu.memref_squeeze %dma_start3A_1053 : memref<1x!tpu.dma_semaphore, #tpu.memory_space<semaphore_mem>> -> memref<!tpu.dma_semaphore, #tpu.memory_space<semaphore_mem>>
      tpu.enqueue_indirect_dma source(%dma_start3A_1048 : memref<80x16xf32, #tpu.memory_space<vmem>>) target(%dma_start3A_1052 : memref<10240x16xf32, #tpu.memory_space<vmem_shared>>) offsets(%dma_start3A_1049 : memref<80xi32, #tpu.memory_space<vmem>>) semaphore(%dma_start3A_1054 : memref<!tpu.dma_semaphore, #tpu.memory_space<semaphore_mem>>) {add = true}
      %dma_wait3A_1055 = arith.constant 2 : i32
      %dma_wait3A_1056 = arith.constant 2 : i32
      %dma_wait3A_1057 = arith.constant 0 : i32
      %dma_wait3A_1058 = arith.constant 0 : i32
      %dma_wait3A_1059 = tpu.memref_slice %arg8[%dma_wait3A_1055, %dma_wait3A_1057, %dma_wait3A_1058] : memref<8x80x16xf32, #tpu.memory_space<vmem>> -> memref<1x80x16xf32, #tpu.memory_space<vmem>>
      %dma_wait3A_1060 = tpu.memref_squeeze %dma_wait3A_1059 : memref<1x80x16xf32, #tpu.memory_space<vmem>> -> memref<80x16xf32, #tpu.memory_space<vmem>>
      %dma_wait3A_1061 = arith.constant 0 : i32
      %dma_wait3A_1062 = tpu.memref_slice %arg7[%dma_wait3A_1061] : memref<10000xi32, #tpu.memory_space<vmem>> -> memref<80xi32, #tpu.memory_space<vmem>>
      %dma_wait3A_1063 = arith.constant 0 : i32
      %dma_wait3A_1064 = arith.constant 0 : i32
      %dma_wait3A_1065 = tpu.memref_slice %arg10[%dma_wait3A_1063, %dma_wait3A_1064] : memref<10240x16xf32, #tpu.memory_space<vmem_shared>> -> memref<10240x16xf32, #tpu.memory_space<vmem_shared>>
      %dma_wait3A_1066 = tpu.memref_slice %arg12[%dma_wait3A_1056] : memref<8x!tpu.dma_semaphore, #tpu.memory_space<semaphore_mem>> -> memref<1x!tpu.dma_semaphore, #tpu.memory_space<semaphore_mem>>
      %dma_wait3A_1067 = tpu.memref_squeeze %dma_wait3A_1066 : memref<1x!tpu.dma_semaphore, #tpu.memory_space<semaphore_mem>> -> memref<!tpu.dma_semaphore, #tpu.memory_space<semaphore_mem>>
      tpu.wait_indirect_dma semaphore(%dma_wait3A_1067 : memref<!tpu.dma_semaphore, #tpu.memory_space<semaphore_mem>>) src(%dma_wait3A_1060 : memref<80x16xf32, #tpu.memory_space<vmem>>) dst(%dma_wait3A_1065 : memref<10240x16xf32, #tpu.memory_space<vmem_shared>>)
      %add3A_1068 = arith.constant 6 : i32
      %add3A_1069 = arith.addi %mul3A_694, %add3A_1068 : i32
      %add3A_1070 = arith.constant 4 : i32
      %add3A_1071 = arith.addi %add3A_1069, %add3A_1070 : i32
      %mul3A_1072 = arith.constant 80 : i32
      %mul3A_1073 = arith.muli %add3A_1071, %mul3A_1072 : i32
      %dma_start3A_1074 = arith.constant 2 : i32
      %dma_start3A_1075 = arith.constant 2 : i32
      %dma_start3A_1076 = arith.constant 0 : i32
      %dma_start3A_1077 = arith.constant 0 : i32
      %dma_start3A_1078 = tpu.memref_slice %arg8[%dma_start3A_1074, %dma_start3A_1076, %dma_start3A_1077] : memref<8x80x16xf32, #tpu.memory_space<vmem>> -> memref<1x80x16xf32, #tpu.memory_space<vmem>>
      %dma_start3A_1079 = tpu.memref_squeeze %dma_start3A_1078 : memref<1x80x16xf32, #tpu.memory_space<vmem>> -> memref<80x16xf32, #tpu.memory_space<vmem>>
      %dma_start3A_1080 = tpu.memref_slice %arg6[%mul3A_1073] : memref<10000xi32, #tpu.memory_space<vmem>> -> memref<80xi32, #tpu.memory_space<vmem>>
      %dma_start3A_1081 = arith.constant 0 : i32
      %dma_start3A_1082 = arith.constant 0 : i32
      %dma_start3A_1083 = tpu.memref_slice %arg3[%dma_start3A_1081, %dma_start3A_1082] : memref<10240x16xf32, #tpu.memory_space<hbm>> -> memref<10240x16xf32, #tpu.memory_space<hbm>>
      %dma_start3A_1084 = tpu.memref_slice %arg11[%dma_start3A_1075] : memref<8x!tpu.dma_semaphore, #tpu.memory_space<semaphore_mem>> -> memref<1x!tpu.dma_semaphore, #tpu.memory_space<semaphore_mem>>
      %dma_start3A_1085 = tpu.memref_squeeze %dma_start3A_1084 : memref<1x!tpu.dma_semaphore, #tpu.memory_space<semaphore_mem>> -> memref<!tpu.dma_semaphore, #tpu.memory_space<semaphore_mem>>
      tpu.enqueue_indirect_dma source(%dma_start3A_1083 : memref<10240x16xf32, #tpu.memory_space<hbm>>) target(%dma_start3A_1079 : memref<80x16xf32, #tpu.memory_space<vmem>>) offsets(%dma_start3A_1080 : memref<80xi32, #tpu.memory_space<vmem>>) semaphore(%dma_start3A_1085 : memref<!tpu.dma_semaphore, #tpu.memory_space<semaphore_mem>>)
      %dma_wait3A_1086 = arith.constant 6 : i32
      %dma_wait3A_1087 = arith.constant 6 : i32
      %dma_wait3A_1088 = arith.constant 0 : i32
      %dma_wait3A_1089 = arith.constant 0 : i32
      %dma_wait3A_1090 = tpu.memref_slice %arg8[%dma_wait3A_1086, %dma_wait3A_1088, %dma_wait3A_1089] : memref<8x80x16xf32, #tpu.memory_space<vmem>> -> memref<1x80x16xf32, #tpu.memory_space<vmem>>
      %dma_wait3A_1091 = tpu.memref_squeeze %dma_wait3A_1090 : memref<1x80x16xf32, #tpu.memory_space<vmem>> -> memref<80x16xf32, #tpu.memory_space<vmem>>
      %dma_wait3A_1092 = arith.constant 0 : i32
      %dma_wait3A_1093 = tpu.memref_slice %arg6[%dma_wait3A_1092] : memref<10000xi32, #tpu.memory_space<vmem>> -> memref<80xi32, #tpu.memory_space<vmem>>
      %dma_wait3A_1094 = arith.constant 0 : i32
      %dma_wait3A_1095 = arith.constant 0 : i32
      %dma_wait3A_1096 = tpu.memref_slice %arg3[%dma_wait3A_1094, %dma_wait3A_1095] : memref<10240x16xf32, #tpu.memory_space<hbm>> -> memref<10240x16xf32, #tpu.memory_space<hbm>>
      %dma_wait3A_1097 = tpu.memref_slice %arg11[%dma_wait3A_1087] : memref<8x!tpu.dma_semaphore, #tpu.memory_space<semaphore_mem>> -> memref<1x!tpu.dma_semaphore, #tpu.memory_space<semaphore_mem>>
      %dma_wait3A_1098 = tpu.memref_squeeze %dma_wait3A_1097 : memref<1x!tpu.dma_semaphore, #tpu.memory_space<semaphore_mem>> -> memref<!tpu.dma_semaphore, #tpu.memory_space<semaphore_mem>>
      tpu.wait_indirect_dma semaphore(%dma_wait3A_1098 : memref<!tpu.dma_semaphore, #tpu.memory_space<semaphore_mem>>) src(%dma_wait3A_1096 : memref<10240x16xf32, #tpu.memory_space<hbm>>) dst(%dma_wait3A_1091 : memref<80x16xf32, #tpu.memory_space<vmem>>)
      %add3A_1099 = arith.constant 6 : i32
      %add3A_1100 = arith.addi %mul3A_694, %add3A_1099 : i32
      %mul3A_1101 = arith.constant 80 : i32
      %mul3A_1102 = arith.muli %add3A_1100, %mul3A_1101 : i32
      %dma_start3A_1103 = arith.constant 6 : i32
      %dma_start3A_1104 = arith.constant 6 : i32
      %dma_start3A_1105 = arith.constant 0 : i32
      %dma_start3A_1106 = arith.constant 0 : i32
      %dma_start3A_1107 = tpu.memref_slice %arg8[%dma_start3A_1103, %dma_start3A_1105, %dma_start3A_1106] : memref<8x80x16xf32, #tpu.memory_space<vmem>> -> memref<1x80x16xf32, #tpu.memory_space<vmem>>
      %dma_start3A_1108 = tpu.memref_squeeze %dma_start3A_1107 : memref<1x80x16xf32, #tpu.memory_space<vmem>> -> memref<80x16xf32, #tpu.memory_space<vmem>>
      %dma_start3A_1109 = tpu.memref_slice %arg7[%mul3A_1102] : memref<10000xi32, #tpu.memory_space<vmem>> -> memref<80xi32, #tpu.memory_space<vmem>>
      %dma_start3A_1110 = arith.constant 0 : i32
      %dma_start3A_1111 = arith.constant 0 : i32
      %dma_start3A_1112 = tpu.memref_slice %arg10[%dma_start3A_1110, %dma_start3A_1111] : memref<10240x16xf32, #tpu.memory_space<vmem_shared>> -> memref<10240x16xf32, #tpu.memory_space<vmem_shared>>
      %dma_start3A_1113 = tpu.memref_slice %arg12[%dma_start3A_1104] : memref<8x!tpu.dma_semaphore, #tpu.memory_space<semaphore_mem>> -> memref<1x!tpu.dma_semaphore, #tpu.memory_space<semaphore_mem>>
      %dma_start3A_1114 = tpu.memref_squeeze %dma_start3A_1113 : memref<1x!tpu.dma_semaphore, #tpu.memory_space<semaphore_mem>> -> memref<!tpu.dma_semaphore, #tpu.memory_space<semaphore_mem>>
      tpu.enqueue_indirect_dma source(%dma_start3A_1108 : memref<80x16xf32, #tpu.memory_space<vmem>>) target(%dma_start3A_1112 : memref<10240x16xf32, #tpu.memory_space<vmem_shared>>) offsets(%dma_start3A_1109 : memref<80xi32, #tpu.memory_space<vmem>>) semaphore(%dma_start3A_1114 : memref<!tpu.dma_semaphore, #tpu.memory_space<semaphore_mem>>) {add = true}
      %dma_wait3A_1115 = arith.constant 3 : i32
      %dma_wait3A_1116 = arith.constant 3 : i32
      %dma_wait3A_1117 = arith.constant 0 : i32
      %dma_wait3A_1118 = arith.constant 0 : i32
      %dma_wait3A_1119 = tpu.memref_slice %arg8[%dma_wait3A_1115, %dma_wait3A_1117, %dma_wait3A_1118] : memref<8x80x16xf32, #tpu.memory_space<vmem>> -> memref<1x80x16xf32, #tpu.memory_space<vmem>>
      %dma_wait3A_1120 = tpu.memref_squeeze %dma_wait3A_1119 : memref<1x80x16xf32, #tpu.memory_space<vmem>> -> memref<80x16xf32, #tpu.memory_space<vmem>>
      %dma_wait3A_1121 = arith.constant 0 : i32
      %dma_wait3A_1122 = tpu.memref_slice %arg7[%dma_wait3A_1121] : memref<10000xi32, #tpu.memory_space<vmem>> -> memref<80xi32, #tpu.memory_space<vmem>>
      %dma_wait3A_1123 = arith.constant 0 : i32
      %dma_wait3A_1124 = arith.constant 0 : i32
      %dma_wait3A_1125 = tpu.memref_slice %arg10[%dma_wait3A_1123, %dma_wait3A_1124] : memref<10240x16xf32, #tpu.memory_space<vmem_shared>> -> memref<10240x16xf32, #tpu.memory_space<vmem_shared>>
      %dma_wait3A_1126 = tpu.memref_slice %arg12[%dma_wait3A_1116] : memref<8x!tpu.dma_semaphore, #tpu.memory_space<semaphore_mem>> -> memref<1x!tpu.dma_semaphore, #tpu.memory_space<semaphore_mem>>
      %dma_wait3A_1127 = tpu.memref_squeeze %dma_wait3A_1126 : memref<1x!tpu.dma_semaphore, #tpu.memory_space<semaphore_mem>> -> memref<!tpu.dma_semaphore, #tpu.memory_space<semaphore_mem>>
      tpu.wait_indirect_dma semaphore(%dma_wait3A_1127 : memref<!tpu.dma_semaphore, #tpu.memory_space<semaphore_mem>>) src(%dma_wait3A_1120 : memref<80x16xf32, #tpu.memory_space<vmem>>) dst(%dma_wait3A_1125 : memref<10240x16xf32, #tpu.memory_space<vmem_shared>>)
      %add3A_1128 = arith.constant 7 : i32
      %add3A_1129 = arith.addi %mul3A_694, %add3A_1128 : i32
      %add3A_1130 = arith.constant 4 : i32
      %add3A_1131 = arith.addi %add3A_1129, %add3A_1130 : i32
      %mul3A_1132 = arith.constant 80 : i32
      %mul3A_1133 = arith.muli %add3A_1131, %mul3A_1132 : i32
      %dma_start3A_1134 = arith.constant 3 : i32
      %dma_start3A_1135 = arith.constant 3 : i32
      %dma_start3A_1136 = arith.constant 0 : i32
      %dma_start3A_1137 = arith.constant 0 : i32
      %dma_start3A_1138 = tpu.memref_slice %arg8[%dma_start3A_1134, %dma_start3A_1136, %dma_start3A_1137] : memref<8x80x16xf32, #tpu.memory_space<vmem>> -> memref<1x80x16xf32, #tpu.memory_space<vmem>>
      %dma_start3A_1139 = tpu.memref_squeeze %dma_start3A_1138 : memref<1x80x16xf32, #tpu.memory_space<vmem>> -> memref<80x16xf32, #tpu.memory_space<vmem>>
      %dma_start3A_1140 = tpu.memref_slice %arg6[%mul3A_1133] : memref<10000xi32, #tpu.memory_space<vmem>> -> memref<80xi32, #tpu.memory_space<vmem>>
      %dma_start3A_1141 = arith.constant 0 : i32
      %dma_start3A_1142 = arith.constant 0 : i32
      %dma_start3A_1143 = tpu.memref_slice %arg3[%dma_start3A_1141, %dma_start3A_1142] : memref<10240x16xf32, #tpu.memory_space<hbm>> -> memref<10240x16xf32, #tpu.memory_space<hbm>>
      %dma_start3A_1144 = tpu.memref_slice %arg11[%dma_start3A_1135] : memref<8x!tpu.dma_semaphore, #tpu.memory_space<semaphore_mem>> -> memref<1x!tpu.dma_semaphore, #tpu.memory_space<semaphore_mem>>
      %dma_start3A_1145 = tpu.memref_squeeze %dma_start3A_1144 : memref<1x!tpu.dma_semaphore, #tpu.memory_space<semaphore_mem>> -> memref<!tpu.dma_semaphore, #tpu.memory_space<semaphore_mem>>
      tpu.enqueue_indirect_dma source(%dma_start3A_1143 : memref<10240x16xf32, #tpu.memory_space<hbm>>) target(%dma_start3A_1139 : memref<80x16xf32, #tpu.memory_space<vmem>>) offsets(%dma_start3A_1140 : memref<80xi32, #tpu.memory_space<vmem>>) semaphore(%dma_start3A_1145 : memref<!tpu.dma_semaphore, #tpu.memory_space<semaphore_mem>>)
      %dma_wait3A_1146 = arith.constant 7 : i32
      %dma_wait3A_1147 = arith.constant 7 : i32
      %dma_wait3A_1148 = arith.constant 0 : i32
      %dma_wait3A_1149 = arith.constant 0 : i32
      %dma_wait3A_1150 = tpu.memref_slice %arg8[%dma_wait3A_1146, %dma_wait3A_1148, %dma_wait3A_1149] : memref<8x80x16xf32, #tpu.memory_space<vmem>> -> memref<1x80x16xf32, #tpu.memory_space<vmem>>
      %dma_wait3A_1151 = tpu.memref_squeeze %dma_wait3A_1150 : memref<1x80x16xf32, #tpu.memory_space<vmem>> -> memref<80x16xf32, #tpu.memory_space<vmem>>
      %dma_wait3A_1152 = arith.constant 0 : i32
      %dma_wait3A_1153 = tpu.memref_slice %arg6[%dma_wait3A_1152] : memref<10000xi32, #tpu.memory_space<vmem>> -> memref<80xi32, #tpu.memory_space<vmem>>
      %dma_wait3A_1154 = arith.constant 0 : i32
      %dma_wait3A_1155 = arith.constant 0 : i32
      %dma_wait3A_1156 = tpu.memref_slice %arg3[%dma_wait3A_1154, %dma_wait3A_1155] : memref<10240x16xf32, #tpu.memory_space<hbm>> -> memref<10240x16xf32, #tpu.memory_space<hbm>>
      %dma_wait3A_1157 = tpu.memref_slice %arg11[%dma_wait3A_1147] : memref<8x!tpu.dma_semaphore, #tpu.memory_space<semaphore_mem>> -> memref<1x!tpu.dma_semaphore, #tpu.memory_space<semaphore_mem>>
      %dma_wait3A_1158 = tpu.memref_squeeze %dma_wait3A_1157 : memref<1x!tpu.dma_semaphore, #tpu.memory_space<semaphore_mem>> -> memref<!tpu.dma_semaphore, #tpu.memory_space<semaphore_mem>>
      tpu.wait_indirect_dma semaphore(%dma_wait3A_1158 : memref<!tpu.dma_semaphore, #tpu.memory_space<semaphore_mem>>) src(%dma_wait3A_1156 : memref<10240x16xf32, #tpu.memory_space<hbm>>) dst(%dma_wait3A_1151 : memref<80x16xf32, #tpu.memory_space<vmem>>)
      %add3A_1159 = arith.constant 7 : i32
      %add3A_1160 = arith.addi %mul3A_694, %add3A_1159 : i32
      %mul3A_1161 = arith.constant 80 : i32
      %mul3A_1162 = arith.muli %add3A_1160, %mul3A_1161 : i32
      %dma_start3A_1163 = arith.constant 7 : i32
      %dma_start3A_1164 = arith.constant 7 : i32
      %dma_start3A_1165 = arith.constant 0 : i32
      %dma_start3A_1166 = arith.constant 0 : i32
      %dma_start3A_1167 = tpu.memref_slice %arg8[%dma_start3A_1163, %dma_start3A_1165, %dma_start3A_1166] : memref<8x80x16xf32, #tpu.memory_space<vmem>> -> memref<1x80x16xf32, #tpu.memory_space<vmem>>
      %dma_start3A_1168 = tpu.memref_squeeze %dma_start3A_1167 : memref<1x80x16xf32, #tpu.memory_space<vmem>> -> memref<80x16xf32, #tpu.memory_space<vmem>>
      %dma_start3A_1169 = tpu.memref_slice %arg7[%mul3A_1162] : memref<10000xi32, #tpu.memory_space<vmem>> -> memref<80xi32, #tpu.memory_space<vmem>>
      %dma_start3A_1170 = arith.constant 0 : i32
      %dma_start3A_1171 = arith.constant 0 : i32
      %dma_start3A_1172 = tpu.memref_slice %arg10[%dma_start3A_1170, %dma_start3A_1171] : memref<10240x16xf32, #tpu.memory_space<vmem_shared>> -> memref<10240x16xf32, #tpu.memory_space<vmem_shared>>
      %dma_start3A_1173 = tpu.memref_slice %arg12[%dma_start3A_1164] : memref<8x!tpu.dma_semaphore, #tpu.memory_space<semaphore_mem>> -> memref<1x!tpu.dma_semaphore, #tpu.memory_space<semaphore_mem>>
      %dma_start3A_1174 = tpu.memref_squeeze %dma_start3A_1173 : memref<1x!tpu.dma_semaphore, #tpu.memory_space<semaphore_mem>> -> memref<!tpu.dma_semaphore, #tpu.memory_space<semaphore_mem>>
      tpu.enqueue_indirect_dma source(%dma_start3A_1168 : memref<80x16xf32, #tpu.memory_space<vmem>>) target(%dma_start3A_1172 : memref<10240x16xf32, #tpu.memory_space<vmem_shared>>) offsets(%dma_start3A_1169 : memref<80xi32, #tpu.memory_space<vmem>>) semaphore(%dma_start3A_1174 : memref<!tpu.dma_semaphore, #tpu.memory_space<semaphore_mem>>) {add = true}
    }
    %scan3A_430 = arith.constant 14 : i32
    %dma_wait3A_431 = arith.constant 4 : i32
    %dma_wait3A_432 = arith.constant 4 : i32
    %dma_wait3A_433 = arith.constant 0 : i32
    %dma_wait3A_434 = arith.constant 0 : i32
    %dma_wait3A_435 = tpu.memref_slice %arg8[%dma_wait3A_431, %dma_wait3A_433, %dma_wait3A_434] : memref<8x80x16xf32, #tpu.memory_space<vmem>> -> memref<1x80x16xf32, #tpu.memory_space<vmem>>
    %dma_wait3A_436 = tpu.memref_squeeze %dma_wait3A_435 : memref<1x80x16xf32, #tpu.memory_space<vmem>> -> memref<80x16xf32, #tpu.memory_space<vmem>>
    %dma_wait3A_437 = arith.constant 0 : i32
    %dma_wait3A_438 = tpu.memref_slice %arg7[%dma_wait3A_437] : memref<10000xi32, #tpu.memory_space<vmem>> -> memref<80xi32, #tpu.memory_space<vmem>>
    %dma_wait3A_439 = arith.constant 0 : i32
    %dma_wait3A_440 = arith.constant 0 : i32
    %dma_wait3A_441 = tpu.memref_slice %arg10[%dma_wait3A_439, %dma_wait3A_440] : memref<10240x16xf32, #tpu.memory_space<vmem_shared>> -> memref<10240x16xf32, #tpu.memory_space<vmem_shared>>
    %dma_wait3A_442 = tpu.memref_slice %arg12[%dma_wait3A_432] : memref<8x!tpu.dma_semaphore, #tpu.memory_space<semaphore_mem>> -> memref<1x!tpu.dma_semaphore, #tpu.memory_space<semaphore_mem>>
    %dma_wait3A_443 = tpu.memref_squeeze %dma_wait3A_442 : memref<1x!tpu.dma_semaphore, #tpu.memory_space<semaphore_mem>> -> memref<!tpu.dma_semaphore, #tpu.memory_space<semaphore_mem>>
    tpu.wait_indirect_dma semaphore(%dma_wait3A_443 : memref<!tpu.dma_semaphore, #tpu.memory_space<semaphore_mem>>) src(%dma_wait3A_436 : memref<80x16xf32, #tpu.memory_space<vmem>>) dst(%dma_wait3A_441 : memref<10240x16xf32, #tpu.memory_space<vmem_shared>>)
    %dma_start3A_444 = arith.constant 4 : i32
    %dma_start3A_445 = arith.constant 4 : i32
    %dma_start3A_446 = arith.constant 0 : i32
    %dma_start3A_447 = arith.constant 0 : i32
    %dma_start3A_448 = tpu.memref_slice %arg8[%dma_start3A_444, %dma_start3A_446, %dma_start3A_447] : memref<8x80x16xf32, #tpu.memory_space<vmem>> -> memref<1x80x16xf32, #tpu.memory_space<vmem>>
    %dma_start3A_449 = tpu.memref_squeeze %dma_start3A_448 : memref<1x80x16xf32, #tpu.memory_space<vmem>> -> memref<80x16xf32, #tpu.memory_space<vmem>>
    %dma_start3A_450 = arith.constant 9920 : i32
    %dma_start3A_451 = tpu.memref_slice %arg6[%dma_start3A_450] : memref<10000xi32, #tpu.memory_space<vmem>> -> memref<80xi32, #tpu.memory_space<vmem>>
    %dma_start3A_452 = arith.constant 0 : i32
    %dma_start3A_453 = arith.constant 0 : i32
    %dma_start3A_454 = tpu.memref_slice %arg3[%dma_start3A_452, %dma_start3A_453] : memref<10240x16xf32, #tpu.memory_space<hbm>> -> memref<10240x16xf32, #tpu.memory_space<hbm>>
    %dma_start3A_455 = tpu.memref_slice %arg11[%dma_start3A_445] : memref<8x!tpu.dma_semaphore, #tpu.memory_space<semaphore_mem>> -> memref<1x!tpu.dma_semaphore, #tpu.memory_space<semaphore_mem>>
    %dma_start3A_456 = tpu.memref_squeeze %dma_start3A_455 : memref<1x!tpu.dma_semaphore, #tpu.memory_space<semaphore_mem>> -> memref<!tpu.dma_semaphore, #tpu.memory_space<semaphore_mem>>
    tpu.enqueue_indirect_dma source(%dma_start3A_454 : memref<10240x16xf32, #tpu.memory_space<hbm>>) target(%dma_start3A_449 : memref<80x16xf32, #tpu.memory_space<vmem>>) offsets(%dma_start3A_451 : memref<80xi32, #tpu.memory_space<vmem>>) semaphore(%dma_start3A_456 : memref<!tpu.dma_semaphore, #tpu.memory_space<semaphore_mem>>)
    %dma_wait3A_457 = arith.constant 0 : i32
    %dma_wait3A_458 = arith.constant 0 : i32
    %dma_wait3A_459 = arith.constant 0 : i32
    %dma_wait3A_460 = arith.constant 0 : i32
    %dma_wait3A_461 = tpu.memref_slice %arg8[%dma_wait3A_457, %dma_wait3A_459, %dma_wait3A_460] : memref<8x80x16xf32, #tpu.memory_space<vmem>> -> memref<1x80x16xf32, #tpu.memory_space<vmem>>
    %dma_wait3A_462 = tpu.memref_squeeze %dma_wait3A_461 : memref<1x80x16xf32, #tpu.memory_space<vmem>> -> memref<80x16xf32, #tpu.memory_space<vmem>>
    %dma_wait3A_463 = arith.constant 0 : i32
    %dma_wait3A_464 = tpu.memref_slice %arg6[%dma_wait3A_463] : memref<10000xi32, #tpu.memory_space<vmem>> -> memref<80xi32, #tpu.memory_space<vmem>>
    %dma_wait3A_465 = arith.constant 0 : i32
    %dma_wait3A_466 = arith.constant 0 : i32
    %dma_wait3A_467 = tpu.memref_slice %arg3[%dma_wait3A_465, %dma_wait3A_466] : memref<10240x16xf32, #tpu.memory_space<hbm>> -> memref<10240x16xf32, #tpu.memory_space<hbm>>
    %dma_wait3A_468 = tpu.memref_slice %arg11[%dma_wait3A_458] : memref<8x!tpu.dma_semaphore, #tpu.memory_space<semaphore_mem>> -> memref<1x!tpu.dma_semaphore, #tpu.memory_space<semaphore_mem>>
    %dma_wait3A_469 = tpu.memref_squeeze %dma_wait3A_468 : memref<1x!tpu.dma_semaphore, #tpu.memory_space<semaphore_mem>> -> memref<!tpu.dma_semaphore, #tpu.memory_space<semaphore_mem>>
    tpu.wait_indirect_dma semaphore(%dma_wait3A_469 : memref<!tpu.dma_semaphore, #tpu.memory_space<semaphore_mem>>) src(%dma_wait3A_467 : memref<10240x16xf32, #tpu.memory_space<hbm>>) dst(%dma_wait3A_462 : memref<80x16xf32, #tpu.memory_space<vmem>>)
    %dma_start3A_470 = arith.constant 0 : i32
    %dma_start3A_471 = arith.constant 0 : i32
    %dma_start3A_472 = arith.constant 0 : i32
    %dma_start3A_473 = arith.constant 0 : i32
    %dma_start3A_474 = tpu.memref_slice %arg8[%dma_start3A_470, %dma_start3A_472, %dma_start3A_473] : memref<8x80x16xf32, #tpu.memory_space<vmem>> -> memref<1x80x16xf32, #tpu.memory_space<vmem>>
    %dma_start3A_475 = tpu.memref_squeeze %dma_start3A_474 : memref<1x80x16xf32, #tpu.memory_space<vmem>> -> memref<80x16xf32, #tpu.memory_space<vmem>>
    %dma_start3A_476 = arith.constant 9600 : i32
    %dma_start3A_477 = tpu.memref_slice %arg7[%dma_start3A_476] : memref<10000xi32, #tpu.memory_space<vmem>> -> memref<80xi32, #tpu.memory_space<vmem>>
    %dma_start3A_478 = arith.constant 0 : i32
    %dma_start3A_479 = arith.constant 0 : i32
    %dma_start3A_480 = tpu.memref_slice %arg10[%dma_start3A_478, %dma_start3A_479] : memref<10240x16xf32, #tpu.memory_space<vmem_shared>> -> memref<10240x16xf32, #tpu.memory_space<vmem_shared>>
    %dma_start3A_481 = tpu.memref_slice %arg12[%dma_start3A_471] : memref<8x!tpu.dma_semaphore, #tpu.memory_space<semaphore_mem>> -> memref<1x!tpu.dma_semaphore, #tpu.memory_space<semaphore_mem>>
    %dma_start3A_482 = tpu.memref_squeeze %dma_start3A_481 : memref<1x!tpu.dma_semaphore, #tpu.memory_space<semaphore_mem>> -> memref<!tpu.dma_semaphore, #tpu.memory_space<semaphore_mem>>
    tpu.enqueue_indirect_dma source(%dma_start3A_475 : memref<80x16xf32, #tpu.memory_space<vmem>>) target(%dma_start3A_480 : memref<10240x16xf32, #tpu.memory_space<vmem_shared>>) offsets(%dma_start3A_477 : memref<80xi32, #tpu.memory_space<vmem>>) semaphore(%dma_start3A_482 : memref<!tpu.dma_semaphore, #tpu.memory_space<semaphore_mem>>) {add = true}
    %dma_wait3A_483 = arith.constant 5 : i32
    %dma_wait3A_484 = arith.constant 5 : i32
    %dma_wait3A_485 = arith.constant 0 : i32
    %dma_wait3A_486 = arith.constant 0 : i32
    %dma_wait3A_487 = tpu.memref_slice %arg8[%dma_wait3A_483, %dma_wait3A_485, %dma_wait3A_486] : memref<8x80x16xf32, #tpu.memory_space<vmem>> -> memref<1x80x16xf32, #tpu.memory_space<vmem>>
    %dma_wait3A_488 = tpu.memref_squeeze %dma_wait3A_487 : memref<1x80x16xf32, #tpu.memory_space<vmem>> -> memref<80x16xf32, #tpu.memory_space<vmem>>
    %dma_wait3A_489 = arith.constant 0 : i32
    %dma_wait3A_490 = tpu.memref_slice %arg7[%dma_wait3A_489] : memref<10000xi32, #tpu.memory_space<vmem>> -> memref<80xi32, #tpu.memory_space<vmem>>
    %dma_wait3A_491 = arith.constant 0 : i32
    %dma_wait3A_492 = arith.constant 0 : i32
    %dma_wait3A_493 = tpu.memref_slice %arg10[%dma_wait3A_491, %dma_wait3A_492] : memref<10240x16xf32, #tpu.memory_space<vmem_shared>> -> memref<10240x16xf32, #tpu.memory_space<vmem_shared>>
    %dma_wait3A_494 = tpu.memref_slice %arg12[%dma_wait3A_484] : memref<8x!tpu.dma_semaphore, #tpu.memory_space<semaphore_mem>> -> memref<1x!tpu.dma_semaphore, #tpu.memory_space<semaphore_mem>>
    %dma_wait3A_495 = tpu.memref_squeeze %dma_wait3A_494 : memref<1x!tpu.dma_semaphore, #tpu.memory_space<semaphore_mem>> -> memref<!tpu.dma_semaphore, #tpu.memory_space<semaphore_mem>>
    tpu.wait_indirect_dma semaphore(%dma_wait3A_495 : memref<!tpu.dma_semaphore, #tpu.memory_space<semaphore_mem>>) src(%dma_wait3A_488 : memref<80x16xf32, #tpu.memory_space<vmem>>) dst(%dma_wait3A_493 : memref<10240x16xf32, #tpu.memory_space<vmem_shared>>)
    %dma_wait3A_496 = arith.constant 1 : i32
    %dma_wait3A_497 = arith.constant 1 : i32
    %dma_wait3A_498 = arith.constant 0 : i32
    %dma_wait3A_499 = arith.constant 0 : i32
    %dma_wait3A_500 = tpu.memref_slice %arg8[%dma_wait3A_496, %dma_wait3A_498, %dma_wait3A_499] : memref<8x80x16xf32, #tpu.memory_space<vmem>> -> memref<1x80x16xf32, #tpu.memory_space<vmem>>
    %dma_wait3A_501 = tpu.memref_squeeze %dma_wait3A_500 : memref<1x80x16xf32, #tpu.memory_space<vmem>> -> memref<80x16xf32, #tpu.memory_space<vmem>>
    %dma_wait3A_502 = arith.constant 0 : i32
    %dma_wait3A_503 = tpu.memref_slice %arg6[%dma_wait3A_502] : memref<10000xi32, #tpu.memory_space<vmem>> -> memref<80xi32, #tpu.memory_space<vmem>>
    %dma_wait3A_504 = arith.constant 0 : i32
    %dma_wait3A_505 = arith.constant 0 : i32
    %dma_wait3A_506 = tpu.memref_slice %arg3[%dma_wait3A_504, %dma_wait3A_505] : memref<10240x16xf32, #tpu.memory_space<hbm>> -> memref<10240x16xf32, #tpu.memory_space<hbm>>
    %dma_wait3A_507 = tpu.memref_slice %arg11[%dma_wait3A_497] : memref<8x!tpu.dma_semaphore, #tpu.memory_space<semaphore_mem>> -> memref<1x!tpu.dma_semaphore, #tpu.memory_space<semaphore_mem>>
    %dma_wait3A_508 = tpu.memref_squeeze %dma_wait3A_507 : memref<1x!tpu.dma_semaphore, #tpu.memory_space<semaphore_mem>> -> memref<!tpu.dma_semaphore, #tpu.memory_space<semaphore_mem>>
    tpu.wait_indirect_dma semaphore(%dma_wait3A_508 : memref<!tpu.dma_semaphore, #tpu.memory_space<semaphore_mem>>) src(%dma_wait3A_506 : memref<10240x16xf32, #tpu.memory_space<hbm>>) dst(%dma_wait3A_501 : memref<80x16xf32, #tpu.memory_space<vmem>>)
    %dma_start3A_509 = arith.constant 1 : i32
    %dma_start3A_510 = arith.constant 1 : i32
    %dma_start3A_511 = arith.constant 0 : i32
    %dma_start3A_512 = arith.constant 0 : i32
    %dma_start3A_513 = tpu.memref_slice %arg8[%dma_start3A_509, %dma_start3A_511, %dma_start3A_512] : memref<8x80x16xf32, #tpu.memory_space<vmem>> -> memref<1x80x16xf32, #tpu.memory_space<vmem>>
    %dma_start3A_514 = tpu.memref_squeeze %dma_start3A_513 : memref<1x80x16xf32, #tpu.memory_space<vmem>> -> memref<80x16xf32, #tpu.memory_space<vmem>>
    %dma_start3A_515 = arith.constant 9680 : i32
    %dma_start3A_516 = tpu.memref_slice %arg7[%dma_start3A_515] : memref<10000xi32, #tpu.memory_space<vmem>> -> memref<80xi32, #tpu.memory_space<vmem>>
    %dma_start3A_517 = arith.constant 0 : i32
    %dma_start3A_518 = arith.constant 0 : i32
    %dma_start3A_519 = tpu.memref_slice %arg10[%dma_start3A_517, %dma_start3A_518] : memref<10240x16xf32, #tpu.memory_space<vmem_shared>> -> memref<10240x16xf32, #tpu.memory_space<vmem_shared>>
    %dma_start3A_520 = tpu.memref_slice %arg12[%dma_start3A_510] : memref<8x!tpu.dma_semaphore, #tpu.memory_space<semaphore_mem>> -> memref<1x!tpu.dma_semaphore, #tpu.memory_space<semaphore_mem>>
    %dma_start3A_521 = tpu.memref_squeeze %dma_start3A_520 : memref<1x!tpu.dma_semaphore, #tpu.memory_space<semaphore_mem>> -> memref<!tpu.dma_semaphore, #tpu.memory_space<semaphore_mem>>
    tpu.enqueue_indirect_dma source(%dma_start3A_514 : memref<80x16xf32, #tpu.memory_space<vmem>>) target(%dma_start3A_519 : memref<10240x16xf32, #tpu.memory_space<vmem_shared>>) offsets(%dma_start3A_516 : memref<80xi32, #tpu.memory_space<vmem>>) semaphore(%dma_start3A_521 : memref<!tpu.dma_semaphore, #tpu.memory_space<semaphore_mem>>) {add = true}
    %dma_wait3A_522 = arith.constant 6 : i32
    %dma_wait3A_523 = arith.constant 6 : i32
    %dma_wait3A_524 = arith.constant 0 : i32
    %dma_wait3A_525 = arith.constant 0 : i32
    %dma_wait3A_526 = tpu.memref_slice %arg8[%dma_wait3A_522, %dma_wait3A_524, %dma_wait3A_525] : memref<8x80x16xf32, #tpu.memory_space<vmem>> -> memref<1x80x16xf32, #tpu.memory_space<vmem>>
    %dma_wait3A_527 = tpu.memref_squeeze %dma_wait3A_526 : memref<1x80x16xf32, #tpu.memory_space<vmem>> -> memref<80x16xf32, #tpu.memory_space<vmem>>
    %dma_wait3A_528 = arith.constant 0 : i32
    %dma_wait3A_529 = tpu.memref_slice %arg7[%dma_wait3A_528] : memref<10000xi32, #tpu.memory_space<vmem>> -> memref<80xi32, #tpu.memory_space<vmem>>
    %dma_wait3A_530 = arith.constant 0 : i32
    %dma_wait3A_531 = arith.constant 0 : i32
    %dma_wait3A_532 = tpu.memref_slice %arg10[%dma_wait3A_530, %dma_wait3A_531] : memref<10240x16xf32, #tpu.memory_space<vmem_shared>> -> memref<10240x16xf32, #tpu.memory_space<vmem_shared>>
    %dma_wait3A_533 = tpu.memref_slice %arg12[%dma_wait3A_523] : memref<8x!tpu.dma_semaphore, #tpu.memory_space<semaphore_mem>> -> memref<1x!tpu.dma_semaphore, #tpu.memory_space<semaphore_mem>>
    %dma_wait3A_534 = tpu.memref_squeeze %dma_wait3A_533 : memref<1x!tpu.dma_semaphore, #tpu.memory_space<semaphore_mem>> -> memref<!tpu.dma_semaphore, #tpu.memory_space<semaphore_mem>>
    tpu.wait_indirect_dma semaphore(%dma_wait3A_534 : memref<!tpu.dma_semaphore, #tpu.memory_space<semaphore_mem>>) src(%dma_wait3A_527 : memref<80x16xf32, #tpu.memory_space<vmem>>) dst(%dma_wait3A_532 : memref<10240x16xf32, #tpu.memory_space<vmem_shared>>)
    %dma_wait3A_535 = arith.constant 2 : i32
    %dma_wait3A_536 = arith.constant 2 : i32
    %dma_wait3A_537 = arith.constant 0 : i32
    %dma_wait3A_538 = arith.constant 0 : i32
    %dma_wait3A_539 = tpu.memref_slice %arg8[%dma_wait3A_535, %dma_wait3A_537, %dma_wait3A_538] : memref<8x80x16xf32, #tpu.memory_space<vmem>> -> memref<1x80x16xf32, #tpu.memory_space<vmem>>
    %dma_wait3A_540 = tpu.memref_squeeze %dma_wait3A_539 : memref<1x80x16xf32, #tpu.memory_space<vmem>> -> memref<80x16xf32, #tpu.memory_space<vmem>>
    %dma_wait3A_541 = arith.constant 0 : i32
    %dma_wait3A_542 = tpu.memref_slice %arg6[%dma_wait3A_541] : memref<10000xi32, #tpu.memory_space<vmem>> -> memref<80xi32, #tpu.memory_space<vmem>>
    %dma_wait3A_543 = arith.constant 0 : i32
    %dma_wait3A_544 = arith.constant 0 : i32
    %dma_wait3A_545 = tpu.memref_slice %arg3[%dma_wait3A_543, %dma_wait3A_544] : memref<10240x16xf32, #tpu.memory_space<hbm>> -> memref<10240x16xf32, #tpu.memory_space<hbm>>
    %dma_wait3A_546 = tpu.memref_slice %arg11[%dma_wait3A_536] : memref<8x!tpu.dma_semaphore, #tpu.memory_space<semaphore_mem>> -> memref<1x!tpu.dma_semaphore, #tpu.memory_space<semaphore_mem>>
    %dma_wait3A_547 = tpu.memref_squeeze %dma_wait3A_546 : memref<1x!tpu.dma_semaphore, #tpu.memory_space<semaphore_mem>> -> memref<!tpu.dma_semaphore, #tpu.memory_space<semaphore_mem>>
    tpu.wait_indirect_dma semaphore(%dma_wait3A_547 : memref<!tpu.dma_semaphore, #tpu.memory_space<semaphore_mem>>) src(%dma_wait3A_545 : memref<10240x16xf32, #tpu.memory_space<hbm>>) dst(%dma_wait3A_540 : memref<80x16xf32, #tpu.memory_space<vmem>>)
    %dma_start3A_548 = arith.constant 2 : i32
    %dma_start3A_549 = arith.constant 2 : i32
    %dma_start3A_550 = arith.constant 0 : i32
    %dma_start3A_551 = arith.constant 0 : i32
    %dma_start3A_552 = tpu.memref_slice %arg8[%dma_start3A_548, %dma_start3A_550, %dma_start3A_551] : memref<8x80x16xf32, #tpu.memory_space<vmem>> -> memref<1x80x16xf32, #tpu.memory_space<vmem>>
    %dma_start3A_553 = tpu.memref_squeeze %dma_start3A_552 : memref<1x80x16xf32, #tpu.memory_space<vmem>> -> memref<80x16xf32, #tpu.memory_space<vmem>>
    %dma_start3A_554 = arith.constant 9760 : i32
    %dma_start3A_555 = tpu.memref_slice %arg7[%dma_start3A_554] : memref<10000xi32, #tpu.memory_space<vmem>> -> memref<80xi32, #tpu.memory_space<vmem>>
    %dma_start3A_556 = arith.constant 0 : i32
    %dma_start3A_557 = arith.constant 0 : i32
    %dma_start3A_558 = tpu.memref_slice %arg10[%dma_start3A_556, %dma_start3A_557] : memref<10240x16xf32, #tpu.memory_space<vmem_shared>> -> memref<10240x16xf32, #tpu.memory_space<vmem_shared>>
    %dma_start3A_559 = tpu.memref_slice %arg12[%dma_start3A_549] : memref<8x!tpu.dma_semaphore, #tpu.memory_space<semaphore_mem>> -> memref<1x!tpu.dma_semaphore, #tpu.memory_space<semaphore_mem>>
    %dma_start3A_560 = tpu.memref_squeeze %dma_start3A_559 : memref<1x!tpu.dma_semaphore, #tpu.memory_space<semaphore_mem>> -> memref<!tpu.dma_semaphore, #tpu.memory_space<semaphore_mem>>
    tpu.enqueue_indirect_dma source(%dma_start3A_553 : memref<80x16xf32, #tpu.memory_space<vmem>>) target(%dma_start3A_558 : memref<10240x16xf32, #tpu.memory_space<vmem_shared>>) offsets(%dma_start3A_555 : memref<80xi32, #tpu.memory_space<vmem>>) semaphore(%dma_start3A_560 : memref<!tpu.dma_semaphore, #tpu.memory_space<semaphore_mem>>) {add = true}
    %dma_wait3A_561 = arith.constant 7 : i32
    %dma_wait3A_562 = arith.constant 7 : i32
    %dma_wait3A_563 = arith.constant 0 : i32
    %dma_wait3A_564 = arith.constant 0 : i32
    %dma_wait3A_565 = tpu.memref_slice %arg8[%dma_wait3A_561, %dma_wait3A_563, %dma_wait3A_564] : memref<8x80x16xf32, #tpu.memory_space<vmem>> -> memref<1x80x16xf32, #tpu.memory_space<vmem>>
    %dma_wait3A_566 = tpu.memref_squeeze %dma_wait3A_565 : memref<1x80x16xf32, #tpu.memory_space<vmem>> -> memref<80x16xf32, #tpu.memory_space<vmem>>
    %dma_wait3A_567 = arith.constant 0 : i32
    %dma_wait3A_568 = tpu.memref_slice %arg7[%dma_wait3A_567] : memref<10000xi32, #tpu.memory_space<vmem>> -> memref<80xi32, #tpu.memory_space<vmem>>
    %dma_wait3A_569 = arith.constant 0 : i32
    %dma_wait3A_570 = arith.constant 0 : i32
    %dma_wait3A_571 = tpu.memref_slice %arg10[%dma_wait3A_569, %dma_wait3A_570] : memref<10240x16xf32, #tpu.memory_space<vmem_shared>> -> memref<10240x16xf32, #tpu.memory_space<vmem_shared>>
    %dma_wait3A_572 = tpu.memref_slice %arg12[%dma_wait3A_562] : memref<8x!tpu.dma_semaphore, #tpu.memory_space<semaphore_mem>> -> memref<1x!tpu.dma_semaphore, #tpu.memory_space<semaphore_mem>>
    %dma_wait3A_573 = tpu.memref_squeeze %dma_wait3A_572 : memref<1x!tpu.dma_semaphore, #tpu.memory_space<semaphore_mem>> -> memref<!tpu.dma_semaphore, #tpu.memory_space<semaphore_mem>>
    tpu.wait_indirect_dma semaphore(%dma_wait3A_573 : memref<!tpu.dma_semaphore, #tpu.memory_space<semaphore_mem>>) src(%dma_wait3A_566 : memref<80x16xf32, #tpu.memory_space<vmem>>) dst(%dma_wait3A_571 : memref<10240x16xf32, #tpu.memory_space<vmem_shared>>)
    %dma_wait3A_574 = arith.constant 3 : i32
    %dma_wait3A_575 = arith.constant 3 : i32
    %dma_wait3A_576 = arith.constant 0 : i32
    %dma_wait3A_577 = arith.constant 0 : i32
    %dma_wait3A_578 = tpu.memref_slice %arg8[%dma_wait3A_574, %dma_wait3A_576, %dma_wait3A_577] : memref<8x80x16xf32, #tpu.memory_space<vmem>> -> memref<1x80x16xf32, #tpu.memory_space<vmem>>
    %dma_wait3A_579 = tpu.memref_squeeze %dma_wait3A_578 : memref<1x80x16xf32, #tpu.memory_space<vmem>> -> memref<80x16xf32, #tpu.memory_space<vmem>>
    %dma_wait3A_580 = arith.constant 0 : i32
    %dma_wait3A_581 = tpu.memref_slice %arg6[%dma_wait3A_580] : memref<10000xi32, #tpu.memory_space<vmem>> -> memref<80xi32, #tpu.memory_space<vmem>>
    %dma_wait3A_582 = arith.constant 0 : i32
    %dma_wait3A_583 = arith.constant 0 : i32
    %dma_wait3A_584 = tpu.memref_slice %arg3[%dma_wait3A_582, %dma_wait3A_583] : memref<10240x16xf32, #tpu.memory_space<hbm>> -> memref<10240x16xf32, #tpu.memory_space<hbm>>
    %dma_wait3A_585 = tpu.memref_slice %arg11[%dma_wait3A_575] : memref<8x!tpu.dma_semaphore, #tpu.memory_space<semaphore_mem>> -> memref<1x!tpu.dma_semaphore, #tpu.memory_space<semaphore_mem>>
    %dma_wait3A_586 = tpu.memref_squeeze %dma_wait3A_585 : memref<1x!tpu.dma_semaphore, #tpu.memory_space<semaphore_mem>> -> memref<!tpu.dma_semaphore, #tpu.memory_space<semaphore_mem>>
    tpu.wait_indirect_dma semaphore(%dma_wait3A_586 : memref<!tpu.dma_semaphore, #tpu.memory_space<semaphore_mem>>) src(%dma_wait3A_584 : memref<10240x16xf32, #tpu.memory_space<hbm>>) dst(%dma_wait3A_579 : memref<80x16xf32, #tpu.memory_space<vmem>>)
    %dma_start3A_587 = arith.constant 3 : i32
    %dma_start3A_588 = arith.constant 3 : i32
    %dma_start3A_589 = arith.constant 0 : i32
    %dma_start3A_590 = arith.constant 0 : i32
    %dma_start3A_591 = tpu.memref_slice %arg8[%dma_start3A_587, %dma_start3A_589, %dma_start3A_590] : memref<8x80x16xf32, #tpu.memory_space<vmem>> -> memref<1x80x16xf32, #tpu.memory_space<vmem>>
    %dma_start3A_592 = tpu.memref_squeeze %dma_start3A_591 : memref<1x80x16xf32, #tpu.memory_space<vmem>> -> memref<80x16xf32, #tpu.memory_space<vmem>>
    %dma_start3A_593 = arith.constant 9840 : i32
    %dma_start3A_594 = tpu.memref_slice %arg7[%dma_start3A_593] : memref<10000xi32, #tpu.memory_space<vmem>> -> memref<80xi32, #tpu.memory_space<vmem>>
    %dma_start3A_595 = arith.constant 0 : i32
    %dma_start3A_596 = arith.constant 0 : i32
    %dma_start3A_597 = tpu.memref_slice %arg10[%dma_start3A_595, %dma_start3A_596] : memref<10240x16xf32, #tpu.memory_space<vmem_shared>> -> memref<10240x16xf32, #tpu.memory_space<vmem_shared>>
    %dma_start3A_598 = tpu.memref_slice %arg12[%dma_start3A_588] : memref<8x!tpu.dma_semaphore, #tpu.memory_space<semaphore_mem>> -> memref<1x!tpu.dma_semaphore, #tpu.memory_space<semaphore_mem>>
    %dma_start3A_599 = tpu.memref_squeeze %dma_start3A_598 : memref<1x!tpu.dma_semaphore, #tpu.memory_space<semaphore_mem>> -> memref<!tpu.dma_semaphore, #tpu.memory_space<semaphore_mem>>
    tpu.enqueue_indirect_dma source(%dma_start3A_592 : memref<80x16xf32, #tpu.memory_space<vmem>>) target(%dma_start3A_597 : memref<10240x16xf32, #tpu.memory_space<vmem_shared>>) offsets(%dma_start3A_594 : memref<80xi32, #tpu.memory_space<vmem>>) semaphore(%dma_start3A_599 : memref<!tpu.dma_semaphore, #tpu.memory_space<semaphore_mem>>) {add = true}
    %dma_wait3A_600 = arith.constant 0 : i32
    %dma_wait3A_601 = arith.constant 0 : i32
    %dma_wait3A_602 = arith.constant 0 : i32
    %dma_wait3A_603 = arith.constant 0 : i32
    %dma_wait3A_604 = tpu.memref_slice %arg8[%dma_wait3A_600, %dma_wait3A_602, %dma_wait3A_603] : memref<8x80x16xf32, #tpu.memory_space<vmem>> -> memref<1x80x16xf32, #tpu.memory_space<vmem>>
    %dma_wait3A_605 = tpu.memref_squeeze %dma_wait3A_604 : memref<1x80x16xf32, #tpu.memory_space<vmem>> -> memref<80x16xf32, #tpu.memory_space<vmem>>
    %dma_wait3A_606 = arith.constant 0 : i32
    %dma_wait3A_607 = tpu.memref_slice %arg7[%dma_wait3A_606] : memref<10000xi32, #tpu.memory_space<vmem>> -> memref<80xi32, #tpu.memory_space<vmem>>
    %dma_wait3A_608 = arith.constant 0 : i32
    %dma_wait3A_609 = arith.constant 0 : i32
    %dma_wait3A_610 = tpu.memref_slice %arg10[%dma_wait3A_608, %dma_wait3A_609] : memref<10240x16xf32, #tpu.memory_space<vmem_shared>> -> memref<10240x16xf32, #tpu.memory_space<vmem_shared>>
    %dma_wait3A_611 = tpu.memref_slice %arg12[%dma_wait3A_601] : memref<8x!tpu.dma_semaphore, #tpu.memory_space<semaphore_mem>> -> memref<1x!tpu.dma_semaphore, #tpu.memory_space<semaphore_mem>>
    %dma_wait3A_612 = tpu.memref_squeeze %dma_wait3A_611 : memref<1x!tpu.dma_semaphore, #tpu.memory_space<semaphore_mem>> -> memref<!tpu.dma_semaphore, #tpu.memory_space<semaphore_mem>>
    tpu.wait_indirect_dma semaphore(%dma_wait3A_612 : memref<!tpu.dma_semaphore, #tpu.memory_space<semaphore_mem>>) src(%dma_wait3A_605 : memref<80x16xf32, #tpu.memory_space<vmem>>) dst(%dma_wait3A_610 : memref<10240x16xf32, #tpu.memory_space<vmem_shared>>)
    %dma_wait3A_613 = arith.constant 4 : i32
    %dma_wait3A_614 = arith.constant 4 : i32
    %dma_wait3A_615 = arith.constant 0 : i32
    %dma_wait3A_616 = arith.constant 0 : i32
    %dma_wait3A_617 = tpu.memref_slice %arg8[%dma_wait3A_613, %dma_wait3A_615, %dma_wait3A_616] : memref<8x80x16xf32, #tpu.memory_space<vmem>> -> memref<1x80x16xf32, #tpu.memory_space<vmem>>
    %dma_wait3A_618 = tpu.memref_squeeze %dma_wait3A_617 : memref<1x80x16xf32, #tpu.memory_space<vmem>> -> memref<80x16xf32, #tpu.memory_space<vmem>>
    %dma_wait3A_619 = arith.constant 0 : i32
    %dma_wait3A_620 = tpu.memref_slice %arg6[%dma_wait3A_619] : memref<10000xi32, #tpu.memory_space<vmem>> -> memref<80xi32, #tpu.memory_space<vmem>>
    %dma_wait3A_621 = arith.constant 0 : i32
    %dma_wait3A_622 = arith.constant 0 : i32
    %dma_wait3A_623 = tpu.memref_slice %arg3[%dma_wait3A_621, %dma_wait3A_622] : memref<10240x16xf32, #tpu.memory_space<hbm>> -> memref<10240x16xf32, #tpu.memory_space<hbm>>
    %dma_wait3A_624 = tpu.memref_slice %arg11[%dma_wait3A_614] : memref<8x!tpu.dma_semaphore, #tpu.memory_space<semaphore_mem>> -> memref<1x!tpu.dma_semaphore, #tpu.memory_space<semaphore_mem>>
    %dma_wait3A_625 = tpu.memref_squeeze %dma_wait3A_624 : memref<1x!tpu.dma_semaphore, #tpu.memory_space<semaphore_mem>> -> memref<!tpu.dma_semaphore, #tpu.memory_space<semaphore_mem>>
    tpu.wait_indirect_dma semaphore(%dma_wait3A_625 : memref<!tpu.dma_semaphore, #tpu.memory_space<semaphore_mem>>) src(%dma_wait3A_623 : memref<10240x16xf32, #tpu.memory_space<hbm>>) dst(%dma_wait3A_618 : memref<80x16xf32, #tpu.memory_space<vmem>>)
    %dma_start3A_626 = arith.constant 4 : i32
    %dma_start3A_627 = arith.constant 4 : i32
    %dma_start3A_628 = arith.constant 0 : i32
    %dma_start3A_629 = arith.constant 0 : i32
    %dma_start3A_630 = tpu.memref_slice %arg8[%dma_start3A_626, %dma_start3A_628, %dma_start3A_629] : memref<8x80x16xf32, #tpu.memory_space<vmem>> -> memref<1x80x16xf32, #tpu.memory_space<vmem>>
    %dma_start3A_631 = tpu.memref_squeeze %dma_start3A_630 : memref<1x80x16xf32, #tpu.memory_space<vmem>> -> memref<80x16xf32, #tpu.memory_space<vmem>>
    %dma_start3A_632 = arith.constant 9920 : i32
    %dma_start3A_633 = tpu.memref_slice %arg7[%dma_start3A_632] : memref<10000xi32, #tpu.memory_space<vmem>> -> memref<80xi32, #tpu.memory_space<vmem>>
    %dma_start3A_634 = arith.constant 0 : i32
    %dma_start3A_635 = arith.constant 0 : i32
    %dma_start3A_636 = tpu.memref_slice %arg10[%dma_start3A_634, %dma_start3A_635] : memref<10240x16xf32, #tpu.memory_space<vmem_shared>> -> memref<10240x16xf32, #tpu.memory_space<vmem_shared>>
    %dma_start3A_637 = tpu.memref_slice %arg12[%dma_start3A_627] : memref<8x!tpu.dma_semaphore, #tpu.memory_space<semaphore_mem>> -> memref<1x!tpu.dma_semaphore, #tpu.memory_space<semaphore_mem>>
    %dma_start3A_638 = tpu.memref_squeeze %dma_start3A_637 : memref<1x!tpu.dma_semaphore, #tpu.memory_space<semaphore_mem>> -> memref<!tpu.dma_semaphore, #tpu.memory_space<semaphore_mem>>
    tpu.enqueue_indirect_dma source(%dma_start3A_631 : memref<80x16xf32, #tpu.memory_space<vmem>>) target(%dma_start3A_636 : memref<10240x16xf32, #tpu.memory_space<vmem_shared>>) offsets(%dma_start3A_633 : memref<80xi32, #tpu.memory_space<vmem>>) semaphore(%dma_start3A_638 : memref<!tpu.dma_semaphore, #tpu.memory_space<semaphore_mem>>) {add = true}
    %dma_wait3A_639 = arith.constant 1 : i32
    %dma_wait3A_640 = arith.constant 1 : i32
    %dma_wait3A_641 = arith.constant 0 : i32
    %dma_wait3A_642 = arith.constant 0 : i32
    %dma_wait3A_643 = tpu.memref_slice %arg8[%dma_wait3A_639, %dma_wait3A_641, %dma_wait3A_642] : memref<8x80x16xf32, #tpu.memory_space<vmem>> -> memref<1x80x16xf32, #tpu.memory_space<vmem>>
    %dma_wait3A_644 = tpu.memref_squeeze %dma_wait3A_643 : memref<1x80x16xf32, #tpu.memory_space<vmem>> -> memref<80x16xf32, #tpu.memory_space<vmem>>
    %dma_wait3A_645 = arith.constant 0 : i32
    %dma_wait3A_646 = tpu.memref_slice %arg7[%dma_wait3A_645] : memref<10000xi32, #tpu.memory_space<vmem>> -> memref<80xi32, #tpu.memory_space<vmem>>
    %dma_wait3A_647 = arith.constant 0 : i32
    %dma_wait3A_648 = arith.constant 0 : i32
    %dma_wait3A_649 = tpu.memref_slice %arg10[%dma_wait3A_647, %dma_wait3A_648] : memref<10240x16xf32, #tpu.memory_space<vmem_shared>> -> memref<10240x16xf32, #tpu.memory_space<vmem_shared>>
    %dma_wait3A_650 = tpu.memref_slice %arg12[%dma_wait3A_640] : memref<8x!tpu.dma_semaphore, #tpu.memory_space<semaphore_mem>> -> memref<1x!tpu.dma_semaphore, #tpu.memory_space<semaphore_mem>>
    %dma_wait3A_651 = tpu.memref_squeeze %dma_wait3A_650 : memref<1x!tpu.dma_semaphore, #tpu.memory_space<semaphore_mem>> -> memref<!tpu.dma_semaphore, #tpu.memory_space<semaphore_mem>>
    tpu.wait_indirect_dma semaphore(%dma_wait3A_651 : memref<!tpu.dma_semaphore, #tpu.memory_space<semaphore_mem>>) src(%dma_wait3A_644 : memref<80x16xf32, #tpu.memory_space<vmem>>) dst(%dma_wait3A_649 : memref<10240x16xf32, #tpu.memory_space<vmem_shared>>)
    %dma_wait3A_652 = arith.constant 2 : i32
    %dma_wait3A_653 = arith.constant 2 : i32
    %dma_wait3A_654 = arith.constant 0 : i32
    %dma_wait3A_655 = arith.constant 0 : i32
    %dma_wait3A_656 = tpu.memref_slice %arg8[%dma_wait3A_652, %dma_wait3A_654, %dma_wait3A_655] : memref<8x80x16xf32, #tpu.memory_space<vmem>> -> memref<1x80x16xf32, #tpu.memory_space<vmem>>
    %dma_wait3A_657 = tpu.memref_squeeze %dma_wait3A_656 : memref<1x80x16xf32, #tpu.memory_space<vmem>> -> memref<80x16xf32, #tpu.memory_space<vmem>>
    %dma_wait3A_658 = arith.constant 0 : i32
    %dma_wait3A_659 = tpu.memref_slice %arg7[%dma_wait3A_658] : memref<10000xi32, #tpu.memory_space<vmem>> -> memref<80xi32, #tpu.memory_space<vmem>>
    %dma_wait3A_660 = arith.constant 0 : i32
    %dma_wait3A_661 = arith.constant 0 : i32
    %dma_wait3A_662 = tpu.memref_slice %arg10[%dma_wait3A_660, %dma_wait3A_661] : memref<10240x16xf32, #tpu.memory_space<vmem_shared>> -> memref<10240x16xf32, #tpu.memory_space<vmem_shared>>
    %dma_wait3A_663 = tpu.memref_slice %arg12[%dma_wait3A_653] : memref<8x!tpu.dma_semaphore, #tpu.memory_space<semaphore_mem>> -> memref<1x!tpu.dma_semaphore, #tpu.memory_space<semaphore_mem>>
    %dma_wait3A_664 = tpu.memref_squeeze %dma_wait3A_663 : memref<1x!tpu.dma_semaphore, #tpu.memory_space<semaphore_mem>> -> memref<!tpu.dma_semaphore, #tpu.memory_space<semaphore_mem>>
    tpu.wait_indirect_dma semaphore(%dma_wait3A_664 : memref<!tpu.dma_semaphore, #tpu.memory_space<semaphore_mem>>) src(%dma_wait3A_657 : memref<80x16xf32, #tpu.memory_space<vmem>>) dst(%dma_wait3A_662 : memref<10240x16xf32, #tpu.memory_space<vmem_shared>>)
    %dma_wait3A_665 = arith.constant 3 : i32
    %dma_wait3A_666 = arith.constant 3 : i32
    %dma_wait3A_667 = arith.constant 0 : i32
    %dma_wait3A_668 = arith.constant 0 : i32
    %dma_wait3A_669 = tpu.memref_slice %arg8[%dma_wait3A_665, %dma_wait3A_667, %dma_wait3A_668] : memref<8x80x16xf32, #tpu.memory_space<vmem>> -> memref<1x80x16xf32, #tpu.memory_space<vmem>>
    %dma_wait3A_670 = tpu.memref_squeeze %dma_wait3A_669 : memref<1x80x16xf32, #tpu.memory_space<vmem>> -> memref<80x16xf32, #tpu.memory_space<vmem>>
    %dma_wait3A_671 = arith.constant 0 : i32
    %dma_wait3A_672 = tpu.memref_slice %arg7[%dma_wait3A_671] : memref<10000xi32, #tpu.memory_space<vmem>> -> memref<80xi32, #tpu.memory_space<vmem>>
    %dma_wait3A_673 = arith.constant 0 : i32
    %dma_wait3A_674 = arith.constant 0 : i32
    %dma_wait3A_675 = tpu.memref_slice %arg10[%dma_wait3A_673, %dma_wait3A_674] : memref<10240x16xf32, #tpu.memory_space<vmem_shared>> -> memref<10240x16xf32, #tpu.memory_space<vmem_shared>>
    %dma_wait3A_676 = tpu.memref_slice %arg12[%dma_wait3A_666] : memref<8x!tpu.dma_semaphore, #tpu.memory_space<semaphore_mem>> -> memref<1x!tpu.dma_semaphore, #tpu.memory_space<semaphore_mem>>
    %dma_wait3A_677 = tpu.memref_squeeze %dma_wait3A_676 : memref<1x!tpu.dma_semaphore, #tpu.memory_space<semaphore_mem>> -> memref<!tpu.dma_semaphore, #tpu.memory_space<semaphore_mem>>
    tpu.wait_indirect_dma semaphore(%dma_wait3A_677 : memref<!tpu.dma_semaphore, #tpu.memory_space<semaphore_mem>>) src(%dma_wait3A_670 : memref<80x16xf32, #tpu.memory_space<vmem>>) dst(%dma_wait3A_675 : memref<10240x16xf32, #tpu.memory_space<vmem_shared>>)
    %dma_wait3A_678 = arith.constant 4 : i32
    %dma_wait3A_679 = arith.constant 4 : i32
    %dma_wait3A_680 = arith.constant 0 : i32
    %dma_wait3A_681 = arith.constant 0 : i32
    %dma_wait3A_682 = tpu.memref_slice %arg8[%dma_wait3A_678, %dma_wait3A_680, %dma_wait3A_681] : memref<8x80x16xf32, #tpu.memory_space<vmem>> -> memref<1x80x16xf32, #tpu.memory_space<vmem>>
    %dma_wait3A_683 = tpu.memref_squeeze %dma_wait3A_682 : memref<1x80x16xf32, #tpu.memory_space<vmem>> -> memref<80x16xf32, #tpu.memory_space<vmem>>
    %dma_wait3A_684 = arith.constant 0 : i32
    %dma_wait3A_685 = tpu.memref_slice %arg7[%dma_wait3A_684] : memref<10000xi32, #tpu.memory_space<vmem>> -> memref<80xi32, #tpu.memory_space<vmem>>
    %dma_wait3A_686 = arith.constant 0 : i32
    %dma_wait3A_687 = arith.constant 0 : i32
    %dma_wait3A_688 = tpu.memref_slice %arg10[%dma_wait3A_686, %dma_wait3A_687] : memref<10240x16xf32, #tpu.memory_space<vmem_shared>> -> memref<10240x16xf32, #tpu.memory_space<vmem_shared>>
    %dma_wait3A_689 = tpu.memref_slice %arg12[%dma_wait3A_679] : memref<8x!tpu.dma_semaphore, #tpu.memory_space<semaphore_mem>> -> memref<1x!tpu.dma_semaphore, #tpu.memory_space<semaphore_mem>>
    %dma_wait3A_690 = tpu.memref_squeeze %dma_wait3A_689 : memref<1x!tpu.dma_semaphore, #tpu.memory_space<semaphore_mem>> -> memref<!tpu.dma_semaphore, #tpu.memory_space<semaphore_mem>>
    tpu.wait_indirect_dma semaphore(%dma_wait3A_690 : memref<!tpu.dma_semaphore, #tpu.memory_space<semaphore_mem>>) src(%dma_wait3A_683 : memref<80x16xf32, #tpu.memory_space<vmem>>) dst(%dma_wait3A_688 : memref<10240x16xf32, #tpu.memory_space<vmem_shared>>)
    %barrier3A_691 = arith.constant 0 : index
    tpu.barrier barrier_id(%barrier3A_691)
    "tpu.region"() ({
      %run_scoped3A_692 = tpu.sem_alloc : memref<!tpu.dma_semaphore, #tpu.memory_space<semaphore_mem>>
      %dma_start3A_693 = arith.constant 0 : i32
      %dma_start3A_694 = tpu.memref_slice %arg5[%arg0, %mul3A_2, %dma_start3A_693] : memref<2x10240x16xf32, #tpu.memory_space<hbm>> -> memref<1x640x16xf32, #tpu.memory_space<hbm>>
      %dma_start3A_695 = tpu.memref_squeeze %dma_start3A_694 : memref<1x640x16xf32, #tpu.memory_space<hbm>> -> memref<640x16xf32, #tpu.memory_space<hbm>>
      %dma_start3A_696 = arith.constant 0 : i32
      %dma_start3A_697 = tpu.memref_slice %arg10[%mul3A_2, %dma_start3A_696] : memref<10240x16xf32, #tpu.memory_space<vmem_shared>> -> memref<640x16xf32, #tpu.memory_space<vmem_shared>>
      tpu.enqueue_dma source(%dma_start3A_697 : memref<640x16xf32, #tpu.memory_space<vmem_shared>>) target(%dma_start3A_695 : memref<640x16xf32, #tpu.memory_space<hbm>>) target_semaphore(%run_scoped3A_692 : memref<!tpu.dma_semaphore, #tpu.memory_space<semaphore_mem>>)
      %dma_wait3A_698 = arith.constant 0 : i32
      %dma_wait3A_699 = tpu.memref_slice %arg5[%arg0, %mul3A_2, %dma_wait3A_698] : memref<2x10240x16xf32, #tpu.memory_space<hbm>> -> memref<1x640x16xf32, #tpu.memory_space<hbm>>
      %dma_wait3A_700 = tpu.memref_squeeze %dma_wait3A_699 : memref<1x640x16xf32, #tpu.memory_space<hbm>> -> memref<640x16xf32, #tpu.memory_space<hbm>>
      %dma_wait3A_701 = arith.constant 0 : i32
      %dma_wait3A_702 = tpu.memref_slice %arg10[%mul3A_2, %dma_wait3A_701] : memref<10240x16xf32, #tpu.memory_space<vmem_shared>> -> memref<640x16xf32, #tpu.memory_space<vmem_shared>>
      tpu.wait_dma2 semaphore(%run_scoped3A_692 : memref<!tpu.dma_semaphore, #tpu.memory_space<semaphore_mem>>) src(%dma_wait3A_702 : memref<640x16xf32, #tpu.memory_space<vmem_shared>>) dst(%dma_wait3A_700 : memref<640x16xf32, #tpu.memory_space<hbm>>)
      tpu.yield
    }) : () -> ()
    return
  }
}

module attributes {stable_mosaic.version = 14 : i64} {
  func.func @_pre_body(%arg0: memref<2x10240x16xf32, #tpu.memory_space<vmem>>, %arg1: memref<10000x128xf32, #tpu.memory_space<vmem>>, %arg2: memref<128x16xf32, #tpu.memory_space<vmem>>, %arg3: memref<10240x16xf32, #tpu.memory_space<vmem>>, %arg4: memref<10240x16xf32, #tpu.memory_space<vmem>>) attributes {dimension_semantics = [], scalar_prefetch = 0 : i64, scratch_operands = 0 : i64, tpu.core_type = #tpu.core_type<tc>} {
    %get3A = arith.constant 0 : index
    %get3A_0 = arith.constant 0 : index
    %get3A_1 = arith.constant 0 : index
    %get3A_2 = vector.load %arg0[%get3A, %get3A_0, %get3A_1] : memref<2x10240x16xf32, #tpu.memory_space<vmem>>, vector<1x10240x16xf32>
    %get3A_3 = vector.shape_cast %get3A_2 : vector<1x10240x16xf32> to vector<10240x16xf32>
    %get3A_4 = arith.constant 1 : index
    %get3A_5 = arith.constant 0 : index
    %get3A_6 = arith.constant 0 : index
    %get3A_7 = vector.load %arg0[%get3A_4, %get3A_5, %get3A_6] : memref<2x10240x16xf32, #tpu.memory_space<vmem>>, vector<1x10240x16xf32>
    %get3A_8 = vector.shape_cast %get3A_7 : vector<1x10240x16xf32> to vector<10240x16xf32>
    %add3A = arith.addf %get3A_3, %get3A_8 : vector<10240x16xf32>
    %add3A_9 = arith.constant 1.000000e+00 : f32
    %add3A_10 = vector.broadcast %add3A_9 : f32 to vector<10240x16xf32>
    %add3A_11 = arith.addf %add3A, %add3A_10 : vector<10240x16xf32>
    %rsqrt3A = math.rsqrt %add3A_11 : vector<10240x16xf32>
    %get3A_12 = arith.constant 0 : index
    %get3A_13 = arith.constant 0 : index
    %get3A_14 = vector.load %arg1[%get3A_12, %get3A_13] : memref<10000x128xf32, #tpu.memory_space<vmem>>, vector<10000x128xf32>
    %get3A_15 = arith.constant 0 : index
    %get3A_16 = arith.constant 0 : index
    %get3A_17 = vector.load %arg2[%get3A_15, %get3A_16] : memref<128x16xf32, #tpu.memory_space<vmem>>, vector<128x16xf32>
    %dot_general3A = arith.constant dense<0.000000e+00> : vector<10000x16xf32>
    %dot_general3A_18 = tpu.matmul %get3A_14, %get3A_17, %dot_general3A {dimension_numbers = #tpu.dot_dimension_numbers<[1], [0], [0], [1], [0, 0, 1, 1], [], []>, transpose_lhs_hint = false} : vector<10000x128xf32>, vector<128x16xf32>, vector<10000x16xf32> -> vector<10000x16xf32>
    %slice3A = vector.extract_strided_slice %rsqrt3A {offsets = [0, 0], sizes = [10000, 16], strides = [1, 1]} : vector<10240x16xf32> to vector<10000x16xf32>
    %mul3A = arith.mulf %dot_general3A_18, %slice3A : vector<10000x16xf32>
    %swap3A = arith.constant 0 : index
    %swap3A_19 = arith.constant 0 : index
    %swap3A_20 = vector.load %arg3[%swap3A, %swap3A_19] : memref<10240x16xf32, #tpu.memory_space<vmem>>, vector<10000x16xf32>
    tpu.vector_store %arg3[%swap3A, %swap3A_19], %mul3A {strides = array<i32>} : memref<10240x16xf32, #tpu.memory_space<vmem>>, vector<10000x16xf32>,
    %broadcast_in_dim3A = arith.constant 0.000000e+00 : f32
    %broadcast_in_dim3A_21 = vector.broadcast %broadcast_in_dim3A : f32 to vector<240x16xf32>
    %swap3A_22 = arith.constant 10000 : index
    %swap3A_23 = arith.constant 0 : index
    %swap3A_24 = vector.load %arg3[%swap3A_22, %swap3A_23] : memref<10240x16xf32, #tpu.memory_space<vmem>>, vector<240x16xf32>
    tpu.vector_store %arg3[%swap3A_22, %swap3A_23], %broadcast_in_dim3A_21 {strides = array<i32>} : memref<10240x16xf32, #tpu.memory_space<vmem>>, vector<240x16xf32>,
    %swap3A_25 = arith.constant 0 : index
    %swap3A_26 = arith.constant 0 : index
    %swap3A_27 = vector.load %arg4[%swap3A_25, %swap3A_26] : memref<10240x16xf32, #tpu.memory_space<vmem>>, vector<10240x16xf32>
    tpu.vector_store %arg4[%swap3A_25, %swap3A_26], %rsqrt3A {strides = array<i32>} : memref<10240x16xf32, #tpu.memory_space<vmem>>, vector<10240x16xf32>,
    return
  }
}

module attributes {stable_mosaic.version = 14 : i64} {
  func.func @_mid_body(%arg0: memref<2x10240x16xf32, #tpu.memory_space<vmem>>, %arg1: memref<10240x16xf32, #tpu.memory_space<vmem>>, %arg2: memref<10240x16xf32, #tpu.memory_space<vmem>>, %arg3: memref<1x16xf32, #tpu.memory_space<vmem>>, %arg4: memref<16x16xf32, #tpu.memory_space<vmem>>, %arg5: memref<10240x16xf32, #tpu.memory_space<vmem>>) attributes {dimension_semantics = [], scalar_prefetch = 0 : i64, scratch_operands = 0 : i64, tpu.core_type = #tpu.core_type<tc>} {
    %get3A = arith.constant 0 : index
    %get3A_0 = arith.constant 0 : index
    %get3A_1 = vector.load %arg2[%get3A, %get3A_0] : memref<10240x16xf32, #tpu.memory_space<vmem>>, vector<10240x16xf32>
    %get3A_2 = arith.constant 0 : index
    %get3A_3 = arith.constant 0 : index
    %get3A_4 = arith.constant 0 : index
    %get3A_5 = vector.load %arg0[%get3A_2, %get3A_3, %get3A_4] : memref<2x10240x16xf32, #tpu.memory_space<vmem>>, vector<1x10240x16xf32>
    %get3A_6 = vector.shape_cast %get3A_5 : vector<1x10240x16xf32> to vector<10240x16xf32>
    %get3A_7 = arith.constant 1 : index
    %get3A_8 = arith.constant 0 : index
    %get3A_9 = arith.constant 0 : index
    %get3A_10 = vector.load %arg0[%get3A_7, %get3A_8, %get3A_9] : memref<2x10240x16xf32, #tpu.memory_space<vmem>>, vector<1x10240x16xf32>
    %get3A_11 = vector.shape_cast %get3A_10 : vector<1x10240x16xf32> to vector<10240x16xf32>
    %add3A = arith.addf %get3A_6, %get3A_11 : vector<10240x16xf32>
    %get3A_12 = arith.constant 0 : index
    %get3A_13 = arith.constant 0 : index
    %get3A_14 = vector.load %arg1[%get3A_12, %get3A_13] : memref<10240x16xf32, #tpu.memory_space<vmem>>, vector<10240x16xf32>
    %add3A_15 = arith.addf %add3A, %get3A_14 : vector<10240x16xf32>
    %mul3A = arith.mulf %get3A_1, %add3A_15 : vector<10240x16xf32>
    %get3A_16 = arith.constant 0 : index
    %get3A_17 = arith.constant 0 : index
    %get3A_18 = vector.load %arg3[%get3A_16, %get3A_17] : memref<1x16xf32, #tpu.memory_space<vmem>>, vector<1x16xf32>
    %add3A_19 = vector.broadcast %get3A_18 : vector<1x16xf32> to vector<10240x16xf32>
    %add3A_20 = arith.addf %mul3A, %add3A_19 : vector<10240x16xf32>
    %max3A = arith.constant 0.000000e+00 : f32
    %max3A_21 = vector.broadcast %max3A : f32 to vector<10240x16xf32>
    %max3A_22 = arith.maximumf %add3A_20, %max3A_21 : vector<10240x16xf32>
    %get3A_23 = arith.constant 0 : index
    %get3A_24 = arith.constant 0 : index
    %get3A_25 = vector.load %arg4[%get3A_23, %get3A_24] : memref<16x16xf32, #tpu.memory_space<vmem>>, vector<16x16xf32>
    %dot_general3A = arith.constant dense<0.000000e+00> : vector<10240x16xf32>
    %dot_general3A_26 = tpu.matmul %max3A_22, %get3A_25, %dot_general3A {dimension_numbers = #tpu.dot_dimension_numbers<[1], [0], [0], [1], [0, 0, 1, 1], [], []>, transpose_lhs_hint = false} : vector<10240x16xf32>, vector<16x16xf32>, vector<10240x16xf32> -> vector<10240x16xf32>
    %slice3A = vector.extract_strided_slice %dot_general3A_26 {offsets = [0, 0], sizes = [10000, 16], strides = [1, 1]} : vector<10240x16xf32> to vector<10000x16xf32>
    %slice3A_27 = vector.extract_strided_slice %get3A_1 {offsets = [0, 0], sizes = [10000, 16], strides = [1, 1]} : vector<10240x16xf32> to vector<10000x16xf32>
    %mul3A_28 = arith.mulf %slice3A, %slice3A_27 : vector<10000x16xf32>
    %swap3A = arith.constant 0 : index
    %swap3A_29 = arith.constant 0 : index
    %swap3A_30 = vector.load %arg5[%swap3A, %swap3A_29] : memref<10240x16xf32, #tpu.memory_space<vmem>>, vector<10000x16xf32>
    tpu.vector_store %arg5[%swap3A, %swap3A_29], %mul3A_28 {strides = array<i32>} : memref<10240x16xf32, #tpu.memory_space<vmem>>, vector<10000x16xf32>,
    %broadcast_in_dim3A = arith.constant 0.000000e+00 : f32
    %broadcast_in_dim3A_31 = vector.broadcast %broadcast_in_dim3A : f32 to vector<240x16xf32>
    %swap3A_32 = arith.constant 10000 : index
    %swap3A_33 = arith.constant 0 : index
    %swap3A_34 = vector.load %arg5[%swap3A_32, %swap3A_33] : memref<10240x16xf32, #tpu.memory_space<vmem>>, vector<240x16xf32>
    tpu.vector_store %arg5[%swap3A_32, %swap3A_33], %broadcast_in_dim3A_31 {strides = array<i32>} : memref<10240x16xf32, #tpu.memory_space<vmem>>, vector<240x16xf32>,
    return
  }
}

module attributes {stable_mosaic.version = 14 : i64} {
  func.func @_post_body(%arg0: memref<2x10240x16xf32, #tpu.memory_space<vmem>>, %arg1: memref<10240x16xf32, #tpu.memory_space<vmem>>, %arg2: memref<10240x16xf32, #tpu.memory_space<vmem>>, %arg3: memref<1x16xf32, #tpu.memory_space<vmem>>, %arg4: memref<10000x16xf32, #tpu.memory_space<vmem>>) attributes {dimension_semantics = [], scalar_prefetch = 0 : i64, scratch_operands = 0 : i64, tpu.core_type = #tpu.core_type<tc>} {
    %get3A = arith.constant 0 : index
    %get3A_0 = arith.constant 0 : index
    %get3A_1 = vector.load %arg2[%get3A, %get3A_0] : memref<10240x16xf32, #tpu.memory_space<vmem>>, vector<10000x16xf32>
    %get3A_2 = arith.constant 0 : index
    %get3A_3 = arith.constant 0 : index
    %get3A_4 = arith.constant 0 : index
    %get3A_5 = vector.load %arg0[%get3A_2, %get3A_3, %get3A_4] : memref<2x10240x16xf32, #tpu.memory_space<vmem>>, vector<1x10000x16xf32>
    %get3A_6 = vector.shape_cast %get3A_5 : vector<1x10000x16xf32> to vector<10000x16xf32>
    %get3A_7 = arith.constant 1 : index
    %get3A_8 = arith.constant 0 : index
    %get3A_9 = arith.constant 0 : index
    %get3A_10 = vector.load %arg0[%get3A_7, %get3A_8, %get3A_9] : memref<2x10240x16xf32, #tpu.memory_space<vmem>>, vector<1x10000x16xf32>
    %get3A_11 = vector.shape_cast %get3A_10 : vector<1x10000x16xf32> to vector<10000x16xf32>
    %add3A = arith.addf %get3A_6, %get3A_11 : vector<10000x16xf32>
    %get3A_12 = arith.constant 0 : index
    %get3A_13 = arith.constant 0 : index
    %get3A_14 = vector.load %arg1[%get3A_12, %get3A_13] : memref<10240x16xf32, #tpu.memory_space<vmem>>, vector<10000x16xf32>
    %add3A_15 = arith.addf %add3A, %get3A_14 : vector<10000x16xf32>
    %mul3A = arith.mulf %get3A_1, %add3A_15 : vector<10000x16xf32>
    %get3A_16 = arith.constant 0 : index
    %get3A_17 = arith.constant 0 : index
    %get3A_18 = vector.load %arg3[%get3A_16, %get3A_17] : memref<1x16xf32, #tpu.memory_space<vmem>>, vector<1x16xf32>
    %add3A_19 = vector.broadcast %get3A_18 : vector<1x16xf32> to vector<10000x16xf32>
    %add3A_20 = arith.addf %mul3A, %add3A_19 : vector<10000x16xf32>
    %reduce_max3A = arith.constant dense<0xFF800000> : vector<10000xf32>
    %reduce_max3A_21 = vector.multi_reduction <maximumf>, %add3A_20, %reduce_max3A [1] : vector<10000x16xf32> to vector<10000xf32>
    %broadcast_in_dim3A = vector.shape_cast %reduce_max3A_21 : vector<10000xf32> to vector<10000x1xf32>
    %sub3A = vector.broadcast %broadcast_in_dim3A : vector<10000x1xf32> to vector<10000x16xf32>
    %sub3A_22 = arith.subf %add3A_20, %sub3A : vector<10000x16xf32>
    %exp3A = math.exp %sub3A_22 : vector<10000x16xf32>
    %reduce_sum3A = arith.constant dense<0.000000e+00> : vector<10000xf32>
    %reduce_sum3A_23 = vector.multi_reduction <add>, %exp3A, %reduce_sum3A [1] : vector<10000x16xf32> to vector<10000xf32>
    %broadcast_in_dim3A_24 = vector.shape_cast %reduce_sum3A_23 : vector<10000xf32> to vector<10000x1xf32>
    %log3A = math.log %broadcast_in_dim3A_24 : vector<10000x1xf32>
    %sub3A_25 = vector.broadcast %log3A : vector<10000x1xf32> to vector<10000x16xf32>
    %sub3A_26 = arith.subf %sub3A_22, %sub3A_25 : vector<10000x16xf32>
    %swap3A = arith.constant 0 : index
    %swap3A_27 = arith.constant 0 : index
    %swap3A_28 = vector.load %arg4[%swap3A, %swap3A_27] : memref<10000x16xf32, #tpu.memory_space<vmem>>, vector<10000x16xf32>
    tpu.vector_store %arg4[%swap3A, %swap3A_27], %sub3A_26 {strides = array<i32>} : memref<10000x16xf32, #tpu.memory_space<vmem>>, vector<10000x16xf32>,
    return
  }
}

</mosaic_0001>

<sc_bundles>
// kernel: kernel.11.cloned.1.call-start
scs
__scs_entry_jumppad:
0x0: {  	(pc) =	sbr.rel $0x88, $3  }
0x1: {  	(tag) =	ssettag $0x0;
	lr =	simm.s32 $0x1  }
0x2: {  	[smem:$0x3F9B] =	sst lr;
	_ =	strace $0xD0000000  }
0x3: {  	_ = 	snop  }
0x4: {  	_ = 	snop  }
0x5: {  	_ = 	snop  }
0x6: {  	_ = 	snop  }
0x7: {  	_ = 	snop  }
__scs_overlays_trampoline_lowered:
0x8: {  	[smem:$0x3FAA] =	sst s0  }
0x9: {  	[smem:$0x3FAB] =	sst s1  }
0xa: {  	[smem:$0x3FAC] =	sst s2  }
0xb: {  	[smem:$0x3FAD] =	sst s3  }
0xc: {  	[smem:$0x3FAE] =	sst s4  }
0xd: {  	[smem:$0x3FAF] =	sst s5  }
0xe: {  	[smem:$0x3FB0] =	sst s6  }
0xf: {  	[smem:$0x3FB1] =	sst s7  }
0x10: {  	[smem:$0x3FB2] =	sst s8  }
0x11: {  	[smem:$0x3FB3] =	sst s9;
	s0 =	simm.s32 @!p0 $0x0  }
0x12: {  	s1 =	sld [smem:$0x3F99];
	s0 =	simm.s32 @p0 $0x1  }
0x13: {  	[smem:$0x3FB4] =	sst s0;
	s0 =	simm.s32 @!p1 $0x0  }
0x14: {  	s2 =	sld [smem:$0x3F98];
	s0 =	simm.s32 @p1 $0x1  }
0x15: {  	[smem:$0x3FB5] =	sst s0;
	s0 =	simm.s32 @!p2 $0x0  }
0x16: {  	s3 =	sld [smem:$0x3FDB];
	s0 =	simm.s32 @p2 $0x1  }
0x17: {  	s4 =	simm.s32 $0x1BF5;
	[smem:$0x3FB7] =	sst s0  }
0x18: {  	s0 =	sld [smem:$0x3F9A];
	_ =	swait.ge [sflag:s4], $0x0  }
0x19: {  	s7 =	sld [smem:$0x3F9B]  }
0x1a: {  	s8 =	sadd.s32 $0xFFFFE003, lr  }
0x1b: {  	s9 =	sadd.s32 $0xFFFFFEF7, lr;
	s5 =	simm.s32 $0xFFFFFFFF;
	p2 =	slt.u32 s8, $0xFFFFF086  }
0x1c: {  	p1 =	slt.u32 s9, $0xF7A;
	s5 =	simm.s32 @!p2 $0x0  }
0x1d: {  	s5 =	simm.s32 @p1 $0x1;
	p0 =	seq.s32 s7, s2  }
0x1e: {  	s7 =	smul.u32 @!p0 $0xF7A, s2;
	p2 =	seq.s32 @!p0 s5, $0x0  }
0x1f: {  	s9 =	smul.u32 $0xF7A, s1;
	s8 =	simm.s32 @!p0 $0x1BF5;
	p2 =	por !p2, p0  }
0x20: {  	[sflag:s8] =	ssyncset.s32 @!p0 $0xFFFFF086;
	s6 =	sadd.s32 @!p0 s3, s7;
	s7 =	simm.s32 @!p0 $0x108  }
0x21: {  	s3 =	sadd.s32 s3, s9;
	s6 =	sadd.s32 @!p0 $0x88, s6;
	s7 =	simm.s32 @p2 $0x1082  }
0x22: {  	[simem:s7], [sflag:s8] =	dma.local @!p0 [hbm:s6], $0xF7A  }
0x23: {  	s9 =	sor.u32 $0xD0000000, s2;
	s6 =	simm.s32 $0x108;
	_ =	swait.ge @!p0 [sflag:s8], $0x0  }
0x24: {  	s3 =	sadd.s32 $0x88, s3;
	s6 =	simm.s32 @!p1 $0x1082;
	[sflag:s4] =	ssyncset.s32 $0xFFFFF086  }
0x25: {  	[simem:s6], [sflag:s4] =	dma.local [hbm:s3], $0xF7A  }
0x26: {  	[smem:$0x3F9B] =	sst s1;
	(tag) =	ssettag s2;
	_ =	strace s9  }
0x27: {  	s1 =	sld [smem:$0x3FAB]  }
0x28: {  	s2 =	sld [smem:$0x3FAC]  }
0x29: {  	s4 =	sld [smem:$0x3FAE]  }
0x2a: {  	p0 =	seq.s32 s5, $0x0;
	s5 =	sld [smem:$0x3FAF]  }
0x2b: {  	s6 =	sld [smem:$0x3FB0]  }
0x2c: {  	s7 =	sld [smem:$0x3FB1]  }
0x2d: {  	s3 =	simm.s32 $0x108;
	s8 =	sld [smem:$0x3FB2]  }
0x2e: {  	s3 =	simm.s32 @!p0 $0x1082;
	s9 =	sld [smem:$0x3FB3]  }
0x2f: {  	lr =	sadd.s32 s0, s3;
	s0 =	sld [smem:$0x3FAA]  }
0x30: {  	s3 =	sld [smem:$0x3FAD]  }
0x31: {  	[smem:$0x3FB6] =	sst s10  }
0x32: {  	s10 =	sld [smem:$0x3FB4];
	_ =	sdelay $0x3  }
0x33: {  	p0 =	seq.s32 s10, $0x1;
	s10 =	sld [smem:$0x3FB6];
	_ =	sdelay $0x3  }
0x34: {  	[smem:$0x3FB6] =	sst s10  }
0x35: {  	s10 =	sld [smem:$0x3FB5];
	_ =	sdelay $0x3  }
0x36: {  	p1 =	seq.s32 s10, $0x1;
	s10 =	sld [smem:$0x3FB6];
	_ =	sdelay $0x3  }
0x37: {  	[smem:$0x3FB6] =	sst s10  }
0x38: {  	s10 =	sld [smem:$0x3FB7]  }
0x39: {  	_ = 	snop;
	(pc) =	sbr.ind lr, $3  }
0x3a: {  	_ = 	snop  }
0x3b: {  	_ = 	snop  }
0x3c: {  	p2 =	seq.s32 s10, $0x1;
	s10 =	sld [smem:$0x3FB6]  }
0x3d: {  	_ =	shalt  }
0x3e: {  	_ =	shalt  }
0x3f: {  	_ =	shalt  }
0x40: {  	_ =	shalt  }
0x41: {  	_ =	shalt  }
0x42: {  	_ =	shalt  }
0x43: {  	_ =	shalt  }
0x44: {  	_ =	shalt  }
0x45: {  	_ =	shalt  }
0x46: {  	_ =	shalt  }
0x47: {  	_ =	shalt  }
0x48: {  	_ =	shalt  }
0x49: {  	_ =	shalt  }
0x4a: {  	_ =	shalt  }
0x4b: {  	_ =	shalt  }
0x4c: {  	_ =	shalt  }
0x4d: {  	_ =	shalt  }
0x4e: {  	_ =	shalt  }
0x4f: {  	_ =	shalt  }
0x50: {  	_ =	shalt  }
0x51: {  	_ =	shalt  }
0x52: {  	_ =	shalt  }
0x53: {  	_ =	shalt  }
0x54: {  	_ =	shalt  }
0x55: {  	_ =	shalt  }
0x56: {  	_ =	shalt  }
0x57: {  	_ =	shalt  }
0x58: {  	_ =	shalt  }
0x59: {  	_ =	shalt  }
0x5a: {  	_ =	shalt  }
0x5b: {  	_ =	shalt  }
0x5c: {  	_ =	shalt  }
0x5d: {  	_ =	shalt  }
0x5e: {  	_ =	shalt  }
0x5f: {  	_ =	shalt  }
0x60: {  	_ =	shalt  }
0x61: {  	_ =	shalt  }
0x62: {  	_ =	shalt  }
0x63: {  	_ =	shalt  }
0x64: {  	_ =	shalt  }
0x65: {  	_ =	shalt  }
0x66: {  	_ =	shalt  }
0x67: {  	_ =	shalt  }
0x68: {  	_ =	shalt  }
0x69: {  	_ =	shalt  }
0x6a: {  	_ =	shalt  }
0x6b: {  	_ =	shalt  }
0x6c: {  	_ =	shalt  }
0x6d: {  	_ =	shalt  }
0x6e: {  	_ =	shalt  }
0x6f: {  	_ =	shalt  }
0x70: {  	_ =	shalt  }
0x71: {  	_ =	shalt  }
0x72: {  	_ =	shalt  }
0x73: {  	_ =	shalt  }
0x74: {  	_ =	shalt  }
0x75: {  	_ =	shalt  }
0x76: {  	_ =	shalt  }
0x77: {  	_ =	shalt  }
0x78: {  	_ =	shalt  }
0x79: {  	_ =	shalt  }
0x7a: {  	_ =	shalt  }
0x7b: {  	_ =	shalt  }
0x7c: {  	_ =	shalt  }
0x7d: {  	_ =	shalt  }
0x7e: {  	_ =	shalt  }
0x7f: {  	_ =	shalt  }
0x80: {  	_ =	shalt  }
0x81: {  	_ =	shalt  }
0x82: {  	_ =	shalt  }
0x83: {  	_ =	shalt  }
0x84: {  	_ =	shalt  }
0x85: {  	_ =	shalt  }
0x86: {  	_ =	shalt  }
0x87: {  	_ =	shalt  }
.Lfunc_end0:
.L_simem_size_0:
called_computation.1_lowered:
.L_overlay_start_0:
0x88: {  	s2 =	sld [smem:$0x3FD9]  }
0x89: {  	s3 =	sld [smem:$0x3FFE];
	_ =	sdelay $0x1  }
0x8a: {  	s1 =	srdreg.scid  }
0x8b: {  	s0 =	sand.u32 $0x1, s1  }
0x8c: {  	s16 =	sshll.u32 s0, $0xA;
	s2 =	sadd.s32 s3, s2  }
0x8d: {  	s2 =	sadd.s32 s2, s16  }
0x8e: {  	[smem:$0x3FC2] =	sst s2  }
0x8f: {  	_ = 	snop  }
0x90: {  	(tm) =	ssettm $0x1  }
0x91: {  	s17 =	sld [smem:$0x3FFB];
	_ =	sdelay $0x3  }
0x92: {  	_ =	strace s17  }
0x93: {  	s2 =	sld [smem:$0x3FFC];
	_ =	sdelay $0x3  }
0x94: {  	_ =	strace s2  }
0x95: {  	s2 =	sld [smem:$0x3FFD];
	_ =	sdelay $0x3  }
0x96: {  	_ =	strace s2  }
0x97: {  	_ =	strace $0x8FFFFFFF  }
0x98: {  	s18 =	sld [smem:$0x3FDB];
	_ =	sdelay $0x1  }
0x99: {  	s19 =	simm.s32 $_scs_section_size  }
0x9a: {  	s4 =	simm.s32 $_size__tile_overlayer_lowered;
	s5 =	simm.s32 $_tile_overlayer_lowered  }
0x9b: {  	s22 =	simm.s32 $0x1BFF;
	s21 =	sshll.u32 s5, $0x1;
	s2 =	sadd.s32 s19, s18  }
0x9c: {  	s6 =	simm.s32 $0x0;
	s20 =	sshll.u32 s4, $0x1;
	s4 =	sadd.s32 s21, s2  }
0x9d: {  	[timem:s6], [sflag:s22] =	dma.local [hbm:s4], s20  }
0x9e: {  	_ =	swait.ge [sflag:s22], s20  }
0x9f: {  	s3 =	ssub.s32 $0x0, s20;
	[sflag:s22] =	ssyncset.done $0x0  }
0xa0: {  	[sflag:s22] =	ssyncadd.s32 s3;
	_ =	sdelay $0x1  }
0xa1: {  	s23 =	simm.s32 $0x1B8B  }
0xa2: {  	_ =	swait.ge [sflag:s23], $0x1  }
0xa3: {  	[sflag:s23] =	ssyncset.done $0x0  }
0xa4: {  	s25 =	simm.s32 $0x1B8E;
	s24 =	sld [smem:$0x3FFE];
	[sflag:s23] =	ssyncadd.s32 $0xFFFFFFFF  }
0xa5: {  	s26 =	simm.s32 $execute0_lowered;
	[smem:$0x3FD2] =	sst s25  }
0xa6: {  	s4 =	sshll.u32 s26, $0x1;
	_ =	strace $0x80000049;
	[dreg:$0x1] =	wrdreg $0xFFFFFFFF  }
0xa7: {  	s28 =	simm.s32 $_size_execute0_lowered;
	s2 =	sadd.s32 s2, s4;
	[dreg:$0x0] =	wrdreg $0x0  }
0xa8: {  	s4 =	sshll.u32 s28, $0x1;
	[dreg:$0x2] =	wrdreg s2  }
0xa9: {  	[dreg:$0x3] =	wrdreg s4  }
0xaa: {  	[dreg:$0x4] =	wrdreg $0xC0  }
0xab: {  	_ =	task [dreg:s6], $0x5FFFF  }
0xac: {  	[dreg:$0x1] =	wrdreg $0xFFFFFFFF  }
0xad: {  	[dreg:$0x0] =	wrdreg $0x60  }
0xae: {  	[dreg:$0x2] =	wrdreg s24  }
0xaf: {  	[dreg:$0x3] =	wrdreg $0x9E200  }
0xb0: {  	[dreg:$0x4] =	wrdreg $0x9  }
0xb1: {  	_ =	task.clear_ibuf [dreg:s6], $0x5FFFF;
	_ =	strace $0x90000049  }
0xb2: {  	s29 =	simm.s32 $0x9;
	_ =	strace $0x8000004B  }
0xb3: {  	_ =	swait.ge [sflag:s29], $0x1  }
0xb4: {  	[sflag:s29] =	ssyncadd.s32 $0xFFFFFFFF  }
0xb5: {  	_ =	strace $0x9000004B  }
0xb6: {  	_ =	sfence  }
0xb7: {  	s30 =	sld [smem:$0x0];
	_ =	sdelay $0x2  }
0xb8: {  	s31 =	sshll.u32 s1, $0xD;
	s1 =	sshrl.u32 s1, $0x2  }
0xb9: {  	s3 =	sand.u32 $0x4000, s31;
	s1 =	sadd.s32 s1, s30  }
0xba: {  	s0 =	sor.u32 s3, s0;
	s1 =	sshll.u32 s1, $0x11  }
0xbb: {  	s0 =	sor.u32 s1, s0  }
0xbc: {  	s0 =	sadd.s32 $0x8F2B, s0  }
0xbd: {  	[sflag:s0] =	ssyncadd.remote.s32 $0x1  }
0xbe: {  	_ =	sfence.sel $0xFFFF  }
0xbf: {  	[dreg:$0x0] =	wrdreg $0xFFFFFFFF;
	(pc) =	sbr.abs _section_cstart, $3  }
0xc0: {  	[dreg:$0x1] =	wrdreg $0xFFFFFFFF  }
0xc1: {  	_ =	task.clear_ibuf [dreg:s6], $0x2FFFF;
	_ =	strace $0x9FFFFFFF  }
0xc2: {  	(tm) =	ssettm $0x7FFFFFFF  }
0xc3: {  	_ =	shalt  }
tec
execute0_lowered:
.L_overlay_start_1:
0x0: {  	(tag) =	ssettag $0x1  }
0x1: {  	s0 =	srdreg.scid;
	s3 =	rddreg [dreg:$0x0]  }
0x2: {  	s4 =	stileid.u32;
	s2 =	rddreg [dreg:$0x1];
	s6 =	simm.s32 $0x0  }
0x3: {  	s14 =	simm.s32 $0x50;
	s15 =	simm.s32 $0x4E20;
	s16 =	simm.s32 $0x5320  }
0x4: {  	s18 =	simm.s32 $0x5820;
	s20 =	simm.s32 $0x5D20;
	s22 =	simm.s32 $0x6220  }
0x5: {  	s30 =	simm.s32 $0x6C20;
	s31 =	simm.s32 $0x3;
	s19 =	simm.s32 $0x4  }
0x6: {  	s29 =	simm.s32 $0x5;
	s17 =	simm.s32 $0xA;
	s28 =	simm.s32 $0x6  }
0x7: {  	s21 =	simm.s32 $0xB;
	s11 =	simm.s32 $0xC;
	s13 =	simm.s32 $0xD  }
0x8: {  	s9 =	simm.s32 $0x10;
	s10 =	simm.s32 $0x0;
	s0 =	sand.u32 $0x1, s0  }
0x9: {  	s5 =	smul.u32 $0x2800, s4;
	[smem:$0x7FF] =	sst s6;
	s1 =	sshll.u32 s0, $0x4  }
0xa: {  	s23 =	smul.u32 $0x28000, s0;
	_ =	strace $0x8000004A;
	s0 =	ssub.s32 $0x2, s0  }
0xb: {  	s1 =	sor.u32 s4, s1;
	s4 =	sadd.s32 $0x1A800, s3;
	s7 =	sshrl.u32 s5, $0x3  }
0xc: {  	s8 =	sshrl.u32 s0, $0x1;
	s12 =	sadd.s32 s5, s2;
	s1 =	smul.u32 $0x2710, s1  }
0xd: {  	s6 =	sadd.s32 s5, s23;
	s7 =	sadd.s32 s7, s3;
	s0 =	ssub.s32 s0, s8  }
0xe: {  	s23 =	simm.s32 $0x1;
	s5 =	simm.s32 $0x8;
	s8 =	simm.s32 $0xF  }
0xf: {  	[dreg:$0x4] =	wrdreg s12;
	s24 =	sadd.s32 $0x15800, s7;
	s1 =	sshrl.u32 s1, $0x3  }
0x10: {  	s0 =	smax.u32 s0, $0x1;
	[dreg:$0x3] =	wrdreg s24;
	s1 =	sadd.s32 s1, s3  }
0x11: {  	s6 =	sshrl.u32 s6, $0x3;
	[dreg:$0x8] =	wrdreg s0;
	s25 =	sadd.s32 $0x1E00, s1  }
0x12: {  	s3 =	sadd.s32 s6, s3;
	s1 =	sadd.s32 $0xBA40, s1;
	[dreg:$0x5] =	wrdreg s25  }
0x13: {  	s7 =	simm.s32 $0xE;
	s26 =	sadd.s32 $0x1F800, s3;
	[dreg:$0x6] =	wrdreg s1  }
0x14: {  	s0 =	simm.s32 $0x7120;
	s24 =	simm.s32 $0x9;
	[dreg:$0x7] =	wrdreg s26  }
0x15: {  	s25 =	simm.s32 $0x6720;
	s26 =	simm.s32 $0x2;
	s1 =	simm.s32 $0x7  }
.LBB2_1:
0x16: {  	[dreg:$0x9] =	wrdreg s10;
	s3 =	simm.s32 $0x11  }
0x17: {  	s6 =	rddreg [dreg:$0x3];
	s10 =	simm.s32 $0x7620;
	s12 =	simm.s32 $0x0  }
0x18: {  	[tilespmem:s10], [sflag:$0x11] =	stream.linear.gather [hbm4b:s6+s12], $0x2800, $0x38;
	[tilespmem:$0xC620] =	vst v63  }
0x19: {  	_ =	swait.ge [sflag:s3], $0x2800  }
0x1a: {  	[sflag:s3] =	ssyncset.done $0x0  }
0x1b: {  	s10 =	simm.s32 $0x7620;
	s12 =	rddreg [dreg:$0x4];
	[sflag:s3] =	ssyncadd.s32 $0xFFFFD800  }
0x1c: {  	[spmem:s12] =	stream.linear.scatter [tilespmem:s10], [sflag:$0x11], $0x2800, $0x38;
	[tilespmem:$0xC620] =	vst v63  }
0x1d: {  	_ =	swait.ge [sflag:s3], $0x2800  }
0x1e: {  	[sflag:s3] =	ssyncset.done $0x0  }
0x1f: {  	s10 =	simm.s32 $0x0;
	s12 =	rddreg [dreg:$0x5];
	[sflag:s3] =	ssyncadd.s32 $0xFFFFD800  }
0x20: {  	[tilespmem:s10], [sflag:$0x11] =	stream.linear.gather [hbm4b:s12+s10], $0x2710, $0x38;
	[tilespmem:$0xC620] =	vst v63  }
0x21: {  	_ =	swait.ge [sflag:s3], $0x2710  }
0x22: {  	[sflag:s3] =	ssyncset.done $0x0  }
0x23: {  	s12 =	simm.s32 $0x2710;
	s6 =	rddreg [dreg:$0x6];
	[sflag:s3] =	ssyncadd.s32 $0xFFFFD8F0  }
0x24: {  	[tilespmem:s12], [sflag:$0x11] =	stream.linear.gather [hbm4b:s6+s10], $0x2710, $0x38;
	[tilespmem:$0xC620] =	vst v63  }
0x25: {  	_ =	swait.ge [sflag:s3], $0x2710  }
0x26: {  	[sflag:s3] =	ssyncset.done $0x0  }
0x27: {  	[sflag:s3] =	ssyncadd.s32 $0xFFFFD8F0  }
0x28: {  	s10 =	simm.s32 $0x0;
	[bflag:$0x0] =	sbarrier.arrive $0xFFFF  }
0x29: {  	[tilespmem:s15], [sflag:$0x1] =	stream.indirect.gather [hbm4b:s4+s14], $0x10, s10, s14, $0xb8;
	[tilespmem:$0xC620] =	vst v63  }
0x2a: {  	_ = 	snop  }
0x2b: {  	[tilespmem:s16], [sflag:$0x2] =	stream.indirect.gather [hbm4b:s4+s14], $0x10, s14, s14, $0xb8;
	[tilespmem:$0xC620] =	vst v63  }
0x2c: {  	s6 =	simm.s32 $0xA0  }
0x2d: {  	[tilespmem:s18], [sflag:$0x3] =	stream.indirect.gather [hbm4b:s4+s14], $0x10, s6, s14, $0xb8;
	[tilespmem:$0xC620] =	vst v63  }
0x2e: {  	s10 =	simm.s32 $0xF0  }
0x2f: {  	[tilespmem:s20], [sflag:$0x4] =	stream.indirect.gather [hbm4b:s4+s14], $0x10, s10, s14, $0xb8;
	[tilespmem:$0xC620] =	vst v63  }
0x30: {  	s6 =	simm.s32 $0x140  }
0x31: {  	[tilespmem:s22], [sflag:$0x5] =	stream.indirect.gather [hbm4b:s4+s14], $0x10, s6, s14, $0xb8;
	[tilespmem:$0xC620] =	vst v63  }
0x32: {  	_ =	swait.ge [sflag:s23], $0x500  }
0x33: {  	[sflag:s23] =	ssyncset.done $0x0  }
0x34: {  	[sflag:s23] =	ssyncadd.s32 $0xFFFFFB00  }
0x35: {  	[spmem:s2] =	stream.indirect.scatter.add.f32 [tilespmem:s15], [sflag:$0x9], $0x10, s12, s14, $0xb8;
	[tilespmem:$0xC620] =	vst v63  }
0x36: {  	s10 =	simm.s32 $0x190  }
0x37: {  	[tilespmem:s25], [sflag:$0x6] =	stream.indirect.gather [hbm4b:s4+s14], $0x10, s10, s14, $0xb8;
	[tilespmem:$0xC620] =	vst v63  }
0x38: {  	_ =	swait.ge [sflag:s26], $0x500  }
0x39: {  	[sflag:s26] =	ssyncset.done $0x0  }
0x3a: {  	s12 =	simm.s32 $0x2760;
	[sflag:s26] =	ssyncadd.s32 $0xFFFFFB00  }
0x3b: {  	[spmem:s2] =	stream.indirect.scatter.add.f32 [tilespmem:s16], [sflag:$0xA], $0x10, s12, s14, $0xb8;
	[tilespmem:$0xC620] =	vst v63  }
0x3c: {  	s6 =	simm.s32 $0x1E0  }
0x3d: {  	[tilespmem:s30], [sflag:$0x7] =	stream.indirect.gather [hbm4b:s4+s14], $0x10, s6, s14, $0xb8;
	[tilespmem:$0xC620] =	vst v63  }
0x3e: {  	_ =	swait.ge [sflag:s31], $0x500  }
0x3f: {  	[sflag:s31] =	ssyncset.done $0x0  }
0x40: {  	s10 =	simm.s32 $0x27B0;
	[sflag:s31] =	ssyncadd.s32 $0xFFFFFB00  }
0x41: {  	[spmem:s2] =	stream.indirect.scatter.add.f32 [tilespmem:s18], [sflag:$0xB], $0x10, s10, s14, $0xb8;
	[tilespmem:$0xC620] =	vst v63  }
0x42: {  	s12 =	simm.s32 $0x230  }
0x43: {  	[tilespmem:s0], [sflag:$0x8] =	stream.indirect.gather [hbm4b:s4+s14], $0x10, s12, s14, $0xb8;
	[tilespmem:$0xC620] =	vst v63  }
0x44: {  	_ =	swait.ge [sflag:s19], $0x500  }
0x45: {  	[sflag:s19] =	ssyncset.done $0x0  }
0x46: {  	s6 =	simm.s32 $0x2800;
	[sflag:s19] =	ssyncadd.s32 $0xFFFFFB00  }
0x47: {  	[spmem:s2] =	stream.indirect.scatter.add.f32 [tilespmem:s20], [sflag:$0xC], $0x10, s6, s14, $0xb8;
	[tilespmem:$0xC620] =	vst v63  }
0x48: {  	_ =	swait.ge [sflag:s24], $0x500  }
0x49: {  	[sflag:s24] =	ssyncset.done $0x0  }
0x4a: {  	s10 =	simm.s32 $0x280;
	[sflag:s24] =	ssyncadd.s32 $0xFFFFFB00  }
0x4b: {  	[tilespmem:s15], [sflag:$0x1] =	stream.indirect.gather [hbm4b:s4+s14], $0x10, s10, s14, $0xb8;
	[tilespmem:$0xC620] =	vst v63  }
0x4c: {  	_ =	swait.ge [sflag:s29], $0x500  }
0x4d: {  	[sflag:s29] =	ssyncset.done $0x0  }
0x4e: {  	s12 =	simm.s32 $0x2850;
	[sflag:s29] =	ssyncadd.s32 $0xFFFFFB00  }
0x4f: {  	[spmem:s2] =	stream.indirect.scatter.add.f32 [tilespmem:s22], [sflag:$0xD], $0x10, s12, s14, $0xb8;
	[tilespmem:$0xC620] =	vst v63  }
0x50: {  	_ =	swait.ge [sflag:s17], $0x500  }
0x51: {  	[sflag:s17] =	ssyncset.done $0x0  }
0x52: {  	s6 =	simm.s32 $0x2D0;
	[sflag:s17] =	ssyncadd.s32 $0xFFFFFB00  }
0x53: {  	[tilespmem:s16], [sflag:$0x2] =	stream.indirect.gather [hbm4b:s4+s14], $0x10, s6, s14, $0xb8;
	[tilespmem:$0xC620] =	vst v63  }
0x54: {  	_ =	swait.ge [sflag:s28], $0x500  }
0x55: {  	[sflag:s28] =	ssyncset.done $0x0  }
0x56: {  	s10 =	simm.s32 $0x28A0;
	[sflag:s28] =	ssyncadd.s32 $0xFFFFFB00  }
0x57: {  	[spmem:s2] =	stream.indirect.scatter.add.f32 [tilespmem:s25], [sflag:$0xE], $0x10, s10, s14, $0xb8;
	[tilespmem:$0xC620] =	vst v63  }
0x58: {  	_ =	swait.ge [sflag:s21], $0x500  }
0x59: {  	[sflag:s21] =	ssyncset.done $0x0  }
0x5a: {  	s12 =	simm.s32 $0x320;
	[sflag:s21] =	ssyncadd.s32 $0xFFFFFB00  }
0x5b: {  	[tilespmem:s18], [sflag:$0x3] =	stream.indirect.gather [hbm4b:s4+s14], $0x10, s12, s14, $0xb8;
	[tilespmem:$0xC620] =	vst v63  }
0x5c: {  	_ =	swait.ge [sflag:s1], $0x500  }
0x5d: {  	[sflag:s1] =	ssyncset.done $0x0  }
0x5e: {  	s6 =	simm.s32 $0x28F0;
	[sflag:s1] =	ssyncadd.s32 $0xFFFFFB00  }
0x5f: {  	[spmem:s2] =	stream.indirect.scatter.add.f32 [tilespmem:s30], [sflag:$0xF], $0x10, s6, s14, $0xb8;
	[tilespmem:$0xC620] =	vst v63  }
0x60: {  	_ =	swait.ge [sflag:s11], $0x500  }
0x61: {  	[sflag:s11] =	ssyncset.done $0x0  }
0x62: {  	s10 =	simm.s32 $0x370;
	[sflag:s11] =	ssyncadd.s32 $0xFFFFFB00  }
0x63: {  	[tilespmem:s20], [sflag:$0x4] =	stream.indirect.gather [hbm4b:s4+s14], $0x10, s10, s14, $0xb8;
	[tilespmem:$0xC620] =	vst v63  }
0x64: {  	_ =	swait.ge [sflag:s5], $0x500  }
0x65: {  	[sflag:s5] =	ssyncset.done $0x0  }
0x66: {  	s12 =	simm.s32 $0x2940;
	[sflag:s5] =	ssyncadd.s32 $0xFFFFFB00  }
0x67: {  	[spmem:s2] =	stream.indirect.scatter.add.f32 [tilespmem:s0], [sflag:$0x10], $0x10, s12, s14, $0xb8;
	[tilespmem:$0xC620] =	vst v63  }
0x68: {  	_ =	swait.ge [sflag:s13], $0x500  }
0x69: {  	[sflag:s13] =	ssyncset.done $0x0  }
0x6a: {  	s6 =	simm.s32 $0x3C0;
	[sflag:s13] =	ssyncadd.s32 $0xFFFFFB00  }
0x6b: {  	[tilespmem:s22], [sflag:$0x5] =	stream.indirect.gather [hbm4b:s4+s14], $0x10, s6, s14, $0xb8;
	[tilespmem:$0xC620] =	vst v63  }
0x6c: {  	_ =	swait.ge [sflag:s23], $0x500  }
0x6d: {  	[sflag:s23] =	ssyncset.done $0x0  }
0x6e: {  	s10 =	simm.s32 $0x2990;
	[sflag:s23] =	ssyncadd.s32 $0xFFFFFB00  }
0x6f: {  	[spmem:s2] =	stream.indirect.scatter.add.f32 [tilespmem:s15], [sflag:$0x9], $0x10, s10, s14, $0xb8;
	[tilespmem:$0xC620] =	vst v63  }
0x70: {  	_ =	swait.ge [sflag:s7], $0x500  }
0x71: {  	[sflag:s7] =	ssyncset.done $0x0  }
0x72: {  	s12 =	simm.s32 $0x410;
	[sflag:s7] =	ssyncadd.s32 $0xFFFFFB00  }
0x73: {  	[tilespmem:s25], [sflag:$0x6] =	stream.indirect.gather [hbm4b:s4+s14], $0x10, s12, s14, $0xb8;
	[tilespmem:$0xC620] =	vst v63  }
0x74: {  	_ =	swait.ge [sflag:s26], $0x500  }
0x75: {  	[sflag:s26] =	ssyncset.done $0x0  }
0x76: {  	s6 =	simm.s32 $0x29E0;
	[sflag:s26] =	ssyncadd.s32 $0xFFFFFB00  }
0x77: {  	[spmem:s2] =	stream.indirect.scatter.add.f32 [tilespmem:s16], [sflag:$0xA], $0x10, s6, s14, $0xb8;
	[tilespmem:$0xC620] =	vst v63  }
0x78: {  	_ =	swait.ge [sflag:s8], $0x500  }
0x79: {  	[sflag:s8] =	ssyncset.done $0x0  }
0x7a: {  	s10 =	simm.s32 $0x460;
	[sflag:s8] =	ssyncadd.s32 $0xFFFFFB00  }
0x7b: {  	[tilespmem:s30], [sflag:$0x7] =	stream.indirect.gather [hbm4b:s4+s14], $0x10, s10, s14, $0xb8;
	[tilespmem:$0xC620] =	vst v63  }
0x7c: {  	_ =	swait.ge [sflag:s31], $0x500  }
0x7d: {  	[sflag:s31] =	ssyncset.done $0x0  }
0x7e: {  	s12 =	simm.s32 $0x2A30;
	[sflag:s31] =	ssyncadd.s32 $0xFFFFFB00  }
0x7f: {  	[spmem:s2] =	stream.indirect.scatter.add.f32 [tilespmem:s18], [sflag:$0xB], $0x10, s12, s14, $0xb8;
	[tilespmem:$0xC620] =	vst v63  }
0x80: {  	_ =	swait.ge [sflag:s9], $0x500  }
0x81: {  	[sflag:s9] =	ssyncset.done $0x0  }
0x82: {  	s6 =	simm.s32 $0x4B0;
	[sflag:s9] =	ssyncadd.s32 $0xFFFFFB00  }
0x83: {  	[tilespmem:s0], [sflag:$0x8] =	stream.indirect.gather [hbm4b:s4+s14], $0x10, s6, s14, $0xb8;
	[tilespmem:$0xC620] =	vst v63  }
0x84: {  	_ =	swait.ge [sflag:s19], $0x500  }
0x85: {  	[sflag:s19] =	ssyncset.done $0x0  }
0x86: {  	s10 =	simm.s32 $0x2A80;
	[sflag:s19] =	ssyncadd.s32 $0xFFFFFB00  }
0x87: {  	[spmem:s2] =	stream.indirect.scatter.add.f32 [tilespmem:s20], [sflag:$0xC], $0x10, s10, s14, $0xb8;
	[tilespmem:$0xC620] =	vst v63  }
0x88: {  	_ =	swait.ge [sflag:s24], $0x500  }
0x89: {  	[sflag:s24] =	ssyncset.done $0x0  }
0x8a: {  	s12 =	simm.s32 $0x500;
	[sflag:s24] =	ssyncadd.s32 $0xFFFFFB00  }
0x8b: {  	[tilespmem:s15], [sflag:$0x1] =	stream.indirect.gather [hbm4b:s4+s14], $0x10, s12, s14, $0xb8;
	[tilespmem:$0xC620] =	vst v63  }
0x8c: {  	_ =	swait.ge [sflag:s29], $0x500  }
0x8d: {  	[sflag:s29] =	ssyncset.done $0x0  }
0x8e: {  	s6 =	simm.s32 $0x2AD0;
	[sflag:s29] =	ssyncadd.s32 $0xFFFFFB00  }
0x8f: {  	[spmem:s2] =	stream.indirect.scatter.add.f32 [tilespmem:s22], [sflag:$0xD], $0x10, s6, s14, $0xb8;
	[tilespmem:$0xC620] =	vst v63  }
0x90: {  	_ =	swait.ge [sflag:s17], $0x500  }
0x91: {  	[sflag:s17] =	ssyncset.done $0x0  }
0x92: {  	s10 =	simm.s32 $0x550;
	[sflag:s17] =	ssyncadd.s32 $0xFFFFFB00  }
0x93: {  	[tilespmem:s16], [sflag:$0x2] =	stream.indirect.gather [hbm4b:s4+s14], $0x10, s10, s14, $0xb8;
	[tilespmem:$0xC620] =	vst v63  }
0x94: {  	_ =	swait.ge [sflag:s28], $0x500  }
0x95: {  	[sflag:s28] =	ssyncset.done $0x0  }
0x96: {  	s12 =	simm.s32 $0x2B20;
	[sflag:s28] =	ssyncadd.s32 $0xFFFFFB00  }
0x97: {  	[spmem:s2] =	stream.indirect.scatter.add.f32 [tilespmem:s25], [sflag:$0xE], $0x10, s12, s14, $0xb8;
	[tilespmem:$0xC620] =	vst v63  }
0x98: {  	_ =	swait.ge [sflag:s21], $0x500  }
0x99: {  	[sflag:s21] =	ssyncset.done $0x0  }
0x9a: {  	s6 =	simm.s32 $0x5A0;
	[sflag:s21] =	ssyncadd.s32 $0xFFFFFB00  }
0x9b: {  	[tilespmem:s18], [sflag:$0x3] =	stream.indirect.gather [hbm4b:s4+s14], $0x10, s6, s14, $0xb8;
	[tilespmem:$0xC620] =	vst v63  }
0x9c: {  	_ =	swait.ge [sflag:s1], $0x500  }
0x9d: {  	[sflag:s1] =	ssyncset.done $0x0  }
0x9e: {  	s10 =	simm.s32 $0x2B70;
	[sflag:s1] =	ssyncadd.s32 $0xFFFFFB00  }
0x9f: {  	[spmem:s2] =	stream.indirect.scatter.add.f32 [tilespmem:s30], [sflag:$0xF], $0x10, s10, s14, $0xb8;
	[tilespmem:$0xC620] =	vst v63  }
0xa0: {  	_ =	swait.ge [sflag:s11], $0x500  }
0xa1: {  	[sflag:s11] =	ssyncset.done $0x0  }
0xa2: {  	s12 =	simm.s32 $0x5F0;
	[sflag:s11] =	ssyncadd.s32 $0xFFFFFB00  }
0xa3: {  	[tilespmem:s20], [sflag:$0x4] =	stream.indirect.gather [hbm4b:s4+s14], $0x10, s12, s14, $0xb8;
	[tilespmem:$0xC620] =	vst v63  }
0xa4: {  	_ =	swait.ge [sflag:s5], $0x500  }
0xa5: {  	[sflag:s5] =	ssyncset.done $0x0  }
0xa6: {  	s3 =	simm.s32 $0xA00;
	s6 =	simm.s32 $0x2BC0;
	[sflag:s5] =	ssyncadd.s32 $0xFFFFFB00  }
.LBB2_2:
0xa7: {  	[spmem:s2] =	stream.indirect.scatter.add.f32 [tilespmem:s0], [sflag:$0x10], $0x10, s6, s14, $0xb8;
	[tilespmem:$0xC620] =	vst v63  }
0xa8: {  	s6 =	smov.u32 s3  }
0xa9: {  	p0 =	sne.s32 s3, $0x8200;
	s3 =	sadd.s32 $0xA00, s3;
	_ =	swait.ge [sflag:s13], $0x500  }
0xaa: {  	s6 =	sshra.s32 s6, $0x2;
	[sflag:s13] =	ssyncset.done $0x0  }
0xab: {  	s12 =	sadd.s32 $0x3C0, s6;
	[sflag:s13] =	ssyncadd.s32 $0xFFFFFB00  }
0xac: {  	[tilespmem:s22], [sflag:$0x5] =	stream.indirect.gather [hbm4b:s4+s14], $0x10, s12, s14, $0xb8;
	[tilespmem:$0xC620] =	vst v63  }
0xad: {  	_ =	swait.ge [sflag:s23], $0x500  }
0xae: {  	[sflag:s23] =	ssyncset.done $0x0  }
0xaf: {  	s12 =	sadd.s32 $0x2990, s6;
	[sflag:s23] =	ssyncadd.s32 $0xFFFFFB00  }
0xb0: {  	[spmem:s2] =	stream.indirect.scatter.add.f32 [tilespmem:s15], [sflag:$0x9], $0x10, s12, s14, $0xb8;
	[tilespmem:$0xC620] =	vst v63  }
0xb1: {  	_ =	swait.ge [sflag:s7], $0x500  }
0xb2: {  	[sflag:s7] =	ssyncset.done $0x0  }
0xb3: {  	s12 =	sadd.s32 $0x410, s6;
	[sflag:s7] =	ssyncadd.s32 $0xFFFFFB00  }
0xb4: {  	[tilespmem:s25], [sflag:$0x6] =	stream.indirect.gather [hbm4b:s4+s14], $0x10, s12, s14, $0xb8;
	[tilespmem:$0xC620] =	vst v63  }
0xb5: {  	_ =	swait.ge [sflag:s26], $0x500  }
0xb6: {  	[sflag:s26] =	ssyncset.done $0x0  }
0xb7: {  	s12 =	sadd.s32 $0x29E0, s6;
	[sflag:s26] =	ssyncadd.s32 $0xFFFFFB00  }
0xb8: {  	[spmem:s2] =	stream.indirect.scatter.add.f32 [tilespmem:s16], [sflag:$0xA], $0x10, s12, s14, $0xb8;
	[tilespmem:$0xC620] =	vst v63  }
0xb9: {  	_ =	swait.ge [sflag:s8], $0x500  }
0xba: {  	[sflag:s8] =	ssyncset.done $0x0  }
0xbb: {  	s12 =	sadd.s32 $0x460, s6;
	[sflag:s8] =	ssyncadd.s32 $0xFFFFFB00  }
0xbc: {  	[tilespmem:s30], [sflag:$0x7] =	stream.indirect.gather [hbm4b:s4+s14], $0x10, s12, s14, $0xb8;
	[tilespmem:$0xC620] =	vst v63  }
0xbd: {  	_ =	swait.ge [sflag:s31], $0x500  }
0xbe: {  	[sflag:s31] =	ssyncset.done $0x0  }
0xbf: {  	s12 =	sadd.s32 $0x2A30, s6;
	[sflag:s31] =	ssyncadd.s32 $0xFFFFFB00  }
0xc0: {  	[spmem:s2] =	stream.indirect.scatter.add.f32 [tilespmem:s18], [sflag:$0xB], $0x10, s12, s14, $0xb8;
	[tilespmem:$0xC620] =	vst v63  }
0xc1: {  	_ =	swait.ge [sflag:s9], $0x500  }
0xc2: {  	[sflag:s9] =	ssyncset.done $0x0  }
0xc3: {  	s12 =	sadd.s32 $0x4B0, s6;
	[sflag:s9] =	ssyncadd.s32 $0xFFFFFB00  }
0xc4: {  	[tilespmem:s0], [sflag:$0x8] =	stream.indirect.gather [hbm4b:s4+s14], $0x10, s12, s14, $0xb8;
	[tilespmem:$0xC620] =	vst v63  }
0xc5: {  	_ =	swait.ge [sflag:s19], $0x500  }
0xc6: {  	[sflag:s19] =	ssyncset.done $0x0  }
0xc7: {  	s12 =	sadd.s32 $0x2A80, s6;
	[sflag:s19] =	ssyncadd.s32 $0xFFFFFB00  }
0xc8: {  	[spmem:s2] =	stream.indirect.scatter.add.f32 [tilespmem:s20], [sflag:$0xC], $0x10, s12, s14, $0xb8;
	[tilespmem:$0xC620] =	vst v63  }
0xc9: {  	_ =	swait.ge [sflag:s24], $0x500  }
0xca: {  	[sflag:s24] =	ssyncset.done $0x0  }
0xcb: {  	s12 =	sadd.s32 $0x500, s6;
	[sflag:s24] =	ssyncadd.s32 $0xFFFFFB00  }
0xcc: {  	[tilespmem:s15], [sflag:$0x1] =	stream.indirect.gather [hbm4b:s4+s14], $0x10, s12, s14, $0xb8;
	[tilespmem:$0xC620] =	vst v63  }
0xcd: {  	_ =	swait.ge [sflag:s29], $0x500  }
0xce: {  	[sflag:s29] =	ssyncset.done $0x0  }
0xcf: {  	s12 =	sadd.s32 $0x2AD0, s6;
	[sflag:s29] =	ssyncadd.s32 $0xFFFFFB00  }
0xd0: {  	[spmem:s2] =	stream.indirect.scatter.add.f32 [tilespmem:s22], [sflag:$0xD], $0x10, s12, s14, $0xb8;
	[tilespmem:$0xC620] =	vst v63  }
0xd1: {  	_ =	swait.ge [sflag:s17], $0x500  }
0xd2: {  	[sflag:s17] =	ssyncset.done $0x0  }
0xd3: {  	s12 =	sadd.s32 $0x550, s6;
	[sflag:s17] =	ssyncadd.s32 $0xFFFFFB00  }
0xd4: {  	[tilespmem:s16], [sflag:$0x2] =	stream.indirect.gather [hbm4b:s4+s14], $0x10, s12, s14, $0xb8;
	[tilespmem:$0xC620] =	vst v63  }
0xd5: {  	_ =	swait.ge [sflag:s28], $0x500  }
0xd6: {  	[sflag:s28] =	ssyncset.done $0x0  }
0xd7: {  	s12 =	sadd.s32 $0x2B20, s6;
	[sflag:s28] =	ssyncadd.s32 $0xFFFFFB00  }
0xd8: {  	[spmem:s2] =	stream.indirect.scatter.add.f32 [tilespmem:s25], [sflag:$0xE], $0x10, s12, s14, $0xb8;
	[tilespmem:$0xC620] =	vst v63  }
0xd9: {  	_ =	swait.ge [sflag:s21], $0x500  }
0xda: {  	[sflag:s21] =	ssyncset.done $0x0  }
0xdb: {  	s12 =	sadd.s32 $0x5A0, s6;
	[sflag:s21] =	ssyncadd.s32 $0xFFFFFB00  }
0xdc: {  	[tilespmem:s18], [sflag:$0x3] =	stream.indirect.gather [hbm4b:s4+s14], $0x10, s12, s14, $0xb8;
	[tilespmem:$0xC620] =	vst v63  }
0xdd: {  	_ =	swait.ge [sflag:s1], $0x500  }
0xde: {  	[sflag:s1] =	ssyncset.done $0x0  }
0xdf: {  	s12 =	sadd.s32 $0x2B70, s6;
	[sflag:s1] =	ssyncadd.s32 $0xFFFFFB00  }
0xe0: {  	[spmem:s2] =	stream.indirect.scatter.add.f32 [tilespmem:s30], [sflag:$0xF], $0x10, s12, s14, $0xb8;
	[tilespmem:$0xC620] =	vst v63  }
0xe1: {  	_ =	swait.ge [sflag:s11], $0x500  }
0xe2: {  	[sflag:s11] =	ssyncset.done $0x0  }
.Ltmp0:
0xe3: {  	s12 =	sadd.s32 $0x5F0, s6;
	[sflag:s11] =	ssyncadd.s32 $0xFFFFFB00;
	(pc) =	sbr.rel @p0 .LBB2_2-.Ltmp0, $4  }
0xe4: {  	[tilespmem:s20], [sflag:$0x4] =	stream.indirect.gather [hbm4b:s4+s14], $0x10, s12, s14, $0xb8;
	[tilespmem:$0xC620] =	vst v63  }
0xe5: {  	_ =	swait.ge [sflag:s5], $0x500  }
0xe6: {  	[sflag:s5] =	ssyncset.done $0x0  }
0xe7: {  	s6 =	sadd.s32 $0x2BC0, s6;
	[sflag:s5] =	ssyncadd.s32 $0xFFFFFB00  }
0xe8: {  	[spmem:s2] =	stream.indirect.scatter.add.f32 [tilespmem:s0], [sflag:$0x10], $0x10, s6, s14, $0xb8;
	[tilespmem:$0xC620] =	vst v63  }
0xe9: {  	_ =	swait.ge [sflag:s13], $0x500  }
0xea: {  	[sflag:s13] =	ssyncset.done $0x0  }
0xeb: {  	s3 =	simm.s32 $0x26C0;
	[sflag:s13] =	ssyncadd.s32 $0xFFFFFB00  }
0xec: {  	[tilespmem:s22], [sflag:$0x5] =	stream.indirect.gather [hbm4b:s4+s14], $0x10, s3, s14, $0xb8;
	[tilespmem:$0xC620] =	vst v63  }
0xed: {  	_ =	swait.ge [sflag:s23], $0x500  }
0xee: {  	[sflag:s23] =	ssyncset.done $0x0  }
0xef: {  	s12 =	simm.s32 $0x4C90;
	[sflag:s23] =	ssyncadd.s32 $0xFFFFFB00  }
0xf0: {  	[spmem:s2] =	stream.indirect.scatter.add.f32 [tilespmem:s15], [sflag:$0x9], $0x10, s12, s14, $0xb8;
	[tilespmem:$0xC620] =	vst v63  }
0xf1: {  	_ =	swait.ge [sflag:s7], $0x500  }
0xf2: {  	[sflag:s7] =	ssyncset.done $0x0  }
0xf3: {  	[sflag:s7] =	ssyncadd.s32 $0xFFFFFB00  }
0xf4: {  	_ =	swait.ge [sflag:s26], $0x500  }
0xf5: {  	[sflag:s26] =	ssyncset.done $0x0  }
0xf6: {  	s6 =	simm.s32 $0x4CE0;
	[sflag:s26] =	ssyncadd.s32 $0xFFFFFB00  }
0xf7: {  	[spmem:s2] =	stream.indirect.scatter.add.f32 [tilespmem:s16], [sflag:$0xA], $0x10, s6, s14, $0xb8;
	[tilespmem:$0xC620] =	vst v63  }
0xf8: {  	_ =	swait.ge [sflag:s8], $0x500  }
0xf9: {  	[sflag:s8] =	ssyncset.done $0x0  }
0xfa: {  	[sflag:s8] =	ssyncadd.s32 $0xFFFFFB00  }
0xfb: {  	_ =	swait.ge [sflag:s31], $0x500  }
0xfc: {  	[sflag:s31] =	ssyncset.done $0x0  }
0xfd: {  	s10 =	simm.s32 $0x4D30;
	[sflag:s31] =	ssyncadd.s32 $0xFFFFFB00  }
0xfe: {  	[spmem:s2] =	stream.indirect.scatter.add.f32 [tilespmem:s18], [sflag:$0xB], $0x10, s10, s14, $0xb8;
	[tilespmem:$0xC620] =	vst v63  }
0xff: {  	_ =	swait.ge [sflag:s9], $0x500  }
0x100: {  	[sflag:s9] =	ssyncset.done $0x0  }
0x101: {  	[sflag:s9] =	ssyncadd.s32 $0xFFFFFB00  }
0x102: {  	_ =	swait.ge [sflag:s19], $0x500  }
0x103: {  	[sflag:s19] =	ssyncset.done $0x0  }
0x104: {  	s12 =	simm.s32 $0x4D80;
	[sflag:s19] =	ssyncadd.s32 $0xFFFFFB00  }
0x105: {  	[spmem:s2] =	stream.indirect.scatter.add.f32 [tilespmem:s20], [sflag:$0xC], $0x10, s12, s14, $0xb8;
	[tilespmem:$0xC620] =	vst v63  }
0x106: {  	_ =	swait.ge [sflag:s24], $0x500  }
0x107: {  	[sflag:s24] =	ssyncset.done $0x0  }
0x108: {  	[sflag:s24] =	ssyncadd.s32 $0xFFFFFB00  }
0x109: {  	_ =	swait.ge [sflag:s29], $0x500  }
0x10a: {  	[sflag:s29] =	ssyncset.done $0x0  }
0x10b: {  	s6 =	simm.s32 $0x4DD0;
	[sflag:s29] =	ssyncadd.s32 $0xFFFFFB00  }
0x10c: {  	[spmem:s2] =	stream.indirect.scatter.add.f32 [tilespmem:s22], [sflag:$0xD], $0x10, s6, s14, $0xb8;
	[tilespmem:$0xC620] =	vst v63  }
0x10d: {  	_ =	swait.ge [sflag:s17], $0x500  }
0x10e: {  	[sflag:s17] =	ssyncset.done $0x0  }
0x10f: {  	[sflag:s17] =	ssyncadd.s32 $0xFFFFFB00  }
0x110: {  	_ =	swait.ge [sflag:s21], $0x500  }
0x111: {  	[sflag:s21] =	ssyncset.done $0x0  }
0x112: {  	[sflag:s21] =	ssyncadd.s32 $0xFFFFFB00  }
0x113: {  	_ =	swait.ge [sflag:s11], $0x500  }
0x114: {  	[sflag:s11] =	ssyncset.done $0x0  }
0x115: {  	[sflag:s11] =	ssyncadd.s32 $0xFFFFFB00  }
0x116: {  	_ =	swait.ge [sflag:s13], $0x500  }
0x117: {  	[sflag:s13] =	ssyncset.done $0x0  }
0x118: {  	s10 =	stileid.u32;
	[sflag:s13] =	ssyncadd.s32 $0xFFFFFB00  }
0x119: {  	s3 =	sshll.u32 s10, $0x6;
	[bflag:$0x0] =	sbarrier.arrive $0xFFFF  }
0x11a: {  	s3 =	sor.u32 $0x1C11, s3;
	s12 =	rddreg [dreg:$0x4]  }
0x11b: {  	s6 =	simm.s32 $0x11;
	s10 =	rddreg [dreg:$0x7];
	s12 =	sshrl.u32 s12, $0x3  }
0x11c: {  	[hbm:s10], [sflag:s3] =	dma.local [spmem:s12], $0x500  }
0x11d: {  	_ =	swait.ge [sflag:s6], $0x500  }
0x11e: {  	s3 =	rddreg [dreg:$0x9]  }
0x11f: {  	s12 =	rddreg [dreg:$0x8];
	s10 =	sadd.s32 $0x1, s3  }
0x120: {  	p0 =	sne.s32 s10, s12  }
.Ltmp1:
0x121: {  	_ = 	snop;
	(pc) =	sbr.rel @p0 .LBB2_1-.Ltmp1, $3  }
0x122: {  	_ =	sdelay $0x1  }
0x123: {  	[sflag:s6] =	ssyncset.done $0x0  }
0x124: {  	[sflag:s6] =	ssyncadd.s32 $0xFFFFFB00  }
0x125: {  	_ =	sfence.sel $0x180000  }
0x126: {  	[bflag:$0x0] =	sbarrier.arrive $0xFFFF  }
0x127: {  	_ =	strace $0x9000004A  }
0x128: {  	s0 =	stileid.u32;
	[bflag:$0x2] =	sbarrier.arrive $0xFFFF  }
0x129: {  	p0 =	sne.s32 s0, $0x0;
	s0 =	rddreg [dreg:$0x2]  }
0x12a: {  	s0 =	sadd.s32 @!p0 $0x100000, s0  }
0x12b: {  	[sflag:s0] =	ssyncadd.tile.s32 @!p0 $0x1;
	_ =	shalt  }
.Lfunc_end2:
_tile_overlayer_lowered:
.L_overlay_start_2:
0x12c: {  	(tag) =	ssettag $0x2  }
0x12d: {  	s0 =	rddreg [dreg:$0x0];
	s2 =	stileid.u32  }
0x12e: {  	s1 =	rddreg [dreg:$0x1];
	p0 =	sne.s32 s2, $0x0  }
0x12f: {  	s3 =	rddreg [dreg:$0x2];
	[bflag:$0x3] =	sbarrier.arrive $0xFFFF;
	s2 =	simm.s32 @!p0 $0x1C11  }
0x130: {  	[timem:s3], [sflag:s2] =	dma.local @!p0 [hbm:s0], s1  }
0x131: {  	s0 =	simm.s32 @!p0 $0x11  }
0x132: {  	_ =	swait.ge @!p0 [sflag:s0], s1  }
0x133: {  	s1 =	ssub.s32 @!p0 $0x0, s1;
	[sflag:s0] =	ssyncset.done @!p0 $0x0  }
0x134: {  	[sflag:s0] =	ssyncadd.s32 @!p0 s1  }
0x135: {  	[bflag:$0x3] =	sbarrier.arrive $0xFFFF  }
0x136: {  	_ =	shalt  }

// kernel: kernel.14.cloned.1.call-start
scs
__scs_entry_jumppad:
0x0: {  	(pc) =	sbr.rel $0x88, $3  }
0x1: {  	(tag) =	ssettag $0x0;
	lr =	simm.s32 $0x1  }
0x2: {  	[smem:$0x3F9B] =	sst lr;
	_ =	strace $0xD0000000  }
0x3: {  	_ = 	snop  }
0x4: {  	_ = 	snop  }
0x5: {  	_ = 	snop  }
0x6: {  	_ = 	snop  }
0x7: {  	_ = 	snop  }
__scs_overlays_trampoline_lowered:
0x8: {  	[smem:$0x3FAA] =	sst s0  }
0x9: {  	[smem:$0x3FAB] =	sst s1  }
0xa: {  	[smem:$0x3FAC] =	sst s2  }
0xb: {  	[smem:$0x3FAD] =	sst s3  }
0xc: {  	[smem:$0x3FAE] =	sst s4  }
0xd: {  	[smem:$0x3FAF] =	sst s5  }
0xe: {  	[smem:$0x3FB0] =	sst s6  }
0xf: {  	[smem:$0x3FB1] =	sst s7  }
0x10: {  	[smem:$0x3FB2] =	sst s8  }
0x11: {  	[smem:$0x3FB3] =	sst s9;
	s0 =	simm.s32 @!p0 $0x0  }
0x12: {  	s1 =	sld [smem:$0x3F99];
	s0 =	simm.s32 @p0 $0x1  }
0x13: {  	[smem:$0x3FB4] =	sst s0;
	s0 =	simm.s32 @!p1 $0x0  }
0x14: {  	s2 =	sld [smem:$0x3F98];
	s0 =	simm.s32 @p1 $0x1  }
0x15: {  	[smem:$0x3FB5] =	sst s0;
	s0 =	simm.s32 @!p2 $0x0  }
0x16: {  	s3 =	sld [smem:$0x3FDB];
	s0 =	simm.s32 @p2 $0x1  }
0x17: {  	s4 =	simm.s32 $0x1BF5;
	[smem:$0x3FB7] =	sst s0  }
0x18: {  	s0 =	sld [smem:$0x3F9A];
	_ =	swait.ge [sflag:s4], $0x0  }
0x19: {  	s7 =	sld [smem:$0x3F9B]  }
0x1a: {  	s8 =	sadd.s32 $0xFFFFE003, lr  }
0x1b: {  	s9 =	sadd.s32 $0xFFFFFEF7, lr;
	s5 =	simm.s32 $0xFFFFFFFF;
	p2 =	slt.u32 s8, $0xFFFFF086  }
0x1c: {  	p1 =	slt.u32 s9, $0xF7A;
	s5 =	simm.s32 @!p2 $0x0  }
0x1d: {  	s5 =	simm.s32 @p1 $0x1;
	p0 =	seq.s32 s7, s2  }
0x1e: {  	s7 =	smul.u32 @!p0 $0xF7A, s2;
	p2 =	seq.s32 @!p0 s5, $0x0  }
0x1f: {  	s9 =	smul.u32 $0xF7A, s1;
	s8 =	simm.s32 @!p0 $0x1BF5;
	p2 =	por !p2, p0  }
0x20: {  	[sflag:s8] =	ssyncset.s32 @!p0 $0xFFFFF086;
	s6 =	sadd.s32 @!p0 s3, s7;
	s7 =	simm.s32 @!p0 $0x108  }
0x21: {  	s3 =	sadd.s32 s3, s9;
	s6 =	sadd.s32 @!p0 $0x88, s6;
	s7 =	simm.s32 @p2 $0x1082  }
0x22: {  	[simem:s7], [sflag:s8] =	dma.local @!p0 [hbm:s6], $0xF7A  }
0x23: {  	s9 =	sor.u32 $0xD0000000, s2;
	s6 =	simm.s32 $0x108;
	_ =	swait.ge @!p0 [sflag:s8], $0x0  }
0x24: {  	s3 =	sadd.s32 $0x88, s3;
	s6 =	simm.s32 @!p1 $0x1082;
	[sflag:s4] =	ssyncset.s32 $0xFFFFF086  }
0x25: {  	[simem:s6], [sflag:s4] =	dma.local [hbm:s3], $0xF7A  }
0x26: {  	[smem:$0x3F9B] =	sst s1;
	(tag) =	ssettag s2;
	_ =	strace s9  }
0x27: {  	s1 =	sld [smem:$0x3FAB]  }
0x28: {  	s2 =	sld [smem:$0x3FAC]  }
0x29: {  	s4 =	sld [smem:$0x3FAE]  }
0x2a: {  	p0 =	seq.s32 s5, $0x0;
	s5 =	sld [smem:$0x3FAF]  }
0x2b: {  	s6 =	sld [smem:$0x3FB0]  }
0x2c: {  	s7 =	sld [smem:$0x3FB1]  }
0x2d: {  	s3 =	simm.s32 $0x108;
	s8 =	sld [smem:$0x3FB2]  }
0x2e: {  	s3 =	simm.s32 @!p0 $0x1082;
	s9 =	sld [smem:$0x3FB3]  }
0x2f: {  	lr =	sadd.s32 s0, s3;
	s0 =	sld [smem:$0x3FAA]  }
0x30: {  	s3 =	sld [smem:$0x3FAD]  }
0x31: {  	[smem:$0x3FB6] =	sst s10  }
0x32: {  	s10 =	sld [smem:$0x3FB4];
	_ =	sdelay $0x3  }
0x33: {  	p0 =	seq.s32 s10, $0x1;
	s10 =	sld [smem:$0x3FB6];
	_ =	sdelay $0x3  }
0x34: {  	[smem:$0x3FB6] =	sst s10  }
0x35: {  	s10 =	sld [smem:$0x3FB5];
	_ =	sdelay $0x3  }
0x36: {  	p1 =	seq.s32 s10, $0x1;
	s10 =	sld [smem:$0x3FB6];
	_ =	sdelay $0x3  }
0x37: {  	[smem:$0x3FB6] =	sst s10  }
0x38: {  	s10 =	sld [smem:$0x3FB7]  }
0x39: {  	_ = 	snop;
	(pc) =	sbr.ind lr, $3  }
0x3a: {  	_ = 	snop  }
0x3b: {  	_ = 	snop  }
0x3c: {  	p2 =	seq.s32 s10, $0x1;
	s10 =	sld [smem:$0x3FB6]  }
0x3d: {  	_ =	shalt  }
0x3e: {  	_ =	shalt  }
0x3f: {  	_ =	shalt  }
0x40: {  	_ =	shalt  }
0x41: {  	_ =	shalt  }
0x42: {  	_ =	shalt  }
0x43: {  	_ =	shalt  }
0x44: {  	_ =	shalt  }
0x45: {  	_ =	shalt  }
0x46: {  	_ =	shalt  }
0x47: {  	_ =	shalt  }
0x48: {  	_ =	shalt  }
0x49: {  	_ =	shalt  }
0x4a: {  	_ =	shalt  }
0x4b: {  	_ =	shalt  }
0x4c: {  	_ =	shalt  }
0x4d: {  	_ =	shalt  }
0x4e: {  	_ =	shalt  }
0x4f: {  	_ =	shalt  }
0x50: {  	_ =	shalt  }
0x51: {  	_ =	shalt  }
0x52: {  	_ =	shalt  }
0x53: {  	_ =	shalt  }
0x54: {  	_ =	shalt  }
0x55: {  	_ =	shalt  }
0x56: {  	_ =	shalt  }
0x57: {  	_ =	shalt  }
0x58: {  	_ =	shalt  }
0x59: {  	_ =	shalt  }
0x5a: {  	_ =	shalt  }
0x5b: {  	_ =	shalt  }
0x5c: {  	_ =	shalt  }
0x5d: {  	_ =	shalt  }
0x5e: {  	_ =	shalt  }
0x5f: {  	_ =	shalt  }
0x60: {  	_ =	shalt  }
0x61: {  	_ =	shalt  }
0x62: {  	_ =	shalt  }
0x63: {  	_ =	shalt  }
0x64: {  	_ =	shalt  }
0x65: {  	_ =	shalt  }
0x66: {  	_ =	shalt  }
0x67: {  	_ =	shalt  }
0x68: {  	_ =	shalt  }
0x69: {  	_ =	shalt  }
0x6a: {  	_ =	shalt  }
0x6b: {  	_ =	shalt  }
0x6c: {  	_ =	shalt  }
0x6d: {  	_ =	shalt  }
0x6e: {  	_ =	shalt  }
0x6f: {  	_ =	shalt  }
0x70: {  	_ =	shalt  }
0x71: {  	_ =	shalt  }
0x72: {  	_ =	shalt  }
0x73: {  	_ =	shalt  }
0x74: {  	_ =	shalt  }
0x75: {  	_ =	shalt  }
0x76: {  	_ =	shalt  }
0x77: {  	_ =	shalt  }
0x78: {  	_ =	shalt  }
0x79: {  	_ =	shalt  }
0x7a: {  	_ =	shalt  }
0x7b: {  	_ =	shalt  }
0x7c: {  	_ =	shalt  }
0x7d: {  	_ =	shalt  }
0x7e: {  	_ =	shalt  }
0x7f: {  	_ =	shalt  }
0x80: {  	_ =	shalt  }
0x81: {  	_ =	shalt  }
0x82: {  	_ =	shalt  }
0x83: {  	_ =	shalt  }
0x84: {  	_ =	shalt  }
0x85: {  	_ =	shalt  }
0x86: {  	_ =	shalt  }
0x87: {  	_ =	shalt  }
.Lfunc_end0:
.L_simem_size_0:
called_computation.2_lowered:
.L_overlay_start_0:
0x88: {  	s2 =	sld [smem:$0x3FD9]  }
0x89: {  	s3 =	sld [smem:$0x3FFE];
	_ =	sdelay $0x1  }
0x8a: {  	s1 =	srdreg.scid  }
0x8b: {  	s0 =	sand.u32 $0x1, s1  }
0x8c: {  	s16 =	sshll.u32 s0, $0xA;
	s2 =	sadd.s32 s3, s2  }
0x8d: {  	s2 =	sadd.s32 s2, s16  }
0x8e: {  	[smem:$0x3FC2] =	sst s2  }
0x8f: {  	_ = 	snop  }
0x90: {  	(tm) =	ssettm $0x1  }
0x91: {  	s17 =	sld [smem:$0x3FFB];
	_ =	sdelay $0x3  }
0x92: {  	_ =	strace s17  }
0x93: {  	s2 =	sld [smem:$0x3FFC];
	_ =	sdelay $0x3  }
0x94: {  	_ =	strace s2  }
0x95: {  	s2 =	sld [smem:$0x3FFD];
	_ =	sdelay $0x3  }
0x96: {  	_ =	strace s2  }
0x97: {  	_ =	strace $0x8FFFFFFF  }
0x98: {  	s18 =	sld [smem:$0x3FDB];
	_ =	sdelay $0x1  }
0x99: {  	s19 =	simm.s32 $_scs_section_size  }
0x9a: {  	s4 =	simm.s32 $_size__tile_overlayer_lowered;
	s5 =	simm.s32 $_tile_overlayer_lowered  }
0x9b: {  	s22 =	simm.s32 $0x1BFF;
	s21 =	sshll.u32 s5, $0x1;
	s2 =	sadd.s32 s19, s18  }
0x9c: {  	s6 =	simm.s32 $0x0;
	s20 =	sshll.u32 s4, $0x1;
	s4 =	sadd.s32 s21, s2  }
0x9d: {  	[timem:s6], [sflag:s22] =	dma.local [hbm:s4], s20  }
0x9e: {  	_ =	swait.ge [sflag:s22], s20  }
0x9f: {  	s3 =	ssub.s32 $0x0, s20;
	[sflag:s22] =	ssyncset.done $0x0  }
0xa0: {  	[sflag:s22] =	ssyncadd.s32 s3;
	_ =	sdelay $0x1  }
0xa1: {  	s23 =	simm.s32 $0x1B8B  }
0xa2: {  	_ =	swait.ge [sflag:s23], $0x1  }
0xa3: {  	[sflag:s23] =	ssyncset.done $0x0  }
0xa4: {  	s25 =	simm.s32 $0x1B8E;
	s24 =	sld [smem:$0x3FFE];
	[sflag:s23] =	ssyncadd.s32 $0xFFFFFFFF  }
0xa5: {  	s26 =	simm.s32 $execute0_lowered;
	[smem:$0x3FD2] =	sst s25  }
0xa6: {  	s4 =	sshll.u32 s26, $0x1;
	_ =	strace $0x8000004C;
	[dreg:$0x1] =	wrdreg $0xFFFFFFFF  }
0xa7: {  	s28 =	simm.s32 $_size_execute0_lowered;
	s2 =	sadd.s32 s2, s4;
	[dreg:$0x0] =	wrdreg $0x0  }
0xa8: {  	s4 =	sshll.u32 s28, $0x1;
	[dreg:$0x2] =	wrdreg s2  }
0xa9: {  	[dreg:$0x3] =	wrdreg s4  }
0xaa: {  	[dreg:$0x4] =	wrdreg $0xC0  }
0xab: {  	_ =	task [dreg:s6], $0x5FFFF  }
0xac: {  	[dreg:$0x1] =	wrdreg $0xFFFFFFFF  }
0xad: {  	[dreg:$0x0] =	wrdreg $0x60  }
0xae: {  	[dreg:$0x2] =	wrdreg s24  }
0xaf: {  	[dreg:$0x3] =	wrdreg $0x9E200  }
0xb0: {  	[dreg:$0x4] =	wrdreg $0x9  }
0xb1: {  	_ =	task.clear_ibuf [dreg:s6], $0x5FFFF;
	_ =	strace $0x9000004C  }
0xb2: {  	s29 =	simm.s32 $0x9;
	_ =	strace $0x8000004E  }
0xb3: {  	_ =	swait.ge [sflag:s29], $0x1  }
0xb4: {  	[sflag:s29] =	ssyncadd.s32 $0xFFFFFFFF  }
0xb5: {  	_ =	strace $0x9000004E  }
0xb6: {  	_ =	sfence  }
0xb7: {  	s30 =	sld [smem:$0x0];
	_ =	sdelay $0x2  }
0xb8: {  	s31 =	sshll.u32 s1, $0xD;
	s1 =	sshrl.u32 s1, $0x2  }
0xb9: {  	s3 =	sand.u32 $0x4000, s31;
	s1 =	sadd.s32 s1, s30  }
0xba: {  	s0 =	sor.u32 s3, s0;
	s1 =	sshll.u32 s1, $0x11  }
0xbb: {  	s0 =	sor.u32 s1, s0  }
0xbc: {  	s0 =	sadd.s32 $0x8F2B, s0  }
0xbd: {  	[sflag:s0] =	ssyncadd.remote.s32 $0x1  }
0xbe: {  	_ =	sfence.sel $0xFFFF  }
0xbf: {  	[dreg:$0x0] =	wrdreg $0xFFFFFFFF;
	(pc) =	sbr.abs _section_cstart, $3  }
0xc0: {  	[dreg:$0x1] =	wrdreg $0xFFFFFFFF  }
0xc1: {  	_ =	task.clear_ibuf [dreg:s6], $0x2FFFF;
	_ =	strace $0x9FFFFFFF  }
0xc2: {  	(tm) =	ssettm $0x7FFFFFFF  }
0xc3: {  	_ =	shalt  }
tec
execute0_lowered:
.L_overlay_start_1:
0x0: {  	(tag) =	ssettag $0x1  }
0x1: {  	s0 =	srdreg.scid;
	s3 =	rddreg [dreg:$0x0]  }
0x2: {  	s4 =	stileid.u32;
	s2 =	rddreg [dreg:$0x1];
	s6 =	simm.s32 $0x0  }
0x3: {  	s14 =	simm.s32 $0x50;
	s15 =	simm.s32 $0x4E20;
	s16 =	simm.s32 $0x5320  }
0x4: {  	s18 =	simm.s32 $0x5820;
	s20 =	simm.s32 $0x5D20;
	s22 =	simm.s32 $0x6220  }
0x5: {  	s30 =	simm.s32 $0x6C20;
	s31 =	simm.s32 $0x3;
	s19 =	simm.s32 $0x4  }
0x6: {  	s29 =	simm.s32 $0x5;
	s17 =	simm.s32 $0xA;
	s28 =	simm.s32 $0x6  }
0x7: {  	s21 =	simm.s32 $0xB;
	s11 =	simm.s32 $0xC;
	s13 =	simm.s32 $0xD  }
0x8: {  	s9 =	simm.s32 $0x10;
	s10 =	simm.s32 $0x0;
	s0 =	sand.u32 $0x1, s0  }
0x9: {  	s5 =	smul.u32 $0x2800, s4;
	[smem:$0x7FF] =	sst s6;
	s1 =	sshll.u32 s0, $0x4  }
0xa: {  	s23 =	smul.u32 $0x28000, s0;
	_ =	strace $0x8000004D;
	s0 =	ssub.s32 $0x2, s0  }
0xb: {  	s1 =	sor.u32 s4, s1;
	s4 =	sadd.s32 $0x1A800, s3;
	s7 =	sshrl.u32 s5, $0x3  }
0xc: {  	s8 =	sshrl.u32 s0, $0x1;
	s12 =	sadd.s32 s5, s2;
	s1 =	smul.u32 $0x2710, s1  }
0xd: {  	s6 =	sadd.s32 s5, s23;
	s7 =	sadd.s32 s7, s3;
	s0 =	ssub.s32 s0, s8  }
0xe: {  	s23 =	simm.s32 $0x1;
	s5 =	simm.s32 $0x8;
	s8 =	simm.s32 $0xF  }
0xf: {  	[dreg:$0x4] =	wrdreg s12;
	s24 =	sadd.s32 $0x15800, s7;
	s1 =	sshrl.u32 s1, $0x3  }
0x10: {  	s0 =	smax.u32 s0, $0x1;
	[dreg:$0x3] =	wrdreg s24;
	s1 =	sadd.s32 s1, s3  }
0x11: {  	s6 =	sshrl.u32 s6, $0x3;
	[dreg:$0x8] =	wrdreg s0;
	s25 =	sadd.s32 $0x1E00, s1  }
0x12: {  	s3 =	sadd.s32 s6, s3;
	s1 =	sadd.s32 $0xBA40, s1;
	[dreg:$0x5] =	wrdreg s25  }
0x13: {  	s7 =	simm.s32 $0xE;
	s26 =	sadd.s32 $0x1F800, s3;
	[dreg:$0x6] =	wrdreg s1  }
0x14: {  	s0 =	simm.s32 $0x7120;
	s24 =	simm.s32 $0x9;
	[dreg:$0x7] =	wrdreg s26  }
0x15: {  	s25 =	simm.s32 $0x6720;
	s26 =	simm.s32 $0x2;
	s1 =	simm.s32 $0x7  }
.LBB2_1:
0x16: {  	[dreg:$0x9] =	wrdreg s10;
	s3 =	simm.s32 $0x11  }
0x17: {  	s6 =	rddreg [dreg:$0x3];
	s10 =	simm.s32 $0x7620;
	s12 =	simm.s32 $0x0  }
0x18: {  	[tilespmem:s10], [sflag:$0x11] =	stream.linear.gather [hbm4b:s6+s12], $0x2800, $0x38;
	[tilespmem:$0xC620] =	vst v63  }
0x19: {  	_ =	swait.ge [sflag:s3], $0x2800  }
0x1a: {  	[sflag:s3] =	ssyncset.done $0x0  }
0x1b: {  	s10 =	simm.s32 $0x7620;
	s12 =	rddreg [dreg:$0x4];
	[sflag:s3] =	ssyncadd.s32 $0xFFFFD800  }
0x1c: {  	[spmem:s12] =	stream.linear.scatter [tilespmem:s10], [sflag:$0x11], $0x2800, $0x38;
	[tilespmem:$0xC620] =	vst v63  }
0x1d: {  	_ =	swait.ge [sflag:s3], $0x2800  }
0x1e: {  	[sflag:s3] =	ssyncset.done $0x0  }
0x1f: {  	s10 =	simm.s32 $0x0;
	s12 =	rddreg [dreg:$0x5];
	[sflag:s3] =	ssyncadd.s32 $0xFFFFD800  }
0x20: {  	[tilespmem:s10], [sflag:$0x11] =	stream.linear.gather [hbm4b:s12+s10], $0x2710, $0x38;
	[tilespmem:$0xC620] =	vst v63  }
0x21: {  	_ =	swait.ge [sflag:s3], $0x2710  }
0x22: {  	[sflag:s3] =	ssyncset.done $0x0  }
0x23: {  	s12 =	simm.s32 $0x2710;
	s6 =	rddreg [dreg:$0x6];
	[sflag:s3] =	ssyncadd.s32 $0xFFFFD8F0  }
0x24: {  	[tilespmem:s12], [sflag:$0x11] =	stream.linear.gather [hbm4b:s6+s10], $0x2710, $0x38;
	[tilespmem:$0xC620] =	vst v63  }
0x25: {  	_ =	swait.ge [sflag:s3], $0x2710  }
0x26: {  	[sflag:s3] =	ssyncset.done $0x0  }
0x27: {  	[sflag:s3] =	ssyncadd.s32 $0xFFFFD8F0  }
0x28: {  	s10 =	simm.s32 $0x0;
	[bflag:$0x0] =	sbarrier.arrive $0xFFFF  }
0x29: {  	[tilespmem:s15], [sflag:$0x1] =	stream.indirect.gather [hbm4b:s4+s14], $0x10, s10, s14, $0xb8;
	[tilespmem:$0xC620] =	vst v63  }
0x2a: {  	_ = 	snop  }
0x2b: {  	[tilespmem:s16], [sflag:$0x2] =	stream.indirect.gather [hbm4b:s4+s14], $0x10, s14, s14, $0xb8;
	[tilespmem:$0xC620] =	vst v63  }
0x2c: {  	s6 =	simm.s32 $0xA0  }
0x2d: {  	[tilespmem:s18], [sflag:$0x3] =	stream.indirect.gather [hbm4b:s4+s14], $0x10, s6, s14, $0xb8;
	[tilespmem:$0xC620] =	vst v63  }
0x2e: {  	s10 =	simm.s32 $0xF0  }
0x2f: {  	[tilespmem:s20], [sflag:$0x4] =	stream.indirect.gather [hbm4b:s4+s14], $0x10, s10, s14, $0xb8;
	[tilespmem:$0xC620] =	vst v63  }
0x30: {  	s6 =	simm.s32 $0x140  }
0x31: {  	[tilespmem:s22], [sflag:$0x5] =	stream.indirect.gather [hbm4b:s4+s14], $0x10, s6, s14, $0xb8;
	[tilespmem:$0xC620] =	vst v63  }
0x32: {  	_ =	swait.ge [sflag:s23], $0x500  }
0x33: {  	[sflag:s23] =	ssyncset.done $0x0  }
0x34: {  	[sflag:s23] =	ssyncadd.s32 $0xFFFFFB00  }
0x35: {  	[spmem:s2] =	stream.indirect.scatter.add.f32 [tilespmem:s15], [sflag:$0x9], $0x10, s12, s14, $0xb8;
	[tilespmem:$0xC620] =	vst v63  }
0x36: {  	s10 =	simm.s32 $0x190  }
0x37: {  	[tilespmem:s25], [sflag:$0x6] =	stream.indirect.gather [hbm4b:s4+s14], $0x10, s10, s14, $0xb8;
	[tilespmem:$0xC620] =	vst v63  }
0x38: {  	_ =	swait.ge [sflag:s26], $0x500  }
0x39: {  	[sflag:s26] =	ssyncset.done $0x0  }
0x3a: {  	s12 =	simm.s32 $0x2760;
	[sflag:s26] =	ssyncadd.s32 $0xFFFFFB00  }
0x3b: {  	[spmem:s2] =	stream.indirect.scatter.add.f32 [tilespmem:s16], [sflag:$0xA], $0x10, s12, s14, $0xb8;
	[tilespmem:$0xC620] =	vst v63  }
0x3c: {  	s6 =	simm.s32 $0x1E0  }
0x3d: {  	[tilespmem:s30], [sflag:$0x7] =	stream.indirect.gather [hbm4b:s4+s14], $0x10, s6, s14, $0xb8;
	[tilespmem:$0xC620] =	vst v63  }
0x3e: {  	_ =	swait.ge [sflag:s31], $0x500  }
0x3f: {  	[sflag:s31] =	ssyncset.done $0x0  }
0x40: {  	s10 =	simm.s32 $0x27B0;
	[sflag:s31] =	ssyncadd.s32 $0xFFFFFB00  }
0x41: {  	[spmem:s2] =	stream.indirect.scatter.add.f32 [tilespmem:s18], [sflag:$0xB], $0x10, s10, s14, $0xb8;
	[tilespmem:$0xC620] =	vst v63  }
0x42: {  	s12 =	simm.s32 $0x230  }
0x43: {  	[tilespmem:s0], [sflag:$0x8] =	stream.indirect.gather [hbm4b:s4+s14], $0x10, s12, s14, $0xb8;
	[tilespmem:$0xC620] =	vst v63  }
0x44: {  	_ =	swait.ge [sflag:s19], $0x500  }
0x45: {  	[sflag:s19] =	ssyncset.done $0x0  }
0x46: {  	s6 =	simm.s32 $0x2800;
	[sflag:s19] =	ssyncadd.s32 $0xFFFFFB00  }
0x47: {  	[spmem:s2] =	stream.indirect.scatter.add.f32 [tilespmem:s20], [sflag:$0xC], $0x10, s6, s14, $0xb8;
	[tilespmem:$0xC620] =	vst v63  }
0x48: {  	_ =	swait.ge [sflag:s24], $0x500  }
0x49: {  	[sflag:s24] =	ssyncset.done $0x0  }
0x4a: {  	s10 =	simm.s32 $0x280;
	[sflag:s24] =	ssyncadd.s32 $0xFFFFFB00  }
0x4b: {  	[tilespmem:s15], [sflag:$0x1] =	stream.indirect.gather [hbm4b:s4+s14], $0x10, s10, s14, $0xb8;
	[tilespmem:$0xC620] =	vst v63  }
0x4c: {  	_ =	swait.ge [sflag:s29], $0x500  }
0x4d: {  	[sflag:s29] =	ssyncset.done $0x0  }
0x4e: {  	s12 =	simm.s32 $0x2850;
	[sflag:s29] =	ssyncadd.s32 $0xFFFFFB00  }
0x4f: {  	[spmem:s2] =	stream.indirect.scatter.add.f32 [tilespmem:s22], [sflag:$0xD], $0x10, s12, s14, $0xb8;
	[tilespmem:$0xC620] =	vst v63  }
0x50: {  	_ =	swait.ge [sflag:s17], $0x500  }
0x51: {  	[sflag:s17] =	ssyncset.done $0x0  }
0x52: {  	s6 =	simm.s32 $0x2D0;
	[sflag:s17] =	ssyncadd.s32 $0xFFFFFB00  }
0x53: {  	[tilespmem:s16], [sflag:$0x2] =	stream.indirect.gather [hbm4b:s4+s14], $0x10, s6, s14, $0xb8;
	[tilespmem:$0xC620] =	vst v63  }
0x54: {  	_ =	swait.ge [sflag:s28], $0x500  }
0x55: {  	[sflag:s28] =	ssyncset.done $0x0  }
0x56: {  	s10 =	simm.s32 $0x28A0;
	[sflag:s28] =	ssyncadd.s32 $0xFFFFFB00  }
0x57: {  	[spmem:s2] =	stream.indirect.scatter.add.f32 [tilespmem:s25], [sflag:$0xE], $0x10, s10, s14, $0xb8;
	[tilespmem:$0xC620] =	vst v63  }
0x58: {  	_ =	swait.ge [sflag:s21], $0x500  }
0x59: {  	[sflag:s21] =	ssyncset.done $0x0  }
0x5a: {  	s12 =	simm.s32 $0x320;
	[sflag:s21] =	ssyncadd.s32 $0xFFFFFB00  }
0x5b: {  	[tilespmem:s18], [sflag:$0x3] =	stream.indirect.gather [hbm4b:s4+s14], $0x10, s12, s14, $0xb8;
	[tilespmem:$0xC620] =	vst v63  }
0x5c: {  	_ =	swait.ge [sflag:s1], $0x500  }
0x5d: {  	[sflag:s1] =	ssyncset.done $0x0  }
0x5e: {  	s6 =	simm.s32 $0x28F0;
	[sflag:s1] =	ssyncadd.s32 $0xFFFFFB00  }
0x5f: {  	[spmem:s2] =	stream.indirect.scatter.add.f32 [tilespmem:s30], [sflag:$0xF], $0x10, s6, s14, $0xb8;
	[tilespmem:$0xC620] =	vst v63  }
0x60: {  	_ =	swait.ge [sflag:s11], $0x500  }
0x61: {  	[sflag:s11] =	ssyncset.done $0x0  }
0x62: {  	s10 =	simm.s32 $0x370;
	[sflag:s11] =	ssyncadd.s32 $0xFFFFFB00  }
0x63: {  	[tilespmem:s20], [sflag:$0x4] =	stream.indirect.gather [hbm4b:s4+s14], $0x10, s10, s14, $0xb8;
	[tilespmem:$0xC620] =	vst v63  }
0x64: {  	_ =	swait.ge [sflag:s5], $0x500  }
0x65: {  	[sflag:s5] =	ssyncset.done $0x0  }
0x66: {  	s12 =	simm.s32 $0x2940;
	[sflag:s5] =	ssyncadd.s32 $0xFFFFFB00  }
0x67: {  	[spmem:s2] =	stream.indirect.scatter.add.f32 [tilespmem:s0], [sflag:$0x10], $0x10, s12, s14, $0xb8;
	[tilespmem:$0xC620] =	vst v63  }
0x68: {  	_ =	swait.ge [sflag:s13], $0x500  }
0x69: {  	[sflag:s13] =	ssyncset.done $0x0  }
0x6a: {  	s6 =	simm.s32 $0x3C0;
	[sflag:s13] =	ssyncadd.s32 $0xFFFFFB00  }
0x6b: {  	[tilespmem:s22], [sflag:$0x5] =	stream.indirect.gather [hbm4b:s4+s14], $0x10, s6, s14, $0xb8;
	[tilespmem:$0xC620] =	vst v63  }
0x6c: {  	_ =	swait.ge [sflag:s23], $0x500  }
0x6d: {  	[sflag:s23] =	ssyncset.done $0x0  }
0x6e: {  	s10 =	simm.s32 $0x2990;
	[sflag:s23] =	ssyncadd.s32 $0xFFFFFB00  }
0x6f: {  	[spmem:s2] =	stream.indirect.scatter.add.f32 [tilespmem:s15], [sflag:$0x9], $0x10, s10, s14, $0xb8;
	[tilespmem:$0xC620] =	vst v63  }
0x70: {  	_ =	swait.ge [sflag:s7], $0x500  }
0x71: {  	[sflag:s7] =	ssyncset.done $0x0  }
0x72: {  	s12 =	simm.s32 $0x410;
	[sflag:s7] =	ssyncadd.s32 $0xFFFFFB00  }
0x73: {  	[tilespmem:s25], [sflag:$0x6] =	stream.indirect.gather [hbm4b:s4+s14], $0x10, s12, s14, $0xb8;
	[tilespmem:$0xC620] =	vst v63  }
0x74: {  	_ =	swait.ge [sflag:s26], $0x500  }
0x75: {  	[sflag:s26] =	ssyncset.done $0x0  }
0x76: {  	s6 =	simm.s32 $0x29E0;
	[sflag:s26] =	ssyncadd.s32 $0xFFFFFB00  }
0x77: {  	[spmem:s2] =	stream.indirect.scatter.add.f32 [tilespmem:s16], [sflag:$0xA], $0x10, s6, s14, $0xb8;
	[tilespmem:$0xC620] =	vst v63  }
0x78: {  	_ =	swait.ge [sflag:s8], $0x500  }
0x79: {  	[sflag:s8] =	ssyncset.done $0x0  }
0x7a: {  	s10 =	simm.s32 $0x460;
	[sflag:s8] =	ssyncadd.s32 $0xFFFFFB00  }
0x7b: {  	[tilespmem:s30], [sflag:$0x7] =	stream.indirect.gather [hbm4b:s4+s14], $0x10, s10, s14, $0xb8;
	[tilespmem:$0xC620] =	vst v63  }
0x7c: {  	_ =	swait.ge [sflag:s31], $0x500  }
0x7d: {  	[sflag:s31] =	ssyncset.done $0x0  }
0x7e: {  	s12 =	simm.s32 $0x2A30;
	[sflag:s31] =	ssyncadd.s32 $0xFFFFFB00  }
0x7f: {  	[spmem:s2] =	stream.indirect.scatter.add.f32 [tilespmem:s18], [sflag:$0xB], $0x10, s12, s14, $0xb8;
	[tilespmem:$0xC620] =	vst v63  }
0x80: {  	_ =	swait.ge [sflag:s9], $0x500  }
0x81: {  	[sflag:s9] =	ssyncset.done $0x0  }
0x82: {  	s6 =	simm.s32 $0x4B0;
	[sflag:s9] =	ssyncadd.s32 $0xFFFFFB00  }
0x83: {  	[tilespmem:s0], [sflag:$0x8] =	stream.indirect.gather [hbm4b:s4+s14], $0x10, s6, s14, $0xb8;
	[tilespmem:$0xC620] =	vst v63  }
0x84: {  	_ =	swait.ge [sflag:s19], $0x500  }
0x85: {  	[sflag:s19] =	ssyncset.done $0x0  }
0x86: {  	s10 =	simm.s32 $0x2A80;
	[sflag:s19] =	ssyncadd.s32 $0xFFFFFB00  }
0x87: {  	[spmem:s2] =	stream.indirect.scatter.add.f32 [tilespmem:s20], [sflag:$0xC], $0x10, s10, s14, $0xb8;
	[tilespmem:$0xC620] =	vst v63  }
0x88: {  	_ =	swait.ge [sflag:s24], $0x500  }
0x89: {  	[sflag:s24] =	ssyncset.done $0x0  }
0x8a: {  	s12 =	simm.s32 $0x500;
	[sflag:s24] =	ssyncadd.s32 $0xFFFFFB00  }
0x8b: {  	[tilespmem:s15], [sflag:$0x1] =	stream.indirect.gather [hbm4b:s4+s14], $0x10, s12, s14, $0xb8;
	[tilespmem:$0xC620] =	vst v63  }
0x8c: {  	_ =	swait.ge [sflag:s29], $0x500  }
0x8d: {  	[sflag:s29] =	ssyncset.done $0x0  }
0x8e: {  	s6 =	simm.s32 $0x2AD0;
	[sflag:s29] =	ssyncadd.s32 $0xFFFFFB00  }
0x8f: {  	[spmem:s2] =	stream.indirect.scatter.add.f32 [tilespmem:s22], [sflag:$0xD], $0x10, s6, s14, $0xb8;
	[tilespmem:$0xC620] =	vst v63  }
0x90: {  	_ =	swait.ge [sflag:s17], $0x500  }
0x91: {  	[sflag:s17] =	ssyncset.done $0x0  }
0x92: {  	s10 =	simm.s32 $0x550;
	[sflag:s17] =	ssyncadd.s32 $0xFFFFFB00  }
0x93: {  	[tilespmem:s16], [sflag:$0x2] =	stream.indirect.gather [hbm4b:s4+s14], $0x10, s10, s14, $0xb8;
	[tilespmem:$0xC620] =	vst v63  }
0x94: {  	_ =	swait.ge [sflag:s28], $0x500  }
0x95: {  	[sflag:s28] =	ssyncset.done $0x0  }
0x96: {  	s12 =	simm.s32 $0x2B20;
	[sflag:s28] =	ssyncadd.s32 $0xFFFFFB00  }
0x97: {  	[spmem:s2] =	stream.indirect.scatter.add.f32 [tilespmem:s25], [sflag:$0xE], $0x10, s12, s14, $0xb8;
	[tilespmem:$0xC620] =	vst v63  }
0x98: {  	_ =	swait.ge [sflag:s21], $0x500  }
0x99: {  	[sflag:s21] =	ssyncset.done $0x0  }
0x9a: {  	s6 =	simm.s32 $0x5A0;
	[sflag:s21] =	ssyncadd.s32 $0xFFFFFB00  }
0x9b: {  	[tilespmem:s18], [sflag:$0x3] =	stream.indirect.gather [hbm4b:s4+s14], $0x10, s6, s14, $0xb8;
	[tilespmem:$0xC620] =	vst v63  }
0x9c: {  	_ =	swait.ge [sflag:s1], $0x500  }
0x9d: {  	[sflag:s1] =	ssyncset.done $0x0  }
0x9e: {  	s10 =	simm.s32 $0x2B70;
	[sflag:s1] =	ssyncadd.s32 $0xFFFFFB00  }
0x9f: {  	[spmem:s2] =	stream.indirect.scatter.add.f32 [tilespmem:s30], [sflag:$0xF], $0x10, s10, s14, $0xb8;
	[tilespmem:$0xC620] =	vst v63  }
0xa0: {  	_ =	swait.ge [sflag:s11], $0x500  }
0xa1: {  	[sflag:s11] =	ssyncset.done $0x0  }
0xa2: {  	s12 =	simm.s32 $0x5F0;
	[sflag:s11] =	ssyncadd.s32 $0xFFFFFB00  }
0xa3: {  	[tilespmem:s20], [sflag:$0x4] =	stream.indirect.gather [hbm4b:s4+s14], $0x10, s12, s14, $0xb8;
	[tilespmem:$0xC620] =	vst v63  }
0xa4: {  	_ =	swait.ge [sflag:s5], $0x500  }
0xa5: {  	[sflag:s5] =	ssyncset.done $0x0  }
0xa6: {  	s3 =	simm.s32 $0xA00;
	s6 =	simm.s32 $0x2BC0;
	[sflag:s5] =	ssyncadd.s32 $0xFFFFFB00  }
.LBB2_2:
0xa7: {  	[spmem:s2] =	stream.indirect.scatter.add.f32 [tilespmem:s0], [sflag:$0x10], $0x10, s6, s14, $0xb8;
	[tilespmem:$0xC620] =	vst v63  }
0xa8: {  	s6 =	smov.u32 s3  }
0xa9: {  	p0 =	sne.s32 s3, $0x8200;
	s3 =	sadd.s32 $0xA00, s3;
	_ =	swait.ge [sflag:s13], $0x500  }
0xaa: {  	s6 =	sshra.s32 s6, $0x2;
	[sflag:s13] =	ssyncset.done $0x0  }
0xab: {  	s12 =	sadd.s32 $0x3C0, s6;
	[sflag:s13] =	ssyncadd.s32 $0xFFFFFB00  }
0xac: {  	[tilespmem:s22], [sflag:$0x5] =	stream.indirect.gather [hbm4b:s4+s14], $0x10, s12, s14, $0xb8;
	[tilespmem:$0xC620] =	vst v63  }
0xad: {  	_ =	swait.ge [sflag:s23], $0x500  }
0xae: {  	[sflag:s23] =	ssyncset.done $0x0  }
0xaf: {  	s12 =	sadd.s32 $0x2990, s6;
	[sflag:s23] =	ssyncadd.s32 $0xFFFFFB00  }
0xb0: {  	[spmem:s2] =	stream.indirect.scatter.add.f32 [tilespmem:s15], [sflag:$0x9], $0x10, s12, s14, $0xb8;
	[tilespmem:$0xC620] =	vst v63  }
0xb1: {  	_ =	swait.ge [sflag:s7], $0x500  }
0xb2: {  	[sflag:s7] =	ssyncset.done $0x0  }
0xb3: {  	s12 =	sadd.s32 $0x410, s6;
	[sflag:s7] =	ssyncadd.s32 $0xFFFFFB00  }
0xb4: {  	[tilespmem:s25], [sflag:$0x6] =	stream.indirect.gather [hbm4b:s4+s14], $0x10, s12, s14, $0xb8;
	[tilespmem:$0xC620] =	vst v63  }
0xb5: {  	_ =	swait.ge [sflag:s26], $0x500  }
0xb6: {  	[sflag:s26] =	ssyncset.done $0x0  }
0xb7: {  	s12 =	sadd.s32 $0x29E0, s6;
	[sflag:s26] =	ssyncadd.s32 $0xFFFFFB00  }
0xb8: {  	[spmem:s2] =	stream.indirect.scatter.add.f32 [tilespmem:s16], [sflag:$0xA], $0x10, s12, s14, $0xb8;
	[tilespmem:$0xC620] =	vst v63  }
0xb9: {  	_ =	swait.ge [sflag:s8], $0x500  }
0xba: {  	[sflag:s8] =	ssyncset.done $0x0  }
0xbb: {  	s12 =	sadd.s32 $0x460, s6;
	[sflag:s8] =	ssyncadd.s32 $0xFFFFFB00  }
0xbc: {  	[tilespmem:s30], [sflag:$0x7] =	stream.indirect.gather [hbm4b:s4+s14], $0x10, s12, s14, $0xb8;
	[tilespmem:$0xC620] =	vst v63  }
0xbd: {  	_ =	swait.ge [sflag:s31], $0x500  }
0xbe: {  	[sflag:s31] =	ssyncset.done $0x0  }
0xbf: {  	s12 =	sadd.s32 $0x2A30, s6;
	[sflag:s31] =	ssyncadd.s32 $0xFFFFFB00  }
0xc0: {  	[spmem:s2] =	stream.indirect.scatter.add.f32 [tilespmem:s18], [sflag:$0xB], $0x10, s12, s14, $0xb8;
	[tilespmem:$0xC620] =	vst v63  }
0xc1: {  	_ =	swait.ge [sflag:s9], $0x500  }
0xc2: {  	[sflag:s9] =	ssyncset.done $0x0  }
0xc3: {  	s12 =	sadd.s32 $0x4B0, s6;
	[sflag:s9] =	ssyncadd.s32 $0xFFFFFB00  }
0xc4: {  	[tilespmem:s0], [sflag:$0x8] =	stream.indirect.gather [hbm4b:s4+s14], $0x10, s12, s14, $0xb8;
	[tilespmem:$0xC620] =	vst v63  }
0xc5: {  	_ =	swait.ge [sflag:s19], $0x500  }
0xc6: {  	[sflag:s19] =	ssyncset.done $0x0  }
0xc7: {  	s12 =	sadd.s32 $0x2A80, s6;
	[sflag:s19] =	ssyncadd.s32 $0xFFFFFB00  }
0xc8: {  	[spmem:s2] =	stream.indirect.scatter.add.f32 [tilespmem:s20], [sflag:$0xC], $0x10, s12, s14, $0xb8;
	[tilespmem:$0xC620] =	vst v63  }
0xc9: {  	_ =	swait.ge [sflag:s24], $0x500  }
0xca: {  	[sflag:s24] =	ssyncset.done $0x0  }
0xcb: {  	s12 =	sadd.s32 $0x500, s6;
	[sflag:s24] =	ssyncadd.s32 $0xFFFFFB00  }
0xcc: {  	[tilespmem:s15], [sflag:$0x1] =	stream.indirect.gather [hbm4b:s4+s14], $0x10, s12, s14, $0xb8;
	[tilespmem:$0xC620] =	vst v63  }
0xcd: {  	_ =	swait.ge [sflag:s29], $0x500  }
0xce: {  	[sflag:s29] =	ssyncset.done $0x0  }
0xcf: {  	s12 =	sadd.s32 $0x2AD0, s6;
	[sflag:s29] =	ssyncadd.s32 $0xFFFFFB00  }
0xd0: {  	[spmem:s2] =	stream.indirect.scatter.add.f32 [tilespmem:s22], [sflag:$0xD], $0x10, s12, s14, $0xb8;
	[tilespmem:$0xC620] =	vst v63  }
0xd1: {  	_ =	swait.ge [sflag:s17], $0x500  }
0xd2: {  	[sflag:s17] =	ssyncset.done $0x0  }
0xd3: {  	s12 =	sadd.s32 $0x550, s6;
	[sflag:s17] =	ssyncadd.s32 $0xFFFFFB00  }
0xd4: {  	[tilespmem:s16], [sflag:$0x2] =	stream.indirect.gather [hbm4b:s4+s14], $0x10, s12, s14, $0xb8;
	[tilespmem:$0xC620] =	vst v63  }
0xd5: {  	_ =	swait.ge [sflag:s28], $0x500  }
0xd6: {  	[sflag:s28] =	ssyncset.done $0x0  }
0xd7: {  	s12 =	sadd.s32 $0x2B20, s6;
	[sflag:s28] =	ssyncadd.s32 $0xFFFFFB00  }
0xd8: {  	[spmem:s2] =	stream.indirect.scatter.add.f32 [tilespmem:s25], [sflag:$0xE], $0x10, s12, s14, $0xb8;
	[tilespmem:$0xC620] =	vst v63  }
0xd9: {  	_ =	swait.ge [sflag:s21], $0x500  }
0xda: {  	[sflag:s21] =	ssyncset.done $0x0  }
0xdb: {  	s12 =	sadd.s32 $0x5A0, s6;
	[sflag:s21] =	ssyncadd.s32 $0xFFFFFB00  }
0xdc: {  	[tilespmem:s18], [sflag:$0x3] =	stream.indirect.gather [hbm4b:s4+s14], $0x10, s12, s14, $0xb8;
	[tilespmem:$0xC620] =	vst v63  }
0xdd: {  	_ =	swait.ge [sflag:s1], $0x500  }
0xde: {  	[sflag:s1] =	ssyncset.done $0x0  }
0xdf: {  	s12 =	sadd.s32 $0x2B70, s6;
	[sflag:s1] =	ssyncadd.s32 $0xFFFFFB00  }
0xe0: {  	[spmem:s2] =	stream.indirect.scatter.add.f32 [tilespmem:s30], [sflag:$0xF], $0x10, s12, s14, $0xb8;
	[tilespmem:$0xC620] =	vst v63  }
0xe1: {  	_ =	swait.ge [sflag:s11], $0x500  }
0xe2: {  	[sflag:s11] =	ssyncset.done $0x0  }
.Ltmp0:
0xe3: {  	s12 =	sadd.s32 $0x5F0, s6;
	[sflag:s11] =	ssyncadd.s32 $0xFFFFFB00;
	(pc) =	sbr.rel @p0 .LBB2_2-.Ltmp0, $4  }
0xe4: {  	[tilespmem:s20], [sflag:$0x4] =	stream.indirect.gather [hbm4b:s4+s14], $0x10, s12, s14, $0xb8;
	[tilespmem:$0xC620] =	vst v63  }
0xe5: {  	_ =	swait.ge [sflag:s5], $0x500  }
0xe6: {  	[sflag:s5] =	ssyncset.done $0x0  }
0xe7: {  	s6 =	sadd.s32 $0x2BC0, s6;
	[sflag:s5] =	ssyncadd.s32 $0xFFFFFB00  }
0xe8: {  	[spmem:s2] =	stream.indirect.scatter.add.f32 [tilespmem:s0], [sflag:$0x10], $0x10, s6, s14, $0xb8;
	[tilespmem:$0xC620] =	vst v63  }
0xe9: {  	_ =	swait.ge [sflag:s13], $0x500  }
0xea: {  	[sflag:s13] =	ssyncset.done $0x0  }
0xeb: {  	s3 =	simm.s32 $0x26C0;
	[sflag:s13] =	ssyncadd.s32 $0xFFFFFB00  }
0xec: {  	[tilespmem:s22], [sflag:$0x5] =	stream.indirect.gather [hbm4b:s4+s14], $0x10, s3, s14, $0xb8;
	[tilespmem:$0xC620] =	vst v63  }
0xed: {  	_ =	swait.ge [sflag:s23], $0x500  }
0xee: {  	[sflag:s23] =	ssyncset.done $0x0  }
0xef: {  	s12 =	simm.s32 $0x4C90;
	[sflag:s23] =	ssyncadd.s32 $0xFFFFFB00  }
0xf0: {  	[spmem:s2] =	stream.indirect.scatter.add.f32 [tilespmem:s15], [sflag:$0x9], $0x10, s12, s14, $0xb8;
	[tilespmem:$0xC620] =	vst v63  }
0xf1: {  	_ =	swait.ge [sflag:s7], $0x500  }
0xf2: {  	[sflag:s7] =	ssyncset.done $0x0  }
0xf3: {  	[sflag:s7] =	ssyncadd.s32 $0xFFFFFB00  }
0xf4: {  	_ =	swait.ge [sflag:s26], $0x500  }
0xf5: {  	[sflag:s26] =	ssyncset.done $0x0  }
0xf6: {  	s6 =	simm.s32 $0x4CE0;
	[sflag:s26] =	ssyncadd.s32 $0xFFFFFB00  }
0xf7: {  	[spmem:s2] =	stream.indirect.scatter.add.f32 [tilespmem:s16], [sflag:$0xA], $0x10, s6, s14, $0xb8;
	[tilespmem:$0xC620] =	vst v63  }
0xf8: {  	_ =	swait.ge [sflag:s8], $0x500  }
0xf9: {  	[sflag:s8] =	ssyncset.done $0x0  }
0xfa: {  	[sflag:s8] =	ssyncadd.s32 $0xFFFFFB00  }
0xfb: {  	_ =	swait.ge [sflag:s31], $0x500  }
0xfc: {  	[sflag:s31] =	ssyncset.done $0x0  }
0xfd: {  	s10 =	simm.s32 $0x4D30;
	[sflag:s31] =	ssyncadd.s32 $0xFFFFFB00  }
0xfe: {  	[spmem:s2] =	stream.indirect.scatter.add.f32 [tilespmem:s18], [sflag:$0xB], $0x10, s10, s14, $0xb8;
	[tilespmem:$0xC620] =	vst v63  }
0xff: {  	_ =	swait.ge [sflag:s9], $0x500  }
0x100: {  	[sflag:s9] =	ssyncset.done $0x0  }
0x101: {  	[sflag:s9] =	ssyncadd.s32 $0xFFFFFB00  }
0x102: {  	_ =	swait.ge [sflag:s19], $0x500  }
0x103: {  	[sflag:s19] =	ssyncset.done $0x0  }
0x104: {  	s12 =	simm.s32 $0x4D80;
	[sflag:s19] =	ssyncadd.s32 $0xFFFFFB00  }
0x105: {  	[spmem:s2] =	stream.indirect.scatter.add.f32 [tilespmem:s20], [sflag:$0xC], $0x10, s12, s14, $0xb8;
	[tilespmem:$0xC620] =	vst v63  }
0x106: {  	_ =	swait.ge [sflag:s24], $0x500  }
0x107: {  	[sflag:s24] =	ssyncset.done $0x0  }
0x108: {  	[sflag:s24] =	ssyncadd.s32 $0xFFFFFB00  }
0x109: {  	_ =	swait.ge [sflag:s29], $0x500  }
0x10a: {  	[sflag:s29] =	ssyncset.done $0x0  }
0x10b: {  	s6 =	simm.s32 $0x4DD0;
	[sflag:s29] =	ssyncadd.s32 $0xFFFFFB00  }
0x10c: {  	[spmem:s2] =	stream.indirect.scatter.add.f32 [tilespmem:s22], [sflag:$0xD], $0x10, s6, s14, $0xb8;
	[tilespmem:$0xC620] =	vst v63  }
0x10d: {  	_ =	swait.ge [sflag:s17], $0x500  }
0x10e: {  	[sflag:s17] =	ssyncset.done $0x0  }
0x10f: {  	[sflag:s17] =	ssyncadd.s32 $0xFFFFFB00  }
0x110: {  	_ =	swait.ge [sflag:s21], $0x500  }
0x111: {  	[sflag:s21] =	ssyncset.done $0x0  }
0x112: {  	[sflag:s21] =	ssyncadd.s32 $0xFFFFFB00  }
0x113: {  	_ =	swait.ge [sflag:s11], $0x500  }
0x114: {  	[sflag:s11] =	ssyncset.done $0x0  }
0x115: {  	[sflag:s11] =	ssyncadd.s32 $0xFFFFFB00  }
0x116: {  	_ =	swait.ge [sflag:s13], $0x500  }
0x117: {  	[sflag:s13] =	ssyncset.done $0x0  }
0x118: {  	s10 =	stileid.u32;
	[sflag:s13] =	ssyncadd.s32 $0xFFFFFB00  }
0x119: {  	s3 =	sshll.u32 s10, $0x6;
	[bflag:$0x0] =	sbarrier.arrive $0xFFFF  }
0x11a: {  	s3 =	sor.u32 $0x1C11, s3;
	s12 =	rddreg [dreg:$0x4]  }
0x11b: {  	s6 =	simm.s32 $0x11;
	s10 =	rddreg [dreg:$0x7];
	s12 =	sshrl.u32 s12, $0x3  }
0x11c: {  	[hbm:s10], [sflag:s3] =	dma.local [spmem:s12], $0x500  }
0x11d: {  	_ =	swait.ge [sflag:s6], $0x500  }
0x11e: {  	s3 =	rddreg [dreg:$0x9]  }
0x11f: {  	s12 =	rddreg [dreg:$0x8];
	s10 =	sadd.s32 $0x1, s3  }
0x120: {  	p0 =	sne.s32 s10, s12  }
.Ltmp1:
0x121: {  	_ = 	snop;
	(pc) =	sbr.rel @p0 .LBB2_1-.Ltmp1, $3  }
0x122: {  	_ =	sdelay $0x1  }
0x123: {  	[sflag:s6] =	ssyncset.done $0x0  }
0x124: {  	[sflag:s6] =	ssyncadd.s32 $0xFFFFFB00  }
0x125: {  	_ =	sfence.sel $0x180000  }
0x126: {  	[bflag:$0x0] =	sbarrier.arrive $0xFFFF  }
0x127: {  	_ =	strace $0x9000004D  }
0x128: {  	s0 =	stileid.u32;
	[bflag:$0x2] =	sbarrier.arrive $0xFFFF  }
0x129: {  	p0 =	sne.s32 s0, $0x0;
	s0 =	rddreg [dreg:$0x2]  }
0x12a: {  	s0 =	sadd.s32 @!p0 $0x100000, s0  }
0x12b: {  	[sflag:s0] =	ssyncadd.tile.s32 @!p0 $0x1;
	_ =	shalt  }
.Lfunc_end2:
_tile_overlayer_lowered:
.L_overlay_start_2:
0x12c: {  	(tag) =	ssettag $0x2  }
0x12d: {  	s0 =	rddreg [dreg:$0x0];
	s2 =	stileid.u32  }
0x12e: {  	s1 =	rddreg [dreg:$0x1];
	p0 =	sne.s32 s2, $0x0  }
0x12f: {  	s3 =	rddreg [dreg:$0x2];
	[bflag:$0x3] =	sbarrier.arrive $0xFFFF;
	s2 =	simm.s32 @!p0 $0x1C11  }
0x130: {  	[timem:s3], [sflag:s2] =	dma.local @!p0 [hbm:s0], s1  }
0x131: {  	s0 =	simm.s32 @!p0 $0x11  }
0x132: {  	_ =	swait.ge @!p0 [sflag:s0], s1  }
0x133: {  	s1 =	ssub.s32 @!p0 $0x0, s1;
	[sflag:s0] =	ssyncset.done @!p0 $0x0  }
0x134: {  	[sflag:s0] =	ssyncadd.s32 @!p0 s1  }
0x135: {  	[bflag:$0x3] =	sbarrier.arrive $0xFFFF  }
0x136: {  	_ =	shalt  }

// kernel: kernel.8.cloned.1.call-start
scs
__scs_entry_jumppad:
0x0: {  	(pc) =	sbr.rel $0x88, $3  }
0x1: {  	(tag) =	ssettag $0x0;
	lr =	simm.s32 $0x1  }
0x2: {  	[smem:$0x3F9B] =	sst lr;
	_ =	strace $0xD0000000  }
0x3: {  	_ = 	snop  }
0x4: {  	_ = 	snop  }
0x5: {  	_ = 	snop  }
0x6: {  	_ = 	snop  }
0x7: {  	_ = 	snop  }
__scs_overlays_trampoline_lowered:
0x8: {  	[smem:$0x3FAA] =	sst s0  }
0x9: {  	[smem:$0x3FAB] =	sst s1  }
0xa: {  	[smem:$0x3FAC] =	sst s2  }
0xb: {  	[smem:$0x3FAD] =	sst s3  }
0xc: {  	[smem:$0x3FAE] =	sst s4  }
0xd: {  	[smem:$0x3FAF] =	sst s5  }
0xe: {  	[smem:$0x3FB0] =	sst s6  }
0xf: {  	[smem:$0x3FB1] =	sst s7  }
0x10: {  	[smem:$0x3FB2] =	sst s8  }
0x11: {  	[smem:$0x3FB3] =	sst s9;
	s0 =	simm.s32 @!p0 $0x0  }
0x12: {  	s1 =	sld [smem:$0x3F99];
	s0 =	simm.s32 @p0 $0x1  }
0x13: {  	[smem:$0x3FB4] =	sst s0;
	s0 =	simm.s32 @!p1 $0x0  }
0x14: {  	s2 =	sld [smem:$0x3F98];
	s0 =	simm.s32 @p1 $0x1  }
0x15: {  	[smem:$0x3FB5] =	sst s0;
	s0 =	simm.s32 @!p2 $0x0  }
0x16: {  	s3 =	sld [smem:$0x3FDB];
	s0 =	simm.s32 @p2 $0x1  }
0x17: {  	s4 =	simm.s32 $0x1BF5;
	[smem:$0x3FB7] =	sst s0  }
0x18: {  	s0 =	sld [smem:$0x3F9A];
	_ =	swait.ge [sflag:s4], $0x0  }
0x19: {  	s7 =	sld [smem:$0x3F9B]  }
0x1a: {  	s8 =	sadd.s32 $0xFFFFE003, lr  }
0x1b: {  	s9 =	sadd.s32 $0xFFFFFEF7, lr;
	s5 =	simm.s32 $0xFFFFFFFF;
	p2 =	slt.u32 s8, $0xFFFFF086  }
0x1c: {  	p1 =	slt.u32 s9, $0xF7A;
	s5 =	simm.s32 @!p2 $0x0  }
0x1d: {  	s5 =	simm.s32 @p1 $0x1;
	p0 =	seq.s32 s7, s2  }
0x1e: {  	s7 =	smul.u32 @!p0 $0xF7A, s2;
	p2 =	seq.s32 @!p0 s5, $0x0  }
0x1f: {  	s9 =	smul.u32 $0xF7A, s1;
	s8 =	simm.s32 @!p0 $0x1BF5;
	p2 =	por !p2, p0  }
0x20: {  	[sflag:s8] =	ssyncset.s32 @!p0 $0xFFFFF086;
	s6 =	sadd.s32 @!p0 s3, s7;
	s7 =	simm.s32 @!p0 $0x108  }
0x21: {  	s3 =	sadd.s32 s3, s9;
	s6 =	sadd.s32 @!p0 $0x88, s6;
	s7 =	simm.s32 @p2 $0x1082  }
0x22: {  	[simem:s7], [sflag:s8] =	dma.local @!p0 [hbm:s6], $0xF7A  }
0x23: {  	s9 =	sor.u32 $0xD0000000, s2;
	s6 =	simm.s32 $0x108;
	_ =	swait.ge @!p0 [sflag:s8], $0x0  }
0x24: {  	s3 =	sadd.s32 $0x88, s3;
	s6 =	simm.s32 @!p1 $0x1082;
	[sflag:s4] =	ssyncset.s32 $0xFFFFF086  }
0x25: {  	[simem:s6], [sflag:s4] =	dma.local [hbm:s3], $0xF7A  }
0x26: {  	[smem:$0x3F9B] =	sst s1;
	(tag) =	ssettag s2;
	_ =	strace s9  }
0x27: {  	s1 =	sld [smem:$0x3FAB]  }
0x28: {  	s2 =	sld [smem:$0x3FAC]  }
0x29: {  	s4 =	sld [smem:$0x3FAE]  }
0x2a: {  	p0 =	seq.s32 s5, $0x0;
	s5 =	sld [smem:$0x3FAF]  }
0x2b: {  	s6 =	sld [smem:$0x3FB0]  }
0x2c: {  	s7 =	sld [smem:$0x3FB1]  }
0x2d: {  	s3 =	simm.s32 $0x108;
	s8 =	sld [smem:$0x3FB2]  }
0x2e: {  	s3 =	simm.s32 @!p0 $0x1082;
	s9 =	sld [smem:$0x3FB3]  }
0x2f: {  	lr =	sadd.s32 s0, s3;
	s0 =	sld [smem:$0x3FAA]  }
0x30: {  	s3 =	sld [smem:$0x3FAD]  }
0x31: {  	[smem:$0x3FB6] =	sst s10  }
0x32: {  	s10 =	sld [smem:$0x3FB4];
	_ =	sdelay $0x3  }
0x33: {  	p0 =	seq.s32 s10, $0x1;
	s10 =	sld [smem:$0x3FB6];
	_ =	sdelay $0x3  }
0x34: {  	[smem:$0x3FB6] =	sst s10  }
0x35: {  	s10 =	sld [smem:$0x3FB5];
	_ =	sdelay $0x3  }
0x36: {  	p1 =	seq.s32 s10, $0x1;
	s10 =	sld [smem:$0x3FB6];
	_ =	sdelay $0x3  }
0x37: {  	[smem:$0x3FB6] =	sst s10  }
0x38: {  	s10 =	sld [smem:$0x3FB7]  }
0x39: {  	_ = 	snop;
	(pc) =	sbr.ind lr, $3  }
0x3a: {  	_ = 	snop  }
0x3b: {  	_ = 	snop  }
0x3c: {  	p2 =	seq.s32 s10, $0x1;
	s10 =	sld [smem:$0x3FB6]  }
0x3d: {  	_ =	shalt  }
0x3e: {  	_ =	shalt  }
0x3f: {  	_ =	shalt  }
0x40: {  	_ =	shalt  }
0x41: {  	_ =	shalt  }
0x42: {  	_ =	shalt  }
0x43: {  	_ =	shalt  }
0x44: {  	_ =	shalt  }
0x45: {  	_ =	shalt  }
0x46: {  	_ =	shalt  }
0x47: {  	_ =	shalt  }
0x48: {  	_ =	shalt  }
0x49: {  	_ =	shalt  }
0x4a: {  	_ =	shalt  }
0x4b: {  	_ =	shalt  }
0x4c: {  	_ =	shalt  }
0x4d: {  	_ =	shalt  }
0x4e: {  	_ =	shalt  }
0x4f: {  	_ =	shalt  }
0x50: {  	_ =	shalt  }
0x51: {  	_ =	shalt  }
0x52: {  	_ =	shalt  }
0x53: {  	_ =	shalt  }
0x54: {  	_ =	shalt  }
0x55: {  	_ =	shalt  }
0x56: {  	_ =	shalt  }
0x57: {  	_ =	shalt  }
0x58: {  	_ =	shalt  }
0x59: {  	_ =	shalt  }
0x5a: {  	_ =	shalt  }
0x5b: {  	_ =	shalt  }
0x5c: {  	_ =	shalt  }
0x5d: {  	_ =	shalt  }
0x5e: {  	_ =	shalt  }
0x5f: {  	_ =	shalt  }
0x60: {  	_ =	shalt  }
0x61: {  	_ =	shalt  }
0x62: {  	_ =	shalt  }
0x63: {  	_ =	shalt  }
0x64: {  	_ =	shalt  }
0x65: {  	_ =	shalt  }
0x66: {  	_ =	shalt  }
0x67: {  	_ =	shalt  }
0x68: {  	_ =	shalt  }
0x69: {  	_ =	shalt  }
0x6a: {  	_ =	shalt  }
0x6b: {  	_ =	shalt  }
0x6c: {  	_ =	shalt  }
0x6d: {  	_ =	shalt  }
0x6e: {  	_ =	shalt  }
0x6f: {  	_ =	shalt  }
0x70: {  	_ =	shalt  }
0x71: {  	_ =	shalt  }
0x72: {  	_ =	shalt  }
0x73: {  	_ =	shalt  }
0x74: {  	_ =	shalt  }
0x75: {  	_ =	shalt  }
0x76: {  	_ =	shalt  }
0x77: {  	_ =	shalt  }
0x78: {  	_ =	shalt  }
0x79: {  	_ =	shalt  }
0x7a: {  	_ =	shalt  }
0x7b: {  	_ =	shalt  }
0x7c: {  	_ =	shalt  }
0x7d: {  	_ =	shalt  }
0x7e: {  	_ =	shalt  }
0x7f: {  	_ =	shalt  }
0x80: {  	_ =	shalt  }
0x81: {  	_ =	shalt  }
0x82: {  	_ =	shalt  }
0x83: {  	_ =	shalt  }
0x84: {  	_ =	shalt  }
0x85: {  	_ =	shalt  }
0x86: {  	_ =	shalt  }
0x87: {  	_ =	shalt  }
.Lfunc_end0:
.L_simem_size_0:
called_computation_lowered:
.L_overlay_start_0:
0x88: {  	s2 =	sld [smem:$0x3FD9]  }
0x89: {  	s3 =	sld [smem:$0x3FFE];
	_ =	sdelay $0x1  }
0x8a: {  	s1 =	srdreg.scid  }
0x8b: {  	s0 =	sand.u32 $0x1, s1  }
0x8c: {  	s17 =	sshll.u32 s0, $0xA;
	s2 =	sadd.s32 s3, s2  }
0x8d: {  	s2 =	sadd.s32 s2, s17  }
0x8e: {  	[smem:$0x3FC2] =	sst s2  }
0x8f: {  	_ = 	snop  }
0x90: {  	s2 =	sld [smem:$0x3FD0];
	(tm) =	ssettm $0x1  }
0x91: {  	s18 =	sld [smem:$0x3FFB];
	_ =	sdelay $0x3  }
0x92: {  	_ =	strace s18  }
0x93: {  	s3 =	sld [smem:$0x3FFC];
	_ =	sdelay $0x3  }
0x94: {  	_ =	strace s3  }
0x95: {  	s3 =	sld [smem:$0x3FFD];
	_ =	sdelay $0x3  }
0x96: {  	_ =	strace s3  }
0x97: {  	_ =	strace $0x8FFFFFFF  }
0x98: {  	s19 =	sld [smem:$0x3FDB];
	_ =	sdelay $0x1  }
0x99: {  	s4 =	simm.s32 $_scs_section_size  }
0x9a: {  	s5 =	simm.s32 $_size__tile_overlayer_lowered;
	s6 =	simm.s32 $_tile_overlayer_lowered  }
0x9b: {  	s22 =	simm.s32 $0x1BFF;
	s21 =	sshll.u32 s6, $0x1;
	s3 =	sadd.s32 s4, s19  }
0x9c: {  	s7 =	simm.s32 $0x0;
	s20 =	sshll.u32 s5, $0x1;
	s5 =	sadd.s32 s21, s3  }
0x9d: {  	[timem:s7], [sflag:s22] =	dma.local [hbm:s5], s20  }
0x9e: {  	_ =	swait.ge [sflag:s22], s20  }
0x9f: {  	s4 =	ssub.s32 $0x0, s20;
	[sflag:s22] =	ssyncset.done $0x0  }
0xa0: {  	[sflag:s22] =	ssyncadd.s32 s4;
	_ =	sdelay $0x1  }
0xa1: {  	s23 =	simm.s32 $0x1B8B  }
0xa2: {  	_ =	swait.ge [sflag:s23], $0x1  }
0xa3: {  	[sflag:s23] =	ssyncset.done $0x0  }
0xa4: {  	s25 =	simm.s32 $0x1B8E;
	s24 =	sld [smem:$0x3FFE];
	[sflag:s23] =	ssyncadd.s32 $0xFFFFFFFF  }
0xa5: {  	s26 =	simm.s32 $execute0_lowered;
	[smem:$0x3FD2] =	sst s25  }
0xa6: {  	s5 =	sshll.u32 s26, $0x1;
	_ =	strace $0x80000046;
	[dreg:$0x1] =	wrdreg $0xFFFFFFFF  }
0xa7: {  	s28 =	simm.s32 $_size_execute0_lowered;
	s3 =	sadd.s32 s3, s5;
	[dreg:$0x0] =	wrdreg $0x0  }
0xa8: {  	s5 =	sshll.u32 s28, $0x1;
	[dreg:$0x2] =	wrdreg s3  }
0xa9: {  	[dreg:$0x3] =	wrdreg s5  }
0xaa: {  	[dreg:$0x4] =	wrdreg $0xC0  }
0xab: {  	_ =	task [dreg:s7], $0x5FFFF  }
0xac: {  	[dreg:$0x1] =	wrdreg $0xFFFFFFFF  }
0xad: {  	[dreg:$0x0] =	wrdreg $0x60  }
0xae: {  	[dreg:$0x2] =	wrdreg s24  }
0xaf: {  	[dreg:$0x3] =	wrdreg s2  }
0xb0: {  	[dreg:$0x4] =	wrdreg $0x54100  }
0xb1: {  	[dreg:$0x5] =	wrdreg $0x9  }
0xb2: {  	_ =	task.clear_ibuf [dreg:s7], $0x6FFFF;
	_ =	strace $0x90000046  }
0xb3: {  	s29 =	simm.s32 $0x9;
	_ =	strace $0x80000048  }
0xb4: {  	_ =	swait.ge [sflag:s29], $0x1  }
0xb5: {  	[sflag:s29] =	ssyncadd.s32 $0xFFFFFFFF  }
0xb6: {  	_ =	strace $0x90000048  }
0xb7: {  	_ =	sfence  }
0xb8: {  	s30 =	sld [smem:$0x0];
	_ =	sdelay $0x2  }
0xb9: {  	s31 =	sshll.u32 s1, $0xD;
	s1 =	sshrl.u32 s1, $0x2  }
0xba: {  	s3 =	sand.u32 $0x4000, s31;
	s1 =	sadd.s32 s1, s30  }
0xbb: {  	s0 =	sor.u32 s3, s0;
	s1 =	sshll.u32 s1, $0x11  }
0xbc: {  	s0 =	sor.u32 s1, s0  }
0xbd: {  	s0 =	sadd.s32 $0x8F2B, s0  }
0xbe: {  	[sflag:s0] =	ssyncadd.remote.s32 $0x1  }
0xbf: {  	_ =	sfence.sel $0xFFFF  }
0xc0: {  	[dreg:$0x0] =	wrdreg $0xFFFFFFFF;
	(pc) =	sbr.abs _section_cstart, $3  }
0xc1: {  	[dreg:$0x1] =	wrdreg $0xFFFFFFFF  }
0xc2: {  	_ =	task.clear_ibuf [dreg:s7], $0x2FFFF;
	_ =	strace $0x9FFFFFFF  }
0xc3: {  	(tm) =	ssettm $0x7FFFFFFF  }
tec
execute0_lowered:
.L_overlay_start_1:
0x0: {  	(tag) =	ssettag $0x1  }
0x1: {  	s7 =	rddreg [dreg:$0x0]  }
0x2: {  	s2 =	rddreg [dreg:$0x1]  }
0x3: {  	s3 =	rddreg [dreg:$0x2]  }
0x4: {  	s0 =	rddreg [dreg:$0x3]  }
0x5: {  	s1 =	stileid.u32;
	s5 =	srdreg.scid  }
0x6: {  	s4 =	simm.s32 $0x0;
	s12 =	simm.s32 $0x2710;
	s13 =	simm.s32 $0x50  }
0x7: {  	s14 =	simm.s32 $0xA0;
	s15 =	simm.s32 $0xF0;
	s16 =	simm.s32 $0x140  }
0x8: {  	s17 =	simm.s32 $0x190;
	s18 =	simm.s32 $0x1E0;
	s19 =	simm.s32 $0x230  }
0x9: {  	s20 =	simm.s32 $0x1;
	s23 =	simm.s32 $0x0;
	s6 =	smul.u32 $0x2800, s1  }
0xa: {  	s5 =	sand.u32 $0x1, s5;
	[smem:$0x7FF] =	sst s4;
	s21 =	sshll.u32 s1, $0x6  }
0xb: {  	s8 =	smul.u32 $0x28000, s5;
	s9 =	sshll.u32 s5, $0x4;
	_ =	strace $0x80000047  }
0xc: {  	s5 =	ssub.s32 $0x2, s5;
	s21 =	sor.u32 $0x1C02, s21;
	s10 =	sshrl.u32 s6, $0x3  }
0xd: {  	s9 =	sor.u32 s1, s9;
	s11 =	sshrl.u32 s5, $0x1;
	s8 =	sadd.s32 s6, s8  }
0xe: {  	s9 =	smul.u32 $0x2710, s9;
	s10 =	sadd.s32 s10, s7;
	s11 =	ssub.s32 s5, s11  }
0xf: {  	s6 =	sadd.s32 s6, s3;
	s8 =	sshrl.u32 s8, $0x3;
	s5 =	sadd.s32 $0x15800, s10  }
0x10: {  	s10 =	simm.s32 $0x2C10;
	s8 =	sadd.s32 s8, s7;
	s9 =	sshrl.u32 s9, $0x3  }
0x11: {  	s22 =	sshrl.u32 s6, $0x3;
	s7 =	sadd.s32 s7, s9;
	s8 =	sadd.s32 $0x1A800, s8  }
0x12: {  	s9 =	smax.u32 s11, $0x1;
	s11 =	simm.s32 $0x2;
	s7 =	sadd.s32 $0xBA40, s7  }
.LBB2_1:
0x13: {  	[tilespmem:s10], [sflag:$0x2] =	stream.linear.gather [hbm4b:s5+s4], $0x2800, $0x38;
	[tilespmem:$0x7C10] =	vst v63  }
0x14: {  	_ =	swait.ge [sflag:s11], $0x2800  }
0x15: {  	[sflag:s11] =	ssyncset.done $0x0  }
0x16: {  	[sflag:s11] =	ssyncadd.s32 $0xFFFFD800  }
0x17: {  	[spmem:s6] =	stream.linear.scatter [tilespmem:s10], [sflag:$0x2], $0x2800, $0x38;
	[tilespmem:$0x7C10] =	vst v63  }
0x18: {  	_ =	swait.ge [sflag:s11], $0x2800  }
0x19: {  	[sflag:s11] =	ssyncset.done $0x0  }
0x1a: {  	[sflag:s11] =	ssyncadd.s32 $0xFFFFD800  }
0x1b: {  	[tilespmem:s12], [sflag:$0x2] =	stream.linear.gather [hbm4b:s2+s4], $0x500, $0x38;
	[tilespmem:$0x7C10] =	vst v63  }
0x1c: {  	_ =	swait.ge [sflag:s11], $0x500  }
0x1d: {  	[sflag:s11] =	ssyncset.done $0x0  }
0x1e: {  	[sflag:s11] =	ssyncadd.s32 $0xFFFFFB00  }
0x1f: {  	[tilespmem:s4], [sflag:$0x2] =	stream.linear.gather [hbm4b:s7+s4], $0x2710, $0x38;
	[tilespmem:$0x7C10] =	vst v63  }
0x20: {  	_ =	swait.ge [sflag:s11], $0x2710  }
0x21: {  	[sflag:s11] =	ssyncset.done $0x0  }
0x22: {  	[sflag:s11] =	ssyncadd.s32 $0xFFFFD8F0  }
0x23: {  	[bflag:$0x0] =	sbarrier.arrive $0xFFFF  }
0x24: {  	[spmem:s3] =	stream.indirect.scatter.add.f32 [tilespmem:s12], [sflag:$0x1], $0x10, s4, s13, $0xb8;
	[tilespmem:$0x7C10] =	vst v63  }
0x25: {  	_ = 	snop  }
0x26: {  	[spmem:s3] =	stream.indirect.scatter.add.f32 [tilespmem:s12], [sflag:$0x1], $0x10, s13, s13, $0xb8;
	[tilespmem:$0x7C10] =	vst v63  }
0x27: {  	_ = 	snop  }
0x28: {  	[spmem:s3] =	stream.indirect.scatter.add.f32 [tilespmem:s12], [sflag:$0x1], $0x10, s14, s13, $0xb8;
	[tilespmem:$0x7C10] =	vst v63  }
0x29: {  	_ = 	snop  }
0x2a: {  	[spmem:s3] =	stream.indirect.scatter.add.f32 [tilespmem:s12], [sflag:$0x1], $0x10, s15, s13, $0xb8;
	[tilespmem:$0x7C10] =	vst v63  }
0x2b: {  	_ = 	snop  }
0x2c: {  	[spmem:s3] =	stream.indirect.scatter.add.f32 [tilespmem:s12], [sflag:$0x1], $0x10, s16, s13, $0xb8;
	[tilespmem:$0x7C10] =	vst v63  }
0x2d: {  	_ = 	snop  }
0x2e: {  	[spmem:s3] =	stream.indirect.scatter.add.f32 [tilespmem:s12], [sflag:$0x1], $0x10, s17, s13, $0xb8;
	[tilespmem:$0x7C10] =	vst v63  }
0x2f: {  	_ = 	snop  }
0x30: {  	[spmem:s3] =	stream.indirect.scatter.add.f32 [tilespmem:s12], [sflag:$0x1], $0x10, s18, s13, $0xb8;
	[tilespmem:$0x7C10] =	vst v63  }
0x31: {  	_ = 	snop  }
0x32: {  	[spmem:s3] =	stream.indirect.scatter.add.f32 [tilespmem:s12], [sflag:$0x1], $0x10, s19, s13, $0xb8;
	[tilespmem:$0x7C10] =	vst v63  }
0x33: {  	s24 =	simm.s32 $0x280  }
0x34: {  	[spmem:s3] =	stream.indirect.scatter.add.f32 [tilespmem:s12], [sflag:$0x1], $0x10, s24, s13, $0xb8;
	[tilespmem:$0x7C10] =	vst v63  }
0x35: {  	_ =	swait.ge [sflag:s20], $0x500  }
0x36: {  	s24 =	simm.s32 $0xB40;
	[sflag:s20] =	ssyncset.done $0x0  }
.LBB2_2:
0x37: {  	s25 =	sshra.s32 s24, $0x2;
	[sflag:s20] =	ssyncadd.s32 $0xFFFFFB00;
	p0 =	sne.s32 s24, $0x9B00  }
0x38: {  	[spmem:s3] =	stream.indirect.scatter.add.f32 [tilespmem:s12], [sflag:$0x1], $0x10, s25, s13, $0xb8;
	[tilespmem:$0x7C10] =	vst v63  }
.Ltmp0:
0x39: {  	_ = 	snop;
	(pc) =	sbr.rel @p0 .LBB2_2-.Ltmp0, $4  }
0x3a: {  	_ = 	snop  }
0x3b: {  	s24 =	sadd.s32 $0x140, s24  }
0x3c: {  	_ =	swait.ge [sflag:s20], $0x500  }
0x3d: {  	[sflag:s20] =	ssyncset.done $0x0  }
0x3e: {  	[sflag:s20] =	ssyncadd.s32 $0xFFFFFB00  }
0x3f: {  	_ =	swait.ge [sflag:s20], $0x500  }
0x40: {  	[sflag:s20] =	ssyncset.done $0x0  }
0x41: {  	[sflag:s20] =	ssyncadd.s32 $0xFFFFFB00  }
0x42: {  	_ =	swait.ge [sflag:s20], $0x500  }
0x43: {  	[sflag:s20] =	ssyncset.done $0x0  }
0x44: {  	[sflag:s20] =	ssyncadd.s32 $0xFFFFFB00  }
0x45: {  	_ =	swait.ge [sflag:s20], $0x500  }
0x46: {  	[sflag:s20] =	ssyncset.done $0x0  }
0x47: {  	[sflag:s20] =	ssyncadd.s32 $0xFFFFFB00  }
0x48: {  	_ =	swait.ge [sflag:s20], $0x500  }
0x49: {  	[sflag:s20] =	ssyncset.done $0x0  }
0x4a: {  	[sflag:s20] =	ssyncadd.s32 $0xFFFFFB00  }
0x4b: {  	_ =	swait.ge [sflag:s20], $0x500  }
0x4c: {  	[sflag:s20] =	ssyncset.done $0x0  }
0x4d: {  	[sflag:s20] =	ssyncadd.s32 $0xFFFFFB00  }
0x4e: {  	_ =	swait.ge [sflag:s20], $0x500  }
0x4f: {  	[sflag:s20] =	ssyncset.done $0x0  }
0x50: {  	[sflag:s20] =	ssyncadd.s32 $0xFFFFFB00  }
0x51: {  	_ =	swait.ge [sflag:s20], $0x500  }
0x52: {  	[sflag:s20] =	ssyncset.done $0x0  }
0x53: {  	[sflag:s20] =	ssyncadd.s32 $0xFFFFFB00  }
0x54: {  	_ =	swait.ge [sflag:s20], $0x500  }
0x55: {  	s23 =	sadd.s32 $0x1, s23;
	[sflag:s20] =	ssyncset.done $0x0  }
0x56: {  	p0 =	sne.s32 s23, s9;
	[sflag:s20] =	ssyncadd.s32 $0xFFFFFB00  }
.Ltmp1:
0x57: {  	[bflag:$0x0] =	sbarrier.arrive $0xFFFF;
	(pc) =	sbr.rel @p0 .LBB2_1-.Ltmp1, $4  }
0x58: {  	[hbm:s8], [sflag:s21] =	dma.local [spmem:s22], $0x500  }
0x59: {  	_ =	swait.ge [sflag:s11], $0x500  }
0x5a: {  	[sflag:s11] =	ssyncset.done $0x0  }
0x5b: {  	[sflag:s11] =	ssyncadd.s32 $0xFFFFFB00  }
0x5c: {  	_ =	sfence.sel $0x180000  }
0x5d: {  	[bflag:$0x0] =	sbarrier.arrive $0xFFFF  }
0x5e: {  	p0 =	sne.s32 s1, $0x0;
	_ =	strace $0x90000047  }
0x5f: {  	s0 =	sadd.s32 @!p0 $0x100000, s0;
	[bflag:$0x2] =	sbarrier.arrive $0xFFFF  }
0x60: {  	[sflag:s0] =	ssyncadd.tile.s32 @!p0 $0x1;
	_ =	shalt  }
.Lfunc_end2:
_tile_overlayer_lowered:
.L_overlay_start_2:
0x61: {  	(tag) =	ssettag $0x2  }
0x62: {  	s0 =	rddreg [dreg:$0x0];
	s2 =	stileid.u32  }
0x63: {  	s1 =	rddreg [dreg:$0x1];
	p0 =	sne.s32 s2, $0x0  }
0x64: {  	s3 =	rddreg [dreg:$0x2];
	[bflag:$0x3] =	sbarrier.arrive $0xFFFF;
	s2 =	simm.s32 @!p0 $0x1C02  }
0x65: {  	[timem:s3], [sflag:s2] =	dma.local @!p0 [hbm:s0], s1  }
0x66: {  	s0 =	simm.s32 @!p0 $0x2  }
0x67: {  	_ =	swait.ge @!p0 [sflag:s0], s1  }
0x68: {  	s1 =	ssub.s32 @!p0 $0x0, s1;
	[sflag:s0] =	ssyncset.done @!p0 $0x0  }
0x69: {  	[sflag:s0] =	ssyncadd.s32 @!p0 s1  }
0x6a: {  	[bflag:$0x3] =	sbarrier.arrive $0xFFFF  }
0x6b: {  	_ =	shalt  }

</sc_bundles>
